<compile_context>
chip_gen: v7x
topology: tpu7x:2x2x1
jax: 0.10.2.dev20260603
libtpu: 0.0.44.dev20260713+nightly
codegen_flags: <defaults>
</compile_context>

<pallas_src>
import functools
import math

import jax
import jax.numpy as jnp
from jax import lax
from jax.experimental import pallas as pl
from jax.experimental.pallas import tpu as pltpu
from jax.experimental.pallas import tpu_sc as plsc

_K = 0.05
_K_PERCENT = 0.5

_NC, _NS, _L = 2, 16, 16
_NW = _NC * _NS


def _sc_body(k_row, rows_per_w, cap_row, x_hbm, thr_hbm, svk_hbm,
             row_v, ca_v, cb_v, hist_v, tot_v, scum_v, pch_v, pce_v, thr_v,
             svk_v):
    n = x_hbm.shape[1]
    chunks = n // _L
    wid = lax.axis_index("s") * _NC + lax.axis_index("c")
    lane = lax.iota(jnp.int32, _L)
    ones_i = jnp.ones((_L,), jnp.int32)
    zeros_i = jnp.zeros((_L,), jnp.int32)
    neginf = jnp.full((_L,), -jnp.inf, jnp.float32)

    def _ukey(v):
        s = lax.bitcast_convert_type(v, jnp.int32)
        return s ^ (lax.shift_right_arithmetic(s, 31) | jnp.int32(-(2**31)))

    @plsc.parallel_loop(0, (rows_per_w * cap_row) // _L, unroll=8)
    def _init(i):
        svk_v[pl.ds(i * _L, _L)] = neginf

    scum_v[pl.ds(256, _L)] = zeros_i

    def row_body(j, carry):
        r = wid * rows_per_w + j
        pltpu.sync_copy(x_hbm.at[r], row_v)
        base0 = j * cap_row
        lane0 = lane == 0

        prefix = jnp.int32(0)
        rank = jnp.int32(k_row)
        so_far = jnp.int32(0)
        m = jnp.int32(n)
        for lev in range(4):
            shift = 24 - 8 * lev
            src = (row_v, ca_v, cb_v, ca_v)[lev]
            dst = (ca_v, cb_v, ca_v, None)[lev]
            nch = chunks if lev == 0 else (m + _L - 1) // _L

            @plsc.parallel_loop(0, (16 * 256) // _L, unroll=8)
            def _zero(i):
                hist_v[pl.ds(i * _L, _L)] = zeros_i

            if lev == 0:
                @plsc.parallel_loop(0, chunks, unroll=8)
                def _hist(i):
                    digit = lax.shift_right_logical(
                        _ukey(src[pl.ds(i * _L, _L)]), 24)
                    plsc.addupdate_scatter(hist_v, [digit * _L + lane], ones_i)
            else:
                @plsc.parallel_loop(0, nch, unroll=8)
                def _hist(i):
                    key = _ukey(src[pl.ds(i * _L, _L)])
                    digit = lax.shift_right_logical(key, shift) & jnp.int32(0xFF)
                    active = i * _L + lane < m
                    plsc.addupdate_scatter(hist_v, [digit * _L + lane], ones_i,
                                           mask=active)

            lane15 = lane == _L - 1

            @plsc.parallel_loop(0, 256, unroll=8)
            def _tred(d):
                cs = plsc.cumsum(hist_v[pl.ds(d * _L, _L)])
                plsc.store_scatter(tot_v, [jnp.full((_L,), d, jnp.int32)], cs,
                                   mask=lane15)

            def _chunk(i, cr):
                c = 15 - i
                tot = tot_v[pl.ds(c * _L, _L)]
                svec = lax.rev(plsc.cumsum(lax.rev(tot, (0,))), (0,)) + cr
                scum_v[pl.ds(c * _L, _L)] = svec
                return jnp.max(svec)

            lax.fori_loop(0, 16, _chunk, jnp.int32(0))

            def _cnt(i, acc):
                svec = scum_v[pl.ds(i * _L, _L)]
                return acc + jnp.sum((svec >= rank).astype(jnp.int32))

            sel = lax.fori_loop(0, 16, _cnt, jnp.int32(0)) - 1
            hi_cnt = scum_v[pl.ds(sel + 1, _L)][0]
            tot_ge = scum_v[pl.ds(sel, _L)][0]
            rank = rank - hi_cnt
            prefix = prefix | lax.shift_left(sel, shift)

            last = lev == 3

            def _classes(i):
                v = src[pl.ds(i * _L, _L)]
                key = _ukey(v)
                digit = lax.shift_right_logical(key, shift)
                if lev > 0:
                    digit = digit & jnp.int32(0xFF)
                    active = i * _L + lane < m
                    hi = active & (digit >= sel if last else digit > sel)
                    eq = active & (digit == sel)
                else:
                    hi = digit > sel
                    eq = digit == sel
                return v, hi, eq

            @plsc.parallel_loop(0, nch, unroll=4)
            def _pass_a(i):
                _, hi, eq = _classes(i)
                isplat = jnp.full((_L,), i, jnp.int32)
                pc_h = plsc.all_reduce_population_count(hi)
                plsc.store_scatter(pch_v, [isplat], pc_h, mask=lane0)
                if not last:
                    pc_e = plsc.all_reduce_population_count(eq)
                    plsc.store_scatter(pce_v, [isplat], pc_e, mask=lane0)

            def _pass_b(g, run):
                run_h, run_e = run
                vh = pch_v[pl.ds(g * _L, _L)]
                ch = plsc.cumsum(vh)
                pch_v[pl.ds(g * _L, _L)] = ch - vh + run_h
                run_h = run_h + ch[_L - 1]
                if not last:
                    ve = pce_v[pl.ds(g * _L, _L)]
                    ce = plsc.cumsum(ve)
                    pce_v[pl.ds(g * _L, _L)] = ce - ve + run_e
                    run_e = run_e + ce[_L - 1]
                return run_h, run_e

            ngrp = (nch + _L - 1) // _L if lev > 0 else chunks // _L
            lax.fori_loop(0, ngrp, _pass_b, (jnp.int32(0), jnp.int32(0)))

            @plsc.parallel_loop(0, nch, unroll=4)
            def _pass_c(i):
                v, hi, eq = _classes(i)
                s_h = pch_v[pl.ds(i, _L)][0]
                b_h = base0 + jnp.minimum(so_far + s_h,
                                          jnp.int32(cap_row - _L))
                plsc.store_compressed(svk_v.at[pl.ds(b_h, _L)], v, mask=hi)
                if not last:
                    s_e = pce_v[pl.ds(i, _L)][0]
                    plsc.store_compressed(dst.at[pl.ds(s_e, _L)], v, mask=eq)

            if last:
                so_far = so_far + tot_ge
            else:
                so_far = so_far + hi_cnt
                m = tot_ge - hi_cnt

        tkey = jnp.full((_L,), prefix ^ jnp.int32(-(2**31)), jnp.int32)
        bits = jnp.where(tkey >= 0, tkey, tkey ^ jnp.int32(0x7FFFFFFF))
        thr_vec = lax.bitcast_convert_type(bits, jnp.float32)
        thr_v[pl.ds(j * _L, _L)] = thr_vec

        return carry

    lax.fori_loop(0, rows_per_w, row_body, 0)

    pltpu.sync_copy(thr_v, thr_hbm.at[wid])
    pltpu.sync_copy(svk_v, svk_hbm.at[wid])


def _key_to_float(c):
    bits = jnp.where(c >= 0, c, c ^ jnp.int32(0x7FFFFFFF))
    return lax.bitcast_convert_type(bits, jnp.float32)


def _tc_search(svk_ref, tg_ref, *, k_glob):
    sv = svk_ref[...]

    def count_ge(fc):
        return jnp.sum((sv >= fc).astype(jnp.int32))

    g0 = count_ge(jnp.float32(0.0))
    ans = jnp.where(g0 >= k_glob, jnp.int32(0), jnp.int32(-(2**31)))

    def body(i, ans):
        bit = jnp.int32(2**30) >> i
        cand = ans | bit
        cnt = count_ge(_key_to_float(cand))
        return jnp.where(cnt >= k_glob, cand, ans)

    ans = lax.fori_loop(0, 31, body, ans)
    tg_ref[0, 0] = _key_to_float(ans)


def _tc_mask(x_ref, thr_ref, tg_ref, out_ref):
    x = x_ref[...]
    thr = thr_ref[...]
    tg = tg_ref[0, 0]
    out_ref[...] = jnp.where((x >= thr) & (x != 0.0) & (x >= tg), x, 0.0)


def kernel(x):
    b, n = x.shape
    k_row = math.ceil(_K * n)
    k_glob = math.ceil(_K_PERCENT * b * k_row)
    rows_per_w = b // _NW
    cap_row = ((k_row + 25 + _L - 1) // _L) * _L

    mesh = plsc.VectorSubcoreMesh(core_axis_name="c", subcore_axis_name="s")
    sc = pl.kernel(
        functools.partial(_sc_body, k_row, rows_per_w, cap_row),
        out_type=(
            jax.ShapeDtypeStruct((_NW, rows_per_w * _L), jnp.float32),
            jax.ShapeDtypeStruct((_NW, rows_per_w * cap_row), jnp.float32),
        ),
        mesh=mesh,
        compiler_params=pltpu.CompilerParams(needs_layout_passes=False),
        scratch_types=[
            pltpu.VMEM((n,), jnp.float32),
            pltpu.VMEM((n,), jnp.float32),
            pltpu.VMEM((n,), jnp.float32),
            pltpu.VMEM((16 * 256,), jnp.int32),
            pltpu.VMEM((256 + _L,), jnp.int32),
            pltpu.VMEM((256 + _L,), jnp.int32),
            pltpu.VMEM((n // _L + _L,), jnp.int32),
            pltpu.VMEM((n // _L + _L,), jnp.int32),
            pltpu.VMEM((rows_per_w * _L,), jnp.float32),
            pltpu.VMEM((rows_per_w * cap_row,), jnp.float32),
        ],
    )
    thr_out, svk_out = sc(x)
    thr = thr_out.reshape(_NW, rows_per_w, _L)[:, :, 0].reshape(b, 1)

    tg = pl.pallas_call(
        functools.partial(_tc_search, k_glob=k_glob),
        out_shape=jax.ShapeDtypeStruct((1, 1), jnp.float32),
        in_specs=[pl.BlockSpec(memory_space=pltpu.VMEM)],
        out_specs=pl.BlockSpec(memory_space=pltpu.SMEM),
    )(svk_out)

    block_b = 8
    return pl.pallas_call(
        _tc_mask,
        grid=(b // block_b,),
        out_shape=jax.ShapeDtypeStruct((b, n), x.dtype),
        in_specs=[
            pl.BlockSpec((block_b, n), lambda i: (i, 0)),
            pl.BlockSpec((block_b, 1), lambda i: (i, 0)),
            pl.BlockSpec(memory_space=pltpu.SMEM),
        ],
        out_specs=pl.BlockSpec((block_b, n), lambda i: (i, 0)),
    )(x, thr, tg)

# --- scband reference (transcript-rebuilt; emitter-appended) ---
"""Pipeline reference for scband-sparse-mlp-24910810317383 (READ-ONLY COPY).

The authoritative reference and input builder live on the scoring server;
editing this copy changes nothing except your own understanding.
"""

import jax, jax.numpy as jnp
import numpy as np
import math

K = 0.05
K_PERCENT = 0.5

def setup_inputs(seed: int = 0) -> dict:
    key = jax.random.key(seed)
    x = jax.random.normal(key, (128, 32768), dtype=jnp.float32)
    return {"x": x}

def reference(x):
    B, N = x.shape
    k_per_layer = math.ceil(K * N)
    k_batch = math.ceil(K_PERCENT * B * k_per_layer)
    # per-row top-k mask
    _, ind = jax.lax.top_k(x, k_per_layer)  # [B, k_per_layer]
    rows = jnp.broadcast_to(jnp.arange(B)[:, None], ind.shape)
    mask = jnp.zeros(x.shape, dtype=bool).at[rows.reshape(-1), ind.reshape(-1)].set(True)
    x = x * mask
    # zeros (masked-out entries) -> -inf so they never win the global top-k
    x = jnp.where(x == 0, -jnp.inf, x)
    # global top-k over flattened tensor
    _, flat_ind = jax.lax.top_k(x.reshape(-1), k_batch)
    r = flat_ind // N
    c = flat_ind % N
    mask2 = jnp.zeros(x.shape, dtype=bool).at[r, c].set(True)
    # nan_to_num(neginf=0)
    x = jnp.where(jnp.isneginf(x), 0.0, x)
    x = x * mask2
    return x

if __name__ == "__main__":
    import jax
    _d = setup_inputs()
    print(jax.jit(kernel)(*tuple(_d.values())))

</pallas_src>

<mosaic_0001>
#map = affine_map<(d0, d1) -> (0, 0)>
module attributes {stable_mosaic.version = 14 : i64} {
  func.func @_sc_body(%arg0: i32, %arg1: i32, %arg2: memref<128x32768xf32, #tpu.memory_space<hbm>>, %arg3: memref<32x64xf32, #tpu.memory_space<hbm>>, %arg4: memref<32x6656xf32, #tpu.memory_space<hbm>>, %arg5: memref<32768xf32, #tpu.memory_space<vmem>>, %arg6: memref<32768xf32, #tpu.memory_space<vmem>>, %arg7: memref<32768xf32, #tpu.memory_space<vmem>>, %arg8: memref<4096xi32, #tpu.memory_space<vmem>>, %arg9: memref<272xi32, #tpu.memory_space<vmem>>, %arg10: memref<272xi32, #tpu.memory_space<vmem>>, %arg11: memref<2064xi32, #tpu.memory_space<vmem>>, %arg12: memref<2064xi32, #tpu.memory_space<vmem>>, %arg13: memref<64xf32, #tpu.memory_space<vmem>>, %arg14: memref<6656xf32, #tpu.memory_space<vmem>>) attributes {dimension_semantics = [#tpu.dimension_semantics<core_parallel>, #tpu.dimension_semantics<subcore_parallel>], iteration_bounds = array<i64: 2, 16>, scalar_prefetch = 0 : i64, scratch_operands = 10 : i64, tpu.core_type = #tpu.core_type<sc_vector_subcore>, window_params = [{transform_indices = #map}, {transform_indices = #map}, {transform_indices = #map}]} {
    %mul3A = arith.constant 2 : i32
    %mul3A_0 = arith.muli %arg1, %mul3A : i32
    %add3A = arith.addi %mul3A_0, %arg0 : i32
    %iota3A = tpu.iota {dimensions = array<i32: 0>} : vector<16xi32>
    %broadcast_in_dim3A = arith.constant 1 : i32
    %broadcast_in_dim3A_1 = vector.broadcast %broadcast_in_dim3A : i32 to vector<16xi32>
    %broadcast_in_dim3A_2 = arith.constant 0 : i32
    %broadcast_in_dim3A_3 = vector.broadcast %broadcast_in_dim3A_2 : i32 to vector<16xi32>
    %broadcast_in_dim3A_4 = arith.constant 0xFF800000 : f32
    %broadcast_in_dim3A_5 = vector.broadcast %broadcast_in_dim3A_4 : f32 to vector<16xf32>
    %parallel_loop3A = arith.constant 0 : i32
    %parallel_loop3A_6 = arith.constant 416 : i32
    %parallel_loop3A_7 = arith.constant 1 : i32
    scf.for %parallel_loop3A_14 = %parallel_loop3A to %parallel_loop3A_6 step %parallel_loop3A_7  : i32 {
      %parallel_loop3A_15 = arith.constant 16 : i32
      %parallel_loop3A_16 = arith.muli %parallel_loop3A_14, %parallel_loop3A_15 : i32
      %parallel_loop3A_17 = arith.index_cast %parallel_loop3A_16 : i32 to index
      %parallel_loop3A_18 = tpu.vector_load %arg14[%parallel_loop3A_17] {strides = array<i32>} : memref<6656xf32, #tpu.memory_space<vmem>>, vector<16xf32>,
      tpu.vector_store %arg14[%parallel_loop3A_17], %broadcast_in_dim3A_5 {strides = array<i32>} : memref<6656xf32, #tpu.memory_space<vmem>>, vector<16xf32>,
    } {sc.loop_unroll_factor = 8 : i64, sc.parallel_access}
    %swap3A = arith.constant 256 : index
    %swap3A_8 = tpu.vector_load %arg10[%swap3A] {strides = array<i32>} : memref<272xi32, #tpu.memory_space<vmem>>, vector<16xi32>,
    tpu.vector_store %arg10[%swap3A], %broadcast_in_dim3A_3 {strides = array<i32>} : memref<272xi32, #tpu.memory_space<vmem>>, vector<16xi32>,
    %scan3A = arith.constant 0 : i32
    %scan3A_9 = arith.constant 0 : i32
    %scan3A_10 = arith.constant 4 : i32
    %scan3A_11 = arith.addi %scan3A_9, %scan3A_10 : i32
    %scan3A_12 = arith.constant 1 : i32
    scf.for %scan3A_14 = %scan3A_9 to %scan3A_11 step %scan3A_12  : i32 {
      %mul3A_15 = arith.constant 4 : i32
      %mul3A_16 = arith.muli %add3A, %mul3A_15 : i32
      %add3A_17 = arith.addi %mul3A_16, %scan3A_14 : i32
      "tpu.region"() ({
        %run_scoped3A = tpu.sem_alloc : memref<!tpu.dma_semaphore, #tpu.memory_space<semaphore_mem>>
        %dma_start3A = arith.constant 0 : i32
        %dma_start3A_430 = tpu.memref_slice %arg2[%add3A_17, %dma_start3A] : memref<128x32768xf32, #tpu.memory_space<hbm>> -> memref<1x32768xf32, #tpu.memory_space<hbm>>
        %dma_start3A_431 = tpu.memref_squeeze %dma_start3A_430 : memref<1x32768xf32, #tpu.memory_space<hbm>> -> memref<32768xf32, #tpu.memory_space<hbm>>
        %dma_start3A_432 = arith.constant 0 : i32
        %dma_start3A_433 = tpu.memref_slice %arg2[%add3A_17, %dma_start3A_432] : memref<128x32768xf32, #tpu.memory_space<hbm>> -> memref<1x32768xf32, #tpu.memory_space<hbm>>
        %dma_start3A_434 = tpu.memref_squeeze %dma_start3A_433 : memref<1x32768xf32, #tpu.memory_space<hbm>> -> memref<32768xf32, #tpu.memory_space<hbm>>
        tpu.enqueue_dma source(%dma_start3A_434 : memref<32768xf32, #tpu.memory_space<hbm>>) target(%arg5 : memref<32768xf32, #tpu.memory_space<vmem>>) target_semaphore(%run_scoped3A : memref<!tpu.dma_semaphore, #tpu.memory_space<semaphore_mem>>)
        %dma_wait3A = arith.constant 0 : i32
        %dma_wait3A_435 = tpu.memref_slice %arg2[%add3A_17, %dma_wait3A] : memref<128x32768xf32, #tpu.memory_space<hbm>> -> memref<1x32768xf32, #tpu.memory_space<hbm>>
        %dma_wait3A_436 = tpu.memref_squeeze %dma_wait3A_435 : memref<1x32768xf32, #tpu.memory_space<hbm>> -> memref<32768xf32, #tpu.memory_space<hbm>>
        %dma_wait3A_437 = arith.constant 0 : i32
        %dma_wait3A_438 = tpu.memref_slice %arg2[%add3A_17, %dma_wait3A_437] : memref<128x32768xf32, #tpu.memory_space<hbm>> -> memref<1x32768xf32, #tpu.memory_space<hbm>>
        %dma_wait3A_439 = tpu.memref_squeeze %dma_wait3A_438 : memref<1x32768xf32, #tpu.memory_space<hbm>> -> memref<32768xf32, #tpu.memory_space<hbm>>
        tpu.wait_dma2 semaphore(%run_scoped3A : memref<!tpu.dma_semaphore, #tpu.memory_space<semaphore_mem>>) src(%dma_wait3A_439 : memref<32768xf32, #tpu.memory_space<hbm>>) dst(%arg5 : memref<32768xf32, #tpu.memory_space<vmem>>)
        tpu.yield
      }) : () -> ()
      %mul3A_18 = arith.constant 1664 : i32
      %mul3A_19 = arith.muli %scan3A_14, %mul3A_18 : i32
      %eq3A = arith.constant 0 : i32
      %eq3A_20 = vector.broadcast %eq3A : i32 to vector<16xi32>
      %eq3A_21 = arith.cmpi eq, %iota3A, %eq3A_20 : vector<16xi32>
      %parallel_loop3A_22 = arith.constant 0 : i32
      %parallel_loop3A_23 = arith.constant 256 : i32
      %parallel_loop3A_24 = arith.constant 1 : i32
      scf.for %parallel_loop3A_430 = %parallel_loop3A_22 to %parallel_loop3A_23 step %parallel_loop3A_24  : i32 {
        %parallel_loop3A_431 = arith.constant 16 : i32
        %parallel_loop3A_432 = arith.muli %parallel_loop3A_430, %parallel_loop3A_431 : i32
        %parallel_loop3A_433 = arith.index_cast %parallel_loop3A_432 : i32 to index
        %parallel_loop3A_434 = tpu.vector_load %arg8[%parallel_loop3A_433] {strides = array<i32>} : memref<4096xi32, #tpu.memory_space<vmem>>, vector<16xi32>,
        tpu.vector_store %arg8[%parallel_loop3A_433], %broadcast_in_dim3A_3 {strides = array<i32>} : memref<4096xi32, #tpu.memory_space<vmem>>, vector<16xi32>,
      } {sc.loop_unroll_factor = 8 : i64, sc.parallel_access}
      %parallel_loop3A_25 = arith.constant 0 : i32
      %parallel_loop3A_26 = arith.constant 2048 : i32
      %parallel_loop3A_27 = arith.constant 1 : i32
      scf.for %parallel_loop3A_430 = %parallel_loop3A_25 to %parallel_loop3A_26 step %parallel_loop3A_27  : i32 {
        %parallel_loop3A_431 = arith.constant 16 : i32
        %parallel_loop3A_432 = arith.muli %parallel_loop3A_430, %parallel_loop3A_431 : i32
        %parallel_loop3A_433 = arith.index_cast %parallel_loop3A_432 : i32 to index
        %parallel_loop3A_434 = tpu.vector_load %arg5[%parallel_loop3A_433] {strides = array<i32>} : memref<32768xf32, #tpu.memory_space<vmem>>, vector<16xf32>,
        %parallel_loop3A_435 = tpu.bitcast %parallel_loop3A_434 : vector<16xf32> -> vector<16xi32>
        %parallel_loop3A_436 = arith.constant 31 : i32
        %parallel_loop3A_437 = vector.broadcast %parallel_loop3A_436 : i32 to vector<16xi32>
        %parallel_loop3A_438 = arith.shrsi %parallel_loop3A_435, %parallel_loop3A_437 : vector<16xi32>
        %parallel_loop3A_439 = arith.constant -2147483648 : i32
        %parallel_loop3A_440 = vector.broadcast %parallel_loop3A_439 : i32 to vector<16xi32>
        %parallel_loop3A_441 = arith.ori %parallel_loop3A_438, %parallel_loop3A_440 : vector<16xi32>
        %parallel_loop3A_442 = arith.xori %parallel_loop3A_435, %parallel_loop3A_441 : vector<16xi32>
        %parallel_loop3A_443 = arith.constant 24 : i32
        %parallel_loop3A_444 = vector.broadcast %parallel_loop3A_443 : i32 to vector<16xi32>
        %parallel_loop3A_445 = arith.shrui %parallel_loop3A_442, %parallel_loop3A_444 : vector<16xi32>
        %parallel_loop3A_446 = arith.constant 16 : i32
        %parallel_loop3A_447 = vector.broadcast %parallel_loop3A_446 : i32 to vector<16xi32>
        %parallel_loop3A_448 = arith.muli %parallel_loop3A_445, %parallel_loop3A_447 : vector<16xi32>
        %parallel_loop3A_449 = arith.addi %parallel_loop3A_448, %iota3A : vector<16xi32>
        tpu.vector_store_idx %arg8[%parallel_loop3A_449], %broadcast_in_dim3A_1 {add = true} : memref<4096xi32, #tpu.memory_space<vmem>>[vector<16xi32>], vector<16xi32>,
      } {sc.loop_unroll_factor = 8 : i64, sc.parallel_access}
      %eq3A_28 = arith.constant 15 : i32
      %eq3A_29 = vector.broadcast %eq3A_28 : i32 to vector<16xi32>
      %eq3A_30 = arith.cmpi eq, %iota3A, %eq3A_29 : vector<16xi32>
      %parallel_loop3A_31 = arith.constant 0 : i32
      %parallel_loop3A_32 = arith.constant 256 : i32
      %parallel_loop3A_33 = arith.constant 1 : i32
      scf.for %parallel_loop3A_430 = %parallel_loop3A_31 to %parallel_loop3A_32 step %parallel_loop3A_33  : i32 {
        %parallel_loop3A_431 = arith.constant 16 : i32
        %parallel_loop3A_432 = arith.muli %parallel_loop3A_430, %parallel_loop3A_431 : i32
        %parallel_loop3A_433 = arith.index_cast %parallel_loop3A_432 : i32 to index
        %parallel_loop3A_434 = tpu.vector_load %arg8[%parallel_loop3A_433] {strides = array<i32>} : memref<4096xi32, #tpu.memory_space<vmem>>, vector<16xi32>,
        %parallel_loop3A_435 = arith.constant true
        %parallel_loop3A_436 = vector.broadcast %parallel_loop3A_435 : i1 to vector<16xi1>
        %parallel_loop3A_437 = tpu.scan <sum>, %parallel_loop3A_434 masked %parallel_loop3A_436 : vector<16xi32>, vector<16xi1> -> vector<16xi32>
        %parallel_loop3A_438 = vector.broadcast %parallel_loop3A_430 : i32 to vector<16xi32>
        tpu.vector_store_idx %arg9[%parallel_loop3A_438], %parallel_loop3A_437 masked %eq3A_30 : memref<272xi32, #tpu.memory_space<vmem>>[vector<16xi32>], vector<16xi32>, vector<16xi1>
      } {sc.loop_unroll_factor = 8 : i64, sc.parallel_access}
      %scan3A_34 = arith.constant 0 : i32
      %scan3A_35 = arith.constant 0 : i32
      %scan3A_36 = arith.constant 16 : i32
      %scan3A_37 = arith.addi %scan3A_35, %scan3A_36 : i32
      %scan3A_38 = arith.constant 1 : i32
      %scan3A_39 = scf.for %scan3A_430 = %scan3A_35 to %scan3A_37 step %scan3A_38 iter_args(%scan3A_431 = %scan3A_34) -> (i32)  : i32 {
        %sub3A_432 = arith.constant 15 : i32
        %sub3A_433 = arith.subi %sub3A_432, %scan3A_430 : i32
        %mul3A_434 = arith.constant 16 : i32
        %mul3A_435 = arith.muli %sub3A_433, %mul3A_434 : i32
        %get3A_436 = arith.index_cast %mul3A_435 : i32 to index
        %get3A_437 = tpu.vector_load %arg9[%get3A_436] {strides = array<i32>} : memref<272xi32, #tpu.memory_space<vmem>>, vector<16xi32>,
        %rev3A = arith.constant 15 : i32
        %rev3A_438 = vector.broadcast %rev3A : i32 to vector<16xi32>
        %rev3A_439 = tpu.iota {dimensions = array<i32: 0>} : vector<16xi32>
        %rev3A_440 = arith.subi %rev3A_438, %rev3A_439 : vector<16xi32>
        %rev3A_441 = tpu.dynamic_gather %get3A_437[%rev3A_440] in [0] : vector<16xi32>, vector<16xi32> -> vector<16xi32>
        %broadcast_in_dim3A_442 = arith.constant true
        %broadcast_in_dim3A_443 = vector.broadcast %broadcast_in_dim3A_442 : i1 to vector<16xi1>
        %masked_cumsum3A = tpu.scan <sum>, %rev3A_441 masked %broadcast_in_dim3A_443 : vector<16xi32>, vector<16xi1> -> vector<16xi32>
        %rev3A_444 = arith.constant 15 : i32
        %rev3A_445 = vector.broadcast %rev3A_444 : i32 to vector<16xi32>
        %rev3A_446 = tpu.iota {dimensions = array<i32: 0>} : vector<16xi32>
        %rev3A_447 = arith.subi %rev3A_445, %rev3A_446 : vector<16xi32>
        %rev3A_448 = tpu.dynamic_gather %masked_cumsum3A[%rev3A_447] in [0] : vector<16xi32>, vector<16xi32> -> vector<16xi32>
        %add3A_449 = vector.broadcast %scan3A_431 : i32 to vector<16xi32>
        %add3A_450 = arith.addi %rev3A_448, %add3A_449 : vector<16xi32>
        %mul3A_451 = arith.constant 16 : i32
        %mul3A_452 = arith.muli %sub3A_433, %mul3A_451 : i32
        %swap3A_453 = arith.index_cast %mul3A_452 : i32 to index
        %swap3A_454 = tpu.vector_load %arg10[%swap3A_453] {strides = array<i32>} : memref<272xi32, #tpu.memory_space<vmem>>, vector<16xi32>,
        tpu.vector_store %arg10[%swap3A_453], %add3A_450 {strides = array<i32>} : memref<272xi32, #tpu.memory_space<vmem>>, vector<16xi32>,
        %reduce_max3A = arith.constant true
        %reduce_max3A_455 = vector.broadcast %reduce_max3A : i1 to vector<16xi1>
        %reduce_max3A_456 = arith.constant -2147483648 : i32
        %reduce_max3A_457 = vector.broadcast %reduce_max3A_456 : i32 to vector<16xi32>
        %reduce_max3A_458 = arith.xori %add3A_450, %reduce_max3A_457 : vector<16xi32>
        %reduce_max3A_459 = tpu.scan <max>, %reduce_max3A_458 masked %reduce_max3A_455 : vector<16xi32>, vector<16xi1> -> vector<16xi32>
        %reduce_max3A_460 = arith.xori %reduce_max3A_459, %reduce_max3A_457 : vector<16xi32>
        %reduce_max3A_461 = vector.extract %reduce_max3A_460[15] : i32 from vector<16xi32>
        scf.yield %reduce_max3A_461 : i32
      }
      %scan3A_40 = arith.constant 16 : i32
      %scan3A_41 = arith.constant 1639 : i32
      %scan3A_42 = arith.constant 0 : i32
      %scan3A_43 = arith.constant 0 : i32
      %scan3A_44 = arith.constant 16 : i32
      %scan3A_45 = arith.addi %scan3A_43, %scan3A_44 : i32
      %scan3A_46 = arith.constant 1 : i32
      %scan3A_47 = scf.for %scan3A_430 = %scan3A_43 to %scan3A_45 step %scan3A_46 iter_args(%scan3A_431 = %scan3A_42) -> (i32)  : i32 {
        %mul3A_432 = arith.constant 16 : i32
        %mul3A_433 = arith.muli %scan3A_430, %mul3A_432 : i32
        %get3A_434 = arith.index_cast %mul3A_433 : i32 to index
        %get3A_435 = tpu.vector_load %arg10[%get3A_434] {strides = array<i32>} : memref<272xi32, #tpu.memory_space<vmem>>, vector<16xi32>,
        %ge3A_436 = vector.broadcast %scan3A_41 : i32 to vector<16xi32>
        %ge3A_437 = arith.cmpi sge, %get3A_435, %ge3A_436 : vector<16xi32>
        %convert_element_type3A = arith.extui %ge3A_437 : vector<16xi1> to vector<16xi32>
        %reduce_sum3A = arith.constant true
        %reduce_sum3A_438 = vector.broadcast %reduce_sum3A : i1 to vector<16xi1>
        %reduce_sum3A_439 = tpu.scan <sum>, %convert_element_type3A masked %reduce_sum3A_438 : vector<16xi32>, vector<16xi1> -> vector<16xi32>
        %reduce_sum3A_440 = vector.extract %reduce_sum3A_439[15] : i32 from vector<16xi32>
        %add3A_441 = arith.addi %scan3A_431, %reduce_sum3A_440 : i32
        scf.yield %add3A_441 : i32
      }
      %scan3A_48 = arith.constant 16 : i32
      %sub3A = arith.constant 1 : i32
      %sub3A_49 = arith.subi %scan3A_47, %sub3A : i32
      %add3A_50 = arith.constant 1 : i32
      %add3A_51 = arith.addi %sub3A_49, %add3A_50 : i32
      %get3A = arith.index_cast %add3A_51 : i32 to index
      %get3A_52 = tpu.vector_load %arg10[%get3A] {strides = array<i32>} : memref<272xi32, #tpu.memory_space<vmem>>, vector<16xi32>,
      %slice3A = vector.extract_strided_slice %get3A_52 {offsets = [0], sizes = [1], strides = [1]} : vector<16xi32> to vector<1xi32>
      %squeeze3A = vector.extract %slice3A[0] : i32 from vector<1xi32>
      %get3A_53 = arith.index_cast %sub3A_49 : i32 to index
      %get3A_54 = tpu.vector_load %arg10[%get3A_53] {strides = array<i32>} : memref<272xi32, #tpu.memory_space<vmem>>, vector<16xi32>,
      %slice3A_55 = vector.extract_strided_slice %get3A_54 {offsets = [0], sizes = [1], strides = [1]} : vector<16xi32> to vector<1xi32>
      %squeeze3A_56 = vector.extract %slice3A_55[0] : i32 from vector<1xi32>
      %sub3A_57 = arith.constant 1639 : i32
      %sub3A_58 = arith.subi %sub3A_57, %squeeze3A : i32
      %shift_left3A = arith.constant 24 : i32
      %shift_left3A_59 = arith.shli %sub3A_49, %shift_left3A : i32
      %or3A = arith.constant 0 : i32
      %or3A_60 = arith.ori %or3A, %shift_left3A_59 : i32
      %parallel_loop3A_61 = arith.constant 0 : i32
      %parallel_loop3A_62 = arith.constant 2048 : i32
      %parallel_loop3A_63 = arith.constant 1 : i32
      scf.for %parallel_loop3A_430 = %parallel_loop3A_61 to %parallel_loop3A_62 step %parallel_loop3A_63  : i32 {
        %parallel_loop3A_431 = arith.constant 16 : i32
        %parallel_loop3A_432 = arith.muli %parallel_loop3A_430, %parallel_loop3A_431 : i32
        %parallel_loop3A_433 = arith.index_cast %parallel_loop3A_432 : i32 to index
        %parallel_loop3A_434 = tpu.vector_load %arg5[%parallel_loop3A_433] {strides = array<i32>} : memref<32768xf32, #tpu.memory_space<vmem>>, vector<16xf32>,
        %parallel_loop3A_435 = tpu.bitcast %parallel_loop3A_434 : vector<16xf32> -> vector<16xi32>
        %parallel_loop3A_436 = arith.constant 31 : i32
        %parallel_loop3A_437 = vector.broadcast %parallel_loop3A_436 : i32 to vector<16xi32>
        %parallel_loop3A_438 = arith.shrsi %parallel_loop3A_435, %parallel_loop3A_437 : vector<16xi32>
        %parallel_loop3A_439 = arith.constant -2147483648 : i32
        %parallel_loop3A_440 = vector.broadcast %parallel_loop3A_439 : i32 to vector<16xi32>
        %parallel_loop3A_441 = arith.ori %parallel_loop3A_438, %parallel_loop3A_440 : vector<16xi32>
        %parallel_loop3A_442 = arith.xori %parallel_loop3A_435, %parallel_loop3A_441 : vector<16xi32>
        %parallel_loop3A_443 = arith.constant 24 : i32
        %parallel_loop3A_444 = vector.broadcast %parallel_loop3A_443 : i32 to vector<16xi32>
        %parallel_loop3A_445 = arith.shrui %parallel_loop3A_442, %parallel_loop3A_444 : vector<16xi32>
        %parallel_loop3A_446 = vector.broadcast %sub3A_49 : i32 to vector<16xi32>
        %parallel_loop3A_447 = arith.cmpi sgt, %parallel_loop3A_445, %parallel_loop3A_446 : vector<16xi32>
        %parallel_loop3A_448 = vector.broadcast %sub3A_49 : i32 to vector<16xi32>
        %parallel_loop3A_449 = arith.cmpi eq, %parallel_loop3A_445, %parallel_loop3A_448 : vector<16xi32>
        %parallel_loop3A_450 = vector.broadcast %parallel_loop3A_430 : i32 to vector<16xi32>
        %parallel_loop3A_451 = tpu.all_reduce %parallel_loop3A_447 {dim = 0 : i64, kind = #tpu.reduction_kind<sum>} : vector<16xi1> -> vector<16xi32>
        tpu.vector_store_idx %arg11[%parallel_loop3A_450], %parallel_loop3A_451 masked %eq3A_21 : memref<2064xi32, #tpu.memory_space<vmem>>[vector<16xi32>], vector<16xi32>, vector<16xi1>
        %parallel_loop3A_452 = tpu.all_reduce %parallel_loop3A_449 {dim = 0 : i64, kind = #tpu.reduction_kind<sum>} : vector<16xi1> -> vector<16xi32>
        tpu.vector_store_idx %arg12[%parallel_loop3A_450], %parallel_loop3A_452 masked %eq3A_21 : memref<2064xi32, #tpu.memory_space<vmem>>[vector<16xi32>], vector<16xi32>, vector<16xi1>
      } {sc.loop_unroll_factor = 4 : i64, sc.parallel_access}
      %scan3A_64 = arith.constant 0 : i32
      %scan3A_65 = arith.constant 0 : i32
      %scan3A_66 = arith.constant 0 : i32
      %scan3A_67 = arith.constant 128 : i32
      %scan3A_68 = arith.addi %scan3A_66, %scan3A_67 : i32
      %scan3A_69 = arith.constant 1 : i32
      %scan3A_70:2 = scf.for %scan3A_430 = %scan3A_66 to %scan3A_68 step %scan3A_69 iter_args(%scan3A_431 = %scan3A_64, %scan3A_432 = %scan3A_65) -> (i32, i32)  : i32 {
        %mul3A_433 = arith.constant 16 : i32
        %mul3A_434 = arith.muli %scan3A_430, %mul3A_433 : i32
        %get3A_435 = arith.index_cast %mul3A_434 : i32 to index
        %get3A_436 = tpu.vector_load %arg11[%get3A_435] {strides = array<i32>} : memref<2064xi32, #tpu.memory_space<vmem>>, vector<16xi32>,
        %broadcast_in_dim3A_437 = arith.constant true
        %broadcast_in_dim3A_438 = vector.broadcast %broadcast_in_dim3A_437 : i1 to vector<16xi1>
        %masked_cumsum3A = tpu.scan <sum>, %get3A_436 masked %broadcast_in_dim3A_438 : vector<16xi32>, vector<16xi1> -> vector<16xi32>
        %sub3A_439 = arith.subi %masked_cumsum3A, %get3A_436 : vector<16xi32>
        %add3A_440 = vector.broadcast %scan3A_431 : i32 to vector<16xi32>
        %add3A_441 = arith.addi %sub3A_439, %add3A_440 : vector<16xi32>
        %mul3A_442 = arith.constant 16 : i32
        %mul3A_443 = arith.muli %scan3A_430, %mul3A_442 : i32
        %swap3A_444 = arith.index_cast %mul3A_443 : i32 to index
        %swap3A_445 = tpu.vector_load %arg11[%swap3A_444] {strides = array<i32>} : memref<2064xi32, #tpu.memory_space<vmem>>, vector<16xi32>,
        tpu.vector_store %arg11[%swap3A_444], %add3A_441 {strides = array<i32>} : memref<2064xi32, #tpu.memory_space<vmem>>, vector<16xi32>,
        %slice3A_446 = vector.extract_strided_slice %masked_cumsum3A {offsets = [15], sizes = [1], strides = [1]} : vector<16xi32> to vector<1xi32>
        %squeeze3A_447 = vector.extract %slice3A_446[0] : i32 from vector<1xi32>
        %add3A_448 = arith.addi %scan3A_431, %squeeze3A_447 : i32
        %mul3A_449 = arith.constant 16 : i32
        %mul3A_450 = arith.muli %scan3A_430, %mul3A_449 : i32
        %get3A_451 = arith.index_cast %mul3A_450 : i32 to index
        %get3A_452 = tpu.vector_load %arg12[%get3A_451] {strides = array<i32>} : memref<2064xi32, #tpu.memory_space<vmem>>, vector<16xi32>,
        %broadcast_in_dim3A_453 = arith.constant true
        %broadcast_in_dim3A_454 = vector.broadcast %broadcast_in_dim3A_453 : i1 to vector<16xi1>
        %masked_cumsum3A_455 = tpu.scan <sum>, %get3A_452 masked %broadcast_in_dim3A_454 : vector<16xi32>, vector<16xi1> -> vector<16xi32>
        %sub3A_456 = arith.subi %masked_cumsum3A_455, %get3A_452 : vector<16xi32>
        %add3A_457 = vector.broadcast %scan3A_432 : i32 to vector<16xi32>
        %add3A_458 = arith.addi %sub3A_456, %add3A_457 : vector<16xi32>
        %mul3A_459 = arith.constant 16 : i32
        %mul3A_460 = arith.muli %scan3A_430, %mul3A_459 : i32
        %swap3A_461 = arith.index_cast %mul3A_460 : i32 to index
        %swap3A_462 = tpu.vector_load %arg12[%swap3A_461] {strides = array<i32>} : memref<2064xi32, #tpu.memory_space<vmem>>, vector<16xi32>,
        tpu.vector_store %arg12[%swap3A_461], %add3A_458 {strides = array<i32>} : memref<2064xi32, #tpu.memory_space<vmem>>, vector<16xi32>,
        %slice3A_463 = vector.extract_strided_slice %masked_cumsum3A_455 {offsets = [15], sizes = [1], strides = [1]} : vector<16xi32> to vector<1xi32>
        %squeeze3A_464 = vector.extract %slice3A_463[0] : i32 from vector<1xi32>
        %add3A_465 = arith.addi %scan3A_432, %squeeze3A_464 : i32
        scf.yield %add3A_448, %add3A_465 : i32, i32
      }
      %scan3A_71 = arith.constant 128 : i32
      %parallel_loop3A_72 = arith.constant 0 : i32
      %parallel_loop3A_73 = arith.constant 2048 : i32
      %parallel_loop3A_74 = arith.constant 1 : i32
      %parallel_loop3A_75 = arith.constant 0 : i32
      scf.for %parallel_loop3A_430 = %parallel_loop3A_72 to %parallel_loop3A_73 step %parallel_loop3A_74  : i32 {
        %parallel_loop3A_431 = arith.constant 16 : i32
        %parallel_loop3A_432 = arith.muli %parallel_loop3A_430, %parallel_loop3A_431 : i32
        %parallel_loop3A_433 = arith.index_cast %parallel_loop3A_432 : i32 to index
        %parallel_loop3A_434 = tpu.vector_load %arg5[%parallel_loop3A_433] {strides = array<i32>} : memref<32768xf32, #tpu.memory_space<vmem>>, vector<16xf32>,
        %parallel_loop3A_435 = tpu.bitcast %parallel_loop3A_434 : vector<16xf32> -> vector<16xi32>
        %parallel_loop3A_436 = arith.constant 31 : i32
        %parallel_loop3A_437 = vector.broadcast %parallel_loop3A_436 : i32 to vector<16xi32>
        %parallel_loop3A_438 = arith.shrsi %parallel_loop3A_435, %parallel_loop3A_437 : vector<16xi32>
        %parallel_loop3A_439 = arith.constant -2147483648 : i32
        %parallel_loop3A_440 = vector.broadcast %parallel_loop3A_439 : i32 to vector<16xi32>
        %parallel_loop3A_441 = arith.ori %parallel_loop3A_438, %parallel_loop3A_440 : vector<16xi32>
        %parallel_loop3A_442 = arith.xori %parallel_loop3A_435, %parallel_loop3A_441 : vector<16xi32>
        %parallel_loop3A_443 = arith.constant 24 : i32
        %parallel_loop3A_444 = vector.broadcast %parallel_loop3A_443 : i32 to vector<16xi32>
        %parallel_loop3A_445 = arith.shrui %parallel_loop3A_442, %parallel_loop3A_444 : vector<16xi32>
        %parallel_loop3A_446 = vector.broadcast %sub3A_49 : i32 to vector<16xi32>
        %parallel_loop3A_447 = arith.cmpi sgt, %parallel_loop3A_445, %parallel_loop3A_446 : vector<16xi32>
        %parallel_loop3A_448 = vector.broadcast %sub3A_49 : i32 to vector<16xi32>
        %parallel_loop3A_449 = arith.cmpi eq, %parallel_loop3A_445, %parallel_loop3A_448 : vector<16xi32>
        %parallel_loop3A_450 = arith.index_cast %parallel_loop3A_430 : i32 to index
        %parallel_loop3A_451 = tpu.vector_load %arg11[%parallel_loop3A_450] {strides = array<i32>} : memref<2064xi32, #tpu.memory_space<vmem>>, vector<16xi32>,
        %parallel_loop3A_452 = vector.extract_strided_slice %parallel_loop3A_451 {offsets = [0], sizes = [1], strides = [1]} : vector<16xi32> to vector<1xi32>
        %parallel_loop3A_453 = vector.extract %parallel_loop3A_452[0] : i32 from vector<1xi32>
        %parallel_loop3A_454 = arith.addi %parallel_loop3A_75, %parallel_loop3A_453 : i32
        %parallel_loop3A_455 = arith.constant 1648 : i32
        %parallel_loop3A_456 = arith.minsi %parallel_loop3A_454, %parallel_loop3A_455 : i32
        %parallel_loop3A_457 = arith.addi %mul3A_19, %parallel_loop3A_456 : i32
        %parallel_loop3A_458 = arith.index_cast %parallel_loop3A_457 : i32 to index
        %parallel_loop3A_459 = tpu.vector_load %arg14[%parallel_loop3A_458] masked %parallel_loop3A_447 {strides = array<i32>} : memref<6656xf32, #tpu.memory_space<vmem>>, vector<16xf32>, vector<16xi1>
        tpu.vector_store %arg14[%parallel_loop3A_458], %parallel_loop3A_434 masked %parallel_loop3A_447 {strides = array<i32>} : memref<6656xf32, #tpu.memory_space<vmem>>, vector<16xf32>, vector<16xi1>
        %parallel_loop3A_460 = arith.index_cast %parallel_loop3A_430 : i32 to index
        %parallel_loop3A_461 = tpu.vector_load %arg12[%parallel_loop3A_460] {strides = array<i32>} : memref<2064xi32, #tpu.memory_space<vmem>>, vector<16xi32>,
        %parallel_loop3A_462 = vector.extract_strided_slice %parallel_loop3A_461 {offsets = [0], sizes = [1], strides = [1]} : vector<16xi32> to vector<1xi32>
        %parallel_loop3A_463 = vector.extract %parallel_loop3A_462[0] : i32 from vector<1xi32>
        %parallel_loop3A_464 = arith.index_cast %parallel_loop3A_463 : i32 to index
        %parallel_loop3A_465 = tpu.vector_load %arg6[%parallel_loop3A_464] masked %parallel_loop3A_449 {strides = array<i32>} : memref<32768xf32, #tpu.memory_space<vmem>>, vector<16xf32>, vector<16xi1>
        tpu.vector_store %arg6[%parallel_loop3A_464], %parallel_loop3A_434 masked %parallel_loop3A_449 {strides = array<i32>} : memref<32768xf32, #tpu.memory_space<vmem>>, vector<16xf32>, vector<16xi1>
      } {sc.loop_unroll_factor = 4 : i64, sc.parallel_access}
      %add3A_76 = arith.constant 0 : i32
      %add3A_77 = arith.addi %add3A_76, %squeeze3A : i32
      %sub3A_78 = arith.subi %squeeze3A_56, %squeeze3A : i32
      %add3A_79 = arith.constant 16 : i32
      %add3A_80 = arith.addi %sub3A_78, %add3A_79 : i32
      %sub3A_81 = arith.constant 1 : i32
      %sub3A_82 = arith.subi %add3A_80, %sub3A_81 : i32
      %jit3A = arith.constant 16 : i32
      %div3A = arith.divsi %sub3A_82, %jit3A : i32
      %sign3A = arith.constant 0 : i32
      %sign3A_83 = arith.cmpi sgt, %sub3A_82, %sign3A : i32
      %sign3A_84 = arith.extui %sign3A_83 : i1 to i32
      %sign3A_85 = arith.constant 0 : i32
      %sign3A_86 = arith.cmpi slt, %sub3A_82, %sign3A_85 : i32
      %sign3A_87 = arith.extui %sign3A_86 : i1 to i32
      %sign3A_88 = arith.subi %sign3A_84, %sign3A_87 : i32
      %sign3A_89 = arith.constant 0 : i32
      %sign3A_90 = arith.cmpi sgt, %jit3A, %sign3A_89 : i32
      %sign3A_91 = arith.extui %sign3A_90 : i1 to i32
      %sign3A_92 = arith.constant 0 : i32
      %sign3A_93 = arith.cmpi slt, %jit3A, %sign3A_92 : i32
      %sign3A_94 = arith.extui %sign3A_93 : i1 to i32
      %sign3A_95 = arith.subi %sign3A_91, %sign3A_94 : i32
      %ne3A = arith.cmpi ne, %sign3A_88, %sign3A_95 : i32
      %rem3A = arith.remsi %sub3A_82, %jit3A : i32
      %ne3A_96 = arith.constant 0 : i32
      %ne3A_97 = arith.cmpi ne, %rem3A, %ne3A_96 : i32
      %and3A = arith.andi %ne3A, %ne3A_97 : i1
      %sub3A_98 = arith.constant 1 : i32
      %sub3A_99 = arith.subi %div3A, %sub3A_98 : i32
      %select_n3A = arith.select %and3A, %sub3A_99, %div3A : i32
      %parallel_loop3A_100 = arith.constant 0 : i32
      %parallel_loop3A_101 = arith.constant 256 : i32
      %parallel_loop3A_102 = arith.constant 1 : i32
      scf.for %parallel_loop3A_430 = %parallel_loop3A_100 to %parallel_loop3A_101 step %parallel_loop3A_102  : i32 {
        %parallel_loop3A_431 = arith.constant 16 : i32
        %parallel_loop3A_432 = arith.muli %parallel_loop3A_430, %parallel_loop3A_431 : i32
        %parallel_loop3A_433 = arith.index_cast %parallel_loop3A_432 : i32 to index
        %parallel_loop3A_434 = tpu.vector_load %arg8[%parallel_loop3A_433] {strides = array<i32>} : memref<4096xi32, #tpu.memory_space<vmem>>, vector<16xi32>,
        tpu.vector_store %arg8[%parallel_loop3A_433], %broadcast_in_dim3A_3 {strides = array<i32>} : memref<4096xi32, #tpu.memory_space<vmem>>, vector<16xi32>,
      } {sc.loop_unroll_factor = 8 : i64, sc.parallel_access}
      %parallel_loop3A_103 = arith.constant 0 : i32
      %parallel_loop3A_104 = arith.constant 1 : i32
      scf.for %parallel_loop3A_430 = %parallel_loop3A_103 to %select_n3A step %parallel_loop3A_104  : i32 {
        %parallel_loop3A_431 = arith.constant 16 : i32
        %parallel_loop3A_432 = arith.muli %parallel_loop3A_430, %parallel_loop3A_431 : i32
        %parallel_loop3A_433 = arith.index_cast %parallel_loop3A_432 : i32 to index
        %parallel_loop3A_434 = tpu.vector_load %arg6[%parallel_loop3A_433] {strides = array<i32>} : memref<32768xf32, #tpu.memory_space<vmem>>, vector<16xf32>,
        %parallel_loop3A_435 = tpu.bitcast %parallel_loop3A_434 : vector<16xf32> -> vector<16xi32>
        %parallel_loop3A_436 = arith.constant 31 : i32
        %parallel_loop3A_437 = vector.broadcast %parallel_loop3A_436 : i32 to vector<16xi32>
        %parallel_loop3A_438 = arith.shrsi %parallel_loop3A_435, %parallel_loop3A_437 : vector<16xi32>
        %parallel_loop3A_439 = arith.constant -2147483648 : i32
        %parallel_loop3A_440 = vector.broadcast %parallel_loop3A_439 : i32 to vector<16xi32>
        %parallel_loop3A_441 = arith.ori %parallel_loop3A_438, %parallel_loop3A_440 : vector<16xi32>
        %parallel_loop3A_442 = arith.xori %parallel_loop3A_435, %parallel_loop3A_441 : vector<16xi32>
        %parallel_loop3A_443 = arith.constant 16 : i32
        %parallel_loop3A_444 = vector.broadcast %parallel_loop3A_443 : i32 to vector<16xi32>
        %parallel_loop3A_445 = arith.shrui %parallel_loop3A_442, %parallel_loop3A_444 : vector<16xi32>
        %parallel_loop3A_446 = arith.constant 255 : i32
        %parallel_loop3A_447 = vector.broadcast %parallel_loop3A_446 : i32 to vector<16xi32>
        %parallel_loop3A_448 = arith.andi %parallel_loop3A_445, %parallel_loop3A_447 : vector<16xi32>
        %parallel_loop3A_449 = arith.constant 16 : i32
        %parallel_loop3A_450 = arith.muli %parallel_loop3A_430, %parallel_loop3A_449 : i32
        %parallel_loop3A_451 = vector.broadcast %parallel_loop3A_450 : i32 to vector<16xi32>
        %parallel_loop3A_452 = arith.addi %parallel_loop3A_451, %iota3A : vector<16xi32>
        %parallel_loop3A_453 = vector.broadcast %sub3A_78 : i32 to vector<16xi32>
        %parallel_loop3A_454 = arith.cmpi slt, %parallel_loop3A_452, %parallel_loop3A_453 : vector<16xi32>
        %parallel_loop3A_455 = arith.constant 16 : i32
        %parallel_loop3A_456 = vector.broadcast %parallel_loop3A_455 : i32 to vector<16xi32>
        %parallel_loop3A_457 = arith.muli %parallel_loop3A_448, %parallel_loop3A_456 : vector<16xi32>
        %parallel_loop3A_458 = arith.addi %parallel_loop3A_457, %iota3A : vector<16xi32>
        tpu.vector_store_idx %arg8[%parallel_loop3A_458], %broadcast_in_dim3A_1 masked %parallel_loop3A_454 {add = true} : memref<4096xi32, #tpu.memory_space<vmem>>[vector<16xi32>], vector<16xi32>, vector<16xi1>
      } {sc.loop_unroll_factor = 8 : i64, sc.parallel_access}
      %eq3A_105 = arith.constant 15 : i32
      %eq3A_106 = vector.broadcast %eq3A_105 : i32 to vector<16xi32>
      %eq3A_107 = arith.cmpi eq, %iota3A, %eq3A_106 : vector<16xi32>
      %parallel_loop3A_108 = arith.constant 0 : i32
      %parallel_loop3A_109 = arith.constant 256 : i32
      %parallel_loop3A_110 = arith.constant 1 : i32
      scf.for %parallel_loop3A_430 = %parallel_loop3A_108 to %parallel_loop3A_109 step %parallel_loop3A_110  : i32 {
        %parallel_loop3A_431 = arith.constant 16 : i32
        %parallel_loop3A_432 = arith.muli %parallel_loop3A_430, %parallel_loop3A_431 : i32
        %parallel_loop3A_433 = arith.index_cast %parallel_loop3A_432 : i32 to index
        %parallel_loop3A_434 = tpu.vector_load %arg8[%parallel_loop3A_433] {strides = array<i32>} : memref<4096xi32, #tpu.memory_space<vmem>>, vector<16xi32>,
        %parallel_loop3A_435 = arith.constant true
        %parallel_loop3A_436 = vector.broadcast %parallel_loop3A_435 : i1 to vector<16xi1>
        %parallel_loop3A_437 = tpu.scan <sum>, %parallel_loop3A_434 masked %parallel_loop3A_436 : vector<16xi32>, vector<16xi1> -> vector<16xi32>
        %parallel_loop3A_438 = vector.broadcast %parallel_loop3A_430 : i32 to vector<16xi32>
        tpu.vector_store_idx %arg9[%parallel_loop3A_438], %parallel_loop3A_437 masked %eq3A_107 : memref<272xi32, #tpu.memory_space<vmem>>[vector<16xi32>], vector<16xi32>, vector<16xi1>
      } {sc.loop_unroll_factor = 8 : i64, sc.parallel_access}
      %scan3A_111 = arith.constant 0 : i32
      %scan3A_112 = arith.constant 0 : i32
      %scan3A_113 = arith.constant 16 : i32
      %scan3A_114 = arith.addi %scan3A_112, %scan3A_113 : i32
      %scan3A_115 = arith.constant 1 : i32
      %scan3A_116 = scf.for %scan3A_430 = %scan3A_112 to %scan3A_114 step %scan3A_115 iter_args(%scan3A_431 = %scan3A_111) -> (i32)  : i32 {
        %sub3A_432 = arith.constant 15 : i32
        %sub3A_433 = arith.subi %sub3A_432, %scan3A_430 : i32
        %mul3A_434 = arith.constant 16 : i32
        %mul3A_435 = arith.muli %sub3A_433, %mul3A_434 : i32
        %get3A_436 = arith.index_cast %mul3A_435 : i32 to index
        %get3A_437 = tpu.vector_load %arg9[%get3A_436] {strides = array<i32>} : memref<272xi32, #tpu.memory_space<vmem>>, vector<16xi32>,
        %rev3A = arith.constant 15 : i32
        %rev3A_438 = vector.broadcast %rev3A : i32 to vector<16xi32>
        %rev3A_439 = tpu.iota {dimensions = array<i32: 0>} : vector<16xi32>
        %rev3A_440 = arith.subi %rev3A_438, %rev3A_439 : vector<16xi32>
        %rev3A_441 = tpu.dynamic_gather %get3A_437[%rev3A_440] in [0] : vector<16xi32>, vector<16xi32> -> vector<16xi32>
        %broadcast_in_dim3A_442 = arith.constant true
        %broadcast_in_dim3A_443 = vector.broadcast %broadcast_in_dim3A_442 : i1 to vector<16xi1>
        %masked_cumsum3A = tpu.scan <sum>, %rev3A_441 masked %broadcast_in_dim3A_443 : vector<16xi32>, vector<16xi1> -> vector<16xi32>
        %rev3A_444 = arith.constant 15 : i32
        %rev3A_445 = vector.broadcast %rev3A_444 : i32 to vector<16xi32>
        %rev3A_446 = tpu.iota {dimensions = array<i32: 0>} : vector<16xi32>
        %rev3A_447 = arith.subi %rev3A_445, %rev3A_446 : vector<16xi32>
        %rev3A_448 = tpu.dynamic_gather %masked_cumsum3A[%rev3A_447] in [0] : vector<16xi32>, vector<16xi32> -> vector<16xi32>
        %add3A_449 = vector.broadcast %scan3A_431 : i32 to vector<16xi32>
        %add3A_450 = arith.addi %rev3A_448, %add3A_449 : vector<16xi32>
        %mul3A_451 = arith.constant 16 : i32
        %mul3A_452 = arith.muli %sub3A_433, %mul3A_451 : i32
        %swap3A_453 = arith.index_cast %mul3A_452 : i32 to index
        %swap3A_454 = tpu.vector_load %arg10[%swap3A_453] {strides = array<i32>} : memref<272xi32, #tpu.memory_space<vmem>>, vector<16xi32>,
        tpu.vector_store %arg10[%swap3A_453], %add3A_450 {strides = array<i32>} : memref<272xi32, #tpu.memory_space<vmem>>, vector<16xi32>,
        %reduce_max3A = arith.constant true
        %reduce_max3A_455 = vector.broadcast %reduce_max3A : i1 to vector<16xi1>
        %reduce_max3A_456 = arith.constant -2147483648 : i32
        %reduce_max3A_457 = vector.broadcast %reduce_max3A_456 : i32 to vector<16xi32>
        %reduce_max3A_458 = arith.xori %add3A_450, %reduce_max3A_457 : vector<16xi32>
        %reduce_max3A_459 = tpu.scan <max>, %reduce_max3A_458 masked %reduce_max3A_455 : vector<16xi32>, vector<16xi1> -> vector<16xi32>
        %reduce_max3A_460 = arith.xori %reduce_max3A_459, %reduce_max3A_457 : vector<16xi32>
        %reduce_max3A_461 = vector.extract %reduce_max3A_460[15] : i32 from vector<16xi32>
        scf.yield %reduce_max3A_461 : i32
      }
      %scan3A_117 = arith.constant 16 : i32
      %scan3A_118 = arith.constant 0 : i32
      %scan3A_119 = arith.constant 0 : i32
      %scan3A_120 = arith.constant 16 : i32
      %scan3A_121 = arith.addi %scan3A_119, %scan3A_120 : i32
      %scan3A_122 = arith.constant 1 : i32
      %scan3A_123 = scf.for %scan3A_430 = %scan3A_119 to %scan3A_121 step %scan3A_122 iter_args(%scan3A_431 = %scan3A_118) -> (i32)  : i32 {
        %mul3A_432 = arith.constant 16 : i32
        %mul3A_433 = arith.muli %scan3A_430, %mul3A_432 : i32
        %get3A_434 = arith.index_cast %mul3A_433 : i32 to index
        %get3A_435 = tpu.vector_load %arg10[%get3A_434] {strides = array<i32>} : memref<272xi32, #tpu.memory_space<vmem>>, vector<16xi32>,
        %ge3A_436 = vector.broadcast %sub3A_58 : i32 to vector<16xi32>
        %ge3A_437 = arith.cmpi sge, %get3A_435, %ge3A_436 : vector<16xi32>
        %convert_element_type3A = arith.extui %ge3A_437 : vector<16xi1> to vector<16xi32>
        %reduce_sum3A = arith.constant true
        %reduce_sum3A_438 = vector.broadcast %reduce_sum3A : i1 to vector<16xi1>
        %reduce_sum3A_439 = tpu.scan <sum>, %convert_element_type3A masked %reduce_sum3A_438 : vector<16xi32>, vector<16xi1> -> vector<16xi32>
        %reduce_sum3A_440 = vector.extract %reduce_sum3A_439[15] : i32 from vector<16xi32>
        %add3A_441 = arith.addi %scan3A_431, %reduce_sum3A_440 : i32
        scf.yield %add3A_441 : i32
      }
      %scan3A_124 = arith.constant 16 : i32
      %sub3A_125 = arith.constant 1 : i32
      %sub3A_126 = arith.subi %scan3A_123, %sub3A_125 : i32
      %add3A_127 = arith.constant 1 : i32
      %add3A_128 = arith.addi %sub3A_126, %add3A_127 : i32
      %get3A_129 = arith.index_cast %add3A_128 : i32 to index
      %get3A_130 = tpu.vector_load %arg10[%get3A_129] {strides = array<i32>} : memref<272xi32, #tpu.memory_space<vmem>>, vector<16xi32>,
      %slice3A_131 = vector.extract_strided_slice %get3A_130 {offsets = [0], sizes = [1], strides = [1]} : vector<16xi32> to vector<1xi32>
      %squeeze3A_132 = vector.extract %slice3A_131[0] : i32 from vector<1xi32>
      %get3A_133 = arith.index_cast %sub3A_126 : i32 to index
      %get3A_134 = tpu.vector_load %arg10[%get3A_133] {strides = array<i32>} : memref<272xi32, #tpu.memory_space<vmem>>, vector<16xi32>,
      %slice3A_135 = vector.extract_strided_slice %get3A_134 {offsets = [0], sizes = [1], strides = [1]} : vector<16xi32> to vector<1xi32>
      %squeeze3A_136 = vector.extract %slice3A_135[0] : i32 from vector<1xi32>
      %sub3A_137 = arith.subi %sub3A_58, %squeeze3A_132 : i32
      %shift_left3A_138 = arith.constant 16 : i32
      %shift_left3A_139 = arith.shli %sub3A_126, %shift_left3A_138 : i32
      %or3A_140 = arith.ori %or3A_60, %shift_left3A_139 : i32
      %parallel_loop3A_141 = arith.constant 0 : i32
      %parallel_loop3A_142 = arith.constant 1 : i32
      scf.for %parallel_loop3A_430 = %parallel_loop3A_141 to %select_n3A step %parallel_loop3A_142  : i32 {
        %parallel_loop3A_431 = arith.constant 16 : i32
        %parallel_loop3A_432 = arith.muli %parallel_loop3A_430, %parallel_loop3A_431 : i32
        %parallel_loop3A_433 = arith.index_cast %parallel_loop3A_432 : i32 to index
        %parallel_loop3A_434 = tpu.vector_load %arg6[%parallel_loop3A_433] {strides = array<i32>} : memref<32768xf32, #tpu.memory_space<vmem>>, vector<16xf32>,
        %parallel_loop3A_435 = tpu.bitcast %parallel_loop3A_434 : vector<16xf32> -> vector<16xi32>
        %parallel_loop3A_436 = arith.constant 31 : i32
        %parallel_loop3A_437 = vector.broadcast %parallel_loop3A_436 : i32 to vector<16xi32>
        %parallel_loop3A_438 = arith.shrsi %parallel_loop3A_435, %parallel_loop3A_437 : vector<16xi32>
        %parallel_loop3A_439 = arith.constant -2147483648 : i32
        %parallel_loop3A_440 = vector.broadcast %parallel_loop3A_439 : i32 to vector<16xi32>
        %parallel_loop3A_441 = arith.ori %parallel_loop3A_438, %parallel_loop3A_440 : vector<16xi32>
        %parallel_loop3A_442 = arith.xori %parallel_loop3A_435, %parallel_loop3A_441 : vector<16xi32>
        %parallel_loop3A_443 = arith.constant 16 : i32
        %parallel_loop3A_444 = vector.broadcast %parallel_loop3A_443 : i32 to vector<16xi32>
        %parallel_loop3A_445 = arith.shrui %parallel_loop3A_442, %parallel_loop3A_444 : vector<16xi32>
        %parallel_loop3A_446 = arith.constant 255 : i32
        %parallel_loop3A_447 = vector.broadcast %parallel_loop3A_446 : i32 to vector<16xi32>
        %parallel_loop3A_448 = arith.andi %parallel_loop3A_445, %parallel_loop3A_447 : vector<16xi32>
        %parallel_loop3A_449 = arith.constant 16 : i32
        %parallel_loop3A_450 = arith.muli %parallel_loop3A_430, %parallel_loop3A_449 : i32
        %parallel_loop3A_451 = vector.broadcast %parallel_loop3A_450 : i32 to vector<16xi32>
        %parallel_loop3A_452 = arith.addi %parallel_loop3A_451, %iota3A : vector<16xi32>
        %parallel_loop3A_453 = vector.broadcast %sub3A_78 : i32 to vector<16xi32>
        %parallel_loop3A_454 = arith.cmpi slt, %parallel_loop3A_452, %parallel_loop3A_453 : vector<16xi32>
        %parallel_loop3A_455 = vector.broadcast %sub3A_126 : i32 to vector<16xi32>
        %parallel_loop3A_456 = arith.cmpi sgt, %parallel_loop3A_448, %parallel_loop3A_455 : vector<16xi32>
        %parallel_loop3A_457 = arith.andi %parallel_loop3A_454, %parallel_loop3A_456 : vector<16xi1>
        %parallel_loop3A_458 = vector.broadcast %sub3A_126 : i32 to vector<16xi32>
        %parallel_loop3A_459 = arith.cmpi eq, %parallel_loop3A_448, %parallel_loop3A_458 : vector<16xi32>
        %parallel_loop3A_460 = arith.andi %parallel_loop3A_454, %parallel_loop3A_459 : vector<16xi1>
        %parallel_loop3A_461 = vector.broadcast %parallel_loop3A_430 : i32 to vector<16xi32>
        %parallel_loop3A_462 = tpu.all_reduce %parallel_loop3A_457 {dim = 0 : i64, kind = #tpu.reduction_kind<sum>} : vector<16xi1> -> vector<16xi32>
        tpu.vector_store_idx %arg11[%parallel_loop3A_461], %parallel_loop3A_462 masked %eq3A_21 : memref<2064xi32, #tpu.memory_space<vmem>>[vector<16xi32>], vector<16xi32>, vector<16xi1>
        %parallel_loop3A_463 = tpu.all_reduce %parallel_loop3A_460 {dim = 0 : i64, kind = #tpu.reduction_kind<sum>} : vector<16xi1> -> vector<16xi32>
        tpu.vector_store_idx %arg12[%parallel_loop3A_461], %parallel_loop3A_463 masked %eq3A_21 : memref<2064xi32, #tpu.memory_space<vmem>>[vector<16xi32>], vector<16xi32>, vector<16xi1>
      } {sc.loop_unroll_factor = 4 : i64, sc.parallel_access}
      %add3A_143 = arith.constant 16 : i32
      %add3A_144 = arith.addi %select_n3A, %add3A_143 : i32
      %sub3A_145 = arith.constant 1 : i32
      %sub3A_146 = arith.subi %add3A_144, %sub3A_145 : i32
      %jit3A_147 = arith.constant 16 : i32
      %div3A_148 = arith.divsi %sub3A_146, %jit3A_147 : i32
      %sign3A_149 = arith.constant 0 : i32
      %sign3A_150 = arith.cmpi sgt, %sub3A_146, %sign3A_149 : i32
      %sign3A_151 = arith.extui %sign3A_150 : i1 to i32
      %sign3A_152 = arith.constant 0 : i32
      %sign3A_153 = arith.cmpi slt, %sub3A_146, %sign3A_152 : i32
      %sign3A_154 = arith.extui %sign3A_153 : i1 to i32
      %sign3A_155 = arith.subi %sign3A_151, %sign3A_154 : i32
      %sign3A_156 = arith.constant 0 : i32
      %sign3A_157 = arith.cmpi sgt, %jit3A_147, %sign3A_156 : i32
      %sign3A_158 = arith.extui %sign3A_157 : i1 to i32
      %sign3A_159 = arith.constant 0 : i32
      %sign3A_160 = arith.cmpi slt, %jit3A_147, %sign3A_159 : i32
      %sign3A_161 = arith.extui %sign3A_160 : i1 to i32
      %sign3A_162 = arith.subi %sign3A_158, %sign3A_161 : i32
      %ne3A_163 = arith.cmpi ne, %sign3A_155, %sign3A_162 : i32
      %rem3A_164 = arith.remsi %sub3A_146, %jit3A_147 : i32
      %ne3A_165 = arith.constant 0 : i32
      %ne3A_166 = arith.cmpi ne, %rem3A_164, %ne3A_165 : i32
      %and3A_167 = arith.andi %ne3A_163, %ne3A_166 : i1
      %sub3A_168 = arith.constant 1 : i32
      %sub3A_169 = arith.subi %div3A_148, %sub3A_168 : i32
      %select_n3A_170 = arith.select %and3A_167, %sub3A_169, %div3A_148 : i32
      %while3A = arith.constant 0 : i32
      %while3A_171 = arith.constant 0 : i32
      %while3A_172 = arith.constant 0 : i32
      %while3A_173 = arith.subi %select_n3A_170, %while3A : i32
      %while3A_174 = arith.addi %while3A, %while3A_173 : i32
      %while3A_175 = arith.constant 1 : i32
      %while3A_176 = arith.divsi %while3A_173, %while3A_175 : i32
      %while3A_177 = arith.muli %while3A_176, %while3A_175 : i32
      %while3A_178 = arith.addi %while3A, %while3A_177 : i32
      %while3A_179 = arith.constant 1 : i32
      %while3A_180:2 = scf.for %while3A_430 = %while3A to %while3A_178 step %while3A_179 iter_args(%while3A_431 = %while3A_171, %while3A_432 = %while3A_172) -> (i32, i32)  : i32 {
        %mul3A_433 = arith.constant 16 : i32
        %mul3A_434 = arith.muli %while3A_430, %mul3A_433 : i32
        %get3A_435 = arith.index_cast %mul3A_434 : i32 to index
        %get3A_436 = tpu.vector_load %arg11[%get3A_435] {strides = array<i32>} : memref<2064xi32, #tpu.memory_space<vmem>>, vector<16xi32>,
        %broadcast_in_dim3A_437 = arith.constant true
        %broadcast_in_dim3A_438 = vector.broadcast %broadcast_in_dim3A_437 : i1 to vector<16xi1>
        %masked_cumsum3A = tpu.scan <sum>, %get3A_436 masked %broadcast_in_dim3A_438 : vector<16xi32>, vector<16xi1> -> vector<16xi32>
        %sub3A_439 = arith.subi %masked_cumsum3A, %get3A_436 : vector<16xi32>
        %add3A_440 = vector.broadcast %while3A_431 : i32 to vector<16xi32>
        %add3A_441 = arith.addi %sub3A_439, %add3A_440 : vector<16xi32>
        %mul3A_442 = arith.constant 16 : i32
        %mul3A_443 = arith.muli %while3A_430, %mul3A_442 : i32
        %swap3A_444 = arith.index_cast %mul3A_443 : i32 to index
        %swap3A_445 = tpu.vector_load %arg11[%swap3A_444] {strides = array<i32>} : memref<2064xi32, #tpu.memory_space<vmem>>, vector<16xi32>,
        tpu.vector_store %arg11[%swap3A_444], %add3A_441 {strides = array<i32>} : memref<2064xi32, #tpu.memory_space<vmem>>, vector<16xi32>,
        %slice3A_446 = vector.extract_strided_slice %masked_cumsum3A {offsets = [15], sizes = [1], strides = [1]} : vector<16xi32> to vector<1xi32>
        %squeeze3A_447 = vector.extract %slice3A_446[0] : i32 from vector<1xi32>
        %add3A_448 = arith.addi %while3A_431, %squeeze3A_447 : i32
        %mul3A_449 = arith.constant 16 : i32
        %mul3A_450 = arith.muli %while3A_430, %mul3A_449 : i32
        %get3A_451 = arith.index_cast %mul3A_450 : i32 to index
        %get3A_452 = tpu.vector_load %arg12[%get3A_451] {strides = array<i32>} : memref<2064xi32, #tpu.memory_space<vmem>>, vector<16xi32>,
        %broadcast_in_dim3A_453 = arith.constant true
        %broadcast_in_dim3A_454 = vector.broadcast %broadcast_in_dim3A_453 : i1 to vector<16xi1>
        %masked_cumsum3A_455 = tpu.scan <sum>, %get3A_452 masked %broadcast_in_dim3A_454 : vector<16xi32>, vector<16xi1> -> vector<16xi32>
        %sub3A_456 = arith.subi %masked_cumsum3A_455, %get3A_452 : vector<16xi32>
        %add3A_457 = vector.broadcast %while3A_432 : i32 to vector<16xi32>
        %add3A_458 = arith.addi %sub3A_456, %add3A_457 : vector<16xi32>
        %mul3A_459 = arith.constant 16 : i32
        %mul3A_460 = arith.muli %while3A_430, %mul3A_459 : i32
        %swap3A_461 = arith.index_cast %mul3A_460 : i32 to index
        %swap3A_462 = tpu.vector_load %arg12[%swap3A_461] {strides = array<i32>} : memref<2064xi32, #tpu.memory_space<vmem>>, vector<16xi32>,
        tpu.vector_store %arg12[%swap3A_461], %add3A_458 {strides = array<i32>} : memref<2064xi32, #tpu.memory_space<vmem>>, vector<16xi32>,
        %slice3A_463 = vector.extract_strided_slice %masked_cumsum3A_455 {offsets = [15], sizes = [1], strides = [1]} : vector<16xi32> to vector<1xi32>
        %squeeze3A_464 = vector.extract %slice3A_463[0] : i32 from vector<1xi32>
        %add3A_465 = arith.addi %while3A_432, %squeeze3A_464 : i32
        scf.yield %add3A_448, %add3A_465 : i32, i32
      }
      %while3A_181 = arith.constant 1 : i32
      %while3A_182:2 = scf.for %while3A_430 = %while3A_178 to %while3A_174 step %while3A_181 iter_args(%while3A_431 = %while3A_180#0, %while3A_432 = %while3A_180#1) -> (i32, i32)  : i32 {
        %mul3A_433 = arith.constant 16 : i32
        %mul3A_434 = arith.muli %while3A_430, %mul3A_433 : i32
        %get3A_435 = arith.index_cast %mul3A_434 : i32 to index
        %get3A_436 = tpu.vector_load %arg11[%get3A_435] {strides = array<i32>} : memref<2064xi32, #tpu.memory_space<vmem>>, vector<16xi32>,
        %broadcast_in_dim3A_437 = arith.constant true
        %broadcast_in_dim3A_438 = vector.broadcast %broadcast_in_dim3A_437 : i1 to vector<16xi1>
        %masked_cumsum3A = tpu.scan <sum>, %get3A_436 masked %broadcast_in_dim3A_438 : vector<16xi32>, vector<16xi1> -> vector<16xi32>
        %sub3A_439 = arith.subi %masked_cumsum3A, %get3A_436 : vector<16xi32>
        %add3A_440 = vector.broadcast %while3A_431 : i32 to vector<16xi32>
        %add3A_441 = arith.addi %sub3A_439, %add3A_440 : vector<16xi32>
        %mul3A_442 = arith.constant 16 : i32
        %mul3A_443 = arith.muli %while3A_430, %mul3A_442 : i32
        %swap3A_444 = arith.index_cast %mul3A_443 : i32 to index
        %swap3A_445 = tpu.vector_load %arg11[%swap3A_444] {strides = array<i32>} : memref<2064xi32, #tpu.memory_space<vmem>>, vector<16xi32>,
        tpu.vector_store %arg11[%swap3A_444], %add3A_441 {strides = array<i32>} : memref<2064xi32, #tpu.memory_space<vmem>>, vector<16xi32>,
        %slice3A_446 = vector.extract_strided_slice %masked_cumsum3A {offsets = [15], sizes = [1], strides = [1]} : vector<16xi32> to vector<1xi32>
        %squeeze3A_447 = vector.extract %slice3A_446[0] : i32 from vector<1xi32>
        %add3A_448 = arith.addi %while3A_431, %squeeze3A_447 : i32
        %mul3A_449 = arith.constant 16 : i32
        %mul3A_450 = arith.muli %while3A_430, %mul3A_449 : i32
        %get3A_451 = arith.index_cast %mul3A_450 : i32 to index
        %get3A_452 = tpu.vector_load %arg12[%get3A_451] {strides = array<i32>} : memref<2064xi32, #tpu.memory_space<vmem>>, vector<16xi32>,
        %broadcast_in_dim3A_453 = arith.constant true
        %broadcast_in_dim3A_454 = vector.broadcast %broadcast_in_dim3A_453 : i1 to vector<16xi1>
        %masked_cumsum3A_455 = tpu.scan <sum>, %get3A_452 masked %broadcast_in_dim3A_454 : vector<16xi32>, vector<16xi1> -> vector<16xi32>
        %sub3A_456 = arith.subi %masked_cumsum3A_455, %get3A_452 : vector<16xi32>
        %add3A_457 = vector.broadcast %while3A_432 : i32 to vector<16xi32>
        %add3A_458 = arith.addi %sub3A_456, %add3A_457 : vector<16xi32>
        %mul3A_459 = arith.constant 16 : i32
        %mul3A_460 = arith.muli %while3A_430, %mul3A_459 : i32
        %swap3A_461 = arith.index_cast %mul3A_460 : i32 to index
        %swap3A_462 = tpu.vector_load %arg12[%swap3A_461] {strides = array<i32>} : memref<2064xi32, #tpu.memory_space<vmem>>, vector<16xi32>,
        tpu.vector_store %arg12[%swap3A_461], %add3A_458 {strides = array<i32>} : memref<2064xi32, #tpu.memory_space<vmem>>, vector<16xi32>,
        %slice3A_463 = vector.extract_strided_slice %masked_cumsum3A_455 {offsets = [15], sizes = [1], strides = [1]} : vector<16xi32> to vector<1xi32>
        %squeeze3A_464 = vector.extract %slice3A_463[0] : i32 from vector<1xi32>
        %add3A_465 = arith.addi %while3A_432, %squeeze3A_464 : i32
        scf.yield %add3A_448, %add3A_465 : i32, i32
      }
      %parallel_loop3A_183 = arith.constant 0 : i32
      %parallel_loop3A_184 = arith.constant 1 : i32
      scf.for %parallel_loop3A_430 = %parallel_loop3A_183 to %select_n3A step %parallel_loop3A_184  : i32 {
        %parallel_loop3A_431 = arith.constant 16 : i32
        %parallel_loop3A_432 = arith.muli %parallel_loop3A_430, %parallel_loop3A_431 : i32
        %parallel_loop3A_433 = arith.index_cast %parallel_loop3A_432 : i32 to index
        %parallel_loop3A_434 = tpu.vector_load %arg6[%parallel_loop3A_433] {strides = array<i32>} : memref<32768xf32, #tpu.memory_space<vmem>>, vector<16xf32>,
        %parallel_loop3A_435 = tpu.bitcast %parallel_loop3A_434 : vector<16xf32> -> vector<16xi32>
        %parallel_loop3A_436 = arith.constant 31 : i32
        %parallel_loop3A_437 = vector.broadcast %parallel_loop3A_436 : i32 to vector<16xi32>
        %parallel_loop3A_438 = arith.shrsi %parallel_loop3A_435, %parallel_loop3A_437 : vector<16xi32>
        %parallel_loop3A_439 = arith.constant -2147483648 : i32
        %parallel_loop3A_440 = vector.broadcast %parallel_loop3A_439 : i32 to vector<16xi32>
        %parallel_loop3A_441 = arith.ori %parallel_loop3A_438, %parallel_loop3A_440 : vector<16xi32>
        %parallel_loop3A_442 = arith.xori %parallel_loop3A_435, %parallel_loop3A_441 : vector<16xi32>
        %parallel_loop3A_443 = arith.constant 16 : i32
        %parallel_loop3A_444 = vector.broadcast %parallel_loop3A_443 : i32 to vector<16xi32>
        %parallel_loop3A_445 = arith.shrui %parallel_loop3A_442, %parallel_loop3A_444 : vector<16xi32>
        %parallel_loop3A_446 = arith.constant 255 : i32
        %parallel_loop3A_447 = vector.broadcast %parallel_loop3A_446 : i32 to vector<16xi32>
        %parallel_loop3A_448 = arith.andi %parallel_loop3A_445, %parallel_loop3A_447 : vector<16xi32>
        %parallel_loop3A_449 = arith.constant 16 : i32
        %parallel_loop3A_450 = arith.muli %parallel_loop3A_430, %parallel_loop3A_449 : i32
        %parallel_loop3A_451 = vector.broadcast %parallel_loop3A_450 : i32 to vector<16xi32>
        %parallel_loop3A_452 = arith.addi %parallel_loop3A_451, %iota3A : vector<16xi32>
        %parallel_loop3A_453 = vector.broadcast %sub3A_78 : i32 to vector<16xi32>
        %parallel_loop3A_454 = arith.cmpi slt, %parallel_loop3A_452, %parallel_loop3A_453 : vector<16xi32>
        %parallel_loop3A_455 = vector.broadcast %sub3A_126 : i32 to vector<16xi32>
        %parallel_loop3A_456 = arith.cmpi sgt, %parallel_loop3A_448, %parallel_loop3A_455 : vector<16xi32>
        %parallel_loop3A_457 = arith.andi %parallel_loop3A_454, %parallel_loop3A_456 : vector<16xi1>
        %parallel_loop3A_458 = vector.broadcast %sub3A_126 : i32 to vector<16xi32>
        %parallel_loop3A_459 = arith.cmpi eq, %parallel_loop3A_448, %parallel_loop3A_458 : vector<16xi32>
        %parallel_loop3A_460 = arith.andi %parallel_loop3A_454, %parallel_loop3A_459 : vector<16xi1>
        %parallel_loop3A_461 = arith.index_cast %parallel_loop3A_430 : i32 to index
        %parallel_loop3A_462 = tpu.vector_load %arg11[%parallel_loop3A_461] {strides = array<i32>} : memref<2064xi32, #tpu.memory_space<vmem>>, vector<16xi32>,
        %parallel_loop3A_463 = vector.extract_strided_slice %parallel_loop3A_462 {offsets = [0], sizes = [1], strides = [1]} : vector<16xi32> to vector<1xi32>
        %parallel_loop3A_464 = vector.extract %parallel_loop3A_463[0] : i32 from vector<1xi32>
        %parallel_loop3A_465 = arith.addi %add3A_77, %parallel_loop3A_464 : i32
        %parallel_loop3A_466 = arith.constant 1648 : i32
        %parallel_loop3A_467 = arith.minsi %parallel_loop3A_465, %parallel_loop3A_466 : i32
        %parallel_loop3A_468 = arith.addi %mul3A_19, %parallel_loop3A_467 : i32
        %parallel_loop3A_469 = arith.index_cast %parallel_loop3A_468 : i32 to index
        %parallel_loop3A_470 = tpu.vector_load %arg14[%parallel_loop3A_469] masked %parallel_loop3A_457 {strides = array<i32>} : memref<6656xf32, #tpu.memory_space<vmem>>, vector<16xf32>, vector<16xi1>
        tpu.vector_store %arg14[%parallel_loop3A_469], %parallel_loop3A_434 masked %parallel_loop3A_457 {strides = array<i32>} : memref<6656xf32, #tpu.memory_space<vmem>>, vector<16xf32>, vector<16xi1>
        %parallel_loop3A_471 = arith.index_cast %parallel_loop3A_430 : i32 to index
        %parallel_loop3A_472 = tpu.vector_load %arg12[%parallel_loop3A_471] {strides = array<i32>} : memref<2064xi32, #tpu.memory_space<vmem>>, vector<16xi32>,
        %parallel_loop3A_473 = vector.extract_strided_slice %parallel_loop3A_472 {offsets = [0], sizes = [1], strides = [1]} : vector<16xi32> to vector<1xi32>
        %parallel_loop3A_474 = vector.extract %parallel_loop3A_473[0] : i32 from vector<1xi32>
        %parallel_loop3A_475 = arith.index_cast %parallel_loop3A_474 : i32 to index
        %parallel_loop3A_476 = tpu.vector_load %arg7[%parallel_loop3A_475] masked %parallel_loop3A_460 {strides = array<i32>} : memref<32768xf32, #tpu.memory_space<vmem>>, vector<16xf32>, vector<16xi1>
        tpu.vector_store %arg7[%parallel_loop3A_475], %parallel_loop3A_434 masked %parallel_loop3A_460 {strides = array<i32>} : memref<32768xf32, #tpu.memory_space<vmem>>, vector<16xf32>, vector<16xi1>
      } {sc.loop_unroll_factor = 4 : i64, sc.parallel_access}
      %add3A_185 = arith.addi %add3A_77, %squeeze3A_132 : i32
      %sub3A_186 = arith.subi %squeeze3A_136, %squeeze3A_132 : i32
      %add3A_187 = arith.constant 16 : i32
      %add3A_188 = arith.addi %sub3A_186, %add3A_187 : i32
      %sub3A_189 = arith.constant 1 : i32
      %sub3A_190 = arith.subi %add3A_188, %sub3A_189 : i32
      %jit3A_191 = arith.constant 16 : i32
      %div3A_192 = arith.divsi %sub3A_190, %jit3A_191 : i32
      %sign3A_193 = arith.constant 0 : i32
      %sign3A_194 = arith.cmpi sgt, %sub3A_190, %sign3A_193 : i32
      %sign3A_195 = arith.extui %sign3A_194 : i1 to i32
      %sign3A_196 = arith.constant 0 : i32
      %sign3A_197 = arith.cmpi slt, %sub3A_190, %sign3A_196 : i32
      %sign3A_198 = arith.extui %sign3A_197 : i1 to i32
      %sign3A_199 = arith.subi %sign3A_195, %sign3A_198 : i32
      %sign3A_200 = arith.constant 0 : i32
      %sign3A_201 = arith.cmpi sgt, %jit3A_191, %sign3A_200 : i32
      %sign3A_202 = arith.extui %sign3A_201 : i1 to i32
      %sign3A_203 = arith.constant 0 : i32
      %sign3A_204 = arith.cmpi slt, %jit3A_191, %sign3A_203 : i32
      %sign3A_205 = arith.extui %sign3A_204 : i1 to i32
      %sign3A_206 = arith.subi %sign3A_202, %sign3A_205 : i32
      %ne3A_207 = arith.cmpi ne, %sign3A_199, %sign3A_206 : i32
      %rem3A_208 = arith.remsi %sub3A_190, %jit3A_191 : i32
      %ne3A_209 = arith.constant 0 : i32
      %ne3A_210 = arith.cmpi ne, %rem3A_208, %ne3A_209 : i32
      %and3A_211 = arith.andi %ne3A_207, %ne3A_210 : i1
      %sub3A_212 = arith.constant 1 : i32
      %sub3A_213 = arith.subi %div3A_192, %sub3A_212 : i32
      %select_n3A_214 = arith.select %and3A_211, %sub3A_213, %div3A_192 : i32
      %parallel_loop3A_215 = arith.constant 0 : i32
      %parallel_loop3A_216 = arith.constant 256 : i32
      %parallel_loop3A_217 = arith.constant 1 : i32
      scf.for %parallel_loop3A_430 = %parallel_loop3A_215 to %parallel_loop3A_216 step %parallel_loop3A_217  : i32 {
        %parallel_loop3A_431 = arith.constant 16 : i32
        %parallel_loop3A_432 = arith.muli %parallel_loop3A_430, %parallel_loop3A_431 : i32
        %parallel_loop3A_433 = arith.index_cast %parallel_loop3A_432 : i32 to index
        %parallel_loop3A_434 = tpu.vector_load %arg8[%parallel_loop3A_433] {strides = array<i32>} : memref<4096xi32, #tpu.memory_space<vmem>>, vector<16xi32>,
        tpu.vector_store %arg8[%parallel_loop3A_433], %broadcast_in_dim3A_3 {strides = array<i32>} : memref<4096xi32, #tpu.memory_space<vmem>>, vector<16xi32>,
      } {sc.loop_unroll_factor = 8 : i64, sc.parallel_access}
      %parallel_loop3A_218 = arith.constant 0 : i32
      %parallel_loop3A_219 = arith.constant 1 : i32
      scf.for %parallel_loop3A_430 = %parallel_loop3A_218 to %select_n3A_214 step %parallel_loop3A_219  : i32 {
        %parallel_loop3A_431 = arith.constant 16 : i32
        %parallel_loop3A_432 = arith.muli %parallel_loop3A_430, %parallel_loop3A_431 : i32
        %parallel_loop3A_433 = arith.index_cast %parallel_loop3A_432 : i32 to index
        %parallel_loop3A_434 = tpu.vector_load %arg7[%parallel_loop3A_433] {strides = array<i32>} : memref<32768xf32, #tpu.memory_space<vmem>>, vector<16xf32>,
        %parallel_loop3A_435 = tpu.bitcast %parallel_loop3A_434 : vector<16xf32> -> vector<16xi32>
        %parallel_loop3A_436 = arith.constant 31 : i32
        %parallel_loop3A_437 = vector.broadcast %parallel_loop3A_436 : i32 to vector<16xi32>
        %parallel_loop3A_438 = arith.shrsi %parallel_loop3A_435, %parallel_loop3A_437 : vector<16xi32>
        %parallel_loop3A_439 = arith.constant -2147483648 : i32
        %parallel_loop3A_440 = vector.broadcast %parallel_loop3A_439 : i32 to vector<16xi32>
        %parallel_loop3A_441 = arith.ori %parallel_loop3A_438, %parallel_loop3A_440 : vector<16xi32>
        %parallel_loop3A_442 = arith.xori %parallel_loop3A_435, %parallel_loop3A_441 : vector<16xi32>
        %parallel_loop3A_443 = arith.constant 8 : i32
        %parallel_loop3A_444 = vector.broadcast %parallel_loop3A_443 : i32 to vector<16xi32>
        %parallel_loop3A_445 = arith.shrui %parallel_loop3A_442, %parallel_loop3A_444 : vector<16xi32>
        %parallel_loop3A_446 = arith.constant 255 : i32
        %parallel_loop3A_447 = vector.broadcast %parallel_loop3A_446 : i32 to vector<16xi32>
        %parallel_loop3A_448 = arith.andi %parallel_loop3A_445, %parallel_loop3A_447 : vector<16xi32>
        %parallel_loop3A_449 = arith.constant 16 : i32
        %parallel_loop3A_450 = arith.muli %parallel_loop3A_430, %parallel_loop3A_449 : i32
        %parallel_loop3A_451 = vector.broadcast %parallel_loop3A_450 : i32 to vector<16xi32>
        %parallel_loop3A_452 = arith.addi %parallel_loop3A_451, %iota3A : vector<16xi32>
        %parallel_loop3A_453 = vector.broadcast %sub3A_186 : i32 to vector<16xi32>
        %parallel_loop3A_454 = arith.cmpi slt, %parallel_loop3A_452, %parallel_loop3A_453 : vector<16xi32>
        %parallel_loop3A_455 = arith.constant 16 : i32
        %parallel_loop3A_456 = vector.broadcast %parallel_loop3A_455 : i32 to vector<16xi32>
        %parallel_loop3A_457 = arith.muli %parallel_loop3A_448, %parallel_loop3A_456 : vector<16xi32>
        %parallel_loop3A_458 = arith.addi %parallel_loop3A_457, %iota3A : vector<16xi32>
        tpu.vector_store_idx %arg8[%parallel_loop3A_458], %broadcast_in_dim3A_1 masked %parallel_loop3A_454 {add = true} : memref<4096xi32, #tpu.memory_space<vmem>>[vector<16xi32>], vector<16xi32>, vector<16xi1>
      } {sc.loop_unroll_factor = 8 : i64, sc.parallel_access}
      %eq3A_220 = arith.constant 15 : i32
      %eq3A_221 = vector.broadcast %eq3A_220 : i32 to vector<16xi32>
      %eq3A_222 = arith.cmpi eq, %iota3A, %eq3A_221 : vector<16xi32>
      %parallel_loop3A_223 = arith.constant 0 : i32
      %parallel_loop3A_224 = arith.constant 256 : i32
      %parallel_loop3A_225 = arith.constant 1 : i32
      scf.for %parallel_loop3A_430 = %parallel_loop3A_223 to %parallel_loop3A_224 step %parallel_loop3A_225  : i32 {
        %parallel_loop3A_431 = arith.constant 16 : i32
        %parallel_loop3A_432 = arith.muli %parallel_loop3A_430, %parallel_loop3A_431 : i32
        %parallel_loop3A_433 = arith.index_cast %parallel_loop3A_432 : i32 to index
        %parallel_loop3A_434 = tpu.vector_load %arg8[%parallel_loop3A_433] {strides = array<i32>} : memref<4096xi32, #tpu.memory_space<vmem>>, vector<16xi32>,
        %parallel_loop3A_435 = arith.constant true
        %parallel_loop3A_436 = vector.broadcast %parallel_loop3A_435 : i1 to vector<16xi1>
        %parallel_loop3A_437 = tpu.scan <sum>, %parallel_loop3A_434 masked %parallel_loop3A_436 : vector<16xi32>, vector<16xi1> -> vector<16xi32>
        %parallel_loop3A_438 = vector.broadcast %parallel_loop3A_430 : i32 to vector<16xi32>
        tpu.vector_store_idx %arg9[%parallel_loop3A_438], %parallel_loop3A_437 masked %eq3A_222 : memref<272xi32, #tpu.memory_space<vmem>>[vector<16xi32>], vector<16xi32>, vector<16xi1>
      } {sc.loop_unroll_factor = 8 : i64, sc.parallel_access}
      %scan3A_226 = arith.constant 0 : i32
      %scan3A_227 = arith.constant 0 : i32
      %scan3A_228 = arith.constant 16 : i32
      %scan3A_229 = arith.addi %scan3A_227, %scan3A_228 : i32
      %scan3A_230 = arith.constant 1 : i32
      %scan3A_231 = scf.for %scan3A_430 = %scan3A_227 to %scan3A_229 step %scan3A_230 iter_args(%scan3A_431 = %scan3A_226) -> (i32)  : i32 {
        %sub3A_432 = arith.constant 15 : i32
        %sub3A_433 = arith.subi %sub3A_432, %scan3A_430 : i32
        %mul3A_434 = arith.constant 16 : i32
        %mul3A_435 = arith.muli %sub3A_433, %mul3A_434 : i32
        %get3A_436 = arith.index_cast %mul3A_435 : i32 to index
        %get3A_437 = tpu.vector_load %arg9[%get3A_436] {strides = array<i32>} : memref<272xi32, #tpu.memory_space<vmem>>, vector<16xi32>,
        %rev3A = arith.constant 15 : i32
        %rev3A_438 = vector.broadcast %rev3A : i32 to vector<16xi32>
        %rev3A_439 = tpu.iota {dimensions = array<i32: 0>} : vector<16xi32>
        %rev3A_440 = arith.subi %rev3A_438, %rev3A_439 : vector<16xi32>
        %rev3A_441 = tpu.dynamic_gather %get3A_437[%rev3A_440] in [0] : vector<16xi32>, vector<16xi32> -> vector<16xi32>
        %broadcast_in_dim3A_442 = arith.constant true
        %broadcast_in_dim3A_443 = vector.broadcast %broadcast_in_dim3A_442 : i1 to vector<16xi1>
        %masked_cumsum3A = tpu.scan <sum>, %rev3A_441 masked %broadcast_in_dim3A_443 : vector<16xi32>, vector<16xi1> -> vector<16xi32>
        %rev3A_444 = arith.constant 15 : i32
        %rev3A_445 = vector.broadcast %rev3A_444 : i32 to vector<16xi32>
        %rev3A_446 = tpu.iota {dimensions = array<i32: 0>} : vector<16xi32>
        %rev3A_447 = arith.subi %rev3A_445, %rev3A_446 : vector<16xi32>
        %rev3A_448 = tpu.dynamic_gather %masked_cumsum3A[%rev3A_447] in [0] : vector<16xi32>, vector<16xi32> -> vector<16xi32>
        %add3A_449 = vector.broadcast %scan3A_431 : i32 to vector<16xi32>
        %add3A_450 = arith.addi %rev3A_448, %add3A_449 : vector<16xi32>
        %mul3A_451 = arith.constant 16 : i32
        %mul3A_452 = arith.muli %sub3A_433, %mul3A_451 : i32
        %swap3A_453 = arith.index_cast %mul3A_452 : i32 to index
        %swap3A_454 = tpu.vector_load %arg10[%swap3A_453] {strides = array<i32>} : memref<272xi32, #tpu.memory_space<vmem>>, vector<16xi32>,
        tpu.vector_store %arg10[%swap3A_453], %add3A_450 {strides = array<i32>} : memref<272xi32, #tpu.memory_space<vmem>>, vector<16xi32>,
        %reduce_max3A = arith.constant true
        %reduce_max3A_455 = vector.broadcast %reduce_max3A : i1 to vector<16xi1>
        %reduce_max3A_456 = arith.constant -2147483648 : i32
        %reduce_max3A_457 = vector.broadcast %reduce_max3A_456 : i32 to vector<16xi32>
        %reduce_max3A_458 = arith.xori %add3A_450, %reduce_max3A_457 : vector<16xi32>
        %reduce_max3A_459 = tpu.scan <max>, %reduce_max3A_458 masked %reduce_max3A_455 : vector<16xi32>, vector<16xi1> -> vector<16xi32>
        %reduce_max3A_460 = arith.xori %reduce_max3A_459, %reduce_max3A_457 : vector<16xi32>
        %reduce_max3A_461 = vector.extract %reduce_max3A_460[15] : i32 from vector<16xi32>
        scf.yield %reduce_max3A_461 : i32
      }
      %scan3A_232 = arith.constant 16 : i32
      %scan3A_233 = arith.constant 0 : i32
      %scan3A_234 = arith.constant 0 : i32
      %scan3A_235 = arith.constant 16 : i32
      %scan3A_236 = arith.addi %scan3A_234, %scan3A_235 : i32
      %scan3A_237 = arith.constant 1 : i32
      %scan3A_238 = scf.for %scan3A_430 = %scan3A_234 to %scan3A_236 step %scan3A_237 iter_args(%scan3A_431 = %scan3A_233) -> (i32)  : i32 {
        %mul3A_432 = arith.constant 16 : i32
        %mul3A_433 = arith.muli %scan3A_430, %mul3A_432 : i32
        %get3A_434 = arith.index_cast %mul3A_433 : i32 to index
        %get3A_435 = tpu.vector_load %arg10[%get3A_434] {strides = array<i32>} : memref<272xi32, #tpu.memory_space<vmem>>, vector<16xi32>,
        %ge3A_436 = vector.broadcast %sub3A_137 : i32 to vector<16xi32>
        %ge3A_437 = arith.cmpi sge, %get3A_435, %ge3A_436 : vector<16xi32>
        %convert_element_type3A = arith.extui %ge3A_437 : vector<16xi1> to vector<16xi32>
        %reduce_sum3A = arith.constant true
        %reduce_sum3A_438 = vector.broadcast %reduce_sum3A : i1 to vector<16xi1>
        %reduce_sum3A_439 = tpu.scan <sum>, %convert_element_type3A masked %reduce_sum3A_438 : vector<16xi32>, vector<16xi1> -> vector<16xi32>
        %reduce_sum3A_440 = vector.extract %reduce_sum3A_439[15] : i32 from vector<16xi32>
        %add3A_441 = arith.addi %scan3A_431, %reduce_sum3A_440 : i32
        scf.yield %add3A_441 : i32
      }
      %scan3A_239 = arith.constant 16 : i32
      %sub3A_240 = arith.constant 1 : i32
      %sub3A_241 = arith.subi %scan3A_238, %sub3A_240 : i32
      %add3A_242 = arith.constant 1 : i32
      %add3A_243 = arith.addi %sub3A_241, %add3A_242 : i32
      %get3A_244 = arith.index_cast %add3A_243 : i32 to index
      %get3A_245 = tpu.vector_load %arg10[%get3A_244] {strides = array<i32>} : memref<272xi32, #tpu.memory_space<vmem>>, vector<16xi32>,
      %slice3A_246 = vector.extract_strided_slice %get3A_245 {offsets = [0], sizes = [1], strides = [1]} : vector<16xi32> to vector<1xi32>
      %squeeze3A_247 = vector.extract %slice3A_246[0] : i32 from vector<1xi32>
      %get3A_248 = arith.index_cast %sub3A_241 : i32 to index
      %get3A_249 = tpu.vector_load %arg10[%get3A_248] {strides = array<i32>} : memref<272xi32, #tpu.memory_space<vmem>>, vector<16xi32>,
      %slice3A_250 = vector.extract_strided_slice %get3A_249 {offsets = [0], sizes = [1], strides = [1]} : vector<16xi32> to vector<1xi32>
      %squeeze3A_251 = vector.extract %slice3A_250[0] : i32 from vector<1xi32>
      %sub3A_252 = arith.subi %sub3A_137, %squeeze3A_247 : i32
      %shift_left3A_253 = arith.constant 8 : i32
      %shift_left3A_254 = arith.shli %sub3A_241, %shift_left3A_253 : i32
      %or3A_255 = arith.ori %or3A_140, %shift_left3A_254 : i32
      %parallel_loop3A_256 = arith.constant 0 : i32
      %parallel_loop3A_257 = arith.constant 1 : i32
      scf.for %parallel_loop3A_430 = %parallel_loop3A_256 to %select_n3A_214 step %parallel_loop3A_257  : i32 {
        %parallel_loop3A_431 = arith.constant 16 : i32
        %parallel_loop3A_432 = arith.muli %parallel_loop3A_430, %parallel_loop3A_431 : i32
        %parallel_loop3A_433 = arith.index_cast %parallel_loop3A_432 : i32 to index
        %parallel_loop3A_434 = tpu.vector_load %arg7[%parallel_loop3A_433] {strides = array<i32>} : memref<32768xf32, #tpu.memory_space<vmem>>, vector<16xf32>,
        %parallel_loop3A_435 = tpu.bitcast %parallel_loop3A_434 : vector<16xf32> -> vector<16xi32>
        %parallel_loop3A_436 = arith.constant 31 : i32
        %parallel_loop3A_437 = vector.broadcast %parallel_loop3A_436 : i32 to vector<16xi32>
        %parallel_loop3A_438 = arith.shrsi %parallel_loop3A_435, %parallel_loop3A_437 : vector<16xi32>
        %parallel_loop3A_439 = arith.constant -2147483648 : i32
        %parallel_loop3A_440 = vector.broadcast %parallel_loop3A_439 : i32 to vector<16xi32>
        %parallel_loop3A_441 = arith.ori %parallel_loop3A_438, %parallel_loop3A_440 : vector<16xi32>
        %parallel_loop3A_442 = arith.xori %parallel_loop3A_435, %parallel_loop3A_441 : vector<16xi32>
        %parallel_loop3A_443 = arith.constant 8 : i32
        %parallel_loop3A_444 = vector.broadcast %parallel_loop3A_443 : i32 to vector<16xi32>
        %parallel_loop3A_445 = arith.shrui %parallel_loop3A_442, %parallel_loop3A_444 : vector<16xi32>
        %parallel_loop3A_446 = arith.constant 255 : i32
        %parallel_loop3A_447 = vector.broadcast %parallel_loop3A_446 : i32 to vector<16xi32>
        %parallel_loop3A_448 = arith.andi %parallel_loop3A_445, %parallel_loop3A_447 : vector<16xi32>
        %parallel_loop3A_449 = arith.constant 16 : i32
        %parallel_loop3A_450 = arith.muli %parallel_loop3A_430, %parallel_loop3A_449 : i32
        %parallel_loop3A_451 = vector.broadcast %parallel_loop3A_450 : i32 to vector<16xi32>
        %parallel_loop3A_452 = arith.addi %parallel_loop3A_451, %iota3A : vector<16xi32>
        %parallel_loop3A_453 = vector.broadcast %sub3A_186 : i32 to vector<16xi32>
        %parallel_loop3A_454 = arith.cmpi slt, %parallel_loop3A_452, %parallel_loop3A_453 : vector<16xi32>
        %parallel_loop3A_455 = vector.broadcast %sub3A_241 : i32 to vector<16xi32>
        %parallel_loop3A_456 = arith.cmpi sgt, %parallel_loop3A_448, %parallel_loop3A_455 : vector<16xi32>
        %parallel_loop3A_457 = arith.andi %parallel_loop3A_454, %parallel_loop3A_456 : vector<16xi1>
        %parallel_loop3A_458 = vector.broadcast %sub3A_241 : i32 to vector<16xi32>
        %parallel_loop3A_459 = arith.cmpi eq, %parallel_loop3A_448, %parallel_loop3A_458 : vector<16xi32>
        %parallel_loop3A_460 = arith.andi %parallel_loop3A_454, %parallel_loop3A_459 : vector<16xi1>
        %parallel_loop3A_461 = vector.broadcast %parallel_loop3A_430 : i32 to vector<16xi32>
        %parallel_loop3A_462 = tpu.all_reduce %parallel_loop3A_457 {dim = 0 : i64, kind = #tpu.reduction_kind<sum>} : vector<16xi1> -> vector<16xi32>
        tpu.vector_store_idx %arg11[%parallel_loop3A_461], %parallel_loop3A_462 masked %eq3A_21 : memref<2064xi32, #tpu.memory_space<vmem>>[vector<16xi32>], vector<16xi32>, vector<16xi1>
        %parallel_loop3A_463 = tpu.all_reduce %parallel_loop3A_460 {dim = 0 : i64, kind = #tpu.reduction_kind<sum>} : vector<16xi1> -> vector<16xi32>
        tpu.vector_store_idx %arg12[%parallel_loop3A_461], %parallel_loop3A_463 masked %eq3A_21 : memref<2064xi32, #tpu.memory_space<vmem>>[vector<16xi32>], vector<16xi32>, vector<16xi1>
      } {sc.loop_unroll_factor = 4 : i64, sc.parallel_access}
      %add3A_258 = arith.constant 16 : i32
      %add3A_259 = arith.addi %select_n3A_214, %add3A_258 : i32
      %sub3A_260 = arith.constant 1 : i32
      %sub3A_261 = arith.subi %add3A_259, %sub3A_260 : i32
      %jit3A_262 = arith.constant 16 : i32
      %div3A_263 = arith.divsi %sub3A_261, %jit3A_262 : i32
      %sign3A_264 = arith.constant 0 : i32
      %sign3A_265 = arith.cmpi sgt, %sub3A_261, %sign3A_264 : i32
      %sign3A_266 = arith.extui %sign3A_265 : i1 to i32
      %sign3A_267 = arith.constant 0 : i32
      %sign3A_268 = arith.cmpi slt, %sub3A_261, %sign3A_267 : i32
      %sign3A_269 = arith.extui %sign3A_268 : i1 to i32
      %sign3A_270 = arith.subi %sign3A_266, %sign3A_269 : i32
      %sign3A_271 = arith.constant 0 : i32
      %sign3A_272 = arith.cmpi sgt, %jit3A_262, %sign3A_271 : i32
      %sign3A_273 = arith.extui %sign3A_272 : i1 to i32
      %sign3A_274 = arith.constant 0 : i32
      %sign3A_275 = arith.cmpi slt, %jit3A_262, %sign3A_274 : i32
      %sign3A_276 = arith.extui %sign3A_275 : i1 to i32
      %sign3A_277 = arith.subi %sign3A_273, %sign3A_276 : i32
      %ne3A_278 = arith.cmpi ne, %sign3A_270, %sign3A_277 : i32
      %rem3A_279 = arith.remsi %sub3A_261, %jit3A_262 : i32
      %ne3A_280 = arith.constant 0 : i32
      %ne3A_281 = arith.cmpi ne, %rem3A_279, %ne3A_280 : i32
      %and3A_282 = arith.andi %ne3A_278, %ne3A_281 : i1
      %sub3A_283 = arith.constant 1 : i32
      %sub3A_284 = arith.subi %div3A_263, %sub3A_283 : i32
      %select_n3A_285 = arith.select %and3A_282, %sub3A_284, %div3A_263 : i32
      %while3A_286 = arith.constant 0 : i32
      %while3A_287 = arith.constant 0 : i32
      %while3A_288 = arith.constant 0 : i32
      %while3A_289 = arith.subi %select_n3A_285, %while3A_286 : i32
      %while3A_290 = arith.addi %while3A_286, %while3A_289 : i32
      %while3A_291 = arith.constant 1 : i32
      %while3A_292 = arith.divsi %while3A_289, %while3A_291 : i32
      %while3A_293 = arith.muli %while3A_292, %while3A_291 : i32
      %while3A_294 = arith.addi %while3A_286, %while3A_293 : i32
      %while3A_295 = arith.constant 1 : i32
      %while3A_296:2 = scf.for %while3A_430 = %while3A_286 to %while3A_294 step %while3A_295 iter_args(%while3A_431 = %while3A_287, %while3A_432 = %while3A_288) -> (i32, i32)  : i32 {
        %mul3A_433 = arith.constant 16 : i32
        %mul3A_434 = arith.muli %while3A_430, %mul3A_433 : i32
        %get3A_435 = arith.index_cast %mul3A_434 : i32 to index
        %get3A_436 = tpu.vector_load %arg11[%get3A_435] {strides = array<i32>} : memref<2064xi32, #tpu.memory_space<vmem>>, vector<16xi32>,
        %broadcast_in_dim3A_437 = arith.constant true
        %broadcast_in_dim3A_438 = vector.broadcast %broadcast_in_dim3A_437 : i1 to vector<16xi1>
        %masked_cumsum3A = tpu.scan <sum>, %get3A_436 masked %broadcast_in_dim3A_438 : vector<16xi32>, vector<16xi1> -> vector<16xi32>
        %sub3A_439 = arith.subi %masked_cumsum3A, %get3A_436 : vector<16xi32>
        %add3A_440 = vector.broadcast %while3A_431 : i32 to vector<16xi32>
        %add3A_441 = arith.addi %sub3A_439, %add3A_440 : vector<16xi32>
        %mul3A_442 = arith.constant 16 : i32
        %mul3A_443 = arith.muli %while3A_430, %mul3A_442 : i32
        %swap3A_444 = arith.index_cast %mul3A_443 : i32 to index
        %swap3A_445 = tpu.vector_load %arg11[%swap3A_444] {strides = array<i32>} : memref<2064xi32, #tpu.memory_space<vmem>>, vector<16xi32>,
        tpu.vector_store %arg11[%swap3A_444], %add3A_441 {strides = array<i32>} : memref<2064xi32, #tpu.memory_space<vmem>>, vector<16xi32>,
        %slice3A_446 = vector.extract_strided_slice %masked_cumsum3A {offsets = [15], sizes = [1], strides = [1]} : vector<16xi32> to vector<1xi32>
        %squeeze3A_447 = vector.extract %slice3A_446[0] : i32 from vector<1xi32>
        %add3A_448 = arith.addi %while3A_431, %squeeze3A_447 : i32
        %mul3A_449 = arith.constant 16 : i32
        %mul3A_450 = arith.muli %while3A_430, %mul3A_449 : i32
        %get3A_451 = arith.index_cast %mul3A_450 : i32 to index
        %get3A_452 = tpu.vector_load %arg12[%get3A_451] {strides = array<i32>} : memref<2064xi32, #tpu.memory_space<vmem>>, vector<16xi32>,
        %broadcast_in_dim3A_453 = arith.constant true
        %broadcast_in_dim3A_454 = vector.broadcast %broadcast_in_dim3A_453 : i1 to vector<16xi1>
        %masked_cumsum3A_455 = tpu.scan <sum>, %get3A_452 masked %broadcast_in_dim3A_454 : vector<16xi32>, vector<16xi1> -> vector<16xi32>
        %sub3A_456 = arith.subi %masked_cumsum3A_455, %get3A_452 : vector<16xi32>
        %add3A_457 = vector.broadcast %while3A_432 : i32 to vector<16xi32>
        %add3A_458 = arith.addi %sub3A_456, %add3A_457 : vector<16xi32>
        %mul3A_459 = arith.constant 16 : i32
        %mul3A_460 = arith.muli %while3A_430, %mul3A_459 : i32
        %swap3A_461 = arith.index_cast %mul3A_460 : i32 to index
        %swap3A_462 = tpu.vector_load %arg12[%swap3A_461] {strides = array<i32>} : memref<2064xi32, #tpu.memory_space<vmem>>, vector<16xi32>,
        tpu.vector_store %arg12[%swap3A_461], %add3A_458 {strides = array<i32>} : memref<2064xi32, #tpu.memory_space<vmem>>, vector<16xi32>,
        %slice3A_463 = vector.extract_strided_slice %masked_cumsum3A_455 {offsets = [15], sizes = [1], strides = [1]} : vector<16xi32> to vector<1xi32>
        %squeeze3A_464 = vector.extract %slice3A_463[0] : i32 from vector<1xi32>
        %add3A_465 = arith.addi %while3A_432, %squeeze3A_464 : i32
        scf.yield %add3A_448, %add3A_465 : i32, i32
      }
      %while3A_297 = arith.constant 1 : i32
      %while3A_298:2 = scf.for %while3A_430 = %while3A_294 to %while3A_290 step %while3A_297 iter_args(%while3A_431 = %while3A_296#0, %while3A_432 = %while3A_296#1) -> (i32, i32)  : i32 {
        %mul3A_433 = arith.constant 16 : i32
        %mul3A_434 = arith.muli %while3A_430, %mul3A_433 : i32
        %get3A_435 = arith.index_cast %mul3A_434 : i32 to index
        %get3A_436 = tpu.vector_load %arg11[%get3A_435] {strides = array<i32>} : memref<2064xi32, #tpu.memory_space<vmem>>, vector<16xi32>,
        %broadcast_in_dim3A_437 = arith.constant true
        %broadcast_in_dim3A_438 = vector.broadcast %broadcast_in_dim3A_437 : i1 to vector<16xi1>
        %masked_cumsum3A = tpu.scan <sum>, %get3A_436 masked %broadcast_in_dim3A_438 : vector<16xi32>, vector<16xi1> -> vector<16xi32>
        %sub3A_439 = arith.subi %masked_cumsum3A, %get3A_436 : vector<16xi32>
        %add3A_440 = vector.broadcast %while3A_431 : i32 to vector<16xi32>
        %add3A_441 = arith.addi %sub3A_439, %add3A_440 : vector<16xi32>
        %mul3A_442 = arith.constant 16 : i32
        %mul3A_443 = arith.muli %while3A_430, %mul3A_442 : i32
        %swap3A_444 = arith.index_cast %mul3A_443 : i32 to index
        %swap3A_445 = tpu.vector_load %arg11[%swap3A_444] {strides = array<i32>} : memref<2064xi32, #tpu.memory_space<vmem>>, vector<16xi32>,
        tpu.vector_store %arg11[%swap3A_444], %add3A_441 {strides = array<i32>} : memref<2064xi32, #tpu.memory_space<vmem>>, vector<16xi32>,
        %slice3A_446 = vector.extract_strided_slice %masked_cumsum3A {offsets = [15], sizes = [1], strides = [1]} : vector<16xi32> to vector<1xi32>
        %squeeze3A_447 = vector.extract %slice3A_446[0] : i32 from vector<1xi32>
        %add3A_448 = arith.addi %while3A_431, %squeeze3A_447 : i32
        %mul3A_449 = arith.constant 16 : i32
        %mul3A_450 = arith.muli %while3A_430, %mul3A_449 : i32
        %get3A_451 = arith.index_cast %mul3A_450 : i32 to index
        %get3A_452 = tpu.vector_load %arg12[%get3A_451] {strides = array<i32>} : memref<2064xi32, #tpu.memory_space<vmem>>, vector<16xi32>,
        %broadcast_in_dim3A_453 = arith.constant true
        %broadcast_in_dim3A_454 = vector.broadcast %broadcast_in_dim3A_453 : i1 to vector<16xi1>
        %masked_cumsum3A_455 = tpu.scan <sum>, %get3A_452 masked %broadcast_in_dim3A_454 : vector<16xi32>, vector<16xi1> -> vector<16xi32>
        %sub3A_456 = arith.subi %masked_cumsum3A_455, %get3A_452 : vector<16xi32>
        %add3A_457 = vector.broadcast %while3A_432 : i32 to vector<16xi32>
        %add3A_458 = arith.addi %sub3A_456, %add3A_457 : vector<16xi32>
        %mul3A_459 = arith.constant 16 : i32
        %mul3A_460 = arith.muli %while3A_430, %mul3A_459 : i32
        %swap3A_461 = arith.index_cast %mul3A_460 : i32 to index
        %swap3A_462 = tpu.vector_load %arg12[%swap3A_461] {strides = array<i32>} : memref<2064xi32, #tpu.memory_space<vmem>>, vector<16xi32>,
        tpu.vector_store %arg12[%swap3A_461], %add3A_458 {strides = array<i32>} : memref<2064xi32, #tpu.memory_space<vmem>>, vector<16xi32>,
        %slice3A_463 = vector.extract_strided_slice %masked_cumsum3A_455 {offsets = [15], sizes = [1], strides = [1]} : vector<16xi32> to vector<1xi32>
        %squeeze3A_464 = vector.extract %slice3A_463[0] : i32 from vector<1xi32>
        %add3A_465 = arith.addi %while3A_432, %squeeze3A_464 : i32
        scf.yield %add3A_448, %add3A_465 : i32, i32
      }
      %parallel_loop3A_299 = arith.constant 0 : i32
      %parallel_loop3A_300 = arith.constant 1 : i32
      scf.for %parallel_loop3A_430 = %parallel_loop3A_299 to %select_n3A_214 step %parallel_loop3A_300  : i32 {
        %parallel_loop3A_431 = arith.constant 16 : i32
        %parallel_loop3A_432 = arith.muli %parallel_loop3A_430, %parallel_loop3A_431 : i32
        %parallel_loop3A_433 = arith.index_cast %parallel_loop3A_432 : i32 to index
        %parallel_loop3A_434 = tpu.vector_load %arg7[%parallel_loop3A_433] {strides = array<i32>} : memref<32768xf32, #tpu.memory_space<vmem>>, vector<16xf32>,
        %parallel_loop3A_435 = tpu.bitcast %parallel_loop3A_434 : vector<16xf32> -> vector<16xi32>
        %parallel_loop3A_436 = arith.constant 31 : i32
        %parallel_loop3A_437 = vector.broadcast %parallel_loop3A_436 : i32 to vector<16xi32>
        %parallel_loop3A_438 = arith.shrsi %parallel_loop3A_435, %parallel_loop3A_437 : vector<16xi32>
        %parallel_loop3A_439 = arith.constant -2147483648 : i32
        %parallel_loop3A_440 = vector.broadcast %parallel_loop3A_439 : i32 to vector<16xi32>
        %parallel_loop3A_441 = arith.ori %parallel_loop3A_438, %parallel_loop3A_440 : vector<16xi32>
        %parallel_loop3A_442 = arith.xori %parallel_loop3A_435, %parallel_loop3A_441 : vector<16xi32>
        %parallel_loop3A_443 = arith.constant 8 : i32
        %parallel_loop3A_444 = vector.broadcast %parallel_loop3A_443 : i32 to vector<16xi32>
        %parallel_loop3A_445 = arith.shrui %parallel_loop3A_442, %parallel_loop3A_444 : vector<16xi32>
        %parallel_loop3A_446 = arith.constant 255 : i32
        %parallel_loop3A_447 = vector.broadcast %parallel_loop3A_446 : i32 to vector<16xi32>
        %parallel_loop3A_448 = arith.andi %parallel_loop3A_445, %parallel_loop3A_447 : vector<16xi32>
        %parallel_loop3A_449 = arith.constant 16 : i32
        %parallel_loop3A_450 = arith.muli %parallel_loop3A_430, %parallel_loop3A_449 : i32
        %parallel_loop3A_451 = vector.broadcast %parallel_loop3A_450 : i32 to vector<16xi32>
        %parallel_loop3A_452 = arith.addi %parallel_loop3A_451, %iota3A : vector<16xi32>
        %parallel_loop3A_453 = vector.broadcast %sub3A_186 : i32 to vector<16xi32>
        %parallel_loop3A_454 = arith.cmpi slt, %parallel_loop3A_452, %parallel_loop3A_453 : vector<16xi32>
        %parallel_loop3A_455 = vector.broadcast %sub3A_241 : i32 to vector<16xi32>
        %parallel_loop3A_456 = arith.cmpi sgt, %parallel_loop3A_448, %parallel_loop3A_455 : vector<16xi32>
        %parallel_loop3A_457 = arith.andi %parallel_loop3A_454, %parallel_loop3A_456 : vector<16xi1>
        %parallel_loop3A_458 = vector.broadcast %sub3A_241 : i32 to vector<16xi32>
        %parallel_loop3A_459 = arith.cmpi eq, %parallel_loop3A_448, %parallel_loop3A_458 : vector<16xi32>
        %parallel_loop3A_460 = arith.andi %parallel_loop3A_454, %parallel_loop3A_459 : vector<16xi1>
        %parallel_loop3A_461 = arith.index_cast %parallel_loop3A_430 : i32 to index
        %parallel_loop3A_462 = tpu.vector_load %arg11[%parallel_loop3A_461] {strides = array<i32>} : memref<2064xi32, #tpu.memory_space<vmem>>, vector<16xi32>,
        %parallel_loop3A_463 = vector.extract_strided_slice %parallel_loop3A_462 {offsets = [0], sizes = [1], strides = [1]} : vector<16xi32> to vector<1xi32>
        %parallel_loop3A_464 = vector.extract %parallel_loop3A_463[0] : i32 from vector<1xi32>
        %parallel_loop3A_465 = arith.addi %add3A_185, %parallel_loop3A_464 : i32
        %parallel_loop3A_466 = arith.constant 1648 : i32
        %parallel_loop3A_467 = arith.minsi %parallel_loop3A_465, %parallel_loop3A_466 : i32
        %parallel_loop3A_468 = arith.addi %mul3A_19, %parallel_loop3A_467 : i32
        %parallel_loop3A_469 = arith.index_cast %parallel_loop3A_468 : i32 to index
        %parallel_loop3A_470 = tpu.vector_load %arg14[%parallel_loop3A_469] masked %parallel_loop3A_457 {strides = array<i32>} : memref<6656xf32, #tpu.memory_space<vmem>>, vector<16xf32>, vector<16xi1>
        tpu.vector_store %arg14[%parallel_loop3A_469], %parallel_loop3A_434 masked %parallel_loop3A_457 {strides = array<i32>} : memref<6656xf32, #tpu.memory_space<vmem>>, vector<16xf32>, vector<16xi1>
        %parallel_loop3A_471 = arith.index_cast %parallel_loop3A_430 : i32 to index
        %parallel_loop3A_472 = tpu.vector_load %arg12[%parallel_loop3A_471] {strides = array<i32>} : memref<2064xi32, #tpu.memory_space<vmem>>, vector<16xi32>,
        %parallel_loop3A_473 = vector.extract_strided_slice %parallel_loop3A_472 {offsets = [0], sizes = [1], strides = [1]} : vector<16xi32> to vector<1xi32>
        %parallel_loop3A_474 = vector.extract %parallel_loop3A_473[0] : i32 from vector<1xi32>
        %parallel_loop3A_475 = arith.index_cast %parallel_loop3A_474 : i32 to index
        %parallel_loop3A_476 = tpu.vector_load %arg6[%parallel_loop3A_475] masked %parallel_loop3A_460 {strides = array<i32>} : memref<32768xf32, #tpu.memory_space<vmem>>, vector<16xf32>, vector<16xi1>
        tpu.vector_store %arg6[%parallel_loop3A_475], %parallel_loop3A_434 masked %parallel_loop3A_460 {strides = array<i32>} : memref<32768xf32, #tpu.memory_space<vmem>>, vector<16xf32>, vector<16xi1>
      } {sc.loop_unroll_factor = 4 : i64, sc.parallel_access}
      %add3A_301 = arith.addi %add3A_185, %squeeze3A_247 : i32
      %sub3A_302 = arith.subi %squeeze3A_251, %squeeze3A_247 : i32
      %add3A_303 = arith.constant 16 : i32
      %add3A_304 = arith.addi %sub3A_302, %add3A_303 : i32
      %sub3A_305 = arith.constant 1 : i32
      %sub3A_306 = arith.subi %add3A_304, %sub3A_305 : i32
      %jit3A_307 = arith.constant 16 : i32
      %div3A_308 = arith.divsi %sub3A_306, %jit3A_307 : i32
      %sign3A_309 = arith.constant 0 : i32
      %sign3A_310 = arith.cmpi sgt, %sub3A_306, %sign3A_309 : i32
      %sign3A_311 = arith.extui %sign3A_310 : i1 to i32
      %sign3A_312 = arith.constant 0 : i32
      %sign3A_313 = arith.cmpi slt, %sub3A_306, %sign3A_312 : i32
      %sign3A_314 = arith.extui %sign3A_313 : i1 to i32
      %sign3A_315 = arith.subi %sign3A_311, %sign3A_314 : i32
      %sign3A_316 = arith.constant 0 : i32
      %sign3A_317 = arith.cmpi sgt, %jit3A_307, %sign3A_316 : i32
      %sign3A_318 = arith.extui %sign3A_317 : i1 to i32
      %sign3A_319 = arith.constant 0 : i32
      %sign3A_320 = arith.cmpi slt, %jit3A_307, %sign3A_319 : i32
      %sign3A_321 = arith.extui %sign3A_320 : i1 to i32
      %sign3A_322 = arith.subi %sign3A_318, %sign3A_321 : i32
      %ne3A_323 = arith.cmpi ne, %sign3A_315, %sign3A_322 : i32
      %rem3A_324 = arith.remsi %sub3A_306, %jit3A_307 : i32
      %ne3A_325 = arith.constant 0 : i32
      %ne3A_326 = arith.cmpi ne, %rem3A_324, %ne3A_325 : i32
      %and3A_327 = arith.andi %ne3A_323, %ne3A_326 : i1
      %sub3A_328 = arith.constant 1 : i32
      %sub3A_329 = arith.subi %div3A_308, %sub3A_328 : i32
      %select_n3A_330 = arith.select %and3A_327, %sub3A_329, %div3A_308 : i32
      %parallel_loop3A_331 = arith.constant 0 : i32
      %parallel_loop3A_332 = arith.constant 256 : i32
      %parallel_loop3A_333 = arith.constant 1 : i32
      scf.for %parallel_loop3A_430 = %parallel_loop3A_331 to %parallel_loop3A_332 step %parallel_loop3A_333  : i32 {
        %parallel_loop3A_431 = arith.constant 16 : i32
        %parallel_loop3A_432 = arith.muli %parallel_loop3A_430, %parallel_loop3A_431 : i32
        %parallel_loop3A_433 = arith.index_cast %parallel_loop3A_432 : i32 to index
        %parallel_loop3A_434 = tpu.vector_load %arg8[%parallel_loop3A_433] {strides = array<i32>} : memref<4096xi32, #tpu.memory_space<vmem>>, vector<16xi32>,
        tpu.vector_store %arg8[%parallel_loop3A_433], %broadcast_in_dim3A_3 {strides = array<i32>} : memref<4096xi32, #tpu.memory_space<vmem>>, vector<16xi32>,
      } {sc.loop_unroll_factor = 8 : i64, sc.parallel_access}
      %parallel_loop3A_334 = arith.constant 0 : i32
      %parallel_loop3A_335 = arith.constant 1 : i32
      scf.for %parallel_loop3A_430 = %parallel_loop3A_334 to %select_n3A_330 step %parallel_loop3A_335  : i32 {
        %parallel_loop3A_431 = arith.constant 16 : i32
        %parallel_loop3A_432 = arith.muli %parallel_loop3A_430, %parallel_loop3A_431 : i32
        %parallel_loop3A_433 = arith.index_cast %parallel_loop3A_432 : i32 to index
        %parallel_loop3A_434 = tpu.vector_load %arg6[%parallel_loop3A_433] {strides = array<i32>} : memref<32768xf32, #tpu.memory_space<vmem>>, vector<16xf32>,
        %parallel_loop3A_435 = tpu.bitcast %parallel_loop3A_434 : vector<16xf32> -> vector<16xi32>
        %parallel_loop3A_436 = arith.constant 31 : i32
        %parallel_loop3A_437 = vector.broadcast %parallel_loop3A_436 : i32 to vector<16xi32>
        %parallel_loop3A_438 = arith.shrsi %parallel_loop3A_435, %parallel_loop3A_437 : vector<16xi32>
        %parallel_loop3A_439 = arith.constant -2147483648 : i32
        %parallel_loop3A_440 = vector.broadcast %parallel_loop3A_439 : i32 to vector<16xi32>
        %parallel_loop3A_441 = arith.ori %parallel_loop3A_438, %parallel_loop3A_440 : vector<16xi32>
        %parallel_loop3A_442 = arith.xori %parallel_loop3A_435, %parallel_loop3A_441 : vector<16xi32>
        %parallel_loop3A_443 = arith.constant 0 : i32
        %parallel_loop3A_444 = vector.broadcast %parallel_loop3A_443 : i32 to vector<16xi32>
        %parallel_loop3A_445 = arith.shrui %parallel_loop3A_442, %parallel_loop3A_444 : vector<16xi32>
        %parallel_loop3A_446 = arith.constant 255 : i32
        %parallel_loop3A_447 = vector.broadcast %parallel_loop3A_446 : i32 to vector<16xi32>
        %parallel_loop3A_448 = arith.andi %parallel_loop3A_445, %parallel_loop3A_447 : vector<16xi32>
        %parallel_loop3A_449 = arith.constant 16 : i32
        %parallel_loop3A_450 = arith.muli %parallel_loop3A_430, %parallel_loop3A_449 : i32
        %parallel_loop3A_451 = vector.broadcast %parallel_loop3A_450 : i32 to vector<16xi32>
        %parallel_loop3A_452 = arith.addi %parallel_loop3A_451, %iota3A : vector<16xi32>
        %parallel_loop3A_453 = vector.broadcast %sub3A_302 : i32 to vector<16xi32>
        %parallel_loop3A_454 = arith.cmpi slt, %parallel_loop3A_452, %parallel_loop3A_453 : vector<16xi32>
        %parallel_loop3A_455 = arith.constant 16 : i32
        %parallel_loop3A_456 = vector.broadcast %parallel_loop3A_455 : i32 to vector<16xi32>
        %parallel_loop3A_457 = arith.muli %parallel_loop3A_448, %parallel_loop3A_456 : vector<16xi32>
        %parallel_loop3A_458 = arith.addi %parallel_loop3A_457, %iota3A : vector<16xi32>
        tpu.vector_store_idx %arg8[%parallel_loop3A_458], %broadcast_in_dim3A_1 masked %parallel_loop3A_454 {add = true} : memref<4096xi32, #tpu.memory_space<vmem>>[vector<16xi32>], vector<16xi32>, vector<16xi1>
      } {sc.loop_unroll_factor = 8 : i64, sc.parallel_access}
      %eq3A_336 = arith.constant 15 : i32
      %eq3A_337 = vector.broadcast %eq3A_336 : i32 to vector<16xi32>
      %eq3A_338 = arith.cmpi eq, %iota3A, %eq3A_337 : vector<16xi32>
      %parallel_loop3A_339 = arith.constant 0 : i32
      %parallel_loop3A_340 = arith.constant 256 : i32
      %parallel_loop3A_341 = arith.constant 1 : i32
      scf.for %parallel_loop3A_430 = %parallel_loop3A_339 to %parallel_loop3A_340 step %parallel_loop3A_341  : i32 {
        %parallel_loop3A_431 = arith.constant 16 : i32
        %parallel_loop3A_432 = arith.muli %parallel_loop3A_430, %parallel_loop3A_431 : i32
        %parallel_loop3A_433 = arith.index_cast %parallel_loop3A_432 : i32 to index
        %parallel_loop3A_434 = tpu.vector_load %arg8[%parallel_loop3A_433] {strides = array<i32>} : memref<4096xi32, #tpu.memory_space<vmem>>, vector<16xi32>,
        %parallel_loop3A_435 = arith.constant true
        %parallel_loop3A_436 = vector.broadcast %parallel_loop3A_435 : i1 to vector<16xi1>
        %parallel_loop3A_437 = tpu.scan <sum>, %parallel_loop3A_434 masked %parallel_loop3A_436 : vector<16xi32>, vector<16xi1> -> vector<16xi32>
        %parallel_loop3A_438 = vector.broadcast %parallel_loop3A_430 : i32 to vector<16xi32>
        tpu.vector_store_idx %arg9[%parallel_loop3A_438], %parallel_loop3A_437 masked %eq3A_338 : memref<272xi32, #tpu.memory_space<vmem>>[vector<16xi32>], vector<16xi32>, vector<16xi1>
      } {sc.loop_unroll_factor = 8 : i64, sc.parallel_access}
      %scan3A_342 = arith.constant 0 : i32
      %scan3A_343 = arith.constant 0 : i32
      %scan3A_344 = arith.constant 16 : i32
      %scan3A_345 = arith.addi %scan3A_343, %scan3A_344 : i32
      %scan3A_346 = arith.constant 1 : i32
      %scan3A_347 = scf.for %scan3A_430 = %scan3A_343 to %scan3A_345 step %scan3A_346 iter_args(%scan3A_431 = %scan3A_342) -> (i32)  : i32 {
        %sub3A_432 = arith.constant 15 : i32
        %sub3A_433 = arith.subi %sub3A_432, %scan3A_430 : i32
        %mul3A_434 = arith.constant 16 : i32
        %mul3A_435 = arith.muli %sub3A_433, %mul3A_434 : i32
        %get3A_436 = arith.index_cast %mul3A_435 : i32 to index
        %get3A_437 = tpu.vector_load %arg9[%get3A_436] {strides = array<i32>} : memref<272xi32, #tpu.memory_space<vmem>>, vector<16xi32>,
        %rev3A = arith.constant 15 : i32
        %rev3A_438 = vector.broadcast %rev3A : i32 to vector<16xi32>
        %rev3A_439 = tpu.iota {dimensions = array<i32: 0>} : vector<16xi32>
        %rev3A_440 = arith.subi %rev3A_438, %rev3A_439 : vector<16xi32>
        %rev3A_441 = tpu.dynamic_gather %get3A_437[%rev3A_440] in [0] : vector<16xi32>, vector<16xi32> -> vector<16xi32>
        %broadcast_in_dim3A_442 = arith.constant true
        %broadcast_in_dim3A_443 = vector.broadcast %broadcast_in_dim3A_442 : i1 to vector<16xi1>
        %masked_cumsum3A = tpu.scan <sum>, %rev3A_441 masked %broadcast_in_dim3A_443 : vector<16xi32>, vector<16xi1> -> vector<16xi32>
        %rev3A_444 = arith.constant 15 : i32
        %rev3A_445 = vector.broadcast %rev3A_444 : i32 to vector<16xi32>
        %rev3A_446 = tpu.iota {dimensions = array<i32: 0>} : vector<16xi32>
        %rev3A_447 = arith.subi %rev3A_445, %rev3A_446 : vector<16xi32>
        %rev3A_448 = tpu.dynamic_gather %masked_cumsum3A[%rev3A_447] in [0] : vector<16xi32>, vector<16xi32> -> vector<16xi32>
        %add3A_449 = vector.broadcast %scan3A_431 : i32 to vector<16xi32>
        %add3A_450 = arith.addi %rev3A_448, %add3A_449 : vector<16xi32>
        %mul3A_451 = arith.constant 16 : i32
        %mul3A_452 = arith.muli %sub3A_433, %mul3A_451 : i32
        %swap3A_453 = arith.index_cast %mul3A_452 : i32 to index
        %swap3A_454 = tpu.vector_load %arg10[%swap3A_453] {strides = array<i32>} : memref<272xi32, #tpu.memory_space<vmem>>, vector<16xi32>,
        tpu.vector_store %arg10[%swap3A_453], %add3A_450 {strides = array<i32>} : memref<272xi32, #tpu.memory_space<vmem>>, vector<16xi32>,
        %reduce_max3A = arith.constant true
        %reduce_max3A_455 = vector.broadcast %reduce_max3A : i1 to vector<16xi1>
        %reduce_max3A_456 = arith.constant -2147483648 : i32
        %reduce_max3A_457 = vector.broadcast %reduce_max3A_456 : i32 to vector<16xi32>
        %reduce_max3A_458 = arith.xori %add3A_450, %reduce_max3A_457 : vector<16xi32>
        %reduce_max3A_459 = tpu.scan <max>, %reduce_max3A_458 masked %reduce_max3A_455 : vector<16xi32>, vector<16xi1> -> vector<16xi32>
        %reduce_max3A_460 = arith.xori %reduce_max3A_459, %reduce_max3A_457 : vector<16xi32>
        %reduce_max3A_461 = vector.extract %reduce_max3A_460[15] : i32 from vector<16xi32>
        scf.yield %reduce_max3A_461 : i32
      }
      %scan3A_348 = arith.constant 16 : i32
      %scan3A_349 = arith.constant 0 : i32
      %scan3A_350 = arith.constant 0 : i32
      %scan3A_351 = arith.constant 16 : i32
      %scan3A_352 = arith.addi %scan3A_350, %scan3A_351 : i32
      %scan3A_353 = arith.constant 1 : i32
      %scan3A_354 = scf.for %scan3A_430 = %scan3A_350 to %scan3A_352 step %scan3A_353 iter_args(%scan3A_431 = %scan3A_349) -> (i32)  : i32 {
        %mul3A_432 = arith.constant 16 : i32
        %mul3A_433 = arith.muli %scan3A_430, %mul3A_432 : i32
        %get3A_434 = arith.index_cast %mul3A_433 : i32 to index
        %get3A_435 = tpu.vector_load %arg10[%get3A_434] {strides = array<i32>} : memref<272xi32, #tpu.memory_space<vmem>>, vector<16xi32>,
        %ge3A_436 = vector.broadcast %sub3A_252 : i32 to vector<16xi32>
        %ge3A_437 = arith.cmpi sge, %get3A_435, %ge3A_436 : vector<16xi32>
        %convert_element_type3A = arith.extui %ge3A_437 : vector<16xi1> to vector<16xi32>
        %reduce_sum3A = arith.constant true
        %reduce_sum3A_438 = vector.broadcast %reduce_sum3A : i1 to vector<16xi1>
        %reduce_sum3A_439 = tpu.scan <sum>, %convert_element_type3A masked %reduce_sum3A_438 : vector<16xi32>, vector<16xi1> -> vector<16xi32>
        %reduce_sum3A_440 = vector.extract %reduce_sum3A_439[15] : i32 from vector<16xi32>
        %add3A_441 = arith.addi %scan3A_431, %reduce_sum3A_440 : i32
        scf.yield %add3A_441 : i32
      }
      %scan3A_355 = arith.constant 16 : i32
      %sub3A_356 = arith.constant 1 : i32
      %sub3A_357 = arith.subi %scan3A_354, %sub3A_356 : i32
      %add3A_358 = arith.constant 1 : i32
      %add3A_359 = arith.addi %sub3A_357, %add3A_358 : i32
      %get3A_360 = arith.index_cast %add3A_359 : i32 to index
      %get3A_361 = tpu.vector_load %arg10[%get3A_360] {strides = array<i32>} : memref<272xi32, #tpu.memory_space<vmem>>, vector<16xi32>,
      %slice3A_362 = vector.extract_strided_slice %get3A_361 {offsets = [0], sizes = [1], strides = [1]} : vector<16xi32> to vector<1xi32>
      %squeeze3A_363 = vector.extract %slice3A_362[0] : i32 from vector<1xi32>
      %get3A_364 = arith.index_cast %sub3A_357 : i32 to index
      %get3A_365 = tpu.vector_load %arg10[%get3A_364] {strides = array<i32>} : memref<272xi32, #tpu.memory_space<vmem>>, vector<16xi32>,
      %slice3A_366 = vector.extract_strided_slice %get3A_365 {offsets = [0], sizes = [1], strides = [1]} : vector<16xi32> to vector<1xi32>
      %squeeze3A_367 = vector.extract %slice3A_366[0] : i32 from vector<1xi32>
      %sub3A_368 = arith.subi %sub3A_252, %squeeze3A_363 : i32
      %shift_left3A_369 = arith.constant 0 : i32
      %shift_left3A_370 = arith.shli %sub3A_357, %shift_left3A_369 : i32
      %or3A_371 = arith.ori %or3A_255, %shift_left3A_370 : i32
      %parallel_loop3A_372 = arith.constant 0 : i32
      %parallel_loop3A_373 = arith.constant 1 : i32
      scf.for %parallel_loop3A_430 = %parallel_loop3A_372 to %select_n3A_330 step %parallel_loop3A_373  : i32 {
        %parallel_loop3A_431 = arith.constant 16 : i32
        %parallel_loop3A_432 = arith.muli %parallel_loop3A_430, %parallel_loop3A_431 : i32
        %parallel_loop3A_433 = arith.index_cast %parallel_loop3A_432 : i32 to index
        %parallel_loop3A_434 = tpu.vector_load %arg6[%parallel_loop3A_433] {strides = array<i32>} : memref<32768xf32, #tpu.memory_space<vmem>>, vector<16xf32>,
        %parallel_loop3A_435 = tpu.bitcast %parallel_loop3A_434 : vector<16xf32> -> vector<16xi32>
        %parallel_loop3A_436 = arith.constant 31 : i32
        %parallel_loop3A_437 = vector.broadcast %parallel_loop3A_436 : i32 to vector<16xi32>
        %parallel_loop3A_438 = arith.shrsi %parallel_loop3A_435, %parallel_loop3A_437 : vector<16xi32>
        %parallel_loop3A_439 = arith.constant -2147483648 : i32
        %parallel_loop3A_440 = vector.broadcast %parallel_loop3A_439 : i32 to vector<16xi32>
        %parallel_loop3A_441 = arith.ori %parallel_loop3A_438, %parallel_loop3A_440 : vector<16xi32>
        %parallel_loop3A_442 = arith.xori %parallel_loop3A_435, %parallel_loop3A_441 : vector<16xi32>
        %parallel_loop3A_443 = arith.constant 0 : i32
        %parallel_loop3A_444 = vector.broadcast %parallel_loop3A_443 : i32 to vector<16xi32>
        %parallel_loop3A_445 = arith.shrui %parallel_loop3A_442, %parallel_loop3A_444 : vector<16xi32>
        %parallel_loop3A_446 = arith.constant 255 : i32
        %parallel_loop3A_447 = vector.broadcast %parallel_loop3A_446 : i32 to vector<16xi32>
        %parallel_loop3A_448 = arith.andi %parallel_loop3A_445, %parallel_loop3A_447 : vector<16xi32>
        %parallel_loop3A_449 = arith.constant 16 : i32
        %parallel_loop3A_450 = arith.muli %parallel_loop3A_430, %parallel_loop3A_449 : i32
        %parallel_loop3A_451 = vector.broadcast %parallel_loop3A_450 : i32 to vector<16xi32>
        %parallel_loop3A_452 = arith.addi %parallel_loop3A_451, %iota3A : vector<16xi32>
        %parallel_loop3A_453 = vector.broadcast %sub3A_302 : i32 to vector<16xi32>
        %parallel_loop3A_454 = arith.cmpi slt, %parallel_loop3A_452, %parallel_loop3A_453 : vector<16xi32>
        %parallel_loop3A_455 = vector.broadcast %sub3A_357 : i32 to vector<16xi32>
        %parallel_loop3A_456 = arith.cmpi sge, %parallel_loop3A_448, %parallel_loop3A_455 : vector<16xi32>
        %parallel_loop3A_457 = arith.andi %parallel_loop3A_454, %parallel_loop3A_456 : vector<16xi1>
        %parallel_loop3A_458 = vector.broadcast %sub3A_357 : i32 to vector<16xi32>
        %parallel_loop3A_459 = arith.cmpi eq, %parallel_loop3A_448, %parallel_loop3A_458 : vector<16xi32>
        %parallel_loop3A_460 = arith.andi %parallel_loop3A_454, %parallel_loop3A_459 : vector<16xi1>
        %parallel_loop3A_461 = vector.broadcast %parallel_loop3A_430 : i32 to vector<16xi32>
        %parallel_loop3A_462 = tpu.all_reduce %parallel_loop3A_457 {dim = 0 : i64, kind = #tpu.reduction_kind<sum>} : vector<16xi1> -> vector<16xi32>
        tpu.vector_store_idx %arg11[%parallel_loop3A_461], %parallel_loop3A_462 masked %eq3A_21 : memref<2064xi32, #tpu.memory_space<vmem>>[vector<16xi32>], vector<16xi32>, vector<16xi1>
      } {sc.loop_unroll_factor = 4 : i64, sc.parallel_access}
      %add3A_374 = arith.constant 16 : i32
      %add3A_375 = arith.addi %select_n3A_330, %add3A_374 : i32
      %sub3A_376 = arith.constant 1 : i32
      %sub3A_377 = arith.subi %add3A_375, %sub3A_376 : i32
      %jit3A_378 = arith.constant 16 : i32
      %div3A_379 = arith.divsi %sub3A_377, %jit3A_378 : i32
      %sign3A_380 = arith.constant 0 : i32
      %sign3A_381 = arith.cmpi sgt, %sub3A_377, %sign3A_380 : i32
      %sign3A_382 = arith.extui %sign3A_381 : i1 to i32
      %sign3A_383 = arith.constant 0 : i32
      %sign3A_384 = arith.cmpi slt, %sub3A_377, %sign3A_383 : i32
      %sign3A_385 = arith.extui %sign3A_384 : i1 to i32
      %sign3A_386 = arith.subi %sign3A_382, %sign3A_385 : i32
      %sign3A_387 = arith.constant 0 : i32
      %sign3A_388 = arith.cmpi sgt, %jit3A_378, %sign3A_387 : i32
      %sign3A_389 = arith.extui %sign3A_388 : i1 to i32
      %sign3A_390 = arith.constant 0 : i32
      %sign3A_391 = arith.cmpi slt, %jit3A_378, %sign3A_390 : i32
      %sign3A_392 = arith.extui %sign3A_391 : i1 to i32
      %sign3A_393 = arith.subi %sign3A_389, %sign3A_392 : i32
      %ne3A_394 = arith.cmpi ne, %sign3A_386, %sign3A_393 : i32
      %rem3A_395 = arith.remsi %sub3A_377, %jit3A_378 : i32
      %ne3A_396 = arith.constant 0 : i32
      %ne3A_397 = arith.cmpi ne, %rem3A_395, %ne3A_396 : i32
      %and3A_398 = arith.andi %ne3A_394, %ne3A_397 : i1
      %sub3A_399 = arith.constant 1 : i32
      %sub3A_400 = arith.subi %div3A_379, %sub3A_399 : i32
      %select_n3A_401 = arith.select %and3A_398, %sub3A_400, %div3A_379 : i32
      %while3A_402 = arith.constant 0 : i32
      %while3A_403 = arith.constant 0 : i32
      %while3A_404 = arith.constant 0 : i32
      %while3A_405 = arith.subi %select_n3A_401, %while3A_403 : i32
      %while3A_406 = arith.addi %while3A_403, %while3A_405 : i32
      %while3A_407 = arith.constant 1 : i32
      %while3A_408 = arith.divsi %while3A_405, %while3A_407 : i32
      %while3A_409 = arith.muli %while3A_408, %while3A_407 : i32
      %while3A_410 = arith.addi %while3A_403, %while3A_409 : i32
      %while3A_411 = arith.constant 1 : i32
      %while3A_412 = scf.for %while3A_430 = %while3A_403 to %while3A_410 step %while3A_411 iter_args(%while3A_431 = %while3A_404) -> (i32)  : i32 {
        %mul3A_432 = arith.constant 16 : i32
        %mul3A_433 = arith.muli %while3A_430, %mul3A_432 : i32
        %get3A_434 = arith.index_cast %mul3A_433 : i32 to index
        %get3A_435 = tpu.vector_load %arg11[%get3A_434] {strides = array<i32>} : memref<2064xi32, #tpu.memory_space<vmem>>, vector<16xi32>,
        %broadcast_in_dim3A_436 = arith.constant true
        %broadcast_in_dim3A_437 = vector.broadcast %broadcast_in_dim3A_436 : i1 to vector<16xi1>
        %masked_cumsum3A = tpu.scan <sum>, %get3A_435 masked %broadcast_in_dim3A_437 : vector<16xi32>, vector<16xi1> -> vector<16xi32>
        %sub3A_438 = arith.subi %masked_cumsum3A, %get3A_435 : vector<16xi32>
        %add3A_439 = vector.broadcast %while3A_431 : i32 to vector<16xi32>
        %add3A_440 = arith.addi %sub3A_438, %add3A_439 : vector<16xi32>
        %mul3A_441 = arith.constant 16 : i32
        %mul3A_442 = arith.muli %while3A_430, %mul3A_441 : i32
        %swap3A_443 = arith.index_cast %mul3A_442 : i32 to index
        %swap3A_444 = tpu.vector_load %arg11[%swap3A_443] {strides = array<i32>} : memref<2064xi32, #tpu.memory_space<vmem>>, vector<16xi32>,
        tpu.vector_store %arg11[%swap3A_443], %add3A_440 {strides = array<i32>} : memref<2064xi32, #tpu.memory_space<vmem>>, vector<16xi32>,
        %slice3A_445 = vector.extract_strided_slice %masked_cumsum3A {offsets = [15], sizes = [1], strides = [1]} : vector<16xi32> to vector<1xi32>
        %squeeze3A_446 = vector.extract %slice3A_445[0] : i32 from vector<1xi32>
        %add3A_447 = arith.addi %while3A_431, %squeeze3A_446 : i32
        scf.yield %add3A_447 : i32
      }
      %while3A_413 = arith.constant 1 : i32
      %while3A_414 = scf.for %while3A_430 = %while3A_410 to %while3A_406 step %while3A_413 iter_args(%while3A_431 = %while3A_412) -> (i32)  : i32 {
        %mul3A_432 = arith.constant 16 : i32
        %mul3A_433 = arith.muli %while3A_430, %mul3A_432 : i32
        %get3A_434 = arith.index_cast %mul3A_433 : i32 to index
        %get3A_435 = tpu.vector_load %arg11[%get3A_434] {strides = array<i32>} : memref<2064xi32, #tpu.memory_space<vmem>>, vector<16xi32>,
        %broadcast_in_dim3A_436 = arith.constant true
        %broadcast_in_dim3A_437 = vector.broadcast %broadcast_in_dim3A_436 : i1 to vector<16xi1>
        %masked_cumsum3A = tpu.scan <sum>, %get3A_435 masked %broadcast_in_dim3A_437 : vector<16xi32>, vector<16xi1> -> vector<16xi32>
        %sub3A_438 = arith.subi %masked_cumsum3A, %get3A_435 : vector<16xi32>
        %add3A_439 = vector.broadcast %while3A_431 : i32 to vector<16xi32>
        %add3A_440 = arith.addi %sub3A_438, %add3A_439 : vector<16xi32>
        %mul3A_441 = arith.constant 16 : i32
        %mul3A_442 = arith.muli %while3A_430, %mul3A_441 : i32
        %swap3A_443 = arith.index_cast %mul3A_442 : i32 to index
        %swap3A_444 = tpu.vector_load %arg11[%swap3A_443] {strides = array<i32>} : memref<2064xi32, #tpu.memory_space<vmem>>, vector<16xi32>,
        tpu.vector_store %arg11[%swap3A_443], %add3A_440 {strides = array<i32>} : memref<2064xi32, #tpu.memory_space<vmem>>, vector<16xi32>,
        %slice3A_445 = vector.extract_strided_slice %masked_cumsum3A {offsets = [15], sizes = [1], strides = [1]} : vector<16xi32> to vector<1xi32>
        %squeeze3A_446 = vector.extract %slice3A_445[0] : i32 from vector<1xi32>
        %add3A_447 = arith.addi %while3A_431, %squeeze3A_446 : i32
        scf.yield %add3A_447 : i32
      }
      %parallel_loop3A_415 = arith.constant 0 : i32
      %parallel_loop3A_416 = arith.constant 1 : i32
      scf.for %parallel_loop3A_430 = %parallel_loop3A_415 to %select_n3A_330 step %parallel_loop3A_416  : i32 {
        %parallel_loop3A_431 = arith.constant 16 : i32
        %parallel_loop3A_432 = arith.muli %parallel_loop3A_430, %parallel_loop3A_431 : i32
        %parallel_loop3A_433 = arith.index_cast %parallel_loop3A_432 : i32 to index
        %parallel_loop3A_434 = tpu.vector_load %arg6[%parallel_loop3A_433] {strides = array<i32>} : memref<32768xf32, #tpu.memory_space<vmem>>, vector<16xf32>,
        %parallel_loop3A_435 = tpu.bitcast %parallel_loop3A_434 : vector<16xf32> -> vector<16xi32>
        %parallel_loop3A_436 = arith.constant 31 : i32
        %parallel_loop3A_437 = vector.broadcast %parallel_loop3A_436 : i32 to vector<16xi32>
        %parallel_loop3A_438 = arith.shrsi %parallel_loop3A_435, %parallel_loop3A_437 : vector<16xi32>
        %parallel_loop3A_439 = arith.constant -2147483648 : i32
        %parallel_loop3A_440 = vector.broadcast %parallel_loop3A_439 : i32 to vector<16xi32>
        %parallel_loop3A_441 = arith.ori %parallel_loop3A_438, %parallel_loop3A_440 : vector<16xi32>
        %parallel_loop3A_442 = arith.xori %parallel_loop3A_435, %parallel_loop3A_441 : vector<16xi32>
        %parallel_loop3A_443 = arith.constant 0 : i32
        %parallel_loop3A_444 = vector.broadcast %parallel_loop3A_443 : i32 to vector<16xi32>
        %parallel_loop3A_445 = arith.shrui %parallel_loop3A_442, %parallel_loop3A_444 : vector<16xi32>
        %parallel_loop3A_446 = arith.constant 255 : i32
        %parallel_loop3A_447 = vector.broadcast %parallel_loop3A_446 : i32 to vector<16xi32>
        %parallel_loop3A_448 = arith.andi %parallel_loop3A_445, %parallel_loop3A_447 : vector<16xi32>
        %parallel_loop3A_449 = arith.constant 16 : i32
        %parallel_loop3A_450 = arith.muli %parallel_loop3A_430, %parallel_loop3A_449 : i32
        %parallel_loop3A_451 = vector.broadcast %parallel_loop3A_450 : i32 to vector<16xi32>
        %parallel_loop3A_452 = arith.addi %parallel_loop3A_451, %iota3A : vector<16xi32>
        %parallel_loop3A_453 = vector.broadcast %sub3A_302 : i32 to vector<16xi32>
        %parallel_loop3A_454 = arith.cmpi slt, %parallel_loop3A_452, %parallel_loop3A_453 : vector<16xi32>
        %parallel_loop3A_455 = vector.broadcast %sub3A_357 : i32 to vector<16xi32>
        %parallel_loop3A_456 = arith.cmpi sge, %parallel_loop3A_448, %parallel_loop3A_455 : vector<16xi32>
        %parallel_loop3A_457 = arith.andi %parallel_loop3A_454, %parallel_loop3A_456 : vector<16xi1>
        %parallel_loop3A_458 = vector.broadcast %sub3A_357 : i32 to vector<16xi32>
        %parallel_loop3A_459 = arith.cmpi eq, %parallel_loop3A_448, %parallel_loop3A_458 : vector<16xi32>
        %parallel_loop3A_460 = arith.andi %parallel_loop3A_454, %parallel_loop3A_459 : vector<16xi1>
        %parallel_loop3A_461 = arith.index_cast %parallel_loop3A_430 : i32 to index
        %parallel_loop3A_462 = tpu.vector_load %arg11[%parallel_loop3A_461] {strides = array<i32>} : memref<2064xi32, #tpu.memory_space<vmem>>, vector<16xi32>,
        %parallel_loop3A_463 = vector.extract_strided_slice %parallel_loop3A_462 {offsets = [0], sizes = [1], strides = [1]} : vector<16xi32> to vector<1xi32>
        %parallel_loop3A_464 = vector.extract %parallel_loop3A_463[0] : i32 from vector<1xi32>
        %parallel_loop3A_465 = arith.addi %add3A_301, %parallel_loop3A_464 : i32
        %parallel_loop3A_466 = arith.constant 1648 : i32
        %parallel_loop3A_467 = arith.minsi %parallel_loop3A_465, %parallel_loop3A_466 : i32
        %parallel_loop3A_468 = arith.addi %mul3A_19, %parallel_loop3A_467 : i32
        %parallel_loop3A_469 = arith.index_cast %parallel_loop3A_468 : i32 to index
        %parallel_loop3A_470 = tpu.vector_load %arg14[%parallel_loop3A_469] masked %parallel_loop3A_457 {strides = array<i32>} : memref<6656xf32, #tpu.memory_space<vmem>>, vector<16xf32>, vector<16xi1>
        tpu.vector_store %arg14[%parallel_loop3A_469], %parallel_loop3A_434 masked %parallel_loop3A_457 {strides = array<i32>} : memref<6656xf32, #tpu.memory_space<vmem>>, vector<16xf32>, vector<16xi1>
      } {sc.loop_unroll_factor = 4 : i64, sc.parallel_access}
      %add3A_417 = arith.addi %add3A_301, %squeeze3A_367 : i32
      %xor3A = arith.constant -2147483648 : i32
      %xor3A_418 = arith.xori %or3A_371, %xor3A : i32
      %broadcast_in_dim3A_419 = vector.broadcast %xor3A_418 : i32 to vector<16xi32>
      %ge3A = arith.constant 0 : i32
      %ge3A_420 = vector.broadcast %ge3A : i32 to vector<16xi32>
      %ge3A_421 = arith.cmpi sge, %broadcast_in_dim3A_419, %ge3A_420 : vector<16xi32>
      %xor3A_422 = arith.constant 2147483647 : i32
      %xor3A_423 = vector.broadcast %xor3A_422 : i32 to vector<16xi32>
      %xor3A_424 = arith.xori %broadcast_in_dim3A_419, %xor3A_423 : vector<16xi32>
      %select_n3A_425 = arith.select %ge3A_421, %broadcast_in_dim3A_419, %xor3A_424 : vector<16xi1>, vector<16xi32>
      %bitcast_convert_type3A = tpu.bitcast %select_n3A_425 : vector<16xi32> -> vector<16xf32>
      %mul3A_426 = arith.constant 16 : i32
      %mul3A_427 = arith.muli %scan3A_14, %mul3A_426 : i32
      %swap3A_428 = arith.index_cast %mul3A_427 : i32 to index
      %swap3A_429 = tpu.vector_load %arg13[%swap3A_428] {strides = array<i32>} : memref<64xf32, #tpu.memory_space<vmem>>, vector<16xf32>,
      tpu.vector_store %arg13[%swap3A_428], %bitcast_convert_type3A {strides = array<i32>} : memref<64xf32, #tpu.memory_space<vmem>>, vector<16xf32>,
    }
    %scan3A_13 = arith.constant 4 : i32
    "tpu.region"() ({
      %run_scoped3A = tpu.sem_alloc : memref<!tpu.dma_semaphore, #tpu.memory_space<semaphore_mem>>
      %dma_start3A = arith.constant 0 : i32
      %dma_start3A_14 = tpu.memref_slice %arg3[%add3A, %dma_start3A] : memref<32x64xf32, #tpu.memory_space<hbm>> -> memref<1x64xf32, #tpu.memory_space<hbm>>
      %dma_start3A_15 = tpu.memref_squeeze %dma_start3A_14 : memref<1x64xf32, #tpu.memory_space<hbm>> -> memref<64xf32, #tpu.memory_space<hbm>>
      %dma_start3A_16 = arith.constant 0 : i32
      %dma_start3A_17 = tpu.memref_slice %arg3[%add3A, %dma_start3A_16] : memref<32x64xf32, #tpu.memory_space<hbm>> -> memref<1x64xf32, #tpu.memory_space<hbm>>
      %dma_start3A_18 = tpu.memref_squeeze %dma_start3A_17 : memref<1x64xf32, #tpu.memory_space<hbm>> -> memref<64xf32, #tpu.memory_space<hbm>>
      tpu.enqueue_dma source(%arg13 : memref<64xf32, #tpu.memory_space<vmem>>) target(%dma_start3A_18 : memref<64xf32, #tpu.memory_space<hbm>>) target_semaphore(%run_scoped3A : memref<!tpu.dma_semaphore, #tpu.memory_space<semaphore_mem>>)
      %dma_wait3A = arith.constant 0 : i32
      %dma_wait3A_19 = tpu.memref_slice %arg3[%add3A, %dma_wait3A] : memref<32x64xf32, #tpu.memory_space<hbm>> -> memref<1x64xf32, #tpu.memory_space<hbm>>
      %dma_wait3A_20 = tpu.memref_squeeze %dma_wait3A_19 : memref<1x64xf32, #tpu.memory_space<hbm>> -> memref<64xf32, #tpu.memory_space<hbm>>
      %dma_wait3A_21 = arith.constant 0 : i32
      %dma_wait3A_22 = tpu.memref_slice %arg3[%add3A, %dma_wait3A_21] : memref<32x64xf32, #tpu.memory_space<hbm>> -> memref<1x64xf32, #tpu.memory_space<hbm>>
      %dma_wait3A_23 = tpu.memref_squeeze %dma_wait3A_22 : memref<1x64xf32, #tpu.memory_space<hbm>> -> memref<64xf32, #tpu.memory_space<hbm>>
      tpu.wait_dma2 semaphore(%run_scoped3A : memref<!tpu.dma_semaphore, #tpu.memory_space<semaphore_mem>>) src(%arg13 : memref<64xf32, #tpu.memory_space<vmem>>) dst(%dma_wait3A_23 : memref<64xf32, #tpu.memory_space<hbm>>)
      tpu.yield
    }) : () -> ()
    "tpu.region"() ({
      %run_scoped3A = tpu.sem_alloc : memref<!tpu.dma_semaphore, #tpu.memory_space<semaphore_mem>>
      %dma_start3A = arith.constant 0 : i32
      %dma_start3A_14 = tpu.memref_slice %arg4[%add3A, %dma_start3A] : memref<32x6656xf32, #tpu.memory_space<hbm>> -> memref<1x6656xf32, #tpu.memory_space<hbm>>
      %dma_start3A_15 = tpu.memref_squeeze %dma_start3A_14 : memref<1x6656xf32, #tpu.memory_space<hbm>> -> memref<6656xf32, #tpu.memory_space<hbm>>
      %dma_start3A_16 = arith.constant 0 : i32
      %dma_start3A_17 = tpu.memref_slice %arg4[%add3A, %dma_start3A_16] : memref<32x6656xf32, #tpu.memory_space<hbm>> -> memref<1x6656xf32, #tpu.memory_space<hbm>>
      %dma_start3A_18 = tpu.memref_squeeze %dma_start3A_17 : memref<1x6656xf32, #tpu.memory_space<hbm>> -> memref<6656xf32, #tpu.memory_space<hbm>>
      tpu.enqueue_dma source(%arg14 : memref<6656xf32, #tpu.memory_space<vmem>>) target(%dma_start3A_18 : memref<6656xf32, #tpu.memory_space<hbm>>) target_semaphore(%run_scoped3A : memref<!tpu.dma_semaphore, #tpu.memory_space<semaphore_mem>>)
      %dma_wait3A = arith.constant 0 : i32
      %dma_wait3A_19 = tpu.memref_slice %arg4[%add3A, %dma_wait3A] : memref<32x6656xf32, #tpu.memory_space<hbm>> -> memref<1x6656xf32, #tpu.memory_space<hbm>>
      %dma_wait3A_20 = tpu.memref_squeeze %dma_wait3A_19 : memref<1x6656xf32, #tpu.memory_space<hbm>> -> memref<6656xf32, #tpu.memory_space<hbm>>
      %dma_wait3A_21 = arith.constant 0 : i32
      %dma_wait3A_22 = tpu.memref_slice %arg4[%add3A, %dma_wait3A_21] : memref<32x6656xf32, #tpu.memory_space<hbm>> -> memref<1x6656xf32, #tpu.memory_space<hbm>>
      %dma_wait3A_23 = tpu.memref_squeeze %dma_wait3A_22 : memref<1x6656xf32, #tpu.memory_space<hbm>> -> memref<6656xf32, #tpu.memory_space<hbm>>
      tpu.wait_dma2 semaphore(%run_scoped3A : memref<!tpu.dma_semaphore, #tpu.memory_space<semaphore_mem>>) src(%arg14 : memref<6656xf32, #tpu.memory_space<vmem>>) dst(%dma_wait3A_23 : memref<6656xf32, #tpu.memory_space<hbm>>)
      tpu.yield
    }) : () -> ()
    return
  }
}

module attributes {stable_mosaic.version = 14 : i64} {
  func.func @_tc_search(%arg0: memref<32x6656xf32, #tpu.memory_space<vmem>>, %arg1: memref<1x1xf32, #tpu.memory_space<smem>>) attributes {dimension_semantics = [], scalar_prefetch = 0 : i64, scratch_operands = 0 : i64, tpu.core_type = #tpu.core_type<tc>} {
    %get3A = arith.constant 0 : index
    %get3A_0 = arith.constant 0 : index
    %get3A_1 = vector.load %arg0[%get3A, %get3A_0] : memref<32x6656xf32, #tpu.memory_space<vmem>>, vector<32x6656xf32>
    %ge3A = arith.constant 0.000000e+00 : f32
    %ge3A_2 = vector.broadcast %ge3A : f32 to vector<32x6656xf32>
    %ge3A_3 = arith.cmpf oge, %get3A_1, %ge3A_2 : vector<32x6656xf32>
    %convert_element_type3A = arith.extui %ge3A_3 : vector<32x6656xi1> to vector<32x6656xi32>
    %reduce_sum3A = vector.shape_cast %convert_element_type3A : vector<32x6656xi32> to vector<1x32x6656xi32>
    %reduce_sum3A_4 = arith.constant dense<0> : vector<1xi32>
    %reduce_sum3A_5 = vector.multi_reduction <add>, %reduce_sum3A, %reduce_sum3A_4 [1, 2] : vector<1x32x6656xi32> to vector<1xi32>
    %reduce_sum3A_6 = vector.shape_cast %reduce_sum3A_5 : vector<1xi32> to vector<1x1x1xi32>
    %reduce_sum3A_7 = vector.extract %reduce_sum3A_6[0, 0, 0] : i32 from vector<1x1x1xi32>
    %ge3A_8 = arith.constant 104896 : i32
    %ge3A_9 = arith.cmpi sge, %reduce_sum3A_7, %ge3A_8 : i32
    %jit3A = arith.constant 0 : i32
    %jit3A_10 = arith.constant -2147483648 : i32
    %select_n3A = arith.select %ge3A_9, %jit3A, %jit3A_10 : i32
    %scan3A = arith.constant 0 : i32
    %scan3A_11 = arith.constant 31 : i32
    %scan3A_12 = arith.addi %scan3A, %scan3A_11 : i32
    %scan3A_13 = arith.constant 1 : i32
    %scan3A_14 = scf.for %scan3A_22 = %scan3A to %scan3A_12 step %scan3A_13 iter_args(%scan3A_23 = %select_n3A) -> (i32)  : i32 {
      %shift_right_arithmetic3A = arith.constant 1073741824 : i32
      %shift_right_arithmetic3A_24 = arith.shrsi %shift_right_arithmetic3A, %scan3A_22 : i32
      %or3A = arith.ori %scan3A_23, %shift_right_arithmetic3A_24 : i32
      %ge3A_25 = arith.constant 0 : i32
      %ge3A_26 = arith.cmpi sge, %or3A, %ge3A_25 : i32
      %xor3A_27 = arith.constant 2147483647 : i32
      %xor3A_28 = arith.xori %or3A, %xor3A_27 : i32
      %select_n3A_29 = arith.select %ge3A_26, %or3A, %xor3A_28 : i32
      %bitcast_convert_type3A_30 = arith.bitcast %select_n3A_29 : i32 to f32
      %ge3A_31 = vector.broadcast %bitcast_convert_type3A_30 : f32 to vector<32x6656xf32>
      %ge3A_32 = arith.cmpf oge, %get3A_1, %ge3A_31 : vector<32x6656xf32>
      %convert_element_type3A_33 = arith.extui %ge3A_32 : vector<32x6656xi1> to vector<32x6656xi32>
      %reduce_sum3A_34 = vector.shape_cast %convert_element_type3A_33 : vector<32x6656xi32> to vector<1x32x6656xi32>
      %reduce_sum3A_35 = arith.constant dense<0> : vector<1xi32>
      %reduce_sum3A_36 = vector.multi_reduction <add>, %reduce_sum3A_34, %reduce_sum3A_35 [1, 2] : vector<1x32x6656xi32> to vector<1xi32>
      %reduce_sum3A_37 = vector.shape_cast %reduce_sum3A_36 : vector<1xi32> to vector<1x1x1xi32>
      %reduce_sum3A_38 = vector.extract %reduce_sum3A_37[0, 0, 0] : i32 from vector<1x1x1xi32>
      %ge3A_39 = arith.constant 104896 : i32
      %ge3A_40 = arith.cmpi sge, %reduce_sum3A_38, %ge3A_39 : i32
      %select_n3A_41 = arith.select %ge3A_40, %or3A, %scan3A_23 : i32
      scf.yield %select_n3A_41 : i32
    }
    %scan3A_15 = arith.constant 31 : i32
    %ge3A_16 = arith.constant 0 : i32
    %ge3A_17 = arith.cmpi sge, %scan3A_14, %ge3A_16 : i32
    %xor3A = arith.constant 2147483647 : i32
    %xor3A_18 = arith.xori %scan3A_14, %xor3A : i32
    %select_n3A_19 = arith.select %ge3A_17, %scan3A_14, %xor3A_18 : i32
    %bitcast_convert_type3A = arith.bitcast %select_n3A_19 : i32 to f32
    %swap3A = arith.constant 0 : index
    %swap3A_20 = arith.constant 0 : index
    %swap3A_21 = memref.load %arg1[%swap3A, %swap3A_20] : memref<1x1xf32, #tpu.memory_space<smem>>
    memref.store %bitcast_convert_type3A, %arg1[%swap3A, %swap3A_20] : memref<1x1xf32, #tpu.memory_space<smem>>
    return
  }
}

module attributes {stable_mosaic.version = 14 : i64} {
  func.func @_tc_mask(%arg0: i32, %arg1: memref<8x32768xf32, #tpu.memory_space<vmem>>, %arg2: memref<8x1xf32, #tpu.memory_space<vmem>>, %arg3: memref<1x1xf32, #tpu.memory_space<smem>>, %arg4: memref<8x32768xf32, #tpu.memory_space<vmem>>) attributes {dimension_semantics = [#tpu.dimension_semantics<arbitrary>], iteration_bounds = array<i64: 16>, scalar_prefetch = 0 : i64, scratch_operands = 0 : i64, tpu.core_type = #tpu.core_type<tc>, window_params = [{transform_indices = @transform_0, window_bounds = array<i64: 8, 32768>}, {transform_indices = @transform_1, window_bounds = array<i64: 8, 1>}, {transform_indices = @transform_2, window_bounds = array<i64: 1, 1>}, {transform_indices = @transform_3, window_bounds = array<i64: 8, 32768>}]} {
    %get3A = arith.constant 0 : index
    %get3A_0 = arith.constant 0 : index
    %get3A_1 = vector.load %arg1[%get3A, %get3A_0] : memref<8x32768xf32, #tpu.memory_space<vmem>>, vector<8x32768xf32>
    %get3A_2 = arith.constant 0 : index
    %get3A_3 = arith.constant 0 : index
    %get3A_4 = vector.load %arg2[%get3A_2, %get3A_3] : memref<8x1xf32, #tpu.memory_space<vmem>>, vector<8x1xf32>
    %get3A_5 = arith.constant 0 : index
    %get3A_6 = arith.constant 0 : index
    %get3A_7 = memref.load %arg3[%get3A_5, %get3A_6] : memref<1x1xf32, #tpu.memory_space<smem>>
    %ge3A = vector.broadcast %get3A_4 : vector<8x1xf32> to vector<8x32768xf32>
    %ge3A_8 = arith.cmpf oge, %get3A_1, %ge3A : vector<8x32768xf32>
    %ne3A = arith.constant 0.000000e+00 : f32
    %ne3A_9 = vector.broadcast %ne3A : f32 to vector<8x32768xf32>
    %ne3A_10 = arith.cmpf one, %get3A_1, %ne3A_9 : vector<8x32768xf32>
    %and3A = arith.andi %ge3A_8, %ne3A_10 : vector<8x32768xi1>
    %ge3A_11 = vector.broadcast %get3A_7 : f32 to vector<8x32768xf32>
    %ge3A_12 = arith.cmpf oge, %get3A_1, %ge3A_11 : vector<8x32768xf32>
    %and3A_13 = arith.andi %and3A, %ge3A_12 : vector<8x32768xi1>
    %jit3A = arith.constant 0.000000e+00 : f32
    %broadcast_in_dim3A = vector.broadcast %jit3A : f32 to vector<8x32768xf32>
    %select_n3A = arith.select %and3A_13, %get3A_1, %broadcast_in_dim3A : vector<8x32768xi1>, vector<8x32768xf32>
    %swap3A = arith.constant 0 : index
    %swap3A_14 = arith.constant 0 : index
    %swap3A_15 = vector.load %arg4[%swap3A, %swap3A_14] : memref<8x32768xf32, #tpu.memory_space<vmem>>, vector<8x32768xf32>
    tpu.vector_store %arg4[%swap3A, %swap3A_14], %select_n3A {strides = array<i32>} : memref<8x32768xf32, #tpu.memory_space<vmem>>, vector<8x32768xf32>,
    return
  }
  func.func @transform_0(%arg0: i32) -> (i32, i32) {
    %c0_i32 = arith.constant 0 : i32
    %c0_i32_0 = arith.constant 0 : i32
    return %arg0, %c0_i32 : i32, i32
  }
  func.func @transform_1(%arg0: i32) -> (i32, i32) {
    %c0_i32 = arith.constant 0 : i32
    %c0_i32_0 = arith.constant 0 : i32
    return %arg0, %c0_i32 : i32, i32
  }
  func.func @transform_2(%arg0: i32) -> (i32, i32) {
    %c0_i32 = arith.constant 0 : i32
    %c0_i32_0 = arith.constant 0 : i32
    %c0_i32_1 = arith.constant 0 : i32
    return %c0_i32, %c0_i32_0 : i32, i32
  }
  func.func @transform_3(%arg0: i32) -> (i32, i32) {
    %c0_i32 = arith.constant 0 : i32
    %c0_i32_0 = arith.constant 0 : i32
    return %arg0, %c0_i32 : i32, i32
  }
}

</mosaic_0001>

<sc_bundles>
// kernel: kernel.5.cloned.1.call-start
scs
__scs_entry_jumppad:
0x0: {  	(pc) =	sbr.rel $0x88, $3  }
0x1: {  	(tag) =	ssettag $0x0;
	lr =	simm.s32 $0x1  }
0x2: {  	[smem:$0x3FA0] =	sst lr;
	_ =	strace $0xD0000000  }
0x3: {  	_ = 	snop  }
0x4: {  	_ = 	snop  }
0x5: {  	_ = 	snop  }
0x6: {  	_ = 	snop  }
0x7: {  	_ = 	snop  }
__scs_overlays_trampoline_lowered:
0x8: {  	[smem:$0x3FAF] =	sst s0  }
0x9: {  	[smem:$0x3FB0] =	sst s1  }
0xa: {  	[smem:$0x3FB1] =	sst s2  }
0xb: {  	[smem:$0x3FB2] =	sst s3  }
0xc: {  	[smem:$0x3FB3] =	sst s4  }
0xd: {  	[smem:$0x3FB4] =	sst s5  }
0xe: {  	[smem:$0x3FB5] =	sst s6  }
0xf: {  	[smem:$0x3FB6] =	sst s7  }
0x10: {  	[smem:$0x3FB7] =	sst s8  }
0x11: {  	[smem:$0x3FB8] =	sst s9;
	s0 =	simm.s32 @!p0 $0x0  }
0x12: {  	s1 =	sld [smem:$0x3F9E];
	s0 =	simm.s32 @p0 $0x1  }
0x13: {  	[smem:$0x3FB9] =	sst s0;
	s0 =	simm.s32 @!p1 $0x0  }
0x14: {  	s2 =	sld [smem:$0x3F9D];
	s0 =	simm.s32 @p1 $0x1  }
0x15: {  	[smem:$0x3FBA] =	sst s0;
	s0 =	simm.s32 @!p2 $0x0  }
0x16: {  	s3 =	sld [smem:$0x3FDB];
	s0 =	simm.s32 @p2 $0x1  }
0x17: {  	s4 =	simm.s32 $0x1BF5;
	[smem:$0x3FBC] =	sst s0  }
0x18: {  	s0 =	sld [smem:$0x3F9F];
	_ =	swait.ge [sflag:s4], $0x0  }
0x19: {  	s7 =	sld [smem:$0x3FA0]  }
0x1a: {  	s8 =	sadd.s32 $0xFFFFE003, lr  }
0x1b: {  	s9 =	sadd.s32 $0xFFFFFEF7, lr;
	s5 =	simm.s32 $0xFFFFFFFF;
	p2 =	slt.u32 s8, $0xFFFFF086  }
0x1c: {  	p1 =	slt.u32 s9, $0xF7A;
	s5 =	simm.s32 @!p2 $0x0  }
0x1d: {  	s5 =	simm.s32 @p1 $0x1;
	p0 =	seq.s32 s7, s2  }
0x1e: {  	s7 =	smul.u32 @!p0 $0xF7A, s2;
	p2 =	seq.s32 @!p0 s5, $0x0  }
0x1f: {  	s9 =	smul.u32 $0xF7A, s1;
	s8 =	simm.s32 @!p0 $0x1BF5;
	p2 =	por !p2, p0  }
0x20: {  	[sflag:s8] =	ssyncset.s32 @!p0 $0xFFFFF086;
	s6 =	sadd.s32 @!p0 s3, s7;
	s7 =	simm.s32 @!p0 $0x108  }
0x21: {  	s3 =	sadd.s32 s3, s9;
	s6 =	sadd.s32 @!p0 $0x88, s6;
	s7 =	simm.s32 @p2 $0x1082  }
0x22: {  	[simem:s7], [sflag:s8] =	dma.local @!p0 [hbm:s6], $0xF7A  }
0x23: {  	s9 =	sor.u32 $0xD0000000, s2;
	s6 =	simm.s32 $0x108;
	_ =	swait.ge @!p0 [sflag:s8], $0x0  }
0x24: {  	s3 =	sadd.s32 $0x88, s3;
	s6 =	simm.s32 @!p1 $0x1082;
	[sflag:s4] =	ssyncset.s32 $0xFFFFF086  }
0x25: {  	[simem:s6], [sflag:s4] =	dma.local [hbm:s3], $0xF7A  }
0x26: {  	[smem:$0x3FA0] =	sst s1;
	(tag) =	ssettag s2;
	_ =	strace s9  }
0x27: {  	s1 =	sld [smem:$0x3FB0]  }
0x28: {  	s2 =	sld [smem:$0x3FB1]  }
0x29: {  	s4 =	sld [smem:$0x3FB3]  }
0x2a: {  	p0 =	seq.s32 s5, $0x0;
	s5 =	sld [smem:$0x3FB4]  }
0x2b: {  	s6 =	sld [smem:$0x3FB5]  }
0x2c: {  	s7 =	sld [smem:$0x3FB6]  }
0x2d: {  	s3 =	simm.s32 $0x108;
	s8 =	sld [smem:$0x3FB7]  }
0x2e: {  	s3 =	simm.s32 @!p0 $0x1082;
	s9 =	sld [smem:$0x3FB8]  }
0x2f: {  	lr =	sadd.s32 s0, s3;
	s0 =	sld [smem:$0x3FAF]  }
0x30: {  	s3 =	sld [smem:$0x3FB2]  }
0x31: {  	[smem:$0x3FBB] =	sst s10  }
0x32: {  	s10 =	sld [smem:$0x3FB9];
	_ =	sdelay $0x3  }
0x33: {  	p0 =	seq.s32 s10, $0x1;
	s10 =	sld [smem:$0x3FBB];
	_ =	sdelay $0x3  }
0x34: {  	[smem:$0x3FBB] =	sst s10  }
0x35: {  	s10 =	sld [smem:$0x3FBA];
	_ =	sdelay $0x3  }
0x36: {  	p1 =	seq.s32 s10, $0x1;
	s10 =	sld [smem:$0x3FBB];
	_ =	sdelay $0x3  }
0x37: {  	[smem:$0x3FBB] =	sst s10  }
0x38: {  	s10 =	sld [smem:$0x3FBC]  }
0x39: {  	_ = 	snop;
	(pc) =	sbr.ind lr, $3  }
0x3a: {  	_ = 	snop  }
0x3b: {  	_ = 	snop  }
0x3c: {  	p2 =	seq.s32 s10, $0x1;
	s10 =	sld [smem:$0x3FBB]  }
0x3d: {  	_ =	shalt  }
0x3e: {  	_ =	shalt  }
0x3f: {  	_ =	shalt  }
0x40: {  	_ =	shalt  }
0x41: {  	_ =	shalt  }
0x42: {  	_ =	shalt  }
0x43: {  	_ =	shalt  }
0x44: {  	_ =	shalt  }
0x45: {  	_ =	shalt  }
0x46: {  	_ =	shalt  }
0x47: {  	_ =	shalt  }
0x48: {  	_ =	shalt  }
0x49: {  	_ =	shalt  }
0x4a: {  	_ =	shalt  }
0x4b: {  	_ =	shalt  }
0x4c: {  	_ =	shalt  }
0x4d: {  	_ =	shalt  }
0x4e: {  	_ =	shalt  }
0x4f: {  	_ =	shalt  }
0x50: {  	_ =	shalt  }
0x51: {  	_ =	shalt  }
0x52: {  	_ =	shalt  }
0x53: {  	_ =	shalt  }
0x54: {  	_ =	shalt  }
0x55: {  	_ =	shalt  }
0x56: {  	_ =	shalt  }
0x57: {  	_ =	shalt  }
0x58: {  	_ =	shalt  }
0x59: {  	_ =	shalt  }
0x5a: {  	_ =	shalt  }
0x5b: {  	_ =	shalt  }
0x5c: {  	_ =	shalt  }
0x5d: {  	_ =	shalt  }
0x5e: {  	_ =	shalt  }
0x5f: {  	_ =	shalt  }
0x60: {  	_ =	shalt  }
0x61: {  	_ =	shalt  }
0x62: {  	_ =	shalt  }
0x63: {  	_ =	shalt  }
0x64: {  	_ =	shalt  }
0x65: {  	_ =	shalt  }
0x66: {  	_ =	shalt  }
0x67: {  	_ =	shalt  }
0x68: {  	_ =	shalt  }
0x69: {  	_ =	shalt  }
0x6a: {  	_ =	shalt  }
0x6b: {  	_ =	shalt  }
0x6c: {  	_ =	shalt  }
0x6d: {  	_ =	shalt  }
0x6e: {  	_ =	shalt  }
0x6f: {  	_ =	shalt  }
0x70: {  	_ =	shalt  }
0x71: {  	_ =	shalt  }
0x72: {  	_ =	shalt  }
0x73: {  	_ =	shalt  }
0x74: {  	_ =	shalt  }
0x75: {  	_ =	shalt  }
0x76: {  	_ =	shalt  }
0x77: {  	_ =	shalt  }
0x78: {  	_ =	shalt  }
0x79: {  	_ =	shalt  }
0x7a: {  	_ =	shalt  }
0x7b: {  	_ =	shalt  }
0x7c: {  	_ =	shalt  }
0x7d: {  	_ =	shalt  }
0x7e: {  	_ =	shalt  }
0x7f: {  	_ =	shalt  }
0x80: {  	_ =	shalt  }
0x81: {  	_ =	shalt  }
0x82: {  	_ =	shalt  }
0x83: {  	_ =	shalt  }
0x84: {  	_ =	shalt  }
0x85: {  	_ =	shalt  }
0x86: {  	_ =	shalt  }
0x87: {  	_ =	shalt  }
.Lfunc_end0:
.L_simem_size_0:
called_computation_lowered:
.L_overlay_start_0:
0x88: {  	s2 =	sld [smem:$0x3FD9]  }
0x89: {  	s3 =	sld [smem:$0x3FFE];
	_ =	sdelay $0x1  }
0x8a: {  	s1 =	srdreg.scid  }
0x8b: {  	s0 =	sand.u32 $0x1, s1  }
0x8c: {  	s17 =	sshll.u32 s0, $0xA;
	s2 =	sadd.s32 s3, s2  }
0x8d: {  	s2 =	sadd.s32 s2, s17  }
0x8e: {  	[smem:$0x3FC7] =	sst s2  }
0x8f: {  	_ = 	snop  }
0x90: {  	s2 =	sld [smem:$0x3FC9]  }
0x91: {  	s18 =	sld [smem:$0x3FD0];
	(tm) =	ssettm $0x1  }
0x92: {  	s4 =	sld [smem:$0x3FFB];
	_ =	sdelay $0x3  }
0x93: {  	_ =	strace s4  }
0x94: {  	s4 =	sld [smem:$0x3FFC];
	_ =	sdelay $0x3  }
0x95: {  	_ =	strace s4  }
0x96: {  	s4 =	sld [smem:$0x3FFD];
	_ =	sdelay $0x3  }
0x97: {  	_ =	strace s4  }
0x98: {  	_ =	strace $0x8FFFFFFF  }
0x99: {  	s19 =	sld [smem:$0x3FDB];
	_ =	sdelay $0x1  }
0x9a: {  	s5 =	simm.s32 $_scs_section_size  }
0x9b: {  	s6 =	simm.s32 $_size__tile_overlayer_lowered;
	s7 =	simm.s32 $_tile_overlayer_lowered  }
0x9c: {  	s22 =	simm.s32 $0x1BFF;
	s21 =	sshll.u32 s7, $0x1;
	s4 =	sadd.s32 s5, s19  }
0x9d: {  	s8 =	simm.s32 $0x0;
	s20 =	sshll.u32 s6, $0x1;
	s6 =	sadd.s32 s21, s4  }
0x9e: {  	[timem:s8], [sflag:s22] =	dma.local [hbm:s6], s20  }
0x9f: {  	_ =	swait.ge [sflag:s22], s20  }
0xa0: {  	s5 =	ssub.s32 $0x0, s20;
	[sflag:s22] =	ssyncset.done $0x0  }
0xa1: {  	[sflag:s22] =	ssyncadd.s32 s5;
	_ =	sdelay $0x1  }
0xa2: {  	s23 =	simm.s32 $0x1B8B  }
0xa3: {  	_ =	swait.ge [sflag:s23], $0x1  }
0xa4: {  	[sflag:s23] =	ssyncset.done $0x0  }
0xa5: {  	s25 =	simm.s32 $0x1B8E;
	s24 =	sld [smem:$0x3FFE];
	[sflag:s23] =	ssyncadd.s32 $0xFFFFFFFF  }
0xa6: {  	s26 =	simm.s32 $execute0_lowered;
	[smem:$0x3FD2] =	sst s25  }
0xa7: {  	s6 =	sshll.u32 s26, $0x1;
	_ =	strace $0x80000046;
	[dreg:$0x1] =	wrdreg $0xFFFFFFFF  }
0xa8: {  	s28 =	simm.s32 $_size_execute0_lowered;
	s4 =	sadd.s32 s4, s6;
	[dreg:$0x0] =	wrdreg $0x0  }
0xa9: {  	s6 =	sshll.u32 s28, $0x1;
	[dreg:$0x2] =	wrdreg s4  }
0xaa: {  	[dreg:$0x3] =	wrdreg s6  }
0xab: {  	[dreg:$0x4] =	wrdreg $0xC0  }
0xac: {  	_ =	task [dreg:s8], $0x5FFFF  }
0xad: {  	[dreg:$0x1] =	wrdreg $0xFFFFFFFF  }
0xae: {  	[dreg:$0x0] =	wrdreg $0x60  }
0xaf: {  	[dreg:$0x2] =	wrdreg s2  }
0xb0: {  	[dreg:$0x3] =	wrdreg s24  }
0xb1: {  	[dreg:$0x4] =	wrdreg s18  }
0xb2: {  	[dreg:$0x5] =	wrdreg $0x9  }
0xb3: {  	_ =	task.clear_ibuf [dreg:s8], $0x6FFFF;
	_ =	strace $0x90000046  }
0xb4: {  	s29 =	simm.s32 $0x9;
	_ =	strace $0x80000048  }
0xb5: {  	_ =	swait.ge [sflag:s29], $0x1  }
0xb6: {  	[sflag:s29] =	ssyncadd.s32 $0xFFFFFFFF  }
0xb7: {  	_ =	strace $0x90000048  }
0xb8: {  	_ =	sfence  }
0xb9: {  	s30 =	sld [smem:$0x0];
	_ =	sdelay $0x2  }
0xba: {  	s31 =	sshll.u32 s1, $0xD;
	s1 =	sshrl.u32 s1, $0x2  }
0xbb: {  	s3 =	sand.u32 $0x4000, s31;
	s1 =	sadd.s32 s1, s30  }
0xbc: {  	s0 =	sor.u32 s3, s0;
	s1 =	sshll.u32 s1, $0x11  }
0xbd: {  	s0 =	sor.u32 s1, s0  }
0xbe: {  	s0 =	sadd.s32 $0x8F2B, s0  }
0xbf: {  	[sflag:s0] =	ssyncadd.remote.s32 $0x1  }
0xc0: {  	_ =	sfence.sel $0xFFFF  }
0xc1: {  	[dreg:$0x0] =	wrdreg $0xFFFFFFFF;
	(pc) =	sbr.abs _section_cstart, $3  }
0xc2: {  	[dreg:$0x1] =	wrdreg $0xFFFFFFFF  }
0xc3: {  	_ =	task.clear_ibuf [dreg:s8], $0x2FFFF;
	_ =	strace $0x9FFFFFFF  }
0xc4: {  	(tm) =	ssettm $0x7FFFFFFF  }
0xc5: {  	_ =	shalt  }
tec
execute0_lowered:
.L_overlay_start_1:
0x0: {  	(tag) =	ssettag $0x1  }
0x1: {  	s0 =	rddreg [dreg:$0x0]  }
0x2: {  	s1 =	rddreg [dreg:$0x1]  }
0x3: {  	s4 =	rddreg [dreg:$0x2];
	s3 =	srdreg.scid  }
0x4: {  	s2 =	stileid.u32;
	s8 =	simm.s32 $0x0;
	s10 =	simm.s32 $0x18000  }
0x5: {  	s11 =	simm.s32 $0x19000;
	s12 =	simm.s32 $0x19300;
	s13 =	simm.s32 $0x19B80  }
0x6: {  	s3 =	sand.u32 $0x1, s3;
	s5 =	sshll.u32 s2, $0x8;
	s6 =	sshrl.u32 s2, $0x2  }
0x7: {  	[smem:$0x7FF] =	sst s8;
	s28 =	sshll.u32 s2, $0xF;
	s8 =	simm.s32 $0x400  }
0x8: {  	s7 =	sshll.u32 s3, $0x7;
	s5 =	sand.u32 $0x300, s5;
	s24 =	sshll.u32 s6, $0xA  }
0x9: {  	_ =	strace $0x80000047;
	s25 =	ssub.s32 $0x2, s3;
	s6 =	smul.u32 $0xD000, s6  }
0xa: {  	s3 =	sshll.u32 s3, $0x6;
	s5 =	sor.u32 s7, s5;
	s9 =	sshrl.u32 s25, $0x1  }
0xb: {  	s0 =	sadd.s32 s0, s3;
	s7 =	sor.u32 s24, s5;
	s26 =	ssub.s32 s25, s9  }
.Ltmp0:
0xc: {  	vm0 =	vcmask $0x3F3C;
	s5 =	sor.u32 s6, s5;
	s3 =	sadd.s32 s28, s0;
	(pc) =	sbr.rel .LBB2_1-.Ltmp0, $4  }
0xd: {  	v0 =	vlaneseq.u32;
	s7 =	sshrl.u32 s7, $0x3;
	s30 =	sshrl.u32 s5, $0x3;
	s31 =	smax.u32 s26, $0x1  }
0xe: {  	v4 =	vmul.u32 $0xFFFFFFFF, v0;
	s1 =	sadd.s32 s7, s1;
	s0 =	sadd.s32 s4, s30;
	[dreg:$0x6] =	wrdreg s31  }
0xf: {  	v1 =	vimm.f32 $-Inf;
	s9 =	simm.s32 $0x1;
	s29 =	sadd.s32 $0xC00, s1;
	[dreg:$0x5] =	wrdreg s0  }
0x10: {  	v2 =	vimm.s32 $0x0;
	v3 =	vimm.s32 $0x1;
	v4 =	vadd.s32 $0xF, v4;
	s7 =	simm.s32 $0x80;
	s1 =	simm.s32 $0x0;
	[dreg:$0x4] =	wrdreg s29  }
.LBB2_132:
0x11: {  	s0 =	simm.s32 $0x0;
	s1 =	rddreg [dreg:$0x4];
	s2 =	simm.s32 $0x1A400  }
0x12: {  	[hbm4b:s1+s0] =	stream.linear.scatter [tilespmem:s2], [sflag:$0x1], $0x80, $0x38;
	[tilespmem:$0x1BE80] =	vst v63  }
0x13: {  	_ =	swait.ge [sflag:s9], $0x80  }
0x14: {  	[sflag:s9] =	ssyncset.done $0x0  }
0x15: {  	s29 =	simm.s32 $0x1A480;
	s28 =	rddreg [dreg:$0x5];
	[sflag:s9] =	ssyncadd.s32 $0xFFFFFF80  }
0x16: {  	[hbm4b:s28+s7] =	stream.strided.scatter [tilespmem:s29], [sflag:$0x1], $0x1A00, s8, s7, $0x38;
	[tilespmem:$0x1BE80] =	vst v63  }
0x17: {  	_ =	swait.ge [sflag:s9], $0x1A00  }
0x18: {  	s30 =	rddreg [dreg:$0x7]  }
0x19: {  	s31 =	rddreg [dreg:$0x6];
	s1 =	sadd.s32 $0x1, s30  }
0x1a: {  	p0 =	sne.s32 s1, s31  }
.Ltmp1:
0x1b: {  	_ = 	snop;
	(pc) =	sbr.rel @!p0 .LBB2_133-.Ltmp1, $3  }
0x1c: {  	_ =	sdelay $0x1  }
0x1d: {  	[sflag:s9] =	ssyncset.done $0x0  }
0x1e: {  	[sflag:s9] =	ssyncadd.s32 $0xFFFFE600  }
.LBB2_1:
0x1f: {  	[dreg:$0x7] =	wrdreg s1;
	s0 =	simm.s32 $0x1A4C0  }
0x20: {  	[tilespmem:s0+$0xFFFFFFC0] =	vst v1  }
0x21: {  	[tilespmem:s0+$0x30] =	vst v1  }
0x22: {  	[tilespmem:s0+$0x20] =	vst v1  }
0x23: {  	[tilespmem:s0+$0x10] =	vst v1  }
0x24: {  	[tilespmem:s0+$0x0] =	vst v1  }
0x25: {  	[tilespmem:s0+$0xFFFFFFF0] =	vst v1  }
0x26: {  	s1 =	simm.s32 $0x0;
	[tilespmem:s0+$0xFFFFFFE0] =	vst v1  }
.LBB2_2:
0x27: {  	s1 =	sadd.s32 $0x8, s1;
	[tilespmem:s0+$0xFFFFFFD0] =	vst v1;
	s0 =	sadd.s32 $0x80, s0  }
0x28: {  	[tilespmem:s0+$0xFFFFFFC0] =	vst v1;
	p0 =	slt.u32 s1, $0x198  }
0x29: {  	[tilespmem:s0+$0x30] =	vst v1  }
.Ltmp2:
0x2a: {  	[tilespmem:s0+$0x20] =	vst v1;
	(pc) =	sbr.rel @p0 .LBB2_2-.Ltmp2, $4  }
0x2b: {  	[tilespmem:s0+$0x10] =	vst v1  }
0x2c: {  	[tilespmem:s0+$0x0] =	vst v1  }
0x2d: {  	[tilespmem:s0+$0xFFFFFFF0] =	vst v1  }
0x2e: {  	[tilespmem:s0+$0xFFFFFFE0] =	vst v1  }
.Ltmp3:
0x2f: {  	(pc) =	sbr.rel .LBB2_4-.Ltmp3, $3  }
0x30: {  	_ =	sdelay $0x1  }
0x31: {  	[tilespmem:s0+$0xFFFFFFD0] =	vst v1  }
0x32: {  	s17 =	simm.s32 $0x0;
	[tilespmem:$0x19280] =	vst v2  }
.LBB2_131:
0x33: {  	s17 =	sadd.s32 $0x1, s17  }
0x34: {  	s0 =	sor.u32 s22, s20;
	p0 =	sne.s32 s17, $0x4  }
.Ltmp4:
0x35: {  	s0 =	sxor.u32 $0x80000000, s0;
	(pc) =	sbr.rel @!p0 .LBB2_132-.Ltmp4, $4  }
0x36: {  	v5 =	vmov s0  }
0x37: {  	v6 =	vxor.u32 $0x7FFFFFFF, v5;
	vm1 =	vlt.s32 v5, $0x0  }
0x38: {  	s31 =	sand.u32 $0x3FFFFFF0, s18;
	v5 =	vnsel vm1, s0, v6  }
0x39: {  	[tilespmem:s31+$0x1A400] =	vst v5  }
.LBB2_4:
0x3a: {  	s18 =	sshll.u32 s17, $0x4  }
0x3b: {  	s1 =	simm.s32 $0x0;
	s0 =	sadd.s32 s18, s3  }
0x3c: {  	[tilespmem:s1], [sflag:$0x1] =	stream.strided.gather [hbm4b:s0+s7], $0x8000, s8, s7, $0x38;
	[tilespmem:$0x1BE80] =	vst v63  }
0x3d: {  	_ =	swait.ge [sflag:s9], $0x8000  }
0x3e: {  	[sflag:s9] =	ssyncset.done $0x0  }
0x3f: {  	s0 =	simm.s32 $0x18040;
	[sflag:s9] =	ssyncadd.s32 $0xFFFF8000  }
0x40: {  	[tilespmem:s0+$0xFFFFFFC0] =	vst v2  }
0x41: {  	[tilespmem:s0+$0x30] =	vst v2  }
0x42: {  	[tilespmem:s0+$0x20] =	vst v2  }
0x43: {  	[tilespmem:s0+$0x10] =	vst v2  }
0x44: {  	[tilespmem:s0+$0x0] =	vst v2  }
0x45: {  	[tilespmem:s0+$0xFFFFFFF0] =	vst v2  }
0x46: {  	s4 =	simm.s32 $0x0;
	[tilespmem:s0+$0xFFFFFFE0] =	vst v2  }
.LBB2_5:
0x47: {  	s4 =	sadd.s32 $0x8, s4;
	[tilespmem:s0+$0xFFFFFFD0] =	vst v2;
	s0 =	sadd.s32 $0x80, s0;
	s1 =	simm.s32 $0x40  }
0x48: {  	[tilespmem:s0+$0xFFFFFFC0] =	vst v2;
	p0 =	slt.u32 s4, $0xF8  }
0x49: {  	[tilespmem:s0+$0x30] =	vst v2  }
.Ltmp5:
0x4a: {  	[tilespmem:s0+$0x20] =	vst v2;
	(pc) =	sbr.rel @p0 .LBB2_5-.Ltmp5, $4  }
0x4b: {  	[tilespmem:s0+$0x10] =	vst v2  }
0x4c: {  	[tilespmem:s0+$0x0] =	vst v2  }
0x4d: {  	[tilespmem:s0+$0xFFFFFFF0] =	vst v2  }
0x4e: {  	[tilespmem:s0+$0xFFFFFFE0] =	vst v2  }
0x4f: {  	[tilespmem:s0+$0xFFFFFFD0] =	vst v2  }
0x50: {  	v5 =	vld [tilespmem:s1+$0x30]  }
0x51: {  	v7 =	vld [tilespmem:s1+$0xFFFFFFE0]  }
0x52: {  	v8 =	vld [tilespmem:s1+$0x0]  }
0x53: {  	v6 =	vld [tilespmem:s1+$0xFFFFFFC0]  }
0x54: {  	v10 =	vld [tilespmem:s1+$0x20]  }
0x55: {  	v11 =	vld [tilespmem:s1+$0xFFFFFFF0];
	_ =	sdelay $0x1  }
0x56: {  	v9 =	vshra.s32 v7, $0x1F;
	v12 =	vshra.s32 v8, $0x1F;
	v13 =	vshra.s32 v5, $0x1F  }
0x57: {  	v9 =	vor.u32 $0x80000000, v9;
	v14 =	vor.u32 $0x80000000, v12;
	v12 =	vshra.s32 v6, $0x1F  }
0x58: {  	v13 =	vor.u32 $0x80000000, v13;
	v9 =	vxor.u32 v7, v9;
	v7 =	vld [tilespmem:s1+$0x10];
	v8 =	vxor.u32 v8, v14  }
0x59: {  	v14 =	vshra.s32 v10, $0x1F;
	v5 =	vxor.u32 v5, v13;
	v13 =	vshra.s32 v11, $0x1F  }
0x5a: {  	v8 =	vshrl.u32 v8, $0x14;
	v14 =	vor.u32 $0x80000000, v14;
	v5 =	vshrl.u32 v5, $0x14  }
0x5b: {  	v8 =	vand.u32 $0xFF0, v8;
	v14 =	vxor.u32 v10, v14;
	v15 =	vand.u32 $0xFF0, v5;
	v5 =	vld [tilespmem:s1+$0xFFFFFFD0]  }
0x5c: {  	v10 =	vor.u32 v0, v8;
	v8 =	vor.u32 $0x80000000, v13;
	v13 =	vshrl.u32 v14, $0x14  }
0x5d: {  	s0 =	simm.s32 $0x0;
	s1 =	simm.s32 $0xC0;
	v11 =	vxor.u32 v11, v8;
	v8 =	vor.u32 v0, v15;
	v14 =	vshra.s32 v7, $0x1F  }
.LBB2_7:
0x5e: {  	v15 =	vld [tilespmem:s1+$0x30];
	s0 =	sadd.s32 $0x8, s0;
	v12 =	vor.u32 $0x80000000, v12;
	v9 =	vshrl.u32 v9, $0x14;
	v14 =	vor.u32 $0x80000000, v14  }
0x5f: {  	v16 =	vld [tilespmem:s1+$0xFFFFFFE0];
	p0 =	slt.u32 s0, $0x7F8;
	v6 =	vxor.u32 v6, v12;
	v9 =	vand.u32 $0xFF0, v9;
	v7 =	vxor.u32 v7, v14  }
0x60: {  	v12 =	vshra.s32 v5, $0x1F;
	v14 =	vld [tilespmem:s1+$0x0];
	v17 =	vor.u32 v0, v9;
	v7 =	vshrl.u32 v7, $0x14  }
0x61: {  	v9 =	vor.u32 $0x80000000, v12;
	[tilespmem:v10+s10+$0x0] =	vst.idx.add.s32.msk $0xffff, v3;
	v7 =	vand.u32 $0xFF0, v7;
	v10 =	vand.u32 $0xFF0, v13  }
0x62: {  	v12 =	vshrl.u32 v6, $0x14;
	v13 =	vld [tilespmem:s1+$0x20];
	v18 =	vor.u32 v0, v7;
	v10 =	vor.u32 v0, v10  }
0x63: {  	v11 =	vshrl.u32 v11, $0x14;
	v9 =	vxor.u32 v5, v9;
	v7 =	vand.u32 $0xFF0, v12;
	v6 =	vld [tilespmem:s1+$0xFFFFFFC0]  }
0x64: {  	v19 =	vor.u32 v0, v7;
	v7 =	vand.u32 $0xFF0, v11;
	v5 =	vld [tilespmem:s1+$0xFFFFFFD0];
	v12 =	vshra.s32 v16, $0x1F  }
0x65: {  	v9 =	vshrl.u32 v9, $0x14;
	v20 =	vor.u32 v0, v7;
	v11 =	vor.u32 $0x80000000, v12;
	[tilespmem:v8+s10+$0x0] =	vst.idx.add.s32.msk $0xffff, v3  }
0x66: {  	v21 =	vshra.s32 v15, $0x1F;
	v7 =	vshra.s32 v14, $0x1F;
	v12 =	vand.u32 $0xFF0, v9;
	v8 =	vld [tilespmem:s1+$0xFFFFFFF0]  }
0x67: {  	v9 =	vxor.u32 v16, v11;
	v11 =	vor.u32 $0x80000000, v7;
	v16 =	vor.u32 v0, v12;
	v7 =	vld [tilespmem:s1+$0x10]  }
0x68: {  	v11 =	vxor.u32 v14, v11;
	v14 =	vshra.s32 v13, $0x1F;
	v12 =	vshra.s32 v6, $0x1F;
	[tilespmem:v10+s10+$0x0] =	vst.idx.add.s32.msk $0xffff, v3  }
.Ltmp6:
0x69: {  	v10 =	vshrl.u32 v11, $0x14;
	v11 =	vor.u32 $0x80000000, v14;
	v14 =	vor.u32 $0x80000000, v21;
	[tilespmem:v17+s10+$0x0] =	vst.idx.add.s32.msk $0xffff, v3;
	(pc) =	sbr.rel @p0 .LBB2_7-.Ltmp6, $4  }
0x6a: {  	v10 =	vand.u32 $0xFF0, v10;
	v11 =	vxor.u32 v13, v11;
	v13 =	vxor.u32 v15, v14;
	[tilespmem:v18+s10+$0x0] =	vst.idx.add.s32.msk $0xffff, v3  }
0x6b: {  	v10 =	vor.u32 v0, v10;
	v15 =	vshrl.u32 v13, $0x14;
	v14 =	vshra.s32 v8, $0x1F;
	[tilespmem:v19+s10+$0x0] =	vst.idx.add.s32.msk $0xffff, v3  }
0x6c: {  	v13 =	vshrl.u32 v11, $0x14;
	v15 =	vand.u32 $0xFF0, v15;
	v14 =	vor.u32 $0x80000000, v14;
	[tilespmem:v16+s10+$0x0] =	vst.idx.add.s32.msk $0xffff, v3  }
0x6d: {  	s1 =	sadd.s32 $0x80, s1;
	v11 =	vxor.u32 v8, v14;
	v14 =	vshra.s32 v7, $0x1F;
	v8 =	vor.u32 v0, v15;
	[tilespmem:v20+s10+$0x0] =	vst.idx.add.s32.msk $0xffff, v3  }
0x6e: {  	_ =	sdelay $0x2  }
0x6f: {  	v12 =	vor.u32 $0x80000000, v12;
	v9 =	vshrl.u32 v9, $0x14;
	v14 =	vor.u32 $0x80000000, v14  }
0x70: {  	v13 =	vand.u32 $0xFF0, v13;
	[tilespmem:v10+s10+$0x0] =	vst.idx.add.s32.msk $0xffff, v3;
	v10 =	vshrl.u32 v11, $0x14;
	v6 =	vxor.u32 v6, v12  }
0x71: {  	v9 =	vand.u32 $0xFF0, v9;
	v7 =	vxor.u32 v7, v14;
	v12 =	vshra.s32 v5, $0x1F  }
0x72: {  	v13 =	vor.u32 v0, v13;
	v10 =	vand.u32 $0xFF0, v10;
	v9 =	vor.u32 v0, v9  }
0x73: {  	v7 =	vshrl.u32 v7, $0x14;
	v12 =	vor.u32 $0x80000000, v12;
	v6 =	vshrl.u32 v6, $0x14  }
0x74: {  	[tilespmem:v8+s10+$0x0] =	vst.idx.add.s32.msk $0xffff, v3;
	v8 =	vor.u32 v0, v10;
	v7 =	vand.u32 $0xFF0, v7;
	v5 =	vxor.u32 v5, v12  }
0x75: {  	v6 =	vand.u32 $0xFF0, v6;
	v7 =	vor.u32 v0, v7;
	v5 =	vshrl.u32 v5, $0x14  }
0x76: {  	v6 =	vor.u32 v0, v6;
	v5 =	vand.u32 $0xFF0, v5  }
0x77: {  	v5 =	vor.u32 v0, v5;
	[tilespmem:v13+s10+$0x0] =	vst.idx.add.s32.msk $0xffff, v3  }
0x78: {  	[tilespmem:v9+s10+$0x0] =	vst.idx.add.s32.msk $0xffff, v3  }
0x79: {  	[tilespmem:v8+s10+$0x0] =	vst.idx.add.s32.msk $0xffff, v3  }
0x7a: {  	[tilespmem:v7+s10+$0x0] =	vst.idx.add.s32.msk $0xffff, v3  }
0x7b: {  	[tilespmem:v6+s10+$0x0] =	vst.idx.add.s32.msk $0xffff, v3  }
0x7c: {  	s1 =	simm.s32 $0x18040;
	[tilespmem:v5+s10+$0x0] =	vst.idx.add.s32.msk $0xffff, v3  }
0x7d: {  	v5 =	vld [tilespmem:s1+$0x30]  }
0x7e: {  	v6 =	vld [tilespmem:s1+$0xFFFFFFD0]  }
0x7f: {  	v7 =	vld [tilespmem:s1+$0xFFFFFFE0]  }
0x80: {  	v9 =	vld [tilespmem:s1+$0xFFFFFFF0]  }
0x81: {  	s0 =	simm.s32 $0x1;
	s4 =	simm.s32 $0x3;
	v13 =	vld [tilespmem:s1+$0x0]  }
0x82: {  	s29 =	simm.s32 $0x2;
	s31 =	simm.s32 $0x7;
	v11 =	vmov s4;
	v8 =	vmov s0;
	v15 =	vld [tilespmem:s1+$0x10];
	(xrf0) =	vadd.scan.msk.s32 $0xffff, v5  }
0x83: {  	v10 =	vmov s31;
	v12 =	vld [tilespmem:s1+$0x20];
	v5 =	vmov s29;
	(xrf0) =	vadd.scan.msk.s32 $0xffff, v6;
	v6 =	vand.u32 $0xFFFFFFF9, v8  }
0x84: {  	s14 =	simm.s32 $0x4;
	v5 =	vand.u32 $0xFFFFFFFA, v5;
	(xrf0) =	vadd.scan.msk.s32 $0xffff, v7;
	v8 =	vbroadcast v6, $0x0;
	v6 =	vand.u32 $0xFFFFFFFB, v11;
	v11 =	vld [tilespmem:s1+$0xFFFFFFC0]  }
0x85: {  	s30 =	simm.s32 $0x5;
	v14 =	vmov s14;
	v7 =	vbroadcast v5, $0x0;
	(xrf0) =	vadd.scan.msk.s32 $0xffff, v9  }
0x86: {  	s15 =	simm.s32 $0x6;
	v16 =	vmov s30;
	s4 =	simm.s32 $0x180C0;
	s14 =	simm.s32 $0x10;
	v5 =	vbroadcast v6, $0x0;
	v6 =	vand.u32 $0xFFFFFFFC, v14;
	(xrf0) =	vadd.scan.msk.s32 $0xffff, v13  }
0x87: {  	s0 =	simm.s32 $0x0;
	s1 =	simm.s32 $0x8;
	v9 =	vld [tilespmem:s4+$0x30];
	v14 =	vmov s15;
	s15 =	simm.s32 $0x0;
	v6 =	vbroadcast v6, $0x0;
	v13 =	vand.u32 $0xFFFFFFFD, v16;
	(xrf0) =	vadd.scan.msk.s32 $0xffff, v15  }
.LBB2_9:
0x88: {  	p0 =	slt.u32 s14, $0xF8;
	v15 =	vld [tilespmem:s4+$0xFFFFFFD0];
	v16 =	vmov s15;
	v13 =	vbroadcast v13, $0x0;
	v14 =	vand.u32 $0xFFFFFFFE, v14;
	(xrf0) =	vadd.scan.msk.s32 $0xffff, v12;
	v12, _, _ =	vpop (xrf0);
	s15 =	smov.u32 s1;
	s1 =	smov.u32 s14  }
0x89: {  	s19 =	sadd.s32 $0x1, s15;
	v17 =	vld [tilespmem:s4+$0xFFFFFFE0];
	v16 =	vand.u32 $0xFFFFFFF8, v16;
	v14 =	vbroadcast v14, $0x0;
	[tilespmem:v10+s11+$0x0] =	vst.idx.msk vm0, v12;
	(xrf0) =	vadd.scan.msk.s32 $0xffff, v11;
	v10, _, _ =	vpop (xrf0)  }
0x8a: {  	s20 =	sadd.s32 $0x3, s15;
	v11 =	vmov s19;
	s19 =	sadd.s32 $0x2, s15;
	v18 =	vld [tilespmem:s4+$0xFFFFFFF0];
	v16 =	vbroadcast v16, $0x0;
	[tilespmem:v8+s11+$0x0] =	vst.idx.msk vm0, v10;
	v8, _, _ =	vpop (xrf0)  }
0x8b: {  	v19 =	vmov s20;
	s20 =	sadd.s32 $0x5, s15;
	v10 =	vmov s19;
	v20 =	vld [tilespmem:s4+$0x0];
	s19 =	sadd.s32 $0x4, s15;
	[tilespmem:v7+s11+$0x0] =	vst.idx.msk vm0, v8;
	v7, _, _ =	vpop (xrf0)  }
0x8c: {  	v23 =	vmov s20;
	v21 =	vmov s19;
	v22 =	vld [tilespmem:s4+$0x10];
	(xrf0) =	vadd.scan.msk.s32 $0xffff, v9;
	[tilespmem:v5+s11+$0x0] =	vst.idx.msk vm0, v7;
	v5, _, _ =	vpop (xrf0)  }
.Ltmp7:
0x8d: {  	v7 =	vand.u32 $0xFFFFFFF9, v11;
	v24 =	vand.u32 $0xFFFFFFFA, v10;
	s19 =	sadd.s32 $0x7, s15;
	v12 =	vld [tilespmem:s4+$0x20];
	(xrf0) =	vadd.scan.msk.s32 $0xffff, v15;
	[tilespmem:v6+s11+$0x0] =	vst.idx.msk vm0, v5;
	v5, _, _ =	vpop (xrf0);
	(pc) =	sbr.rel @p0 .LBB2_9-.Ltmp7, $4  }
0x8e: {  	v8 =	vbroadcast v7, $0x0;
	v10 =	vmov s19;
	v11 =	vld [tilespmem:s4+$0xFFFFFFC0];
	(xrf0) =	vadd.scan.msk.s32 $0xffff, v17;
	[tilespmem:v13+s11+$0x0] =	vst.idx.msk vm0, v5;
	v5, _, _ =	vpop (xrf0)  }
0x8f: {  	v7 =	vbroadcast v24, $0x0;
	v6 =	vand.u32 $0xFFFFFFFB, v19;
	(xrf0) =	vadd.scan.msk.s32 $0xffff, v18;
	[tilespmem:v14+s11+$0x0] =	vst.idx.msk vm0, v5;
	v9, _, _ =	vpop (xrf0)  }
0x90: {  	s19 =	sadd.s32 $0x6, s15;
	s4 =	sadd.s32 $0x80, s4;
	v5 =	vbroadcast v6, $0x0;
	v6 =	vand.u32 $0xFFFFFFFC, v21;
	(xrf0) =	vadd.scan.msk.s32 $0xffff, v20;
	[tilespmem:v16+s11+$0x0] =	vst.idx.msk vm0, v9  }
0x91: {  	s14 =	sadd.s32 $0x8, s14;
	v13 =	vand.u32 $0xFFFFFFFD, v23;
	v14 =	vmov s19;
	v6 =	vbroadcast v6, $0x0;
	v9 =	vld [tilespmem:s4+$0x30];
	(xrf0) =	vadd.scan.msk.s32 $0xffff, v22  }
0x92: {  	_ =	sdelay $0x1  }
0x93: {  	v15 =	vld [tilespmem:s4+$0xFFFFFFD0];
	v16 =	vmov s15;
	v13 =	vbroadcast v13, $0x0  }
0x94: {  	v14 =	vand.u32 $0xFFFFFFFE, v14;
	(xrf0) =	vadd.scan.msk.s32 $0xffff, v12;
	v47, _, _ =	vpop (xrf0);
	s14 =	sadd.s32 $0x1, s1;
	v17 =	vld [tilespmem:s4+$0xFFFFFFE0];
	s24 =	sadd.s32 $0x2, s1;
	v61 =	vmov s1;
	v16 =	vand.u32 $0xFFFFFFF8, v16  }
0x95: {  	v50 =	vld [tilespmem:s4+$0xFFFFFFF0];
	s25 =	sadd.s32 $0x3, s1;
	s26 =	sadd.s32 $0x4, s1;
	v14 =	vbroadcast v14, $0x0;
	(xrf0) =	vadd.scan.msk.s32 $0xffff, v11;
	v48, _, _ =	vpop (xrf0);
	v49 =	vmov s14;
	v52 =	vmov s24  }
0x96: {  	v19 =	vld [tilespmem:s4+$0x0];
	s28 =	sadd.s32 $0x5, s1;
	s29 =	sadd.s32 $0x7, s1;
	v18 =	vmov s25;
	v53 =	vmov s26;
	v16 =	vbroadcast v16, $0x0;
	[tilespmem:v8+s11+$0x0] =	vst.idx.msk vm0, v48;
	v51, _, _ =	vpop (xrf0)  }
0x97: {  	v20 =	vld [tilespmem:s4+$0x10];
	s30 =	sadd.s32 $0x6, s1;
	v21 =	vmov s28;
	v56 =	vmov s29;
	[tilespmem:v7+s11+$0x0] =	vst.idx.msk vm0, v51;
	v7, _, _ =	vpop (xrf0);
	(xrf0) =	vadd.scan.msk.s32 $0xffff, v9  }
0x98: {  	v55 =	vld [tilespmem:s4+$0x20];
	v60 =	vmov s30;
	[tilespmem:v5+s11+$0x0] =	vst.idx.msk vm0, v7;
	v5, _, _ =	vpop (xrf0);
	v7 =	vand.u32 $0xFFFFFFF9, v49;
	(xrf0) =	vadd.scan.msk.s32 $0xffff, v15  }
0x99: {  	v54 =	vand.u32 $0xFFFFFFFA, v52;
	[tilespmem:v6+s11+$0x0] =	vst.idx.msk vm0, v5;
	v5, _, _ =	vpop (xrf0);
	v6 =	vld [tilespmem:s4+$0xFFFFFFC0];
	v7 =	vbroadcast v7, $0x0;
	(xrf0) =	vadd.scan.msk.s32 $0xffff, v17  }
0x9a: {  	v57 =	vand.u32 $0xFFFFFFFB, v18;
	v9 =	vbroadcast v54, $0x0;
	[tilespmem:v13+s11+$0x0] =	vst.idx.msk vm0, v5;
	v5, _, _ =	vpop (xrf0);
	(xrf0) =	vadd.scan.msk.s32 $0xffff, v50  }
0x9b: {  	v8 =	vand.u32 $0xFFFFFFFC, v53;
	v58 =	vbroadcast v57, $0x0;
	[tilespmem:v14+s11+$0x0] =	vst.idx.msk vm0, v5;
	v5, _, _ =	vpop (xrf0);
	(xrf0) =	vadd.scan.msk.s32 $0xffff, v19  }
0x9c: {  	v59 =	vand.u32 $0xFFFFFFFD, v21;
	[tilespmem:v16+s11+$0x0] =	vst.idx.msk vm0, v5;
	v5 =	vbroadcast v8, $0x0;
	(xrf0) =	vadd.scan.msk.s32 $0xffff, v20  }
0x9d: {  	[tilespmem:v10+s11+$0x0] =	vst.idx.msk vm0, v47;
	v13 =	vand.u32 $0xFFFFFFFE, v60;
	v8 =	vbroadcast v59, $0x0;
	(xrf0) =	vadd.scan.msk.s32 $0xffff, v55;
	v62, _, _ =	vpop (xrf0)  }
0x9e: {  	v14 =	vand.u32 $0xFFFFFFF8, v61;
	v13 =	vbroadcast v13, $0x0;
	[tilespmem:v56+s11+$0x0] =	vst.idx.msk vm0, v62;
	(xrf0) =	vadd.scan.msk.s32 $0xffff, v6;
	v6, _, _ =	vpop (xrf0)  }
0x9f: {  	v63 =	vbroadcast v14, $0x0;
	[tilespmem:v7+s11+$0x0] =	vst.idx.msk vm0, v6;
	v6, _, _ =	vpop (xrf0)  }
0xa0: {  	[tilespmem:v9+s11+$0x0] =	vst.idx.msk vm0, v6;
	v6, _, _ =	vpop (xrf0)  }
0xa1: {  	[tilespmem:v58+s11+$0x0] =	vst.idx.msk vm0, v6;
	v6, _, _ =	vpop (xrf0)  }
0xa2: {  	[tilespmem:v5+s11+$0x0] =	vst.idx.msk vm0, v6;
	v5, _, _ =	vpop (xrf0)  }
0xa3: {  	[tilespmem:v8+s11+$0x0] =	vst.idx.msk vm0, v5;
	v5, _, _ =	vpop (xrf0)  }
0xa4: {  	[tilespmem:v13+s11+$0x0] =	vst.idx.msk vm0, v5;
	v5, _, _ =	vpop (xrf0)  }
0xa5: {  	s31 =	simm.s32 $0xF0;
	[tilespmem:v63+s11+$0x0] =	vst.idx.msk vm0, v5  }
0xa6: {  	v5 =	vld [tilespmem:s31+$0x19000];
	_ =	sdelay $0x4  }
0xa7: {  	v5 =	vperm.xlane v5, v4;
	_ =	sdelay $0x1  }
0xa8: {  	(xrf0) =	vadd.scan.msk.s32 $0xffff, v5;
	_ =	sdelay $0x5  }
0xa9: {  	v5, _, _ =	vpop (xrf0)  }
0xaa: {  	v5 =	vperm.xlane v5, v4;
	_ =	sdelay $0x1  }
0xab: {  	v5 =	vadd.s32 s0, v5  }
0xac: {  	v6 =	vxor.u32 $0x80000000, v5  }
0xad: {  	(xrf0) =	vmax.scan.msk.u32 $0xffff, v6;
	_ =	sdelay $0x5  }
0xae: {  	v6, _, _ =	vpop (xrf0)  }
0xaf: {  	s1 =	simm.s32 $0xE0;
	s0 =	simm.s32 $0x340;
	[tilespmem:s31+$0x19180] =	vst v5;
	(v2sf) =	vpush v6, $0xF  }
.LBB2_11:
0xb0: {  	p0 =	sne.s32 s0, $0x0;
	v5 =	vld [tilespmem:s1+$0x19000];
	_ =	sdelay $0x4  }
0xb1: {  	v5 =	vperm.xlane v5, v4;
	_ =	sdelay $0x1  }
0xb2: {  	(xrf0) =	vadd.scan.msk.s32 $0xffff, v5;
	_ =	sdelay $0x5  }
0xb3: {  	v5, _, _ =	vpop (xrf0)  }
0xb4: {  	v5 =	vperm.xlane v5, v4;
	s4 =	spop (v2sf)  }
0xb5: {  	s4 =	sxor.u32 $0x80000000, s4  }
0xb6: {  	v5 =	vadd.s32 s4, v5  }
0xb7: {  	[tilespmem:s1+$0x19180] =	vst v5;
	v5 =	vxor.u32 $0x80000000, v5  }
0xb8: {  	(xrf0) =	vmax.scan.msk.u32 $0xffff, v5;
	_ =	sdelay $0x2  }
.Ltmp8:
0xb9: {  	(pc) =	sbr.rel @p0 .LBB2_11-.Ltmp8, $3  }
0xba: {  	_ =	sdelay $0x1  }
0xbb: {  	v5, _, _ =	vpop (xrf0)  }
0xbc: {  	s1 =	sshra.s32 s0, $0x2;
	s0 =	sadd.s32 $0xFFFFFFC0, s0;
	(v2sf) =	vpush v5, $0xF  }
0xbd: {  	v5 =	vld [tilespmem:s1+$0x19000];
	_ =	sdelay $0x4  }
0xbe: {  	v5 =	vperm.xlane v5, v4;
	_ =	sdelay $0x1  }
0xbf: {  	(xrf0) =	vadd.scan.msk.s32 $0xffff, v5;
	_ =	sdelay $0x5  }
0xc0: {  	v5, _, _ =	vpop (xrf0)  }
0xc1: {  	v5 =	vperm.xlane v5, v4;
	s0 =	spop (v2sf)  }
0xc2: {  	s0 =	sxor.u32 $0x80000000, s0  }
0xc3: {  	v5 =	vadd.s32 s0, v5  }
0xc4: {  	[tilespmem:s1+$0x19180] =	vst v5  }
0xc5: {  	v6 =	vld [tilespmem:$0x19180]  }
0xc6: {  	v7 =	vld [tilespmem:$0x19190]  }
0xc7: {  	v8 =	vld [tilespmem:$0x191A0]  }
0xc8: {  	v9 =	vld [tilespmem:$0x191B0]  }
0xc9: {  	v10 =	vld [tilespmem:$0x191C0]  }
0xca: {  	v5 =	vxor.u32 $0x80000000, v5;
	vm1 =	vgt.s32 v6, $0x666;
	v6 =	vld [tilespmem:$0x191D0]  }
0xcb: {  	(xrf0) =	vmax.scan.msk.u32 $0xffff, v5;
	v5 =	vsel vm1, $0x1, v2;
	vm1 =	vgt.s32 v7, $0x666;
	v7 =	vld [tilespmem:$0x191E0]  }
0xcc: {  	(xrf0) =	vadd.scan.msk.s32 $0xffff, v5;
	v5 =	vsel vm1, $0x1, v2;
	vm1 =	vgt.s32 v8, $0x666;
	v8 =	vld [tilespmem:$0x191F0]  }
0xcd: {  	(xrf0) =	vadd.scan.msk.s32 $0xffff, v5;
	v5 =	vsel vm1, $0x1, v2;
	vm1 =	vgt.s32 v9, $0x666;
	v9 =	vld [tilespmem:$0x19200]  }
0xce: {  	(xrf0) =	vadd.scan.msk.s32 $0xffff, v5;
	v5 =	vsel vm1, $0x1, v2;
	vm1 =	vgt.s32 v10, $0x666;
	v10 =	vld [tilespmem:$0x19210]  }
0xcf: {  	(xrf0) =	vadd.scan.msk.s32 $0xffff, v5;
	v5 =	vsel vm1, $0x1, v2;
	vm1 =	vgt.s32 v6, $0x666;
	v6 =	vld [tilespmem:$0x19220]  }
0xd0: {  	(xrf0) =	vadd.scan.msk.s32 $0xffff, v5;
	v5 =	vsel vm1, $0x1, v2;
	vm1 =	vgt.s32 v7, $0x666;
	v7 =	vld [tilespmem:$0x19230]  }
0xd1: {  	v11, _, _ =	vpop (xrf0);
	(xrf0) =	vadd.scan.msk.s32 $0xffff, v5;
	v5 =	vsel vm1, $0x1, v2;
	vm1 =	vgt.s32 v8, $0x666;
	v8 =	vld [tilespmem:$0x19240]  }
0xd2: {  	(v2sf) =	vpush v11, $0xF;
	v11, _, _ =	vpop (xrf0);
	(xrf0) =	vadd.scan.msk.s32 $0xffff, v5;
	v5 =	vsel vm1, $0x1, v2;
	vm1 =	vgt.s32 v9, $0x666;
	v9 =	vld [tilespmem:$0x19250]  }
0xd3: {  	(v2sf) =	vpush v11, $0xF;
	v11, _, _ =	vpop (xrf0);
	(xrf0) =	vadd.scan.msk.s32 $0xffff, v5;
	v5 =	vsel vm1, $0x1, v2;
	vm1 =	vgt.s32 v10, $0x666;
	v10 =	vld [tilespmem:$0x19260]  }
0xd4: {  	(v2sf) =	vpush v11, $0xF;
	v11, _, _ =	vpop (xrf0);
	(xrf0) =	vadd.scan.msk.s32 $0xffff, v5;
	v5 =	vsel vm1, $0x1, v2;
	vm1 =	vgt.s32 v6, $0x666;
	v6 =	vld [tilespmem:$0x19270]  }
0xd5: {  	(v2sf) =	vpush v11, $0xF;
	v11, _, _ =	vpop (xrf0);
	(xrf0) =	vadd.scan.msk.s32 $0xffff, v5;
	v5 =	vsel vm1, $0x1, v2;
	vm1 =	vgt.s32 v7, $0x666  }
0xd6: {  	(v2sf) =	vpush v11, $0xF;
	v7, _, _ =	vpop (xrf0);
	(xrf0) =	vadd.scan.msk.s32 $0xffff, v5;
	v5 =	vsel vm1, $0x1, v2;
	vm1 =	vgt.s32 v8, $0x666  }
0xd7: {  	(v2sf) =	vpush v7, $0xF;
	v7, _, _ =	vpop (xrf0);
	(xrf0) =	vadd.scan.msk.s32 $0xffff, v5;
	v5 =	vsel vm1, $0x1, v2;
	vm1 =	vgt.s32 v9, $0x666  }
0xd8: {  	(v2sf) =	vpush v7, $0xF;
	v7, _, _ =	vpop (xrf0);
	(xrf0) =	vadd.scan.msk.s32 $0xffff, v5;
	v5 =	vsel vm1, $0x1, v2;
	vm1 =	vgt.s32 v10, $0x666  }
0xd9: {  	(v2sf) =	vpush v7, $0xF;
	v7, _, _ =	vpop (xrf0);
	(xrf0) =	vadd.scan.msk.s32 $0xffff, v5;
	v5 =	vsel vm1, $0x1, v2;
	vm1 =	vgt.s32 v6, $0x666  }
0xda: {  	v6, _, _ =	vpop (xrf0);
	(xrf0) =	vadd.scan.msk.s32 $0xffff, v5;
	v5 =	vsel vm1, $0x1, v2  }
0xdb: {  	(v2sf) =	vpush v7, $0xF  }
0xdc: {  	(v2sf) =	vpush v6, $0xF;
	v6, _, _ =	vpop (xrf0);
	(xrf0) =	vadd.scan.msk.s32 $0xffff, v5  }
0xdd: {  	(v2sf) =	vpush v6, $0xF;
	v5, _, _ =	vpop (xrf0)  }
0xde: {  	v6, _, _ =	vpop (xrf0);
	(v2sf) =	vpush v5, $0xF  }
0xdf: {  	v5, _, _ =	vpop (xrf0);
	(v2sf) =	vpush v6, $0xF  }
0xe0: {  	v6, _, _ =	vpop (xrf0);
	(v2sf) =	vpush v5, $0xF  }
0xe1: {  	v5, _, _ =	vpop (xrf0);
	(v2sf) =	vpush v6, $0xF  }
0xe2: {  	s4 =	spop (v2sf);
	(v2sf) =	vpush v5, $0xF;
	v5, _, _ =	vpop (xrf0)  }
0xe3: {  	s0 =	spop (v2sf);
	(v2sf) =	vpush v5, $0xF  }
0xe4: {  	s5 =	spop (v2sf)  }
0xe5: {  	s4 =	spop (v2sf);
	s0 =	sadd.s32 s0, s5  }
0xe6: {  	s6 =	spop (v2sf);
	s0 =	sadd.s32 s0, s4  }
0xe7: {  	s14 =	spop (v2sf);
	s0 =	sadd.s32 s0, s6  }
0xe8: {  	s28 =	simm.s32 $0x20;
	s15 =	spop (v2sf);
	s0 =	sadd.s32 s0, s14  }
0xe9: {  	v11 =	vld [tilespmem:s28+$0xFFFFFFE0];
	s16 =	spop (v2sf);
	s0 =	sadd.s32 s0, s15  }
0xea: {  	v10 =	vld [tilespmem:s28+$0x0];
	s19 =	spop (v2sf);
	s0 =	sadd.s32 s0, s16  }
0xeb: {  	v7 =	vld [tilespmem:s28+$0xFFFFFFF0];
	s20 =	spop (v2sf);
	s0 =	sadd.s32 s0, s19  }
0xec: {  	s21 =	spop (v2sf);
	s0 =	sadd.s32 s0, s20  }
0xed: {  	v6 =	vld [tilespmem:s28+$0x10];
	s0 =	sadd.s32 s0, s21;
	s22 =	spop (v2sf)  }
0xee: {  	v16 =	vshra.s32 v11, $0x1F;
	s23 =	spop (v2sf);
	s0 =	sadd.s32 s0, s22  }
0xef: {  	v16 =	vor.u32 $0x80000000, v16;
	v15 =	vshra.s32 v10, $0x1F;
	s24 =	spop (v2sf);
	s0 =	sadd.s32 s0, s23  }
0xf0: {  	v11 =	vxor.u32 v11, v16;
	v15 =	vor.u32 $0x80000000, v15;
	v14 =	vshra.s32 v7, $0x1F;
	s25 =	spop (v2sf);
	s0 =	sadd.s32 s0, s24  }
0xf1: {  	v11 =	vshrl.u32 v11, $0x18;
	v10 =	vxor.u32 v10, v15;
	v14 =	vor.u32 $0x80000000, v14;
	s26 =	spop (v2sf);
	s0 =	sadd.s32 s0, s25  }
0xf2: {  	v17 =	vshrl.u32 v10, $0x18;
	v14 =	vxor.u32 v7, v14;
	v13 =	vshra.s32 v6, $0x1F;
	s14 =	simm.s32 $0x2;
	s0 =	sadd.s32 s0, s26;
	s29 =	spop (v2sf)  }
0xf3: {  	s31 =	simm.s32 $0x3;
	v14 =	vshrl.u32 v14, $0x18;
	v13 =	vor.u32 $0x80000000, v13;
	v12 =	vmov s14;
	s4 =	sadd.s32 s0, s29;
	s0 =	simm.s32 $0x0  }
0xf4: {  	v6 =	vxor.u32 v6, v13;
	v13 =	vmov s31;
	v5 =	vmov s0  }
0xf5: {  	s30 =	simm.s32 $0x1;
	v12 =	vand.u32 $0xFFFFFFFE, v12;
	v6 =	vshrl.u32 v6, $0x18;
	s22 =	sadd.s32 $0xFFFFFFFF, s4;
	v5 =	vand.u32 $0xFFFFFFFC, v5  }
0xf6: {  	v8 =	vmov s22;
	v9 =	vbroadcast v5, $0x0;
	v5 =	vmov s30  }
0xf7: {  	vm1 =	vgt.s32 v6, v8;
	vm2 =	veq.s32 v6, v8;
	vm4 =	vgt.s32 v11, v8  }
0xf8: {  	v7 =	vld [tilespmem:s4+$0x1917F];
	vm5 =	veq.s32 v11, v8;
	v5 =	vand.u32 $0xFFFFFFFD, v5;
	v63 =	vmpcnt.ones.xlane vm1  }
0xf9: {  	v6 =	vld [tilespmem:s4+$0x19180];
	s4 =	simm.s32 $0x60;
	vm3 =	veq.s32 v14, v8;
	v15 =	vmpcnt.ones.xlane vm2;
	v5 =	vbroadcast v5, $0x0  }
0xfa: {  	v10 =	vbroadcast v12, $0x0;
	v12 =	vld [tilespmem:s4+$0x10];
	vm2 =	vgt.s32 v14, v8;
	vm1 =	vgt.s32 v17, v8;
	[tilespmem:v13+s12+$0x0] =	vst.idx.msk $0x1, v63  }
0xfb: {  	s1 =	simm.s32 $0x4;
	s14 =	simm.s32 $0x8;
	v11 =	vld [tilespmem:s4+$0xFFFFFFF0];
	v14 =	vmpcnt.ones.xlane vm4;
	vm4 =	veq.s32 v17, v8;
	[tilespmem:v13+s13+$0x0] =	vst.idx.msk $0x1, v15;
	v13 =	vmpcnt.ones.xlane vm5  }
.LBB2_13:
0xfc: {  	p0 =	slt.u32 s14, $0x7FC;
	v15 =	vmov s1;
	v16 =	vld [tilespmem:s4+$0x0];
	v17 =	vmpcnt.ones.xlane vm2;
	v18 =	vmpcnt.ones.xlane vm3  }
0xfd: {  	s15 =	sadd.s32 $0x1, s1;
	s19 =	sadd.s32 $0x2, s1;
	v20 =	vmpcnt.ones.xlane vm4;
	v19 =	vld [tilespmem:s4+$0xFFFFFFE0];
	v15 =	vand.u32 $0xFFFFFFFC, v15;
	[tilespmem:v9+s12+$0x0] =	vst.idx.msk $0x1, v14;
	v14 =	vmpcnt.ones.xlane vm1  }
0xfe: {  	v21 =	vmov s15;
	v22 =	vmov s19;
	[tilespmem:v9+s13+$0x0] =	vst.idx.msk $0x1, v13;
	v9 =	vbroadcast v15, $0x0  }
0xff: {  	v13 =	vand.u32 $0xFFFFFFFD, v21;
	v15 =	vand.u32 $0xFFFFFFFE, v22;
	v21 =	vshra.s32 v12, $0x1F;
	[tilespmem:v5+s12+$0x0] =	vst.idx.msk $0x1, v17  }
0x100: {  	s15 =	sadd.s32 $0x3, s1;
	s1 =	smov.u32 s14;
	v17 =	vshra.s32 v11, $0x1F;
	v21 =	vor.u32 $0x80000000, v21;
	[tilespmem:v5+s13+$0x0] =	vst.idx.msk $0x1, v18;
	v5 =	vbroadcast v13, $0x0  }
0x101: {  	v18 =	vmov s15;
	v13 =	vshra.s32 v16, $0x1F;
	v12 =	vxor.u32 v12, v21;
	[tilespmem:v10+s12+$0x0] =	vst.idx.msk $0x1, v14  }
0x102: {  	v17 =	vor.u32 $0x80000000, v17;
	v14 =	vshra.s32 v19, $0x1F;
	v12 =	vshrl.u32 v12, $0x18;
	[tilespmem:v10+s13+$0x0] =	vst.idx.msk $0x1, v20  }
0x103: {  	v13 =	vor.u32 $0x80000000, v13;
	v10 =	vor.u32 $0x80000000, v14;
	vm1 =	vgt.s32 v12, v8  }
0x104: {  	vm2 =	veq.s32 v12, v8;
	v10 =	vxor.u32 v19, v10;
	v12 =	vmpcnt.ones.xlane vm1  }
.Ltmp9:
0x105: {  	v11 =	vxor.u32 v11, v17;
	v13 =	vxor.u32 v16, v13;
	v14 =	vmpcnt.ones.xlane vm2;
	(pc) =	sbr.rel @p0 .LBB2_13-.Ltmp9, $4  }
0x106: {  	v11 =	vshrl.u32 v11, $0x18;
	v16 =	vshrl.u32 v13, $0x18;
	v10 =	vshrl.u32 v10, $0x18;
	[tilespmem:v18+s12+$0x0] =	vst.idx.msk $0x1, v12  }
0x107: {  	s4 =	sadd.s32 $0x40, s4;
	vm4 =	vgt.s32 v10, v8;
	vm5 =	veq.s32 v10, v8;
	v10 =	vbroadcast v15, $0x0;
	[tilespmem:v18+s13+$0x0] =	vst.idx.msk $0x1, v14  }
0x108: {  	vm2 =	vgt.s32 v11, v8;
	vm3 =	veq.s32 v11, v8;
	vm1 =	vgt.s32 v16, v8;
	v12 =	vld [tilespmem:s4+$0x10]  }
0x109: {  	s14 =	sadd.s32 $0x4, s14;
	v14 =	vmpcnt.ones.xlane vm4;
	v13 =	vmpcnt.ones.xlane vm5;
	vm4 =	veq.s32 v16, v8;
	v11 =	vld [tilespmem:s4+$0xFFFFFFF0]  }
0x10a: {  	_ = 	snop  }
0x10b: {  	v16 =	vld [tilespmem:s4+$0x0];
	v17 =	vmpcnt.ones.xlane vm2;
	v18 =	vmpcnt.ones.xlane vm3  }
0x10c: {  	v15 =	vmov s1;
	v19 =	vld [tilespmem:s4+$0xFFFFFFE0];
	s29 =	sadd.s32 $0x1, s1;
	v20 =	vmpcnt.ones.xlane vm1;
	s14 =	sadd.s32 $0x2, s1;
	v21 =	vmpcnt.ones.xlane vm4  }
0x10d: {  	s30 =	sadd.s32 $0x3, s1;
	v15 =	vand.u32 $0xFFFFFFFC, v15;
	v22 =	vmov s29;
	v23 =	vmov s14  }
0x10e: {  	[tilespmem:v9+s12+$0x0] =	vst.idx.msk $0x1, v14;
	v59 =	vmov s30;
	v15 =	vbroadcast v15, $0x0;
	v22 =	vand.u32 $0xFFFFFFFD, v22  }
0x10f: {  	v55 =	vand.u32 $0xFFFFFFFE, v23;
	[tilespmem:v9+s13+$0x0] =	vst.idx.msk $0x1, v13;
	v24 =	vshra.s32 v12, $0x1F;
	v9 =	vbroadcast v22, $0x0  }
0x110: {  	v56 =	vshra.s32 v11, $0x1F;
	v24 =	vor.u32 $0x80000000, v24;
	v57 =	vshra.s32 v16, $0x1F  }
0x111: {  	[tilespmem:v5+s12+$0x0] =	vst.idx.msk $0x1, v17;
	v58 =	vxor.u32 v12, v24;
	v60 =	vshra.s32 v19, $0x1F;
	v23 =	vor.u32 $0x80000000, v56  }
0x112: {  	[tilespmem:v5+s13+$0x0] =	vst.idx.msk $0x1, v18;
	v5 =	vshrl.u32 v58, $0x18;
	v61 =	vor.u32 $0x80000000, v60;
	v13 =	vor.u32 $0x80000000, v57  }
0x113: {  	v11 =	vxor.u32 v11, v23;
	vm1 =	vgt.s32 v5, v8;
	v12 =	vxor.u32 v19, v61  }
0x114: {  	[tilespmem:v10+s12+$0x0] =	vst.idx.msk $0x1, v20;
	vm2 =	veq.s32 v5, v8;
	v5 =	vmpcnt.ones.xlane vm1;
	v12 =	vshrl.u32 v12, $0x18  }
0x115: {  	[tilespmem:v10+s13+$0x0] =	vst.idx.msk $0x1, v21;
	v11 =	vshrl.u32 v11, $0x18;
	v10 =	vmpcnt.ones.xlane vm2;
	vm1 =	vgt.s32 v12, v8  }
0x116: {  	vm2 =	veq.s32 v12, v8;
	[tilespmem:v59+s12+$0x0] =	vst.idx.msk $0x1, v5;
	v5 =	vbroadcast v55, $0x0;
	v62 =	vmpcnt.ones.xlane vm1  }
0x117: {  	v13 =	vxor.u32 v16, v13;
	vm1 =	vgt.s32 v11, v8;
	[tilespmem:v59+s13+$0x0] =	vst.idx.msk $0x1, v10;
	v10 =	vmpcnt.ones.xlane vm2  }
0x118: {  	v13 =	vshrl.u32 v13, $0x18;
	vm2 =	veq.s32 v11, v8;
	v11 =	vmpcnt.ones.xlane vm1;
	[tilespmem:v15+s12+$0x0] =	vst.idx.msk $0x1, v62  }
0x119: {  	vm1 =	vgt.s32 v13, v8;
	v63 =	vmpcnt.ones.xlane vm2;
	[tilespmem:v15+s13+$0x0] =	vst.idx.msk $0x1, v10  }
0x11a: {  	vm2 =	veq.s32 v13, v8;
	v10 =	vmpcnt.ones.xlane vm1;
	[tilespmem:v9+s12+$0x0] =	vst.idx.msk $0x1, v11  }
0x11b: {  	v11 =	vmpcnt.ones.xlane vm2;
	[tilespmem:v9+s13+$0x0] =	vst.idx.msk $0x1, v63  }
0x11c: {  	[tilespmem:v5+s12+$0x0] =	vst.idx.msk $0x1, v10  }
0x11d: {  	s31 =	simm.s32 $0x0;
	[tilespmem:v5+s13+$0x0] =	vst.idx.msk $0x1, v11  }
0x11e: {  	v5 =	vld [tilespmem:s31+$0x19300];
	_ =	sdelay $0x1  }
0x11f: {  	v9 =	vld [tilespmem:s31+$0x19B80];
	_ =	sdelay $0x2  }
0x120: {  	(xrf0) =	vadd.scan.msk.s32 $0xffff, v5;
	_ =	sdelay $0x1  }
0x121: {  	(xrf0) =	vadd.scan.msk.s32 $0xffff, v9;
	_ =	sdelay $0x3  }
0x122: {  	v10, _, _ =	vpop (xrf0)  }
0x123: {  	v5 =	vsub.s32 s0, v5;
	(v2sf) =	vpush v10, $0xF  }
0x124: {  	v5 =	vadd.s32 v10, v5;
	v10, _, _ =	vpop (xrf0)  }
0x125: {  	(v2sf) =	vpush v10, $0xF  }
0x126: {  	s1 =	simm.s32 $0x10;
	v9 =	vsub.s32 s0, v9;
	[tilespmem:s31+$0x19300] =	vst v5  }
0x127: {  	v9 =	vadd.s32 v10, v9;
	v5 =	vld [tilespmem:s1+$0x19300]  }
0x128: {  	[tilespmem:s31+$0x19B80] =	vst v9  }
0x129: {  	v9 =	vld [tilespmem:s1+$0x19B80];
	_ =	sdelay $0x2  }
0x12a: {  	(xrf0) =	vadd.scan.msk.s32 $0xffff, v5;
	_ =	sdelay $0x1  }
0x12b: {  	(xrf0) =	vadd.scan.msk.s32 $0xffff, v9;
	_ =	sdelay $0x3  }
0x12c: {  	s4 =	simm.s32 $0x0;
	s14 =	simm.s32 $0x80;
	v10, _, _ =	vpop (xrf0);
	s15 =	spop (v2sf)  }
.LBB2_15:
0x12d: {  	s0 =	sadd.s32 s0, s15  }
0x12e: {  	(v2sf) =	vpush v10, $0xF;
	v11, _, _ =	vpop (xrf0);
	s15 =	spop (v2sf);
	s19 =	smov.u32 s14;
	s20 =	sadd.s32 $0x40, s14  }
0x12f: {  	p0 =	seq.s32 s14, $0x1FC0;
	v5 =	vsub.s32 s0, v5;
	(v2sf) =	vpush v11, $0xF;
	s4 =	sadd.s32 s4, s15  }
0x130: {  	v5 =	vadd.s32 v10, v5;
	v9 =	vsub.s32 s4, v9  }
0x131: {  	s14 =	sshra.s32 s19, $0x2;
	[tilespmem:s1+$0x19300] =	vst v5;
	v9 =	vadd.s32 v11, v9  }
0x132: {  	v5 =	vld [tilespmem:s14+$0x19300];
	[tilespmem:s1+$0x19B80] =	vst v9;
	s1 =	smov.u32 s14  }
0x133: {  	v9 =	vld [tilespmem:s1+$0x19B80];
	_ =	sdelay $0x3  }
0x134: {  	(xrf0) =	vadd.scan.msk.s32 $0xffff, v5  }
0x135: {  	(xrf0) =	vadd.scan.msk.s32 $0xffff, v9  }
.Ltmp10:
0x136: {  	(pc) =	sbr.rel @!p0 .LBB2_15-.Ltmp10, $2  }
0x137: {  	_ =	sdelay $0x2  }
0x138: {  	s14 =	smov.u32 s20;
	v10, _, _ =	vpop (xrf0);
	s15 =	spop (v2sf)  }
0x139: {  	s0 =	sadd.s32 s0, s15;
	s14 =	spop (v2sf)  }
0x13a: {  	v5 =	vsub.s32 s0, v5;
	s14 =	sadd.s32 s4, s14  }
0x13b: {  	v11, _, _ =	vpop (xrf0);
	v5 =	vadd.s32 v10, v5;
	v9 =	vsub.s32 s14, v9  }
0x13c: {  	[tilespmem:s1+$0x19300] =	vst v5;
	v5 =	vadd.s32 v11, v9  }
0x13d: {  	s23 =	simm.s32 $0x19302;
	[tilespmem:s1+$0x19B80] =	vst v5  }
0x13e: {  	v9 =	vld [tilespmem:s23+$0x1];
	_ =	sdelay $0x2  }
0x13f: {  	(v2sf) =	vpush v10, $0xF  }
0x140: {  	(v2sf) =	vpush v11, $0xF;
	v10 =	vld [tilespmem:s23+$0xFFFFFFFF]  }
0x141: {  	v11 =	vld [tilespmem:s23+$0xFFFFFFFE];
	(v2sf) =	vpush v9, $0x0;
	_ =	sdelay $0x1  }
0x142: {  	s20 =	simm.s32 $0x20;
	v12 =	vld [tilespmem:s23+$0x0]  }
0x143: {  	v30 =	vld [tilespmem:s20+$0x10]  }
0x144: {  	(v2sf) =	vpush v10, $0x0  }
0x145: {  	s24 =	simm.s32 $0x19306;
	v17 =	vld [tilespmem:s20+$0xFFFFFFE0];
	(v2sf) =	vpush v11, $0x0  }
0x146: {  	v11 =	vld [tilespmem:s24+$0x1]  }
0x147: {  	v13 =	vld [tilespmem:s24+$0xFFFFFFFF]  }
0x148: {  	v9 =	vld [tilespmem:s20+$0xFFFFFFF0];
	(v2sf) =	vpush v12, $0x0;
	v12 =	vshra.s32 v30, $0x1F  }
0x149: {  	s0 =	smul.u32 $0x1A00, s17;
	v15 =	vld [tilespmem:s24+$0xFFFFFFFE];
	v12 =	vor.u32 $0x80000000, v12  }
0x14a: {  	v10 =	vld [tilespmem:s20+$0x0];
	v12 =	vxor.u32 v30, v12  }
0x14b: {  	s0 =	sshra.s32 s0, $0x2;
	v26 =	vshrl.u32 v12, $0x18;
	v12 =	vshra.s32 v17, $0x1F;
	(v2sf) =	vpush v11, $0x0  }
0x14c: {  	s26 =	simm.s32 $0x1930A;
	s19 =	sadd.s32 $0x1A480, s0;
	v19 =	vld [tilespmem:s24+$0x0];
	vm1 =	vgt.s32 v26, v8;
	v12 =	vor.u32 $0x80000000, v12  }
0x14d: {  	s25 =	simm.s32 $0x60;
	v5 =	vmov s19;
	v23 =	vld [tilespmem:s26+$0xFFFFFFFF];
	s15 =	spop (v2sf);
	v14 =	vshra.s32 v9, $0x1F;
	v12 =	vxor.u32 v17, v12  }
0x14e: {  	s16 =	spop (v2sf);
	v18 =	vor.u32 $0x80000000, v14;
	(v2sf) =	vpush v13, $0x0;
	v14 =	vshrl.u32 v12, $0x18;
	v12 =	vld [tilespmem:s25+$0x10]  }
0x14f: {  	v24 =	vld [tilespmem:s26+$0xFFFFFFFE];
	v16 =	vshra.s32 v10, $0x1F;
	(v2sf) =	vpush v15, $0x0;
	s4 =	spop (v2sf)  }
0x150: {  	v27 =	vld [tilespmem:s26+$0x0];
	v18 =	vxor.u32 v9, v18;
	v20 =	vor.u32 $0x80000000, v16;
	p0 =	slt.s32 s4, $0x670  }
0x151: {  	v16 =	vshrl.u32 v18, $0x18;
	v18 =	vxor.u32 v10, v20;
	v20 =	vld [tilespmem:s26+$0x1];
	vm2 =	vgt.s32 v14, v8;
	s4 =	simm.s32 @!p0 $0x670  }
0x152: {  	s21 =	simm.s32 $0x19B82;
	v15 =	vld [tilespmem:s25+$0xFFFFFFE0];
	vm3 =	vgt.s32 v16, v8;
	[tilespmem:v5+s4+$0x0 ss:$0x1] =	vst.idx.msk vm1, v30  }
0x153: {  	s29 =	simm.s32 $0x1930E;
	v18 =	vshrl.u32 v18, $0x18;
	(v2sf) =	vpush v19, $0x0;
	v19 =	vshra.s32 v12, $0x1F;
	s14 =	spop (v2sf);
	v21 =	vld [tilespmem:s21+$0x1]  }
0x154: {  	v33 =	vld [tilespmem:s29+$0x1];
	v19 =	vor.u32 $0x80000000, v19;
	s4 =	spop (v2sf);
	vm1 =	vgt.s32 v18, v8  }
0x155: {  	v11 =	vld [tilespmem:s25+$0xFFFFFFF0];
	v19 =	vxor.u32 v12, v19;
	p0 =	slt.s32 s4, $0x670  }
0x156: {  	s28 =	simm.s32 $0xA0;
	v13 =	vld [tilespmem:s25+$0x0];
	(v2sf) =	vpush v20, $0x0;
	v22 =	vshrl.u32 v19, $0x18;
	s4 =	simm.s32 @!p0 $0x670;
	p0 =	slt.s32 s14, $0x670  }
0x157: {  	v20 =	vshra.s32 v15, $0x1F;
	v19 =	vld [tilespmem:s28+$0xFFFFFFF0];
	s1 =	spop (v2sf);
	[tilespmem:v5+s4+$0x0 ss:$0x1] =	vst.idx.msk vm2, v17;
	s14 =	simm.s32 @!p0 $0x670;
	vm2 =	vgt.s32 v22, v8  }
0x158: {  	v20 =	vor.u32 $0x80000000, v20;
	p0 =	slt.s32 s1, $0x670;
	v29 =	vld [tilespmem:s21+$0xFFFFFFFE];
	[tilespmem:v5+s14+$0x0 ss:$0x1] =	vst.idx.msk vm3, v9;
	(v2sf) =	vpush v21, $0x0  }
0x159: {  	s1 =	simm.s32 @!p0 $0x670;
	v31 =	vld [tilespmem:s21+$0xFFFFFFFF];
	(v2sf) =	vpush v23, $0x0;
	v23 =	vxor.u32 v15, v20  }
0x15a: {  	v21 =	vshra.s32 v11, $0x1F;
	[tilespmem:v5+s1+$0x0 ss:$0x1] =	vst.idx.msk vm1, v10;
	s1 =	spop (v2sf);
	v20 =	vld [tilespmem:s28+$0x10];
	(v2sf) =	vpush v24, $0x0;
	v24 =	vshrl.u32 v23, $0x18  }
0x15b: {  	v21 =	vor.u32 $0x80000000, v21;
	v32 =	vld [tilespmem:s21+$0x0];
	p0 =	slt.s32 s1, $0x670;
	vm3 =	vgt.s32 v24, v8  }
0x15c: {  	v23 =	vshra.s32 v13, $0x1F;
	v25 =	vxor.u32 v11, v21;
	v21 =	vld [tilespmem:s28+$0x0];
	s1 =	simm.s32 @!p0 $0x670;
	(v2sf) =	vpush v27, $0x0  }
0x15d: {  	s30 =	simm.s32 $0x19B86;
	vm4 =	veq.s32 v26, v8;
	s4 =	spop (v2sf);
	v28 =	vor.u32 $0x80000000, v23;
	v23 =	vld [tilespmem:s28+$0xFFFFFFE0];
	[tilespmem:v5+s1+$0x0 ss:$0x1] =	vst.idx.msk vm2, v12  }
0x15e: {  	v25 =	vshrl.u32 v25, $0x18;
	s1 =	spop (v2sf);
	v28 =	vxor.u32 v13, v28;
	v34 =	vld [tilespmem:s30+$0x1];
	(v2sf) =	vpush v29, $0x0  }
0x15f: {  	v35 =	vshra.s32 v19, $0x1F;
	vm1 =	vgt.s32 v25, v8;
	p0 =	slt.s32 s1, $0x670;
	v29 =	vld [tilespmem:s29+$0xFFFFFFFF];
	v28 =	vshrl.u32 v28, $0x18  }
0x160: {  	v36 =	vld [tilespmem:s29+$0xFFFFFFFE];
	s1 =	simm.s32 @!p0 $0x670;
	(v2sf) =	vpush v31, $0x0;
	v27 =	vshra.s32 v20, $0x1F;
	vm2 =	vgt.s32 v28, v8  }
0x161: {  	v37 =	vld [tilespmem:s29+$0x0];
	(v2sf) =	vpush v32, $0x0;
	v27 =	vor.u32 $0x80000000, v27;
	v31 =	vshra.s32 v21, $0x1F;
	[tilespmem:v5+s1+$0x0 ss:$0x1] =	vst.idx.msk vm3, v15  }
0x162: {  	(v2sf) =	vpush v33, $0x0;
	v27 =	vxor.u32 v20, v27;
	v26 =	vshra.s32 v23, $0x1F;
	v38 =	vld [tilespmem:s30+$0xFFFFFFFE]  }
0x163: {  	p0 =	slt.s32 s4, $0x670;
	v39 =	vor.u32 $0x80000000, v31;
	v27 =	vshrl.u32 v27, $0x18;
	(v2sf) =	vpush v34, $0x0  }
0x164: {  	s0 =	spop (v2sf);
	s4 =	simm.s32 @!p0 $0x670;
	s1 =	simm.s32 $0xE0;
	v31 =	vor.u32 $0x80000000, v26;
	vm3 =	vgt.s32 v27, v8;
	(v2sf) =	vpush v29, $0x0  }
0x165: {  	v62 =	vor.u32 $0x80000000, v35;
	p0 =	slt.s32 s0, $0x670;
	s19 =	spop (v2sf);
	[tilespmem:v5+s4+$0x0 ss:$0x1] =	vst.idx.msk vm1, v11;
	v26 =	vld [tilespmem:s1+$0xFFFFFFF0];
	v31 =	vxor.u32 v23, v31;
	(v2sf) =	vpush v36, $0x0  }
0x166: {  	s0 =	simm.s32 @!p0 $0x670;
	v29 =	vxor.u32 v19, v62;
	v35 =	vld [tilespmem:s30+$0xFFFFFFFF];
	v32 =	vshrl.u32 v31, $0x18;
	(v2sf) =	vpush v37, $0x0  }
0x167: {  	v31 =	vld [tilespmem:s1+$0x10];
	v34 =	vshrl.u32 v29, $0x18;
	[tilespmem:v5+s0+$0x0 ss:$0x1] =	vst.idx.msk vm2, v13;
	vm1 =	vgt.s32 v32, v8;
	(v2sf) =	vpush v38, $0x0  }
0x168: {  	p0 =	slt.s32 s19, $0x670;
	vm2 =	vgt.s32 v34, v8;
	v36 =	vld [tilespmem:s30+$0x0];
	s31 =	spop (v2sf)  }
0x169: {  	s14 =	simm.s32 $0x19312;
	s19 =	simm.s32 @!p0 $0x670;
	v63 =	vxor.u32 v21, v39;
	v29 =	vld [tilespmem:s1+$0x0];
	s15 =	spop (v2sf);
	[tilespmem:s31+$0x8000] =	vst.msk vm4, v30  }
0x16a: {  	s4 =	simm.s32 $0xC;
	v33 =	vshrl.u32 v63, $0x18;
	s0 =	simm.s32 $0x19B8A;
	v37 =	vshra.s32 v26, $0x1F;
	v30 =	vld [tilespmem:s1+$0xFFFFFFE0];
	[tilespmem:v5+s19+$0x0 ss:$0x1] =	vst.idx.msk vm3, v20;
	s19 =	spop (v2sf)  }
.LBB2_17:
0x16b: {  	v38 =	vld [tilespmem:s14+$0x1];
	p0 =	slt.s32 s19, $0x670;
	p1 =	slt.s32 s15, $0x670;
	s20 =	spop (v2sf);
	vm7 =	veq.s32 v16, v8;
	vm4 =	veq.s32 v18, v8;
	v16 =	vmovc v25;
	v25 =	vmovc v34;
	v18 =	vmov v28  }
0x16c: {  	vm6 =	veq.s32 v14, v8;
	v14 =	vmovc v24;
	v24 =	vmovc v32;
	v28 =	vshra.s32 v31, $0x1F;
	s19 =	simm.s32 @!p0 $0x670;
	s15 =	simm.s32 @!p1 $0x670;
	p0 =	slt.s32 s20, $0x670;
	v34 =	vld [tilespmem:s0+$0x1];
	(v2sf) =	vpush v35, $0x0  }
0x16d: {  	s4 =	sadd.s32 $0x4, s4;
	vm5 =	vgt.s32 v33, v8;
	v39 =	vmovc v31;
	v32 =	vld [tilespmem:s14+$0xFFFFFFFF];
	v43 =	vor.u32 $0x80000000, v28;
	[tilespmem:v5+s19+$0x0 ss:$0x1] =	vst.idx.msk vm1, v23;
	s20 =	simm.s32 @!p0 $0x670;
	(v2sf) =	vpush v36, $0x0;
	s19 =	spop (v2sf)  }
0x16e: {  	vm3 =	veq.s32 v22, v8;
	p0 =	slt.u32 s4, $0x7FC;
	v36 =	vld [tilespmem:s14+$0xFFFFFFFE];
	v31 =	vshra.s32 v29, $0x1F;
	v42 =	vxor.u32 v39, v43;
	[tilespmem:v5+s15+$0x0 ss:$0x1] =	vst.idx.msk vm2, v19  }
0x16f: {  	v22 =	vmovc v27;
	v40 =	vld [tilespmem:s14+$0x0];
	v35 =	vshra.s32 v30, $0x1F;
	v41 =	vor.u32 $0x80000000, v31;
	[tilespmem:s19+$0x8000] =	vst.msk vm6, v17;
	s15 =	spop (v2sf);
	v27 =	vshrl.u32 v42, $0x18;
	v28 =	vmovc v33  }
0x170: {  	s1 =	sadd.s32 $0x40, s1;
	(v2sf) =	vpush v38, $0x0;
	v17 =	vor.u32 $0x80000000, v35;
	vm6 =	vgt.s32 v27, v8;
	v38 =	vld [tilespmem:s0+$0xFFFFFFFE];
	[tilespmem:s15+$0x8000] =	vst.msk vm7, v9;
	s15 =	spop (v2sf);
	v9 =	vmovc v11;
	v11 =	vmovc v19  }
0x171: {  	v31 =	vor.u32 $0x80000000, v37;
	v19 =	vmovc v26;
	v42 =	vxor.u32 v30, v17;
	(v2sf) =	vpush v34, $0x0;
	[tilespmem:s15+$0x8000] =	vst.msk vm4, v10;
	v26 =	vld [tilespmem:s1+$0xFFFFFFF0];
	v10 =	vmovc v13  }
.Ltmp11:
0x172: {  	v33 =	vxor.u32 v19, v31;
	v13 =	vmovc v21;
	v21 =	vmovc v29;
	(v2sf) =	vpush v32, $0x0;
	v32 =	vshrl.u32 v42, $0x18;
	v35 =	vld [tilespmem:s0+$0xFFFFFFFF];
	(pc) =	sbr.rel @p0 .LBB2_17-.Ltmp11, $4  }
0x173: {  	v34 =	vshrl.u32 v33, $0x18;
	v31 =	vld [tilespmem:s1+$0x10];
	(v2sf) =	vpush v36, $0x0;
	vm1 =	vgt.s32 v32, v8;
	s19 =	spop (v2sf);
	[tilespmem:v5+s20+$0x0 ss:$0x1] =	vst.idx.msk vm5, v13;
	v17 =	vmovc v15  }
0x174: {  	v33 =	vxor.u32 v21, v41;
	vm2 =	vgt.s32 v34, v8;
	v15 =	vmovc v23;
	v23 =	vmovc v30;
	(v2sf) =	vpush v40, $0x0;
	p1 =	slt.s32 s19, $0x670;
	v36 =	vld [tilespmem:s0+$0x0];
	s20 =	spop (v2sf)  }
0x175: {  	v33 =	vshrl.u32 v33, $0x18;
	v29 =	vld [tilespmem:s1+$0x0];
	s19 =	simm.s32 @!p1 $0x670;
	s15 =	spop (v2sf);
	[tilespmem:s20+$0x8000] =	vst.msk vm3, v12;
	v12 =	vmov v20;
	v20 =	vmov v39  }
0x176: {  	s14 =	sadd.s32 $0x4, s14;
	s0 =	sadd.s32 $0x4, s0;
	v30 =	vld [tilespmem:s1+$0xFFFFFFE0];
	v37 =	vshra.s32 v26, $0x1F;
	[tilespmem:v5+s19+$0x0 ss:$0x1] =	vst.idx.msk vm6, v20;
	s19 =	spop (v2sf);
	(v2sf) =	vpush v38, $0x0  }
0x177: {  	_ =	sdelay $0x2  }
0x178: {  	vm3 =	vgt.s32 v33, v8;
	v38 =	vshra.s32 v31, $0x1F  }
0x179: {  	s4 =	spop (v2sf);
	v37 =	vor.u32 $0x80000000, v37;
	v38 =	vor.u32 $0x80000000, v38;
	v40 =	vshra.s32 v30, $0x1F  }
0x17a: {  	s1 =	spop (v2sf);
	v37 =	vxor.u32 v26, v37;
	v38 =	vxor.u32 v31, v38;
	v40 =	vor.u32 $0x80000000, v40  }
0x17b: {  	v39 =	vshra.s32 v29, $0x1F;
	v38 =	vshrl.u32 v38, $0x18;
	s14 =	spop (v2sf);
	v40 =	vxor.u32 v30, v40  }
0x17c: {  	v39 =	vor.u32 $0x80000000, v39;
	vm4 =	vgt.s32 v38, v8;
	s20 =	spop (v2sf);
	v40 =	vshrl.u32 v40, $0x18  }
0x17d: {  	p0 =	slt.s32 s19, $0x670;
	v37 =	vshrl.u32 v37, $0x18;
	v39 =	vxor.u32 v29, v39;
	vm5 =	vgt.s32 v40, v8;
	s21 =	spop (v2sf)  }
0x17e: {  	p1 =	slt.s32 s15, $0x670;
	s19 =	simm.s32 @!p0 $0x670;
	vm6 =	vgt.s32 v37, v8;
	v39 =	vshrl.u32 v39, $0x18;
	s23 =	spop (v2sf)  }
0x17f: {  	v41 =	vld [tilespmem:s0+$0x1];
	s15 =	simm.s32 @!p1 $0x670;
	p0 =	slt.s32 s4, $0x670;
	[tilespmem:v5+s19+$0x0 ss:$0x1] =	vst.idx.msk vm1, v23;
	vm1 =	vgt.s32 v39, v8;
	s19 =	spop (v2sf)  }
0x180: {  	[tilespmem:v5+s15+$0x0 ss:$0x1] =	vst.idx.msk vm2, v19;
	s4 =	simm.s32 @!p0 $0x670;
	v42 =	vld [tilespmem:s0+$0xFFFFFFFE];
	p0 =	slt.s32 s21, $0x670;
	s15 =	spop (v2sf)  }
0x181: {  	s16 =	sadd.s32 $0x4, s0;
	v43 =	vld [tilespmem:s0+$0xFFFFFFFF];
	[tilespmem:v5+s4+$0x0 ss:$0x1] =	vst.idx.msk vm3, v21;
	s21 =	simm.s32 @!p0 $0x670;
	p0 =	slt.s32 s15, $0x670  }
0x182: {  	(v2sf) =	vpush v35, $0x0;
	v60 =	vld [tilespmem:s0+$0x0];
	[tilespmem:v5+s21+$0x0 ss:$0x1] =	vst.idx.msk vm4, v31;
	p1 =	slt.s32 s19, $0x670;
	s0 =	spop (v2sf);
	s15 =	simm.s32 @!p0 $0x670  }
0x183: {  	(v2sf) =	vpush v36, $0x0;
	s19 =	simm.s32 @!p1 $0x670;
	v61 =	vld [tilespmem:s16+$0x1];
	p0 =	slt.s32 s0, $0x670;
	[tilespmem:v5+s15+$0x0 ss:$0x1] =	vst.idx.msk vm5, v30  }
0x184: {  	(v2sf) =	vpush v41, $0x0;
	[tilespmem:v5+s19+$0x0 ss:$0x1] =	vst.idx.msk vm6, v26;
	s0 =	simm.s32 @!p0 $0x670;
	v62 =	vld [tilespmem:s16+$0xFFFFFFFE]  }
0x185: {  	(v2sf) =	vpush v42, $0x0;
	v63 =	vld [tilespmem:s16+$0xFFFFFFFF];
	[tilespmem:v5+s0+$0x0 ss:$0x1] =	vst.idx.msk vm1, v29  }
0x186: {  	(v2sf) =	vpush v43, $0x0;
	v44 =	vld [tilespmem:s16+$0x0]  }
0x187: {  	(v2sf) =	vpush v60, $0x0  }
0x188: {  	(v2sf) =	vpush v61, $0x0  }
0x189: {  	(v2sf) =	vpush v62, $0x0  }
0x18a: {  	(v2sf) =	vpush v63, $0x0  }
0x18b: {  	(v2sf) =	vpush v44, $0x0  }
0x18c: {  	vm2 =	veq.s32 v16, v8  }
0x18d: {  	[tilespmem:s14+$0x8000] =	vst.msk vm2, v9;
	vm2 =	veq.s32 v22, v8  }
0x18e: {  	[tilespmem:s23+$0x8000] =	vst.msk vm2, v12;
	vm1 =	veq.s32 v14, v8  }
0x18f: {  	[tilespmem:s1+$0x8000] =	vst.msk vm1, v17;
	vm1 =	veq.s32 v18, v8  }
0x190: {  	s19 =	spop (v2sf);
	[tilespmem:s20+$0x8000] =	vst.msk vm1, v10;
	vm1 =	veq.s32 v24, v8  }
0x191: {  	vm2 =	veq.s32 v25, v8;
	s20 =	spop (v2sf);
	[tilespmem:s19+$0x8000] =	vst.msk vm1, v15  }
0x192: {  	vm1 =	veq.s32 v28, v8;
	[tilespmem:s20+$0x8000] =	vst.msk vm2, v11;
	s21 =	spop (v2sf)  }
0x193: {  	vm2 =	veq.s32 v27, v8;
	[tilespmem:s21+$0x8000] =	vst.msk vm1, v13;
	s23 =	spop (v2sf)  }
0x194: {  	vm1 =	veq.s32 v32, v8;
	[tilespmem:s23+$0x8000] =	vst.msk vm2, v20;
	s24 =	spop (v2sf)  }
0x195: {  	vm2 =	veq.s32 v34, v8;
	[tilespmem:s24+$0x8000] =	vst.msk vm1, v23;
	s25 =	spop (v2sf)  }
0x196: {  	vm1 =	veq.s32 v33, v8;
	[tilespmem:s25+$0x8000] =	vst.msk vm2, v19;
	s26 =	spop (v2sf)  }
0x197: {  	vm2 =	veq.s32 v38, v8;
	[tilespmem:s26+$0x8000] =	vst.msk vm1, v21;
	s28 =	spop (v2sf)  }
0x198: {  	vm1 =	veq.s32 v40, v8;
	[tilespmem:s28+$0x8000] =	vst.msk vm2, v31;
	s29 =	spop (v2sf)  }
0x199: {  	vm2 =	veq.s32 v37, v8;
	[tilespmem:s29+$0x8000] =	vst.msk vm1, v30;
	s30 =	spop (v2sf)  }
0x19a: {  	vm1 =	veq.s32 v39, v8;
	[tilespmem:s30+$0x8000] =	vst.msk vm2, v26;
	s31 =	spop (v2sf)  }
0x19b: {  	s1 =	simm.s32 $0x18040;
	[tilespmem:s31+$0x8000] =	vst.msk vm1, v29  }
0x19c: {  	[tilespmem:s1+$0xFFFFFFC0] =	vst v2  }
0x19d: {  	p0 =	por $0x1, $0x1;
	[tilespmem:s1+$0x30] =	vst v2  }
.Ltmp12:
0x19e: {  	[tilespmem:s1+$0x20] =	vst v2;
	(pc) =	sbr.rel @!p0 .LBB2_20-.Ltmp12, $4  }
0x19f: {  	[tilespmem:s1+$0x10] =	vst v2  }
0x1a0: {  	[tilespmem:s1+$0x0] =	vst v2  }
0x1a1: {  	[tilespmem:s1+$0xFFFFFFF0] =	vst v2  }
0x1a2: {  	s0 =	simm.s32 $0x0;
	[tilespmem:s1+$0xFFFFFFE0] =	vst v2  }
.LBB2_19:
0x1a3: {  	s0 =	sadd.s32 $0x8, s0;
	[tilespmem:s1+$0xFFFFFFD0] =	vst v2;
	s1 =	sadd.s32 $0x80, s1  }
0x1a4: {  	[tilespmem:s1+$0xFFFFFFC0] =	vst v2;
	p0 =	slt.u32 s0, $0xF8  }
0x1a5: {  	[tilespmem:s1+$0x30] =	vst v2  }
.Ltmp13:
0x1a6: {  	[tilespmem:s1+$0x20] =	vst v2;
	(pc) =	sbr.rel @p0 .LBB2_19-.Ltmp13, $4  }
0x1a7: {  	[tilespmem:s1+$0x10] =	vst v2  }
0x1a8: {  	[tilespmem:s1+$0x0] =	vst v2  }
0x1a9: {  	[tilespmem:s1+$0xFFFFFFF0] =	vst v2  }
0x1aa: {  	[tilespmem:s1+$0xFFFFFFE0] =	vst v2  }
.LBB2_20:
0x1ab: {  	(v2sf) =	vpush v6, $0x0  }
0x1ac: {  	(v2sf) =	vpush v7, $0x0;
	_ =	sdelay $0xd  }
0x1ad: {  	s19 =	spop (v2sf)  }
0x1ae: {  	s0 =	spop (v2sf)  }
0x1af: {  	s4 =	ssub.s32 s0, s19  }
0x1b0: {  	s0 =	sadd.s32 $0xF, s4  }
0x1b1: {  	s14 =	sand.u32 $0xF, s0  }
0x1b2: {  	s31 =	sshra.s32 s0, $0x1F;
	p1 =	slt.s32 s0, $0x1;
	p0 =	sne.s32 s14, $0x0  }
0x1b3: {  	s14 =	sshrl.u32 s31, $0x1C;
	p0 =	por !p1, !p0  }
0x1b4: {  	s0 =	sadd.s32 s14, s0;
	s14 =	simm.s32 $0x1;
	p0 =	por !p0, !p0  }
0x1b5: {  	s0 =	sshra.s32 s0, $0x4;
	s14 =	simm.s32 @!p0 $0x0  }
0x1b6: {  	s20 =	ssub.s32 s0, s14  }
0x1b7: {  	s0 =	sshrl.u32 s20, $0x1D  }
0x1b8: {  	s0 =	sadd.s32 s0, s20  }
0x1b9: {  	s0 =	sand.u32 $0xFFFFFFF8, s0  }
0x1ba: {  	p0 =	slt.s32 s0, $0x1  }
.Ltmp14:
0x1bb: {  	_ = 	snop;
	(pc) =	sbr.rel @p0 .LBB2_24-.Ltmp14, $2  }
0x1bc: {  	_ =	sdelay $0x2  }
0x1bd: {  	[tilespmem:s1+$0xFFFFFFD0] =	vst v2;
	v6 =	vmov s4  }
0x1be: {  	s4 =	simm.s32 $0x8040  }
0x1bf: {  	v7 =	vld [tilespmem:s4+$0x30]  }
0x1c0: {  	v8 =	vld [tilespmem:s4+$0xFFFFFFC0]  }
0x1c1: {  	v10 =	vld [tilespmem:s4+$0xFFFFFFE0]  }
0x1c2: {  	v11 =	vld [tilespmem:s4+$0xFFFFFFF0]  }
0x1c3: {  	s1 =	simm.s32 $0x70;
	v9 =	vld [tilespmem:s4+$0xFFFFFFD0]  }
0x1c4: {  	v17 =	vor.u32 s1, v0  }
0x1c5: {  	v12 =	vld [tilespmem:s4+$0x0];
	vm1 =	vlt.s32 v17, v6;
	v13 =	vshra.s32 v7, $0x1F  }
0x1c6: {  	v16 =	vld [tilespmem:s4+$0x20];
	v14 =	vshra.s32 v8, $0x1F;
	v18 =	vshra.s32 v10, $0x1F;
	v7 =	vxor.u32 v7, v13  }
0x1c7: {  	v15 =	vld [tilespmem:s4+$0x10];
	v8 =	vxor.u32 v8, v14;
	v14 =	vshra.s32 v11, $0x1F;
	v7 =	vshrl.u32 v7, $0xC  }
0x1c8: {  	v13 =	vshra.s32 v9, $0x1F;
	v11 =	vxor.u32 v11, v14;
	v7 =	vand.u32 $0xFF0, v7  }
0x1c9: {  	v8 =	vshrl.u32 v8, $0xC;
	v11 =	vshrl.u32 v11, $0xC;
	v17 =	vor.u32 v0, v7  }
0x1ca: {  	v7 =	vxor.u32 v9, v13;
	v9 =	vxor.u32 v10, v18;
	v10 =	vshra.s32 v12, $0x1F  }
0x1cb: {  	v13 =	vshra.s32 v16, $0x1F;
	v11 =	vand.u32 $0xFF0, v11;
	v10 =	vxor.u32 v12, v10  }
0x1cc: {  	p0 =	sgt.s32 s0, $0x8;
	v12 =	vshra.s32 v15, $0x1F;
	v7 =	vshrl.u32 v7, $0xC;
	v14 =	vshrl.u32 v9, $0xC  }
.Ltmp15:
0x1cd: {  	v13 =	vxor.u32 v16, v13;
	v12 =	vxor.u32 v15, v12;
	v15 =	vshrl.u32 v10, $0xC;
	(pc) =	sbr.rel @!p0 .LBB2_23-.Ltmp15, $4  }
0x1ce: {  	v10 =	vand.u32 $0xFF0, v8;
	v9 =	vand.u32 $0xFF0, v7;
	v8 =	vshrl.u32 v13, $0xC  }
0x1cf: {  	s14 =	simm.s32 $0x10;
	s15 =	simm.s32 $0x0;
	s25 =	simm.s32 $0x30;
	v16 =	vshrl.u32 v12, $0xC;
	v12 =	vand.u32 $0xFF0, v14;
	v7 =	vand.u32 $0xFF0, v15  }
0x1d0: {  	s24 =	simm.s32 $0x20;
	s21 =	simm.s32 $0x40;
	s23 =	simm.s32 $0x50;
	v14 =	vor.u32 s15, v0;
	v8 =	vand.u32 $0xFF0, v8;
	v15 =	vor.u32 s25, v0  }
0x1d1: {  	s4 =	simm.s32 $0x8;
	s15 =	simm.s32 $0x60;
	v13 =	vand.u32 $0xFF0, v16;
	v16 =	vor.u32 s24, v0;
	[tilespmem:v17+s10+$0x0] =	vst.idx.add.s32.msk vm1, v3;
	v17 =	vor.u32 s14, v0;
	s14 =	simm.s32 $0x80C0  }
.LBB2_22:
0x1d2: {  	v18 =	vld [tilespmem:s14+$0x30];
	s4 =	sadd.s32 $0x8, s4;
	v19 =	vor.u32 s21, v0;
	v20 =	vor.u32 s23, v0;
	v21 =	vor.u32 s15, v0  }
0x1d3: {  	v10 =	vor.u32 v0, v10;
	v9 =	vor.u32 v0, v9;
	v12 =	vor.u32 v0, v12;
	v22 =	vld [tilespmem:s14+$0xFFFFFFC0];
	p0 =	slt.s32 s4, s0  }
0x1d4: {  	v11 =	vor.u32 v0, v11;
	v7 =	vor.u32 v0, v7;
	v13 =	vor.u32 v0, v13;
	v23 =	vld [tilespmem:s14+$0xFFFFFFD0]  }
0x1d5: {  	vm7 =	vlt.s32 v14, v6;
	vm6 =	vlt.s32 v17, v6;
	v8 =	vor.u32 v0, v8;
	v24 =	vld [tilespmem:s14+$0xFFFFFFE0]  }
0x1d6: {  	vm5 =	vlt.s32 v16, v6;
	vm4 =	vlt.s32 v15, v6;
	vm3 =	vlt.s32 v19, v6;
	v14 =	vld [tilespmem:s14+$0xFFFFFFF0]  }
0x1d7: {  	vm2 =	vlt.s32 v20, v6;
	vm1 =	vlt.s32 v21, v6;
	v15 =	vld [tilespmem:s14+$0x0];
	v16 =	vshra.s32 v18, $0x1F  }
0x1d8: {  	s1 =	sadd.s32 $0x80, s1;
	v17 =	vshra.s32 v22, $0x1F;
	v19 =	vld [tilespmem:s14+$0x10];
	v16 =	vxor.u32 v18, v16  }
0x1d9: {  	s24 =	sadd.s32 $0xFFFFFFA0, s1;
	s25 =	sadd.s32 $0xFFFFFFB0, s1;
	s26 =	sadd.s32 $0xFFFFFFC0, s1;
	v21 =	vor.u32 s1, v0;
	v18 =	vshra.s32 v23, $0x1F;
	v20 =	vld [tilespmem:s14+$0x20];
	v16 =	vshrl.u32 v16, $0xC  }
0x1da: {  	s21 =	sadd.s32 $0xFFFFFFD0, s1;
	s23 =	sadd.s32 $0xFFFFFFE0, s1;
	s15 =	sadd.s32 $0xFFFFFFF0, s1;
	vm8 =	vlt.s32 v21, v6;
	v25 =	vshra.s32 v24, $0x1F;
	v16 =	vand.u32 $0xFF0, v16  }
0x1db: {  	s28 =	sadd.s32 $0xFFFFFF90, s1;
	v17 =	vxor.u32 v22, v17;
	v21 =	vshra.s32 v14, $0x1F;
	v16 =	vor.u32 v0, v16;
	[tilespmem:v10+s10+$0x0] =	vst.idx.add.s32.msk vm7, v3  }
0x1dc: {  	v10 =	vxor.u32 v23, v18;
	v18 =	vxor.u32 v24, v25;
	v22 =	vshra.s32 v15, $0x1F;
	[tilespmem:v9+s10+$0x0] =	vst.idx.add.s32.msk vm6, v3  }
0x1dd: {  	v9 =	vxor.u32 v14, v21;
	v14 =	vxor.u32 v15, v22;
	v15 =	vshra.s32 v19, $0x1F;
	[tilespmem:v12+s10+$0x0] =	vst.idx.add.s32.msk vm5, v3  }
0x1de: {  	v12 =	vshrl.u32 v17, $0xC;
	v15 =	vxor.u32 v19, v15;
	v17 =	vshra.s32 v20, $0x1F;
	[tilespmem:v11+s10+$0x0] =	vst.idx.add.s32.msk vm4, v3  }
0x1df: {  	v18 =	vshrl.u32 v18, $0xC;
	v11 =	vshrl.u32 v10, $0xC;
	v17 =	vxor.u32 v20, v17;
	[tilespmem:v7+s10+$0x0] =	vst.idx.add.s32.msk vm3, v3  }
.Ltmp16:
0x1e0: {  	v14 =	vshrl.u32 v14, $0xC;
	v7 =	vshrl.u32 v9, $0xC;
	v15 =	vshrl.u32 v15, $0xC;
	[tilespmem:v16+s10+$0x0] =	vst.idx.add.s32.msk vm8, v3;
	(pc) =	sbr.rel @p0 .LBB2_22-.Ltmp16, $4  }
0x1e1: {  	v10 =	vand.u32 $0xFF0, v12;
	v9 =	vand.u32 $0xFF0, v11;
	v16 =	vshrl.u32 v17, $0xC;
	[tilespmem:v13+s10+$0x0] =	vst.idx.add.s32.msk vm2, v3  }
0x1e2: {  	v12 =	vand.u32 $0xFF0, v18;
	v11 =	vand.u32 $0xFF0, v7;
	v7 =	vand.u32 $0xFF0, v14;
	[tilespmem:v8+s10+$0x0] =	vst.idx.add.s32.msk vm1, v3  }
0x1e3: {  	v14 =	vor.u32 s28, v0;
	v13 =	vand.u32 $0xFF0, v15;
	v8 =	vand.u32 $0xFF0, v16  }
0x1e4: {  	s14 =	sadd.s32 $0x80, s14;
	v17 =	vor.u32 s24, v0;
	v15 =	vor.u32 s26, v0;
	v16 =	vor.u32 s25, v0  }
.LBB2_23:
0x1e5: {  	vm1 =	vlt.s32 v14, v6  }
0x1e6: {  	v10 =	vor.u32 v0, v10;
	vm2 =	vlt.s32 v17, v6  }
0x1e7: {  	v9 =	vor.u32 v0, v9;
	vm3 =	vlt.s32 v16, v6  }
0x1e8: {  	v61 =	vor.u32 s21, v0;
	v12 =	vor.u32 v0, v12;
	vm4 =	vlt.s32 v15, v6  }
0x1e9: {  	v62 =	vor.u32 s23, v0;
	v11 =	vor.u32 v0, v11;
	vm5 =	vlt.s32 v61, v6  }
0x1ea: {  	v63 =	vor.u32 s15, v0;
	v7 =	vor.u32 v0, v7;
	vm6 =	vlt.s32 v62, v6  }
0x1eb: {  	v13 =	vor.u32 v0, v13;
	vm7 =	vlt.s32 v63, v6;
	[tilespmem:v10+s10+$0x0] =	vst.idx.add.s32.msk vm1, v3  }
0x1ec: {  	v8 =	vor.u32 v0, v8;
	[tilespmem:v9+s10+$0x0] =	vst.idx.add.s32.msk vm2, v3  }
0x1ed: {  	[tilespmem:v12+s10+$0x0] =	vst.idx.add.s32.msk vm3, v3  }
0x1ee: {  	[tilespmem:v11+s10+$0x0] =	vst.idx.add.s32.msk vm4, v3  }
0x1ef: {  	[tilespmem:v7+s10+$0x0] =	vst.idx.add.s32.msk vm5, v3  }
0x1f0: {  	[tilespmem:v13+s10+$0x0] =	vst.idx.add.s32.msk vm6, v3  }
0x1f1: {  	[tilespmem:v8+s10+$0x0] =	vst.idx.add.s32.msk vm7, v3  }
.LBB2_24:
0x1f2: {  	s1 =	ssub.s32 s20, s0  }
0x1f3: {  	p0 =	sgt.s32 s1, $0x0  }
.Ltmp17:
0x1f4: {  	_ = 	snop;
	(pc) =	sbr.rel @!p0 .LBB2_25-.Ltmp17, $1  }
0x1f5: {  	_ =	sdelay $0x3  }
0x1f6: {  	s1 =	sshll.u32 s0, $0x6  }
0x1f7: {  	s1 =	sshra.s32 s1, $0x2  }
0x1f8: {  	s4 =	sshll.u32 s0, $0x4;
	s1 =	sadd.s32 $0x8000, s1  }
.LBB2_40:
0x1f9: {  	v7 =	vld [tilespmem:s1+$0x0];
	_ =	sdelay $0x4  }
0x1fa: {  	v8 =	vshra.s32 v7, $0x1F  }
0x1fb: {  	v7 =	vxor.u32 v7, v8  }
0x1fc: {  	v8 =	vor.u32 s4, v0;
	v7 =	vshrl.u32 v7, $0xC  }
0x1fd: {  	s0 =	sadd.s32 $0x1, s0;
	vm1 =	vlt.s32 v8, v6;
	v7 =	vand.u32 $0xFF0, v7  }
0x1fe: {  	p0 =	slt.s32 s0, s20;
	v7 =	vor.u32 v0, v7  }
.Ltmp18:
0x1ff: {  	_ = 	snop;
	(pc) =	sbr.rel @p0 .LBB2_40-.Ltmp18, $2  }
0x200: {  	_ =	sdelay $0x2  }
0x201: {  	s1 =	sadd.s32 $0x10, s1;
	s4 =	sadd.s32 $0x10, s4;
	[tilespmem:v7+s10+$0x0] =	vst.idx.add.s32.msk vm1, v3  }
.LBB2_25:
0x202: {  	s1 =	simm.s32 $0x18040  }
0x203: {  	v7 =	vld [tilespmem:s1+$0x30]  }
0x204: {  	v8 =	vld [tilespmem:s1+$0xFFFFFFD0]  }
0x205: {  	v9 =	vld [tilespmem:s1+$0xFFFFFFE0]  }
0x206: {  	v11 =	vld [tilespmem:s1+$0xFFFFFFF0]  }
0x207: {  	s4 =	simm.s32 $0x1;
	s14 =	simm.s32 $0x3;
	v15 =	vld [tilespmem:s1+$0x0]  }
0x208: {  	s28 =	simm.s32 $0x2;
	s30 =	simm.s32 $0x7;
	v10 =	vmov s4;
	v17 =	vld [tilespmem:s1+$0x10];
	v12 =	vmov s14;
	(xrf0) =	vadd.scan.msk.s32 $0xffff, v7  }
0x209: {  	v14 =	vld [tilespmem:s1+$0x20];
	v13 =	vmov s30;
	v7 =	vmov s28;
	(xrf0) =	vadd.scan.msk.s32 $0xffff, v8;
	v8 =	vand.u32 $0xFFFFFFF9, v10  }
0x20a: {  	s15 =	simm.s32 $0x4;
	v7 =	vand.u32 $0xFFFFFFFA, v7;
	(xrf0) =	vadd.scan.msk.s32 $0xffff, v9;
	v10 =	vbroadcast v8, $0x0;
	v8 =	vand.u32 $0xFFFFFFFB, v12;
	v12 =	vld [tilespmem:s1+$0xFFFFFFC0]  }
0x20b: {  	s21 =	ssub.s32 $0x667, s19;
	s22 =	sshll.u32 s22, $0x18;
	s29 =	simm.s32 $0x5;
	v16 =	vmov s15;
	v9 =	vbroadcast v7, $0x0;
	(xrf0) =	vadd.scan.msk.s32 $0xffff, v11  }
0x20c: {  	s0 =	simm.s32 $0x0;
	s31 =	simm.s32 $0x6;
	v18 =	vmov s29;
	s4 =	simm.s32 $0x180C0;
	v7 =	vbroadcast v8, $0x0;
	v8 =	vand.u32 $0xFFFFFFFC, v16;
	(xrf0) =	vadd.scan.msk.s32 $0xffff, v15  }
0x20d: {  	s14 =	simm.s32 $0x10;
	s15 =	simm.s32 $0x0;
	s1 =	simm.s32 $0x8;
	v11 =	vld [tilespmem:s4+$0x30];
	v16 =	vmov s31;
	v8 =	vbroadcast v8, $0x0;
	v15 =	vand.u32 $0xFFFFFFFD, v18;
	(xrf0) =	vadd.scan.msk.s32 $0xffff, v17  }
.LBB2_26:
0x20e: {  	p0 =	slt.u32 s14, $0xF8;
	v17 =	vld [tilespmem:s4+$0xFFFFFFD0];
	v18 =	vmov s15;
	v15 =	vbroadcast v15, $0x0;
	v16 =	vand.u32 $0xFFFFFFFE, v16;
	(xrf0) =	vadd.scan.msk.s32 $0xffff, v14;
	v14, _, _ =	vpop (xrf0);
	s15 =	smov.u32 s1;
	s1 =	smov.u32 s14  }
0x20f: {  	s23 =	sadd.s32 $0x1, s15;
	v19 =	vld [tilespmem:s4+$0xFFFFFFE0];
	v18 =	vand.u32 $0xFFFFFFF8, v18;
	v16 =	vbroadcast v16, $0x0;
	[tilespmem:v13+s11+$0x0] =	vst.idx.msk vm0, v14;
	(xrf0) =	vadd.scan.msk.s32 $0xffff, v12;
	v12, _, _ =	vpop (xrf0)  }
0x210: {  	s24 =	sadd.s32 $0x3, s15;
	v13 =	vmov s23;
	s23 =	sadd.s32 $0x2, s15;
	v20 =	vld [tilespmem:s4+$0xFFFFFFF0];
	v18 =	vbroadcast v18, $0x0;
	[tilespmem:v10+s11+$0x0] =	vst.idx.msk vm0, v12;
	v10, _, _ =	vpop (xrf0)  }
0x211: {  	v21 =	vmov s24;
	s24 =	sadd.s32 $0x5, s15;
	v12 =	vmov s23;
	v22 =	vld [tilespmem:s4+$0x0];
	s23 =	sadd.s32 $0x4, s15;
	[tilespmem:v9+s11+$0x0] =	vst.idx.msk vm0, v10;
	v9, _, _ =	vpop (xrf0)  }
0x212: {  	v25 =	vmov s24;
	v23 =	vmov s23;
	v24 =	vld [tilespmem:s4+$0x10];
	(xrf0) =	vadd.scan.msk.s32 $0xffff, v11;
	[tilespmem:v7+s11+$0x0] =	vst.idx.msk vm0, v9;
	v7, _, _ =	vpop (xrf0)  }
.Ltmp19:
0x213: {  	v9 =	vand.u32 $0xFFFFFFF9, v13;
	v26 =	vand.u32 $0xFFFFFFFA, v12;
	s23 =	sadd.s32 $0x7, s15;
	v14 =	vld [tilespmem:s4+$0x20];
	(xrf0) =	vadd.scan.msk.s32 $0xffff, v17;
	[tilespmem:v8+s11+$0x0] =	vst.idx.msk vm0, v7;
	v7, _, _ =	vpop (xrf0);
	(pc) =	sbr.rel @p0 .LBB2_26-.Ltmp19, $4  }
0x214: {  	v10 =	vbroadcast v9, $0x0;
	v13 =	vmov s23;
	v12 =	vld [tilespmem:s4+$0xFFFFFFC0];
	(xrf0) =	vadd.scan.msk.s32 $0xffff, v19;
	[tilespmem:v15+s11+$0x0] =	vst.idx.msk vm0, v7;
	v7, _, _ =	vpop (xrf0)  }
0x215: {  	v9 =	vbroadcast v26, $0x0;
	v8 =	vand.u32 $0xFFFFFFFB, v21;
	(xrf0) =	vadd.scan.msk.s32 $0xffff, v20;
	[tilespmem:v16+s11+$0x0] =	vst.idx.msk vm0, v7;
	v11, _, _ =	vpop (xrf0)  }
0x216: {  	s23 =	sadd.s32 $0x6, s15;
	s4 =	sadd.s32 $0x80, s4;
	v7 =	vbroadcast v8, $0x0;
	v8 =	vand.u32 $0xFFFFFFFC, v23;
	(xrf0) =	vadd.scan.msk.s32 $0xffff, v22;
	[tilespmem:v18+s11+$0x0] =	vst.idx.msk vm0, v11  }
0x217: {  	s14 =	sadd.s32 $0x8, s14;
	v15 =	vand.u32 $0xFFFFFFFD, v25;
	v16 =	vmov s23;
	v8 =	vbroadcast v8, $0x0;
	v11 =	vld [tilespmem:s4+$0x30];
	(xrf0) =	vadd.scan.msk.s32 $0xffff, v24  }
0x218: {  	_ =	sdelay $0x1  }
0x219: {  	v17 =	vld [tilespmem:s4+$0xFFFFFFD0];
	v18 =	vmov s15;
	v15 =	vbroadcast v15, $0x0  }
0x21a: {  	v16 =	vand.u32 $0xFFFFFFFE, v16;
	(xrf0) =	vadd.scan.msk.s32 $0xffff, v14;
	v45, _, _ =	vpop (xrf0);
	s14 =	sadd.s32 $0x1, s1;
	v19 =	vld [tilespmem:s4+$0xFFFFFFE0];
	s24 =	sadd.s32 $0x2, s1;
	v61 =	vmov s1;
	v18 =	vand.u32 $0xFFFFFFF8, v18  }
0x21b: {  	v48 =	vld [tilespmem:s4+$0xFFFFFFF0];
	s25 =	sadd.s32 $0x3, s1;
	s26 =	sadd.s32 $0x4, s1;
	v16 =	vbroadcast v16, $0x0;
	(xrf0) =	vadd.scan.msk.s32 $0xffff, v12;
	v46, _, _ =	vpop (xrf0);
	v47 =	vmov s14;
	v50 =	vmov s24  }
0x21c: {  	v21 =	vld [tilespmem:s4+$0x0];
	s28 =	sadd.s32 $0x5, s1;
	s29 =	sadd.s32 $0x7, s1;
	v20 =	vmov s25;
	v52 =	vmov s26;
	v18 =	vbroadcast v18, $0x0;
	[tilespmem:v10+s11+$0x0] =	vst.idx.msk vm0, v46;
	v49, _, _ =	vpop (xrf0)  }
0x21d: {  	v22 =	vld [tilespmem:s4+$0x10];
	s30 =	sadd.s32 $0x6, s1;
	v23 =	vmov s28;
	v56 =	vmov s29;
	[tilespmem:v9+s11+$0x0] =	vst.idx.msk vm0, v49;
	v51, _, _ =	vpop (xrf0);
	(xrf0) =	vadd.scan.msk.s32 $0xffff, v11  }
0x21e: {  	v55 =	vld [tilespmem:s4+$0x20];
	v60 =	vmov s30;
	v53 =	vand.u32 $0xFFFFFFF9, v47;
	[tilespmem:v7+s11+$0x0] =	vst.idx.msk vm0, v51;
	v7, _, _ =	vpop (xrf0);
	(xrf0) =	vadd.scan.msk.s32 $0xffff, v17  }
0x21f: {  	v54 =	vand.u32 $0xFFFFFFFA, v50;
	v9 =	vbroadcast v53, $0x0;
	[tilespmem:v8+s11+$0x0] =	vst.idx.msk vm0, v7;
	v7, _, _ =	vpop (xrf0);
	v8 =	vld [tilespmem:s4+$0xFFFFFFC0];
	(xrf0) =	vadd.scan.msk.s32 $0xffff, v19  }
0x220: {  	v57 =	vand.u32 $0xFFFFFFFB, v20;
	v11 =	vbroadcast v54, $0x0;
	[tilespmem:v15+s11+$0x0] =	vst.idx.msk vm0, v7;
	v7, _, _ =	vpop (xrf0);
	(xrf0) =	vadd.scan.msk.s32 $0xffff, v48  }
0x221: {  	v10 =	vand.u32 $0xFFFFFFFC, v52;
	v58 =	vbroadcast v57, $0x0;
	[tilespmem:v16+s11+$0x0] =	vst.idx.msk vm0, v7;
	v7, _, _ =	vpop (xrf0);
	(xrf0) =	vadd.scan.msk.s32 $0xffff, v21  }
0x222: {  	v59 =	vand.u32 $0xFFFFFFFD, v23;
	[tilespmem:v18+s11+$0x0] =	vst.idx.msk vm0, v7;
	v7 =	vbroadcast v10, $0x0;
	(xrf0) =	vadd.scan.msk.s32 $0xffff, v22  }
0x223: {  	[tilespmem:v13+s11+$0x0] =	vst.idx.msk vm0, v45;
	v15 =	vand.u32 $0xFFFFFFFE, v60;
	v10 =	vbroadcast v59, $0x0;
	(xrf0) =	vadd.scan.msk.s32 $0xffff, v55;
	v62, _, _ =	vpop (xrf0)  }
0x224: {  	v16 =	vand.u32 $0xFFFFFFF8, v61;
	v15 =	vbroadcast v15, $0x0;
	[tilespmem:v56+s11+$0x0] =	vst.idx.msk vm0, v62;
	(xrf0) =	vadd.scan.msk.s32 $0xffff, v8;
	v8, _, _ =	vpop (xrf0)  }
0x225: {  	v63 =	vbroadcast v16, $0x0;
	[tilespmem:v9+s11+$0x0] =	vst.idx.msk vm0, v8;
	v8, _, _ =	vpop (xrf0)  }
0x226: {  	[tilespmem:v11+s11+$0x0] =	vst.idx.msk vm0, v8;
	v8, _, _ =	vpop (xrf0)  }
0x227: {  	[tilespmem:v58+s11+$0x0] =	vst.idx.msk vm0, v8;
	v8, _, _ =	vpop (xrf0)  }
0x228: {  	[tilespmem:v7+s11+$0x0] =	vst.idx.msk vm0, v8;
	v7, _, _ =	vpop (xrf0)  }
0x229: {  	[tilespmem:v10+s11+$0x0] =	vst.idx.msk vm0, v7;
	v7, _, _ =	vpop (xrf0)  }
0x22a: {  	[tilespmem:v15+s11+$0x0] =	vst.idx.msk vm0, v7;
	v7, _, _ =	vpop (xrf0)  }
0x22b: {  	s31 =	simm.s32 $0xF0;
	[tilespmem:v63+s11+$0x0] =	vst.idx.msk vm0, v7  }
0x22c: {  	v7 =	vld [tilespmem:s31+$0x19000];
	_ =	sdelay $0x4  }
0x22d: {  	v7 =	vperm.xlane v7, v4;
	_ =	sdelay $0x1  }
0x22e: {  	(xrf0) =	vadd.scan.msk.s32 $0xffff, v7;
	_ =	sdelay $0x5  }
0x22f: {  	v7, _, _ =	vpop (xrf0)  }
0x230: {  	v7 =	vperm.xlane v7, v4;
	_ =	sdelay $0x1  }
0x231: {  	v7 =	vadd.s32 s0, v7  }
0x232: {  	v8 =	vxor.u32 $0x80000000, v7  }
0x233: {  	(xrf0) =	vmax.scan.msk.u32 $0xffff, v8;
	_ =	sdelay $0x5  }
0x234: {  	v8, _, _ =	vpop (xrf0)  }
0x235: {  	s1 =	simm.s32 $0x340;
	s0 =	simm.s32 $0xE0;
	[tilespmem:s31+$0x19180] =	vst v7;
	(v2sf) =	vpush v8, $0xF  }
.LBB2_28:
0x236: {  	p0 =	seq.s32 s1, $0x0;
	v7 =	vld [tilespmem:s0+$0x19000];
	_ =	sdelay $0x4  }
0x237: {  	v7 =	vperm.xlane v7, v4;
	_ =	sdelay $0x1  }
0x238: {  	(xrf0) =	vadd.scan.msk.s32 $0xffff, v7;
	_ =	sdelay $0x5  }
0x239: {  	v7, _, _ =	vpop (xrf0)  }
0x23a: {  	v7 =	vperm.xlane v7, v4;
	s4 =	spop (v2sf)  }
0x23b: {  	s4 =	sxor.u32 $0x80000000, s4  }
0x23c: {  	v7 =	vadd.s32 s4, v7  }
0x23d: {  	[tilespmem:s0+$0x19180] =	vst v7;
	v7 =	vxor.u32 $0x80000000, v7  }
0x23e: {  	(xrf0) =	vmax.scan.msk.u32 $0xffff, v7;
	_ =	sdelay $0x2  }
.Ltmp20:
0x23f: {  	(pc) =	sbr.rel @!p0 .LBB2_28-.Ltmp20, $3  }
0x240: {  	_ =	sdelay $0x1  }
0x241: {  	v7, _, _ =	vpop (xrf0)  }
0x242: {  	s0 =	sshra.s32 s1, $0x2;
	s1 =	sadd.s32 $0xFFFFFFC0, s1;
	(v2sf) =	vpush v7, $0xF  }
0x243: {  	v7 =	vld [tilespmem:s0+$0x19000];
	_ =	sdelay $0x4  }
0x244: {  	v7 =	vperm.xlane v7, v4;
	_ =	sdelay $0x1  }
0x245: {  	(xrf0) =	vadd.scan.msk.s32 $0xffff, v7;
	_ =	sdelay $0x5  }
0x246: {  	v7, _, _ =	vpop (xrf0)  }
0x247: {  	v7 =	vperm.xlane v7, v4;
	s1 =	spop (v2sf)  }
0x248: {  	s1 =	sxor.u32 $0x80000000, s1  }
0x249: {  	v7 =	vadd.s32 s1, v7  }
0x24a: {  	v8 =	vxor.u32 $0x80000000, v7  }
0x24b: {  	(xrf0) =	vmax.scan.msk.u32 $0xffff, v8;
	_ =	sdelay $0x4  }
0x24c: {  	[tilespmem:s0+$0x19180] =	vst v7  }
0x24d: {  	v7 =	vld [tilespmem:$0x19180];
	v8, _, _ =	vpop (xrf0)  }
0x24e: {  	(v2sf) =	vpush v8, $0xF;
	v8 =	vld [tilespmem:$0x19190]  }
0x24f: {  	v9 =	vld [tilespmem:$0x191A0]  }
0x250: {  	v10 =	vld [tilespmem:$0x191B0]  }
0x251: {  	v11 =	vld [tilespmem:$0x191C0]  }
0x252: {  	vm1 =	vge.s32 v7, s21;
	v7 =	vld [tilespmem:$0x191D0]  }
0x253: {  	v12 =	vsel vm1, $0x1, v2;
	vm1 =	vge.s32 v8, s21;
	v8 =	vld [tilespmem:$0x191E0]  }
0x254: {  	v43 =	vld [tilespmem:$0x191F0];
	(xrf0) =	vadd.scan.msk.s32 $0xffff, v12;
	v42 =	vsel vm1, $0x1, v2;
	vm1 =	vge.s32 v9, s21  }
0x255: {  	v45 =	vld [tilespmem:$0x19200];
	(xrf0) =	vadd.scan.msk.s32 $0xffff, v42;
	v44 =	vsel vm1, $0x1, v2;
	vm1 =	vge.s32 v10, s21  }
0x256: {  	v47 =	vld [tilespmem:$0x19210];
	(xrf0) =	vadd.scan.msk.s32 $0xffff, v44;
	v46 =	vsel vm1, $0x1, v2;
	vm1 =	vge.s32 v11, s21  }
0x257: {  	(xrf0) =	vadd.scan.msk.s32 $0xffff, v46;
	v48 =	vsel vm1, $0x1, v2;
	vm1 =	vge.s32 v7, s21;
	v7 =	vld [tilespmem:$0x19220]  }
0x258: {  	(xrf0) =	vadd.scan.msk.s32 $0xffff, v48;
	v49 =	vsel vm1, $0x1, v2;
	vm1 =	vge.s32 v8, s21;
	v8 =	vld [tilespmem:$0x19230]  }
0x259: {  	v51 =	vld [tilespmem:$0x19240];
	(xrf0) =	vadd.scan.msk.s32 $0xffff, v49;
	v50 =	vsel vm1, $0x1, v2;
	vm1 =	vge.s32 v43, s21  }
0x25a: {  	v53 =	vld [tilespmem:$0x19250];
	v13, _, _ =	vpop (xrf0);
	(xrf0) =	vadd.scan.msk.s32 $0xffff, v50;
	v52 =	vsel vm1, $0x1, v2;
	vm1 =	vge.s32 v45, s21  }
0x25b: {  	v56 =	vld [tilespmem:$0x19260];
	(v2sf) =	vpush v13, $0xF;
	v54, _, _ =	vpop (xrf0);
	(xrf0) =	vadd.scan.msk.s32 $0xffff, v52;
	v55 =	vsel vm1, $0x1, v2;
	vm1 =	vge.s32 v47, s21  }
0x25c: {  	(v2sf) =	vpush v54, $0xF;
	v57, _, _ =	vpop (xrf0);
	v58 =	vsel vm1, $0x1, v2;
	vm1 =	vge.s32 v7, s21;
	v7 =	vld [tilespmem:$0x19270]  }
0x25d: {  	(xrf0) =	vadd.scan.msk.s32 $0xffff, v55;
	(v2sf) =	vpush v57, $0xF;
	v59, _, _ =	vpop (xrf0);
	v60 =	vsel vm1, $0x1, v2;
	vm1 =	vge.s32 v8, s21  }
0x25e: {  	(xrf0) =	vadd.scan.msk.s32 $0xffff, v58;
	(v2sf) =	vpush v59, $0xF;
	v8, _, _ =	vpop (xrf0);
	v61 =	vsel vm1, $0x1, v2;
	vm1 =	vge.s32 v51, s21  }
0x25f: {  	(xrf0) =	vadd.scan.msk.s32 $0xffff, v60;
	(v2sf) =	vpush v8, $0xF;
	v8, _, _ =	vpop (xrf0);
	v9 =	vsel vm1, $0x1, v2;
	vm1 =	vge.s32 v53, s21  }
0x260: {  	(xrf0) =	vadd.scan.msk.s32 $0xffff, v61;
	(v2sf) =	vpush v8, $0xF;
	v8, _, _ =	vpop (xrf0);
	v62 =	vsel vm1, $0x1, v2;
	vm1 =	vge.s32 v56, s21  }
0x261: {  	(xrf0) =	vadd.scan.msk.s32 $0xffff, v9;
	(v2sf) =	vpush v8, $0xF;
	v8, _, _ =	vpop (xrf0);
	v63 =	vsel vm1, $0x1, v2;
	vm1 =	vge.s32 v7, s21  }
0x262: {  	(xrf0) =	vadd.scan.msk.s32 $0xffff, v62;
	(v2sf) =	vpush v8, $0xF;
	v8 =	vsel vm1, $0x1, v2  }
0x263: {  	v7, _, _ =	vpop (xrf0);
	(xrf0) =	vadd.scan.msk.s32 $0xffff, v63  }
0x264: {  	(v2sf) =	vpush v7, $0xF;
	v7, _, _ =	vpop (xrf0);
	(xrf0) =	vadd.scan.msk.s32 $0xffff, v8  }
0x265: {  	(v2sf) =	vpush v7, $0xF;
	v8, _, _ =	vpop (xrf0)  }
0x266: {  	v7, _, _ =	vpop (xrf0);
	(v2sf) =	vpush v8, $0xF  }
0x267: {  	v8, _, _ =	vpop (xrf0);
	(v2sf) =	vpush v7, $0xF  }
0x268: {  	v7, _, _ =	vpop (xrf0);
	(v2sf) =	vpush v8, $0xF  }
0x269: {  	v8, _, _ =	vpop (xrf0);
	(v2sf) =	vpush v7, $0xF  }
0x26a: {  	s30 =	spop (v2sf);
	(v2sf) =	vpush v8, $0xF;
	v7, _, _ =	vpop (xrf0)  }
0x26b: {  	s0 =	spop (v2sf);
	(v2sf) =	vpush v7, $0xF  }
0x26c: {  	s31 =	spop (v2sf)  }
0x26d: {  	s4 =	spop (v2sf);
	s0 =	sadd.s32 s0, s31  }
0x26e: {  	s2 =	spop (v2sf);
	s0 =	sadd.s32 s0, s4  }
0x26f: {  	s5 =	spop (v2sf);
	s0 =	sadd.s32 s0, s2  }
0x270: {  	s6 =	spop (v2sf);
	s0 =	sadd.s32 s0, s5  }
0x271: {  	s14 =	spop (v2sf);
	s0 =	sadd.s32 s0, s6  }
0x272: {  	s15 =	spop (v2sf);
	s0 =	sadd.s32 s0, s14  }
0x273: {  	s16 =	spop (v2sf);
	s0 =	sadd.s32 s0, s15  }
0x274: {  	s23 =	spop (v2sf);
	s0 =	sadd.s32 s0, s16  }
0x275: {  	s0 =	sadd.s32 s0, s23;
	s24 =	spop (v2sf)  }
0x276: {  	s25 =	spop (v2sf);
	s0 =	sadd.s32 s0, s24  }
0x277: {  	s26 =	spop (v2sf);
	s0 =	sadd.s32 s0, s25  }
0x278: {  	s28 =	spop (v2sf);
	s0 =	sadd.s32 s0, s26  }
0x279: {  	s0 =	sadd.s32 s0, s28;
	s29 =	spop (v2sf)  }
0x27a: {  	s0 =	sadd.s32 s0, s29;
	s30 =	spop (v2sf)  }
0x27b: {  	s0 =	sadd.s32 s0, s30  }
0x27c: {  	v7 =	vld [tilespmem:s0+$0x19180]  }
0x27d: {  	v8 =	vld [tilespmem:s0+$0x1917F];
	_ =	sdelay $0x3  }
0x27e: {  	(v2sf) =	vpush v7, $0x0  }
0x27f: {  	(v2sf) =	vpush v8, $0x0;
	_ =	sdelay $0x6  }
0x280: {  	s31 =	sshrl.u32 s20, $0x1E  }
0x281: {  	s1 =	sadd.s32 s31, s20  }
0x282: {  	s26 =	sand.u32 $0xFFFFFFFC, s1  }
0x283: {  	p0 =	sgt.s32 s26, $0x0  }
.Ltmp21:
0x284: {  	_ = 	snop;
	(pc) =	sbr.rel @!p0 .LBB2_33-.Ltmp21, $3  }
0x285: {  	_ =	sdelay $0x1  }
0x286: {  	s25 =	sadd.s32 $0xFFFFFFFF, s0;
	s23 =	spop (v2sf)  }
0x287: {  	v7 =	vmov s25;
	s24 =	spop (v2sf)  }
0x288: {  	s1 =	simm.s32 $0x8020  }
0x289: {  	v11 =	vld [tilespmem:s1+$0x10]  }
0x28a: {  	s0 =	simm.s32 $0x0;
	s4 =	simm.s32 $0x1;
	s28 =	simm.s32 $0x30;
	v12 =	vld [tilespmem:s1+$0xFFFFFFF0]  }
0x28b: {  	s29 =	simm.s32 $0x3;
	s30 =	simm.s32 $0x10;
	s31 =	simm.s32 $0x20;
	v8 =	vmov s0;
	v13 =	vld [tilespmem:s1+$0x0];
	v10 =	vmov s4;
	v58 =	vor.u32 s28, v0  }
0x28c: {  	v14 =	vld [tilespmem:s1+$0xFFFFFFE0];
	v17 =	vmov s29;
	v61 =	vor.u32 s30, v0;
	v62 =	vor.u32 s31, v0  }
0x28d: {  	s16 =	simm.s32 $0x2;
	v63 =	vor.u32 s0, v0;
	v8 =	vand.u32 $0xFFFFFFFC, v8;
	vm1 =	vlt.s32 v58, v6  }
0x28e: {  	v9 =	vbroadcast v8, $0x0;
	v8 =	vand.u32 $0xFFFFFFFD, v10;
	v10 =	vmov s16  }
0x28f: {  	vm4 =	vlt.s32 v61, v6;
	vm9 =	vlt.s32 v63, v6;
	v10 =	vand.u32 $0xFFFFFFFE, v10  }
0x290: {  	v8 =	vbroadcast v8, $0x0;
	v10 =	vbroadcast v10, $0x0;
	v15 =	vshra.s32 v11, $0x1F  }
0x291: {  	v16 =	vshra.s32 v12, $0x1F;
	v57 =	vshra.s32 v13, $0x1F;
	v18 =	vshra.s32 v14, $0x1F  }
0x292: {  	v11 =	vxor.u32 v11, v15;
	v12 =	vxor.u32 v12, v16;
	v14 =	vxor.u32 v14, v18  }
0x293: {  	v11 =	vshrl.u32 v11, $0x10;
	v14 =	vshrl.u32 v14, $0x10;
	v12 =	vshrl.u32 v12, $0x10  }
0x294: {  	v11 =	vand.u32 $0xFF, v11;
	v14 =	vand.u32 $0xFF, v14;
	v12 =	vand.u32 $0xFF, v12  }
0x295: {  	vm2 =	vgt.s32 v11, v7;
	vm3 =	veq.s32 v11, v7;
	v11 =	vxor.u32 v13, v57  }
0x296: {  	p0 =	sgt.s32 s26, $0x4;
	vm5 =	vgt.s32 v14, v7;
	vm7 =	veq.s32 v14, v7;
	vm2 =	vmand vm1, vm2  }
.Ltmp22:
0x297: {  	vm1 =	vmand vm1, vm3;
	v11 =	vshrl.u32 v11, $0x10;
	vm3 =	veq.s32 v12, v7;
	(pc) =	sbr.rel @!p0 .LBB2_32-.Ltmp22, $4  }
0x298: {  	v59 =	vmpcnt.ones.xlane vm2;
	v60 =	vmpcnt.ones.xlane vm1;
	vm1 =	vgt.s32 v12, v7  }
0x299: {  	vm6 =	vmand vm9, vm5;
	v11 =	vand.u32 $0xFF, v11;
	vm2 =	vmand vm4, vm1  }
0x29a: {  	vm1 =	vmand vm4, vm3;
	vm8 =	vgt.s32 v11, v7;
	vm3 =	vlt.s32 v62, v6;
	[tilespmem:v17+s12+$0x0] =	vst.idx.msk $0x1, v59  }
0x29b: {  	s1 =	simm.s32 $0x4;
	s4 =	simm.s32 $0x8060;
	vm7 =	vmand vm9, vm7;
	vm4 =	veq.s32 v11, v7;
	vm5 =	vmand vm3, vm8;
	[tilespmem:v17+s13+$0x0] =	vst.idx.msk $0x1, v60  }
.LBB2_31:
0x29c: {  	v11 =	vld [tilespmem:s4+$0x10];
	v12 =	vmpcnt.ones.xlane vm6;
	v13 =	vmpcnt.ones.xlane vm7;
	vm3 =	vmand vm3, vm4;
	s14 =	smov.u32 s1  }
0x29d: {  	s1 =	sadd.s32 $0x4, s1;
	v15 =	vmpcnt.ones.xlane vm2;
	v16 =	vmpcnt.ones.xlane vm1;
	v14 =	vld [tilespmem:s4+$0xFFFFFFF0]  }
0x29e: {  	v17 =	vmov s14;
	s15 =	sadd.s32 $0x1, s14;
	p0 =	slt.s32 s1, s26;
	v19 =	vmpcnt.ones.xlane vm3;
	v18 =	vld [tilespmem:s4+$0x0];
	[tilespmem:v9+s12+$0x0] =	vst.idx.msk $0x1, v12;
	v12 =	vmpcnt.ones.xlane vm5  }
0x29f: {  	v17 =	vand.u32 $0xFFFFFFFC, v17;
	v21 =	vmov s15;
	s15 =	sadd.s32 $0x2, s14;
	v20 =	vld [tilespmem:s4+$0xFFFFFFE0];
	[tilespmem:v9+s13+$0x0] =	vst.idx.msk $0x1, v13  }
0x2a0: {  	v9 =	vbroadcast v17, $0x0;
	v13 =	vand.u32 $0xFFFFFFFD, v21;
	v17 =	vmov s15;
	[tilespmem:v8+s12+$0x0] =	vst.idx.msk $0x1, v15  }
0x2a1: {  	v15 =	vand.u32 $0xFFFFFFFE, v17;
	v17 =	vshra.s32 v11, $0x1F;
	[tilespmem:v8+s13+$0x0] =	vst.idx.msk $0x1, v16;
	v8 =	vbroadcast v13, $0x0  }
0x2a2: {  	s0 =	sadd.s32 $0x40, s0;
	v15 =	vbroadcast v15, $0x0;
	v13 =	vshra.s32 v14, $0x1F;
	v11 =	vxor.u32 v11, v17;
	[tilespmem:v10+s12+$0x0] =	vst.idx.msk $0x1, v12  }
0x2a3: {  	s28 =	sadd.s32 $0x30, s0;
	s14 =	sadd.s32 $0x3, s14;
	s15 =	sadd.s32 $0x10, s0;
	v12 =	vxor.u32 v14, v13;
	v13 =	vshra.s32 v18, $0x1F;
	v11 =	vshrl.u32 v11, $0x10;
	[tilespmem:v10+s13+$0x0] =	vst.idx.msk $0x1, v19  }
0x2a4: {  	s29 =	sadd.s32 $0x20, s0;
	v16 =	vmov s14;
	v14 =	vor.u32 s28, v0;
	v10 =	vmovc v15;
	v11 =	vand.u32 $0xFF, v11  }
0x2a5: {  	v15 =	vshra.s32 v20, $0x1F;
	vm1 =	vlt.s32 v14, v6;
	vm2 =	vgt.s32 v11, v7  }
0x2a6: {  	v14 =	vxor.u32 v20, v15;
	vm3 =	veq.s32 v11, v7;
	vm2 =	vmand vm1, vm2  }
0x2a7: {  	v11 =	vxor.u32 v18, v13;
	vm1 =	vmand vm1, vm3;
	v13 =	vmpcnt.ones.xlane vm2  }
0x2a8: {  	v12 =	vshrl.u32 v12, $0x10;
	v14 =	vshrl.u32 v14, $0x10;
	v15 =	vmpcnt.ones.xlane vm1  }
0x2a9: {  	v12 =	vand.u32 $0xFF, v12;
	v11 =	vshrl.u32 v11, $0x10;
	v14 =	vand.u32 $0xFF, v14;
	[tilespmem:v16+s12+$0x0] =	vst.idx.msk $0x1, v13  }
0x2aa: {  	v17 =	vor.u32 s29, v0;
	v11 =	vand.u32 $0xFF, v11;
	v13 =	vor.u32 s15, v0;
	[tilespmem:v16+s13+$0x0] =	vst.idx.msk $0x1, v15  }
.Ltmp23:
0x2ab: {  	vm5 =	vgt.s32 v14, v7;
	vm7 =	veq.s32 v14, v7;
	v15 =	vor.u32 s0, v0;
	(pc) =	sbr.rel @p0 .LBB2_31-.Ltmp23, $4  }
0x2ac: {  	vm6 =	veq.s32 v12, v7;
	vm1 =	vgt.s32 v12, v7;
	vm8 =	vgt.s32 v11, v7  }
0x2ad: {  	vm3 =	vlt.s32 v17, v6;
	vm4 =	veq.s32 v11, v7;
	vm9 =	vlt.s32 v13, v6  }
0x2ae: {  	vm10 =	vlt.s32 v15, v6;
	vm2 =	vmand vm9, vm1;
	vm1 =	vmand vm9, vm6  }
0x2af: {  	s4 =	sadd.s32 $0x40, s4;
	vm6 =	vmand vm10, vm5;
	vm7 =	vmand vm10, vm7;
	vm5 =	vmand vm3, vm8  }
.LBB2_32:
0x2b0: {  	_ =	sdelay $0x1  }
0x2b1: {  	v11 =	vmpcnt.ones.xlane vm6  }
0x2b2: {  	v13 =	vmpcnt.ones.xlane vm2  }
0x2b3: {  	v62 =	vmpcnt.ones.xlane vm5;
	[tilespmem:v9+s12+$0x0] =	vst.idx.msk $0x1, v11  }
0x2b4: {  	v12 =	vmpcnt.ones.xlane vm7;
	[tilespmem:v8+s12+$0x0] =	vst.idx.msk $0x1, v13  }
0x2b5: {  	v61 =	vmpcnt.ones.xlane vm1;
	vm1 =	vmand vm3, vm4;
	[tilespmem:v10+s12+$0x0] =	vst.idx.msk $0x1, v62  }
0x2b6: {  	v63 =	vmpcnt.ones.xlane vm1;
	[tilespmem:v9+s13+$0x0] =	vst.idx.msk $0x1, v12  }
0x2b7: {  	[tilespmem:v8+s13+$0x0] =	vst.idx.msk $0x1, v61  }
0x2b8: {  	[tilespmem:v10+s13+$0x0] =	vst.idx.msk $0x1, v63  }
.LBB2_33:
0x2b9: {  	s0 =	ssub.s32 s20, s26  }
0x2ba: {  	p0 =	slt.s32 s0, $0x1  }
.Ltmp24:
0x2bb: {  	_ = 	snop;
	(pc) =	sbr.rel @p0 .LBB2_36-.Ltmp24, $3  }
0x2bc: {  	_ =	sdelay $0x1  }
0x2bd: {  	s31 =	sshll.u32 s26, $0x6  }
0x2be: {  	s28 =	sshll.u32 s26, $0x4;
	s29 =	sshra.s32 s31, $0x2  }
0x2bf: {  	s0 =	sadd.s32 $0x8000, s29;
	s1 =	sshll.u32 s26, $0x4;
	s4 =	smov.u32 s26  }
.LBB2_35:
0x2c0: {  	v8 =	vld [tilespmem:s0+$0x0];
	_ =	sdelay $0x4  }
0x2c1: {  	v9 =	vshra.s32 v8, $0x1F  }
0x2c2: {  	v8 =	vxor.u32 v8, v9  }
0x2c3: {  	v8 =	vshrl.u32 v8, $0x10  }
0x2c4: {  	v62 =	vor.u32 s1, v0;
	v10 =	vmov s4;
	s4 =	sadd.s32 $0x1, s4;
	v8 =	vand.u32 $0xFF, v8  }
0x2c5: {  	vm1 =	vlt.s32 v62, v6;
	p1 =	slt.s32 s4, s20;
	vm2 =	vgt.s32 v8, v7  }
.Ltmp25:
0x2c6: {  	vm3 =	veq.s32 v8, v7;
	vm2 =	vmand vm1, vm2;
	(pc) =	sbr.rel @p1 .LBB2_35-.Ltmp25, $4  }
0x2c7: {  	vm1 =	vmand vm1, vm3;
	v8 =	vmpcnt.ones.xlane vm2  }
0x2c8: {  	v63 =	vmpcnt.ones.xlane vm1  }
0x2c9: {  	[tilespmem:v10+s12+$0x0] =	vst.idx.msk $0x1, v8  }
0x2ca: {  	s0 =	sadd.s32 $0x10, s0;
	s1 =	sadd.s32 $0x10, s1;
	[tilespmem:v10+s13+$0x0] =	vst.idx.msk $0x1, v63  }
.LBB2_36:
0x2cb: {  	s0 =	sadd.s32 $0xF, s20  }
0x2cc: {  	s1 =	sand.u32 $0xF, s0  }
0x2cd: {  	p1 =	slt.s32 s20, $0xFFFFFFF2;
	s4 =	sshra.s32 s0, $0x1F;
	p2 =	sne.s32 s1, $0x0  }
0x2ce: {  	s31 =	sshrl.u32 s4, $0x1C;
	p1 =	por !p1, !p2  }
0x2cf: {  	s1 =	simm.s32 $0x1;
	s0 =	sadd.s32 s31, s0;
	p1 =	por !p1, !p1  }
0x2d0: {  	s0 =	sshra.s32 s0, $0x4;
	s1 =	simm.s32 @!p1 $0x0  }
0x2d1: {  	s14 =	ssub.s32 s0, s1  }
0x2d2: {  	p1 =	sgt.s32 s14, $0x0  }
.Ltmp26:
0x2d3: {  	_ = 	snop;
	(pc) =	sbr.rel @!p1 .LBB2_41-.Ltmp26, $1  }
0x2d4: {  	_ =	sdelay $0x3  }
0x2d5: {  	p2 =	seq.s32 s14, $0x1  }
.Ltmp27:
0x2d6: {  	_ = 	snop;
	(pc) =	sbr.rel @p2 .LBB2_38-.Ltmp27, $3  }
0x2d7: {  	_ =	sdelay $0x1  }
0x2d8: {  	s1 =	simm.s32 $0x0;
	s4 =	simm.s32 $0x19300  }
0x2d9: {  	s0 =	simm.s32 $0x19B80;
	s14 =	sadd.s32 $0xFFFFFFFF, s14;
	p1 =	por $0x0, $0x0;
	v8 =	vld [tilespmem:s4+$0x0]  }
0x2da: {  	_ =	sdelay $0x3  }
0x2db: {  	(xrf0) =	vadd.scan.msk.s32 $0xffff, v8;
	_ =	sdelay $0x5  }
0x2dc: {  	v9, _, _ =	vpop (xrf0)  }
0x2dd: {  	v8 =	vsub.s32 s1, v8;
	(v2sf) =	vpush v9, $0xF  }
0x2de: {  	v8 =	vadd.s32 v9, v8  }
0x2df: {  	[tilespmem:s4+$0x0] =	vst v8  }
0x2e0: {  	v8 =	vld [tilespmem:s0+$0x0];
	_ =	sdelay $0x4  }
0x2e1: {  	(xrf0) =	vadd.scan.msk.s32 $0xffff, v8;
	_ =	sdelay $0x3  }
0x2e2: {  	p2 =	seq.s32 s14, $0x1  }
.Ltmp28:
0x2e3: {  	_ = 	snop;
	(pc) =	sbr.rel @p2 .LBB2_45-.Ltmp28, $4  }
0x2e4: {  	v8 =	vsub.s32 s1, v8;
	v9, _, _ =	vpop (xrf0)  }
0x2e5: {  	v8 =	vadd.s32 v9, v8;
	s15 =	spop (v2sf);
	(v2sf) =	vpush v9, $0xF  }
0x2e6: {  	s31 =	sadd.s32 $0xFFFFFFFF, s14;
	p1 =	por $0x1, $0x1;
	s4 =	simm.s32 $0x19310;
	[tilespmem:s0+$0x0] =	vst v8  }
0x2e7: {  	s30 =	simm.s32 $0x19B80;
	s14 =	simm.s32 $0x0;
	s15 =	sadd.s32 $0x0, s15;
	v8 =	vld [tilespmem:s4+$0x0]  }
.LBB2_46:
0x2e8: {  	p2 =	seq.s32 s31, $0x1;
	_ =	sdelay $0x3  }
0x2e9: {  	(xrf0) =	vadd.scan.msk.s32 $0xffff, v8;
	_ =	sdelay $0x5  }
0x2ea: {  	v8 =	vsub.s32 s15, v8;
	v9, _, _ =	vpop (xrf0)  }
0x2eb: {  	v8 =	vadd.s32 v9, v8;
	(v2sf) =	vpush v9, $0xF  }
0x2ec: {  	s30 =	sadd.s32 $0x10, s30;
	[tilespmem:s4+$0x0] =	vst v8;
	s5 =	spop (v2sf)  }
0x2ed: {  	v8 =	vld [tilespmem:s30+$0x0];
	s14 =	sadd.s32 s14, s5;
	_ =	sdelay $0x4  }
0x2ee: {  	v9 =	vsub.s32 s14, v8;
	(xrf0) =	vadd.scan.msk.s32 $0xffff, v8;
	_ =	sdelay $0x4  }
.Ltmp29:
0x2ef: {  	(pc) =	sbr.rel @!p2 .LBB2_46-.Ltmp29, $4  }
0x2f0: {  	v8, _, _ =	vpop (xrf0)  }
0x2f1: {  	v9 =	vadd.s32 v8, v9;
	(v2sf) =	vpush v8, $0xF  }
0x2f2: {  	s4 =	sadd.s32 $0x10, s4;
	[tilespmem:s30+$0x0] =	vst v9;
	s5 =	spop (v2sf)  }
0x2f3: {  	s31 =	sadd.s32 $0xFFFFFFFF, s31;
	v8 =	vld [tilespmem:s4+$0x0];
	s15 =	sadd.s32 s15, s5  }
.LBB2_47:
0x2f4: {  	_ =	sdelay $0x3  }
0x2f5: {  	(xrf0) =	vadd.scan.msk.s32 $0xffff, v8;
	_ =	sdelay $0x5  }
0x2f6: {  	v8 =	vsub.s32 s15, v8;
	v9, _, _ =	vpop (xrf0)  }
0x2f7: {  	s5 =	sadd.s32 @p1 $0x10, s30;
	v8 =	vadd.s32 v9, v8  }
0x2f8: {  	s0 =	smov.u32 @p1 s5;
	[tilespmem:s4+$0x0] =	vst v8  }
0x2f9: {  	v8 =	vld [tilespmem:s0+$0x0];
	_ =	sdelay $0x4  }
0x2fa: {  	(xrf0) =	vadd.scan.msk.s32 $0xffff, v8;
	_ =	sdelay $0x5  }
0x2fb: {  	(v2sf) =	vpush v9, $0xF;
	v63, _, _ =	vpop (xrf0)  }
0x2fc: {  	(v2sf) =	vpush v63, $0xF;
	_ =	sdelay $0x9  }
0x2fd: {  	s4 =	spop @p1 (v2sf)  }
0x2fe: {  	s4 =	sadd.s32 @p1 s14, s4  }
0x2ff: {  	s1 =	smov.u32 @p1 s4  }
0x300: {  	v8 =	vsub.s32 s1, v8  }
0x301: {  	v8 =	vadd.s32 v63, v8;
	s30 =	spop (v2sf)  }
0x302: {  	[tilespmem:s0+$0x0] =	vst v8;
	s31 =	spop (v2sf)  }
.LBB2_41:
0x303: {  	p1 =	slt.s32 s26, $0x1  }
.Ltmp30:
0x304: {  	_ = 	snop;
	(pc) =	sbr.rel @p1 .LBB2_48-.Ltmp30, $1  }
0x305: {  	_ =	sdelay $0x3  }
0x306: {  	s1 =	simm.s32 $0x19302  }
0x307: {  	v11 =	vld [tilespmem:s1+$0x1]  }
0x308: {  	v12 =	vld [tilespmem:s1+$0x0]  }
0x309: {  	s0 =	simm.s32 $0x8020;
	v14 =	vld [tilespmem:s1+$0xFFFFFFFF]  }
0x30a: {  	v8 =	vld [tilespmem:s0+$0xFFFFFFE0]  }
0x30b: {  	v13 =	vld [tilespmem:s0+$0x0]  }
0x30c: {  	v9 =	vld [tilespmem:s0+$0x10]  }
0x30d: {  	v10 =	vld [tilespmem:s0+$0xFFFFFFF0]  }
0x30e: {  	p3 =	sgt.s32 s26, $0x4;
	v15 =	vld [tilespmem:s1+$0xFFFFFFFE]  }
.Ltmp31:
0x30f: {  	(v2sf) =	vpush v11, $0x0;
	(pc) =	sbr.rel @!p3 .LBB2_43-.Ltmp31, $4  }
0x310: {  	v11 =	vshra.s32 v8, $0x1F;
	v30 =	vshra.s32 v13, $0x1F;
	(v2sf) =	vpush v12, $0x0  }
0x311: {  	v11 =	vxor.u32 v8, v11;
	v12 =	vshra.s32 v9, $0x1F;
	(v2sf) =	vpush v14, $0x0  }
0x312: {  	s31 =	simm.s32 $0x0;
	v31 =	vshrl.u32 v11, $0x10;
	v11 =	vshra.s32 v10, $0x1F;
	v12 =	vxor.u32 v9, v12  }
0x313: {  	s30 =	simm.s32 $0x19B82;
	p1 =	por $0x0, $0x0;
	p2 =	por $0x0, $0x0;
	(v2sf) =	vpush v15, $0x0;
	v26 =	vxor.u32 v10, v11;
	v36 =	vshrl.u32 v12, $0x10  }
0x314: {  	_ =	sdelay $0x4  }
0x315: {  	v12 =	vxor.u32 v13, v30;
	s0 =	simm.s32 $0x19306  }
0x316: {  	v11 =	vand.u32 $0xFF, v31;
	v17 =	vand.u32 $0xFF, v36;
	s1 =	simm.s32 $0x20;
	v12 =	vshrl.u32 v12, $0x10;
	v19 =	vld [tilespmem:s0+$0x1]  }
0x317: {  	v14 =	vor.u32 s31, v0;
	s2 =	simm.s32 $0x30;
	v21 =	vld [tilespmem:s0+$0x0];
	v18 =	vand.u32 $0xFF, v12;
	v12 =	vor.u32 s1, v0  }
0x318: {  	v22 =	vld [tilespmem:s0+$0xFFFFFFFF];
	vm5 =	vgt.s32 v18, v7;
	vm3 =	vlt.s32 v12, v6;
	v12 =	vor.u32 s2, v0  }
0x319: {  	s6 =	simm.s32 $0x8060;
	vm4 =	vgt.s32 v17, v7;
	v23 =	vld [tilespmem:s0+$0xFFFFFFFE];
	vm7 =	vmand vm3, vm5;
	vm5 =	vlt.s32 v12, v6  }
0x31a: {  	s4 =	simm.s32 $0x10;
	vm1 =	vlt.s32 v14, v6;
	v14 =	vshrl.u32 v26, $0x10;
	v16 =	vld [tilespmem:s6+$0xFFFFFFE0];
	vm6 =	vmand vm5, vm4  }
0x31b: {  	vm2 =	vgt.s32 v11, v7;
	v15 =	vld [tilespmem:s6+$0xFFFFFFF0];
	v20 =	vand.u32 $0xFF, v14;
	v14 =	vor.u32 s4, v0;
	s5 =	spop (v2sf)  }
0x31c: {  	vm8 =	vmand vm1, vm2;
	vm2 =	vgt.s32 v20, v7;
	vm9 =	vlt.s32 v14, v6;
	v12 =	vld [tilespmem:s6+$0x10];
	s15 =	spop (v2sf);
	s0 =	sadd.s32 s19, s5  }
0x31d: {  	v14 =	vld [tilespmem:s6+$0x0];
	vm4 =	vmand vm9, vm2;
	vm2 =	veq.s32 v11, v7;
	s16 =	spop (v2sf);
	s1 =	sadd.s32 s19, s15;
	p3 =	slt.s32 s0, $0x670  }
0x31e: {  	vm2 =	vmand vm1, vm2;
	s0 =	simm.s32 @!p3 $0x670;
	p3 =	sgt.s32 s26, $0x8;
	s14 =	spop (v2sf)  }
.Ltmp32:
0x31f: {  	vm1 =	vmmov vm9;
	v11 =	vshra.s32 v16, $0x1F;
	(v2sf) =	vpush v19, $0x0;
	p1 =	slt.s32 s1, $0x670;
	s14 =	sadd.s32 s19, s14;
	(pc) =	sbr.rel @!p3 .LBB2_73-.Ltmp32, $4  }
0x320: {  	vm2 =	vmmov vm2;
	v11 =	vxor.u32 v16, v11;
	(v2sf) =	vpush v21, $0x0;
	s4 =	sadd.s32 s19, s16;
	s1 =	simm.s32 @!p1 $0x670;
	[tilespmem:v5+s0+$0x0 ss:$0x1] =	vst.idx.msk vm6, v9;
	p1 =	slt.s32 s14, $0x670  }
0x321: {  	v31 =	vshrl.u32 v11, $0x10;
	v19 =	vshra.s32 v12, $0x1F;
	(v2sf) =	vpush v22, $0x0;
	[tilespmem:v5+s1+$0x0 ss:$0x1] =	vst.idx.msk vm7, v13;
	v22 =	vld [tilespmem:s30+$0x1];
	s14 =	simm.s32 @!p1 $0x670;
	p1 =	slt.s32 s4, $0x670  }
0x322: {  	v11 =	vshra.s32 v15, $0x1F;
	v30 =	vshra.s32 v14, $0x1F;
	v19 =	vxor.u32 v12, v19;
	v24 =	vld [tilespmem:s30+$0x0];
	[tilespmem:v5+s14+$0x0 ss:$0x1] =	vst.idx.msk vm8, v8;
	s4 =	simm.s32 @!p1 $0x670  }
0x323: {  	v26 =	vxor.u32 v15, v11;
	v36 =	vshrl.u32 v19, $0x10;
	(v2sf) =	vpush v23, $0x0;
	p1 =	por $0x1, $0x1;
	v25 =	vld [tilespmem:s30+$0xFFFFFFFE];
	[tilespmem:v5+s4+$0x0 ss:$0x1] =	vst.idx.msk vm4, v10  }
0x324: {  	_ =	sdelay $0x2  }
0x325: {  	v11 =	vand.u32 $0xFF, v31;
	v19 =	vand.u32 $0xFF, v36  }
0x326: {  	vm10 =	vmmov vm3;
	vm4 =	vmmov vm5;
	s0 =	simm.s32 $0x40;
	(v2sf) =	vpush v24, $0x0  }
0x327: {  	v21 =	vxor.u32 v14, v30;
	vm5 =	vgt.s32 v11, v7;
	v23 =	vor.u32 s0, v0;
	v24 =	vld [tilespmem:s30+$0xFFFFFFFF]  }
0x328: {  	s14 =	simm.s32 $0x1930A;
	vm6 =	vgt.s32 v19, v7;
	v21 =	vshrl.u32 v21, $0x10;
	vm7 =	vlt.s32 v23, v6  }
0x329: {  	s1 =	simm.s32 $0x60;
	v30 =	vld [tilespmem:s14+$0x0];
	v23 =	vshrl.u32 v26, $0x10;
	v21 =	vand.u32 $0xFF, v21;
	(v2sf) =	vpush v25, $0x0  }
0x32a: {  	s16 =	simm.s32 $0x50;
	v31 =	vld [tilespmem:s14+$0xFFFFFFFE];
	v26 =	vor.u32 s1, v0;
	v23 =	vand.u32 $0xFF, v23;
	vm8 =	vgt.s32 v21, v7  }
0x32b: {  	s15 =	simm.s32 $0x80A0;
	vm3 =	vlt.s32 v26, v6;
	v26 =	vor.u32 s16, v0;
	v25 =	vld [tilespmem:s14+$0x1];
	vm11 =	vgt.s32 v23, v7  }
0x32c: {  	s4 =	simm.s32 $0x70;
	v27 =	vld [tilespmem:s15+$0x10];
	vm8 =	vmand vm3, vm8;
	vm13 =	vlt.s32 v26, v6;
	(v2sf) =	vpush v24, $0x0;
	s2 =	spop (v2sf)  }
0x32d: {  	v26 =	vor.u32 s4, v0;
	vm11 =	vmand vm13, vm11;
	v24 =	vld [tilespmem:s14+$0xFFFFFFFF];
	(v2sf) =	vpush v22, $0x0;
	s6 =	spop (v2sf)  }
0x32e: {  	v28 =	vld [tilespmem:s15+$0xFFFFFFE0];
	vm14 =	veq.s32 v11, v7;
	vm9 =	vmand vm7, vm5;
	vm5 =	vlt.s32 v26, v6;
	s5 =	spop (v2sf);
	s4 =	sadd.s32 s19, s6  }
0x32f: {  	vm14 =	vmand vm7, vm14;
	vm12 =	vmand vm5, vm6;
	p2 =	slt.s32 s4, $0x670;
	s5 =	sadd.s32 s19, s5  }
0x330: {  	v29 =	vld [tilespmem:s15+$0xFFFFFFF0];
	vm7 =	vmmov vm2;
	vm2 =	vmmov vm14;
	(v2sf) =	vpush v25, $0x0;
	s6 =	spop (v2sf);
	s4 =	simm.s32 @!p2 $0x670;
	p3 =	slt.s32 s5, $0x670  }
0x331: {  	v11 =	vld [tilespmem:s15+$0x0];
	vm6 =	vmmov vm1;
	vm1 =	vmmov vm13;
	(v2sf) =	vpush v30, $0x0;
	s6 =	sadd.s32 s19, s6;
	s5 =	simm.s32 @!p3 $0x670;
	p3 =	sgt.s32 s26, $0xC  }
.Ltmp33:
0x332: {  	vm13 =	veq.s32 v18, v7;
	v18 =	vshra.s32 v27, $0x1F;
	s16 =	sadd.s32 s19, s2;
	(v2sf) =	vpush v24, $0x0;
	[tilespmem:v5+s4+$0x0 ss:$0x1] =	vst.idx.msk vm8, v14;
	p2 =	slt.s32 s6, $0x670;
	(pc) =	sbr.rel @!p3 .LBB2_75-.Ltmp33, $4  }
0x333: {  	s1 =	simm.s32 $0x19B86;
	(v2sf) =	vpush v31, $0x0;
	vm8 =	veq.s32 v17, v7;
	v17 =	vshra.s32 v28, $0x1F;
	[tilespmem:v5+s5+$0x0 ss:$0x1] =	vst.idx.msk vm11, v15;
	s6 =	simm.s32 @!p2 $0x670;
	p2 =	slt.s32 s16, $0x670  }
0x334: {  	vm10 =	vmand vm10, vm13;
	v18 =	vxor.u32 v27, v18;
	v24 =	vld [tilespmem:s1+$0x0];
	v17 =	vxor.u32 v28, v17;
	[tilespmem:v5+s6+$0x0 ss:$0x1] =	vst.idx.msk vm9, v16;
	s16 =	simm.s32 @!p2 $0x670  }
0x335: {  	v36 =	vshrl.u32 v18, $0x10;
	v31 =	vshrl.u32 v17, $0x10;
	v17 =	vshra.s32 v29, $0x1F;
	v25 =	vld [tilespmem:s1+$0xFFFFFFFE];
	[tilespmem:v5+s16+$0x0 ss:$0x1] =	vst.idx.msk vm12, v12;
	s16 =	spop (v2sf)  }
0x336: {  	v30 =	vshra.s32 v11, $0x1F;
	s4 =	simm.s32 $0xC;
	vm9 =	veq.s32 v20, v7;
	v26 =	vxor.u32 v29, v17;
	p2 =	por $0x1, $0x1;
	v22 =	vld [tilespmem:s1+$0x1];
	[tilespmem:s16+$0x10000] =	vst.msk vm10, v13  }
.LBB2_76:
0x337: {  	v13 =	vand.u32 $0xFF, v31;
	v17 =	vand.u32 $0xFF, v36  }
0x338: {  	s4 =	sadd.s32 $0x4, s4;
	v18 =	vld [tilespmem:s1+$0xFFFFFFFF];
	vm12 =	vmand vm4, vm8;
	s5 =	spop (v2sf);
	vm10 =	vmmov vm3;
	vm4 =	vmmov vm5  }
0x339: {  	p3 =	slt.s32 s4, s26;
	vm11 =	vgt.s32 v13, v7;
	vm8 =	vgt.s32 v17, v7;
	(v2sf) =	vpush v24, $0x0;
	[tilespmem:s5+$0x10000] =	vst.msk vm7, v8;
	v8 =	vmovc v16  }
0x33a: {  	s0 =	sadd.s32 $0x40, s0;
	vm3 =	vmand vm6, vm9;
	vm5 =	veq.s32 v13, v7;
	v13 =	vxor.u32 v11, v30;
	v16 =	vmovc v28  }
0x33b: {  	v20 =	vor.u32 s0, v0;
	s5 =	sadd.s32 $0x20, s0;
	v13 =	vshrl.u32 v13, $0x10;
	(v2sf) =	vpush v25, $0x0;
	s6 =	spop (v2sf)  }
0x33c: {  	s14 =	sadd.s32 $0x4, s14;
	s16 =	sadd.s32 $0x10, s0;
	vm6 =	vlt.s32 v20, v6;
	v20 =	vshrl.u32 v26, $0x10;
	v13 =	vand.u32 $0xFF, v13;
	[tilespmem:s6+$0x10000] =	vst.msk vm3, v10;
	s6 =	spop (v2sf);
	v10 =	vmovc v15;
	v15 =	vmovc v29  }
0x33d: {  	v20 =	vand.u32 $0xFF, v20;
	v25 =	vor.u32 s5, v0;
	s5 =	sadd.s32 $0x30, s0;
	vm7 =	vgt.s32 v13, v7;
	v24 =	vld [tilespmem:s14+$0x1];
	[tilespmem:s6+$0x10000] =	vst.msk vm12, v9;
	v9 =	vmovc v12;
	v12 =	vmovc v27  }
0x33e: {  	vm3 =	vlt.s32 v25, v6;
	vm12 =	vgt.s32 v20, v7;
	v26 =	vld [tilespmem:s14+$0x0];
	(v2sf) =	vpush v18, $0x0  }
0x33f: {  	s1 =	sadd.s32 $0x4, s1;
	v25 =	vor.u32 s16, v0;
	vm9 =	vmand vm3, vm7;
	v18 =	vld [tilespmem:s14+$0xFFFFFFFF];
	s6 =	spop (v2sf);
	(v2sf) =	vpush v22, $0x0  }
0x340: {  	s15 =	sadd.s32 $0x40, s15;
	vm11 =	vmand vm6, vm11;
	vm7 =	vlt.s32 v25, v6;
	v25 =	vor.u32 s5, v0;
	v22 =	vld [tilespmem:s14+$0xFFFFFFFE];
	s5 =	sadd.s32 s19, s6;
	s6 =	spop (v2sf)  }
0x341: {  	vm14 =	vmand vm6, vm5;
	vm12 =	vmand vm7, vm12;
	vm5 =	vlt.s32 v25, v6;
	v28 =	vld [tilespmem:s15+$0xFFFFFFE0];
	s6 =	sadd.s32 s19, s6;
	p4 =	slt.s32 s5, $0x670;
	s16 =	spop (v2sf)  }
0x342: {  	vm6 =	vmmov vm1;
	vm13 =	vmand vm5, vm8;
	v27 =	vld [tilespmem:s15+$0x10];
	(v2sf) =	vpush v24, $0x0;
	s16 =	sadd.s32 s19, s16;
	p5 =	slt.s32 s6, $0x670;
	s2 =	spop (v2sf)  }
0x343: {  	vm1 =	vmmov vm7;
	vm7 =	vmmov vm2;
	v29 =	vld [tilespmem:s15+$0xFFFFFFF0];
	(v2sf) =	vpush v26, $0x0;
	s2 =	sadd.s32 s19, s2;
	p6 =	slt.s32 s16, $0x670;
	s6 =	simm.s32 @!p5 $0x670  }
0x344: {  	vm2 =	vmmov vm14;
	s5 =	simm.s32 @!p4 $0x670;
	v32 =	vld [tilespmem:s15+$0x0];
	(v2sf) =	vpush v18, $0x0;
	p5 =	slt.s32 s2, $0x670;
	s16 =	simm.s32 @!p6 $0x670  }
.Ltmp34:
0x345: {  	vm8 =	veq.s32 v19, v7;
	v19 =	vmov v17;
	(v2sf) =	vpush v22, $0x0;
	s2 =	simm.s32 @!p5 $0x670;
	[tilespmem:v5+s6+$0x0 ss:$0x1] =	vst.idx.msk vm9, v11;
	(pc) =	sbr.rel @p3 .LBB2_76-.Ltmp34, $4  }
0x346: {  	vm9 =	veq.s32 v23, v7;
	v17 =	vshra.s32 v28, $0x1F;
	[tilespmem:v5+s2+$0x0 ss:$0x1] =	vst.idx.msk vm11, v16;
	v24 =	vld [tilespmem:s1+$0x0];
	vm11 =	veq.s32 v21, v7  }
0x347: {  	v21 =	vmovc v13;
	v17 =	vxor.u32 v28, v17;
	v18 =	vshra.s32 v27, $0x1F;
	[tilespmem:v5+s16+$0x0 ss:$0x1] =	vst.idx.msk vm12, v15;
	vm10 =	vmand vm10, vm11  }
0x348: {  	v23 =	vmovc v20;
	v31 =	vshrl.u32 v17, $0x10;
	v13 =	vshra.s32 v29, $0x1F;
	v17 =	vxor.u32 v27, v18;
	v25 =	vld [tilespmem:s1+$0xFFFFFFFE];
	[tilespmem:v5+s5+$0x0 ss:$0x1] =	vst.idx.msk vm13, v12;
	s2 =	spop (v2sf)  }
0x349: {  	v26 =	vxor.u32 v29, v13;
	v30 =	vshra.s32 v32, $0x1F;
	v36 =	vshrl.u32 v17, $0x10;
	v22 =	vld [tilespmem:s1+$0x1];
	[tilespmem:s2+$0x10000] =	vst.msk vm10, v14;
	v14 =	vmovc v11;
	v11 =	vmovc v32  }
0x34a: {  	v33 =	vmov v8;
	v34 =	vmov v10;
	v35 =	vmov v9  }
0x34b: {  	v32 =	vmovc v16;
	v8 =	vmovc v28;
	v28 =	vmov v15;
	v10 =	vmov v29;
	v29 =	vmov v12  }
0x34c: {  	v9 =	vmovc v27;
	v17 =	vmovc v19;
	v20 =	vmov v23;
	v18 =	vmov v21;
	v13 =	vmov v14  }
.LBB2_78:
0x34d: {  	s0 =	sadd.s32 @p1 $0x40, s0;
	v15 =	vxor.u32 v11, v30  }
0x34e: {  	v54 =	vimm.s32 $0x0;
	v56 =	vimm.s32 $0x0;
	s31 =	smov.u32 @p1 s0;
	v15 =	vshrl.u32 v15, $0x10  }
0x34f: {  	v58 =	vimm.s32 $0x0;
	v16 =	vor.u32 s31, v0;
	s2 =	sadd.s32 $0x20, s31;
	v15 =	vand.u32 $0xFF, v15  }
0x350: {  	s16 =	sadd.s32 $0x10, s31;
	vm10 =	vlt.s32 v16, v6;
	v19 =	vor.u32 s2, v0;
	vm12 =	vgt.s32 v15, v7  }
0x351: {  	s0 =	spop @p2 (v2sf);
	v57 =	vor.u32 s16, v0;
	v16 =	vsel vm10, $0xFFFFFFFF, v54;
	vm11 =	vlt.s32 v19, v6  }
0x352: {  	s4 =	spop @p2 (v2sf);
	[tilespmem:$0x1FFD0] =	vst v16;
	v19 =	vsel vm11, $0xFFFFFFFF, v56;
	vm15 =	vmand vm11, vm12;
	vm12 =	vlt.s32 v57, v6  }
0x353: {  	v12 =	vand.u32 $0xFF, v31;
	v55 =	vshrl.u32 v26, $0x10;
	s14 =	spop @p2 (v2sf);
	[tilespmem:$0x1FFE0] =	vst v19;
	v19 =	vsel vm12, $0xFFFFFFFF, v58  }
0x354: {  	v14 =	vand.u32 $0xFF, v36;
	vm13 =	vgt.s32 v12, v7;
	s5 =	sadd.s32 $0x30, s31;
	s2 =	spop (v2sf);
	v16 =	vand.u32 $0xFF, v55;
	[tilespmem:$0x1FFF0] =	vst v19  }
0x355: {  	v59 =	vor.u32 s5, v0;
	vm13 =	vmand vm10, vm13;
	s31 =	spop (v2sf);
	vm14 =	vgt.s32 v16, v7;
	v19 =	vld @p1 [tilespmem:s1+$0xFFFFFFFF]  }
0x356: {  	vm11 =	vgt.s32 v14, v7;
	s6 =	spop (v2sf);
	vm12 =	vmand vm12, vm14;
	vm14 =	vlt.s32 v59, v6  }
0x357: {  	s15 =	sadd.s32 @p1 $0x4, s1;
	s5 =	sadd.s32 s19, s31;
	s16 =	spop (v2sf);
	(v2sf) =	vpush @p1 v24, $0x0;
	vm10 =	vmand vm14, vm11  }
0x358: {  	s30 =	smov.u32 @p1 s15;
	p3 =	slt.s32 s5, $0x670;
	s15 =	sadd.s32 s19, s16;
	(v2sf) =	vpush @p1 v25, $0x0  }
0x359: {  	s1 =	sadd.s32 s19, s6;
	s5 =	simm.s32 @!p3 $0x670;
	p3 =	slt.s32 s15, $0x670  }
0x35a: {  	s2 =	sadd.s32 s19, s2;
	p4 =	slt.s32 s1, $0x670;
	s15 =	simm.s32 @!p3 $0x670;
	[tilespmem:v5+s5+$0x0 ss:$0x1] =	vst.idx.msk vm15, v11;
	(v2sf) =	vpush @p1 v19, $0x0  }
0x35b: {  	p3 =	slt.s32 s2, $0x670;
	s1 =	simm.s32 @!p4 $0x670;
	[tilespmem:v5+s15+$0x0 ss:$0x1] =	vst.idx.msk vm13, v8;
	v21 =	vld [tilespmem:s30+$0x0]  }
0x35c: {  	s2 =	simm.s32 @!p3 $0x670;
	v23 =	vld [tilespmem:s30+$0xFFFFFFFE];
	[tilespmem:v5+s1+$0x0 ss:$0x1] =	vst.idx.msk vm12, v10  }
0x35d: {  	[tilespmem:v5+s2+$0x0 ss:$0x1] =	vst.idx.msk vm10, v9;
	v60 =	vld [tilespmem:s30+$0xFFFFFFFF]  }
0x35e: {  	v61 =	vld [tilespmem:s30+$0x1]  }
0x35f: {  	(v2sf) =	vpush @p1 v22, $0x0  }
0x360: {  	(v2sf) =	vpush v21, $0x0  }
0x361: {  	(v2sf) =	vpush v23, $0x0  }
0x362: {  	(v2sf) =	vpush v60, $0x0  }
0x363: {  	vm4 =	vmand @p2 vm4, vm8;
	vm8 =	vmmov @p1 vm3;
	(v2sf) =	vpush v61, $0x0  }
0x364: {  	vm5 =	vmmov @p1 vm5;
	vm6 =	vmand @p2 vm6, vm9;
	vm1 =	vmmov @p1 vm1;
	v62 =	vld [tilespmem:$0x1FFD0];
	[tilespmem:s0+$0x10000] =	vst.msk @p2 vm7, v33  }
0x365: {  	vm2 =	vmmov @p1 vm2;
	vm9 =	veq.s32 @p1 v20, v7;
	vm7 =	veq.s32 @p1 v18, v7;
	[tilespmem:s4+$0x10000] =	vst.msk @p2 vm6, v34  }
0x366: {  	vm3 =	veq.s32 v12, v7;
	vm2 =	vmmov @p1 vm2;
	v12 =	vmovc @p1 v32;
	[tilespmem:s14+$0x10000] =	vst.msk @p2 vm4, v35;
	vm7 =	vmand @p1 vm8, vm7;
	s0 =	spop @p1 (v2sf)  }
0x367: {  	vm1 =	vmmov @p1 vm1;
	v12 =	vpsel p1, v12, v0;
	vm6 =	veq.s32 @p1 v17, v7;
	[tilespmem:s0+$0x10000] =	vst.msk @p1 vm7, v13;
	s0 =	spop @p1 (v2sf)  }
0x368: {  	vm4 =	vmmov @p1 vm5;
	v17 =	vmovc @p1 v28;
	vm5 =	vmmov @p1 vm6;
	vm6 =	vmmov @p1 vm9;
	[tilespmem:s0+$0x10000] =	vst.msk @p1 vm2, v12  }
0x369: {  	vm1 =	vmand @p1 vm1, vm6;
	v13 =	vpsel p1, v17, v0;
	v12 =	vld [tilespmem:$0x1FFE0];
	s0 =	spop @p1 (v2sf)  }
0x36a: {  	[tilespmem:s0+$0x10000] =	vst.msk @p1 vm1, v13  }
0x36b: {  	v63 =	vld [tilespmem:$0x1FFF0]  }
0x36c: {  	vm15 =	vnez.u8 v62  }
0x36d: {  	v18 =	vmov @p1 v29;
	vm3 =	vmand vm15, vm3  }
0x36e: {  	vm15 =	veq.s32 v14, v7;
	v17 =	vpsel p1, v18, v0;
	s0 =	spop @p1 (v2sf);
	vm11 =	vnez.u8 v12  }
0x36f: {  	vm2 =	vmand @p1 vm4, vm5;
	vm1 =	veq.s32 v15, v7;
	vm4 =	vmmov vm11;
	s15 =	spop (v2sf)  }
0x370: {  	vm3 =	vmmov vm3;
	[tilespmem:s0+$0x10000] =	vst.msk @p1 vm2, v17;
	vm1 =	vmand vm4, vm1;
	s16 =	spop (v2sf);
	vm12 =	vnez.u8 v63  }
0x371: {  	vm3 =	vmmov vm3;
	[tilespmem:s15+$0x10000] =	vst.msk vm1, v11;
	vm1 =	vmmov vm14;
	s30 =	spop (v2sf);
	vm5 =	vmmov vm12  }
0x372: {  	vm13 =	veq.s32 v16, v7;
	[tilespmem:s16+$0x10000] =	vst.msk vm3, v8;
	vm1 =	vmand vm1, vm15;
	s31 =	spop (v2sf);
	vm2 =	vmmov vm5  }
0x373: {  	[tilespmem:s31+$0x10000] =	vst.msk vm1, v9;
	vm2 =	vmand vm2, vm13  }
0x374: {  	[tilespmem:s30+$0x10000] =	vst.msk vm2, v10  }
.LBB2_48:
.Ltmp35:
0x375: {  	(pc) =	sbr.rel @p0 .LBB2_51-.Ltmp35, $1  }
0x376: {  	_ =	sdelay $0x3  }
0x377: {  	s0 =	sadd.s32 $0x19B80, s26;
	s1 =	sadd.s32 $0x19300, s26;
	s4 =	sadd.s32 $0x8000, s29  }
.LBB2_50:
0x378: {  	v8 =	vld [tilespmem:s1+$0x0];
	_ =	sdelay $0x4  }
0x379: {  	(v2sf) =	vpush v8, $0x0;
	_ =	sdelay $0x2  }
0x37a: {  	v8 =	vld [tilespmem:s4+$0x0];
	_ =	sdelay $0x4  }
0x37b: {  	v9 =	vshra.s32 v8, $0x1F  }
0x37c: {  	v9 =	vxor.u32 v8, v9  }
0x37d: {  	v9 =	vshrl.u32 v9, $0x10  }
0x37e: {  	v10 =	vor.u32 s28, v0;
	v9 =	vand.u32 $0xFF, v9  }
0x37f: {  	vm1 =	vlt.s32 v10, v6;
	vm2 =	vgt.s32 v9, v7  }
0x380: {  	vm2 =	vmand vm1, vm2;
	_ =	sdelay $0x1  }
0x381: {  	s2 =	spop (v2sf)  }
0x382: {  	s2 =	sadd.s32 s19, s2  }
0x383: {  	p0 =	slt.s32 s2, $0x670  }
0x384: {  	s2 =	simm.s32 @!p0 $0x670  }
0x385: {  	[tilespmem:v5+s2+$0x0 ss:$0x1] =	vst.idx.msk vm2, v8  }
0x386: {  	v63 =	vld [tilespmem:s0+$0x0];
	_ =	sdelay $0x4  }
0x387: {  	(v2sf) =	vpush v63, $0x0;
	_ =	sdelay $0x9  }
0x388: {  	s26 =	sadd.s32 $0x1, s26  }
0x389: {  	p0 =	slt.s32 s26, s20  }
.Ltmp36:
0x38a: {  	_ = 	snop;
	(pc) =	sbr.rel @p0 .LBB2_50-.Ltmp36, $4  }
0x38b: {  	_ = 	snop  }
0x38c: {  	vm2 =	veq.s32 v9, v7  }
0x38d: {  	s1 =	sadd.s32 $0x1, s1;
	vm1 =	vmand vm1, vm2;
	s31 =	spop (v2sf)  }
0x38e: {  	s28 =	sadd.s32 $0x10, s28;
	s4 =	sadd.s32 $0x10, s4;
	s0 =	sadd.s32 $0x1, s0;
	[tilespmem:s31+$0x10000] =	vst.msk vm1, v8  }
.LBB2_51:
0x38f: {  	s1 =	simm.s32 $0x18040  }
0x390: {  	[tilespmem:s1+$0xFFFFFFC0] =	vst v2  }
0x391: {  	[tilespmem:s1+$0x30] =	vst v2  }
0x392: {  	[tilespmem:s1+$0x20] =	vst v2  }
0x393: {  	[tilespmem:s1+$0x10] =	vst v2  }
0x394: {  	[tilespmem:s1+$0x0] =	vst v2  }
0x395: {  	s0 =	sshll.u32 s25, $0x10;
	[tilespmem:s1+$0xFFFFFFF0] =	vst v2  }
0x396: {  	s20 =	ssub.s32 s21, s23;
	s21 =	sor.u32 s22, s0;
	s0 =	simm.s32 $0x0;
	[tilespmem:s1+$0xFFFFFFE0] =	vst v2  }
.LBB2_52:
0x397: {  	s0 =	sadd.s32 $0x8, s0;
	[tilespmem:s1+$0xFFFFFFD0] =	vst v2;
	s1 =	sadd.s32 $0x80, s1  }
0x398: {  	[tilespmem:s1+$0xFFFFFFC0] =	vst v2;
	p0 =	slt.u32 s0, $0xF8  }
0x399: {  	[tilespmem:s1+$0x30] =	vst v2  }
.Ltmp37:
0x39a: {  	[tilespmem:s1+$0x20] =	vst v2;
	(pc) =	sbr.rel @p0 .LBB2_52-.Ltmp37, $4  }
0x39b: {  	[tilespmem:s1+$0x10] =	vst v2  }
0x39c: {  	[tilespmem:s1+$0x0] =	vst v2  }
0x39d: {  	[tilespmem:s1+$0xFFFFFFF0] =	vst v2  }
0x39e: {  	[tilespmem:s1+$0xFFFFFFE0] =	vst v2  }
0x39f: {  	s2 =	ssub.s32 s24, s23  }
0x3a0: {  	s0 =	sadd.s32 $0xF, s2  }
0x3a1: {  	s4 =	sand.u32 $0xF, s0  }
0x3a2: {  	s31 =	sshra.s32 s0, $0x1F;
	p1 =	slt.s32 s0, $0x1;
	p0 =	sne.s32 s4, $0x0  }
0x3a3: {  	s4 =	sshrl.u32 s31, $0x1C;
	p0 =	por !p1, !p0  }
0x3a4: {  	s0 =	sadd.s32 s4, s0;
	s4 =	simm.s32 $0x1;
	p0 =	por !p0, !p0  }
0x3a5: {  	s0 =	sshra.s32 s0, $0x4;
	s4 =	simm.s32 @!p0 $0x0  }
0x3a6: {  	s22 =	ssub.s32 s0, s4  }
0x3a7: {  	s0 =	sshrl.u32 s22, $0x1D  }
0x3a8: {  	s0 =	sadd.s32 s0, s22  }
0x3a9: {  	s0 =	sand.u32 $0xFFFFFFF8, s0  }
0x3aa: {  	p0 =	slt.s32 s0, $0x1  }
.Ltmp38:
0x3ab: {  	_ = 	snop;
	(pc) =	sbr.rel @p0 .LBB2_57-.Ltmp38, $2  }
0x3ac: {  	_ =	sdelay $0x2  }
0x3ad: {  	[tilespmem:s1+$0xFFFFFFD0] =	vst v2;
	v6 =	vmov s2  }
0x3ae: {  	s4 =	simm.s32 $0x10040  }
0x3af: {  	v7 =	vld [tilespmem:s4+$0x30]  }
0x3b0: {  	v8 =	vld [tilespmem:s4+$0xFFFFFFC0]  }
0x3b1: {  	v10 =	vld [tilespmem:s4+$0xFFFFFFE0]  }
0x3b2: {  	v11 =	vld [tilespmem:s4+$0xFFFFFFF0]  }
0x3b3: {  	s1 =	simm.s32 $0x70;
	v9 =	vld [tilespmem:s4+$0xFFFFFFD0]  }
0x3b4: {  	v17 =	vor.u32 s1, v0  }
0x3b5: {  	v12 =	vld [tilespmem:s4+$0x0];
	vm1 =	vlt.s32 v17, v6;
	v13 =	vshra.s32 v7, $0x1F  }
0x3b6: {  	v16 =	vld [tilespmem:s4+$0x20];
	v14 =	vshra.s32 v8, $0x1F;
	v18 =	vshra.s32 v10, $0x1F;
	v7 =	vxor.u32 v7, v13  }
0x3b7: {  	v15 =	vld [tilespmem:s4+$0x10];
	v8 =	vxor.u32 v8, v14;
	v14 =	vshra.s32 v11, $0x1F;
	v7 =	vshrl.u32 v7, $0x4  }
0x3b8: {  	v13 =	vshra.s32 v9, $0x1F;
	v11 =	vxor.u32 v11, v14;
	v7 =	vand.u32 $0xFF0, v7  }
0x3b9: {  	v8 =	vshrl.u32 v8, $0x4;
	v11 =	vshrl.u32 v11, $0x4;
	v17 =	vor.u32 v0, v7  }
0x3ba: {  	v7 =	vxor.u32 v9, v13;
	v9 =	vxor.u32 v10, v18;
	v10 =	vshra.s32 v12, $0x1F  }
0x3bb: {  	v13 =	vshra.s32 v16, $0x1F;
	v11 =	vand.u32 $0xFF0, v11;
	v10 =	vxor.u32 v12, v10  }
0x3bc: {  	p0 =	sgt.s32 s0, $0x8;
	v12 =	vshra.s32 v15, $0x1F;
	v7 =	vshrl.u32 v7, $0x4;
	v14 =	vshrl.u32 v9, $0x4  }
.Ltmp39:
0x3bd: {  	v13 =	vxor.u32 v16, v13;
	v12 =	vxor.u32 v15, v12;
	v15 =	vshrl.u32 v10, $0x4;
	(pc) =	sbr.rel @!p0 .LBB2_56-.Ltmp39, $4  }
0x3be: {  	v10 =	vand.u32 $0xFF0, v8;
	v9 =	vand.u32 $0xFF0, v7;
	v8 =	vshrl.u32 v13, $0x4  }
0x3bf: {  	s2 =	simm.s32 $0x10;
	s5 =	simm.s32 $0x0;
	s14 =	simm.s32 $0x30;
	v16 =	vshrl.u32 v12, $0x4;
	v12 =	vand.u32 $0xFF0, v14;
	v7 =	vand.u32 $0xFF0, v15  }
0x3c0: {  	s6 =	simm.s32 $0x20;
	s24 =	simm.s32 $0x40;
	s25 =	simm.s32 $0x50;
	v14 =	vor.u32 s5, v0;
	v8 =	vand.u32 $0xFF0, v8;
	v15 =	vor.u32 s14, v0  }
0x3c1: {  	s15 =	simm.s32 $0x60;
	s4 =	simm.s32 $0x8;
	s14 =	simm.s32 $0x100C0;
	v13 =	vand.u32 $0xFF0, v16;
	v16 =	vor.u32 s6, v0;
	[tilespmem:v17+s10+$0x0] =	vst.idx.add.s32.msk vm1, v3;
	v17 =	vor.u32 s2, v0  }
.LBB2_55:
0x3c2: {  	v18 =	vld [tilespmem:s14+$0x30];
	s4 =	sadd.s32 $0x8, s4;
	v19 =	vor.u32 s24, v0;
	v20 =	vor.u32 s25, v0;
	v21 =	vor.u32 s15, v0  }
0x3c3: {  	v10 =	vor.u32 v0, v10;
	v9 =	vor.u32 v0, v9;
	v12 =	vor.u32 v0, v12;
	v22 =	vld [tilespmem:s14+$0xFFFFFFC0];
	p0 =	slt.s32 s4, s0  }
0x3c4: {  	v11 =	vor.u32 v0, v11;
	v7 =	vor.u32 v0, v7;
	v13 =	vor.u32 v0, v13;
	v23 =	vld [tilespmem:s14+$0xFFFFFFD0]  }
0x3c5: {  	vm7 =	vlt.s32 v14, v6;
	vm6 =	vlt.s32 v17, v6;
	v8 =	vor.u32 v0, v8;
	v24 =	vld [tilespmem:s14+$0xFFFFFFE0]  }
0x3c6: {  	vm5 =	vlt.s32 v16, v6;
	vm4 =	vlt.s32 v15, v6;
	vm3 =	vlt.s32 v19, v6;
	v14 =	vld [tilespmem:s14+$0xFFFFFFF0]  }
0x3c7: {  	vm2 =	vlt.s32 v20, v6;
	vm1 =	vlt.s32 v21, v6;
	v15 =	vld [tilespmem:s14+$0x0];
	v16 =	vshra.s32 v18, $0x1F  }
0x3c8: {  	s1 =	sadd.s32 $0x80, s1;
	v17 =	vshra.s32 v22, $0x1F;
	v19 =	vld [tilespmem:s14+$0x10];
	v16 =	vxor.u32 v18, v16  }
0x3c9: {  	s2 =	sadd.s32 $0xFFFFFFA0, s1;
	s5 =	sadd.s32 $0xFFFFFFB0, s1;
	s6 =	sadd.s32 $0xFFFFFFC0, s1;
	v21 =	vor.u32 s1, v0;
	v18 =	vshra.s32 v23, $0x1F;
	v20 =	vld [tilespmem:s14+$0x20];
	v16 =	vshrl.u32 v16, $0x4  }
0x3ca: {  	s24 =	sadd.s32 $0xFFFFFFD0, s1;
	s25 =	sadd.s32 $0xFFFFFFE0, s1;
	s15 =	sadd.s32 $0xFFFFFFF0, s1;
	vm8 =	vlt.s32 v21, v6;
	v25 =	vshra.s32 v24, $0x1F;
	v16 =	vand.u32 $0xFF0, v16  }
0x3cb: {  	s16 =	sadd.s32 $0xFFFFFF90, s1;
	v17 =	vxor.u32 v22, v17;
	v21 =	vshra.s32 v14, $0x1F;
	v16 =	vor.u32 v0, v16;
	[tilespmem:v10+s10+$0x0] =	vst.idx.add.s32.msk vm7, v3  }
0x3cc: {  	v10 =	vxor.u32 v23, v18;
	v18 =	vxor.u32 v24, v25;
	v22 =	vshra.s32 v15, $0x1F;
	[tilespmem:v9+s10+$0x0] =	vst.idx.add.s32.msk vm6, v3  }
0x3cd: {  	v9 =	vxor.u32 v14, v21;
	v14 =	vxor.u32 v15, v22;
	v15 =	vshra.s32 v19, $0x1F;
	[tilespmem:v12+s10+$0x0] =	vst.idx.add.s32.msk vm5, v3  }
0x3ce: {  	v12 =	vshrl.u32 v17, $0x4;
	v15 =	vxor.u32 v19, v15;
	v17 =	vshra.s32 v20, $0x1F;
	[tilespmem:v11+s10+$0x0] =	vst.idx.add.s32.msk vm4, v3  }
0x3cf: {  	v18 =	vshrl.u32 v18, $0x4;
	v11 =	vshrl.u32 v10, $0x4;
	v17 =	vxor.u32 v20, v17;
	[tilespmem:v7+s10+$0x0] =	vst.idx.add.s32.msk vm3, v3  }
.Ltmp40:
0x3d0: {  	v14 =	vshrl.u32 v14, $0x4;
	v7 =	vshrl.u32 v9, $0x4;
	v15 =	vshrl.u32 v15, $0x4;
	[tilespmem:v16+s10+$0x0] =	vst.idx.add.s32.msk vm8, v3;
	(pc) =	sbr.rel @p0 .LBB2_55-.Ltmp40, $4  }
0x3d1: {  	v10 =	vand.u32 $0xFF0, v12;
	v9 =	vand.u32 $0xFF0, v11;
	v16 =	vshrl.u32 v17, $0x4;
	[tilespmem:v13+s10+$0x0] =	vst.idx.add.s32.msk vm2, v3  }
0x3d2: {  	v12 =	vand.u32 $0xFF0, v18;
	v11 =	vand.u32 $0xFF0, v7;
	v7 =	vand.u32 $0xFF0, v14;
	[tilespmem:v8+s10+$0x0] =	vst.idx.add.s32.msk vm1, v3  }
0x3d3: {  	v14 =	vor.u32 s16, v0;
	v13 =	vand.u32 $0xFF0, v15;
	v8 =	vand.u32 $0xFF0, v16  }
0x3d4: {  	s14 =	sadd.s32 $0x80, s14;
	v17 =	vor.u32 s2, v0;
	v15 =	vor.u32 s6, v0;
	v16 =	vor.u32 s5, v0  }
.LBB2_56:
0x3d5: {  	vm1 =	vlt.s32 v14, v6  }
0x3d6: {  	v10 =	vor.u32 v0, v10;
	vm2 =	vlt.s32 v17, v6  }
0x3d7: {  	v9 =	vor.u32 v0, v9;
	vm3 =	vlt.s32 v16, v6  }
0x3d8: {  	v61 =	vor.u32 s24, v0;
	v12 =	vor.u32 v0, v12;
	vm4 =	vlt.s32 v15, v6  }
0x3d9: {  	v62 =	vor.u32 s25, v0;
	v11 =	vor.u32 v0, v11;
	vm5 =	vlt.s32 v61, v6  }
0x3da: {  	v63 =	vor.u32 s15, v0;
	v7 =	vor.u32 v0, v7;
	vm6 =	vlt.s32 v62, v6  }
0x3db: {  	v13 =	vor.u32 v0, v13;
	vm7 =	vlt.s32 v63, v6;
	[tilespmem:v10+s10+$0x0] =	vst.idx.add.s32.msk vm1, v3  }
0x3dc: {  	v8 =	vor.u32 v0, v8;
	[tilespmem:v9+s10+$0x0] =	vst.idx.add.s32.msk vm2, v3  }
0x3dd: {  	[tilespmem:v12+s10+$0x0] =	vst.idx.add.s32.msk vm3, v3  }
0x3de: {  	[tilespmem:v11+s10+$0x0] =	vst.idx.add.s32.msk vm4, v3  }
0x3df: {  	[tilespmem:v7+s10+$0x0] =	vst.idx.add.s32.msk vm5, v3  }
0x3e0: {  	[tilespmem:v13+s10+$0x0] =	vst.idx.add.s32.msk vm6, v3  }
0x3e1: {  	[tilespmem:v8+s10+$0x0] =	vst.idx.add.s32.msk vm7, v3  }
.LBB2_57:
0x3e2: {  	s1 =	ssub.s32 s22, s0  }
0x3e3: {  	p0 =	sgt.s32 s1, $0x0  }
.Ltmp41:
0x3e4: {  	_ = 	snop;
	(pc) =	sbr.rel @!p0 .LBB2_58-.Ltmp41, $1  }
0x3e5: {  	_ =	sdelay $0x3  }
0x3e6: {  	s1 =	sshll.u32 s0, $0x6  }
0x3e7: {  	s1 =	sshra.s32 s1, $0x2  }
0x3e8: {  	s4 =	sshll.u32 s0, $0x4;
	s1 =	sadd.s32 $0x10000, s1  }
.LBB2_80:
0x3e9: {  	v7 =	vld [tilespmem:s1+$0x0];
	_ =	sdelay $0x4  }
0x3ea: {  	v8 =	vshra.s32 v7, $0x1F  }
0x3eb: {  	v7 =	vxor.u32 v7, v8  }
0x3ec: {  	v8 =	vor.u32 s4, v0;
	v7 =	vshrl.u32 v7, $0x4  }
0x3ed: {  	s0 =	sadd.s32 $0x1, s0;
	vm1 =	vlt.s32 v8, v6;
	v7 =	vand.u32 $0xFF0, v7  }
0x3ee: {  	p0 =	slt.s32 s0, s22;
	v7 =	vor.u32 v0, v7  }
.Ltmp42:
0x3ef: {  	_ = 	snop;
	(pc) =	sbr.rel @p0 .LBB2_80-.Ltmp42, $2  }
0x3f0: {  	_ =	sdelay $0x2  }
0x3f1: {  	s1 =	sadd.s32 $0x10, s1;
	s4 =	sadd.s32 $0x10, s4;
	[tilespmem:v7+s10+$0x0] =	vst.idx.add.s32.msk vm1, v3  }
.LBB2_58:
0x3f2: {  	s1 =	simm.s32 $0x18040  }
0x3f3: {  	v7 =	vld [tilespmem:s1+$0x30]  }
0x3f4: {  	v8 =	vld [tilespmem:s1+$0xFFFFFFD0]  }
0x3f5: {  	v9 =	vld [tilespmem:s1+$0xFFFFFFE0]  }
0x3f6: {  	v11 =	vld [tilespmem:s1+$0xFFFFFFF0]  }
0x3f7: {  	s2 =	simm.s32 $0x1;
	s4 =	simm.s32 $0x3;
	v15 =	vld [tilespmem:s1+$0x0]  }
0x3f8: {  	s28 =	simm.s32 $0x2;
	s30 =	simm.s32 $0x7;
	v10 =	vmov s2;
	v17 =	vld [tilespmem:s1+$0x10];
	v12 =	vmov s4;
	(xrf0) =	vadd.scan.msk.s32 $0xffff, v7  }
0x3f9: {  	v14 =	vld [tilespmem:s1+$0x20];
	v13 =	vmov s30;
	v7 =	vmov s28;
	(xrf0) =	vadd.scan.msk.s32 $0xffff, v8;
	v8 =	vand.u32 $0xFFFFFFF9, v10  }
0x3fa: {  	s5 =	simm.s32 $0x4;
	v7 =	vand.u32 $0xFFFFFFFA, v7;
	(xrf0) =	vadd.scan.msk.s32 $0xffff, v9;
	v10 =	vbroadcast v8, $0x0;
	v8 =	vand.u32 $0xFFFFFFFB, v12;
	v12 =	vld [tilespmem:s1+$0xFFFFFFC0]  }
0x3fb: {  	s19 =	sadd.s32 s19, s23;
	s29 =	simm.s32 $0x5;
	v16 =	vmov s5;
	v9 =	vbroadcast v7, $0x0;
	(xrf0) =	vadd.scan.msk.s32 $0xffff, v11  }
0x3fc: {  	s0 =	simm.s32 $0x0;
	s31 =	simm.s32 $0x6;
	v18 =	vmov s29;
	s4 =	simm.s32 $0x180C0;
	v7 =	vbroadcast v8, $0x0;
	v8 =	vand.u32 $0xFFFFFFFC, v16;
	(xrf0) =	vadd.scan.msk.s32 $0xffff, v15  }
0x3fd: {  	s14 =	simm.s32 $0x10;
	s15 =	simm.s32 $0x0;
	s1 =	simm.s32 $0x8;
	v11 =	vld [tilespmem:s4+$0x30];
	v16 =	vmov s31;
	v8 =	vbroadcast v8, $0x0;
	v15 =	vand.u32 $0xFFFFFFFD, v18;
	(xrf0) =	vadd.scan.msk.s32 $0xffff, v17  }
.LBB2_59:
0x3fe: {  	p0 =	slt.u32 s14, $0xF8;
	v17 =	vld [tilespmem:s4+$0xFFFFFFD0];
	v18 =	vmov s15;
	v15 =	vbroadcast v15, $0x0;
	v16 =	vand.u32 $0xFFFFFFFE, v16;
	(xrf0) =	vadd.scan.msk.s32 $0xffff, v14;
	v14, _, _ =	vpop (xrf0);
	s15 =	smov.u32 s1;
	s1 =	smov.u32 s14  }
0x3ff: {  	s2 =	sadd.s32 $0x1, s15;
	v19 =	vld [tilespmem:s4+$0xFFFFFFE0];
	v18 =	vand.u32 $0xFFFFFFF8, v18;
	v16 =	vbroadcast v16, $0x0;
	[tilespmem:v13+s11+$0x0] =	vst.idx.msk vm0, v14;
	(xrf0) =	vadd.scan.msk.s32 $0xffff, v12;
	v12, _, _ =	vpop (xrf0)  }
0x400: {  	s5 =	sadd.s32 $0x3, s15;
	v13 =	vmov s2;
	s2 =	sadd.s32 $0x2, s15;
	v20 =	vld [tilespmem:s4+$0xFFFFFFF0];
	v18 =	vbroadcast v18, $0x0;
	[tilespmem:v10+s11+$0x0] =	vst.idx.msk vm0, v12;
	v10, _, _ =	vpop (xrf0)  }
0x401: {  	v21 =	vmov s5;
	s5 =	sadd.s32 $0x5, s15;
	v12 =	vmov s2;
	v22 =	vld [tilespmem:s4+$0x0];
	s2 =	sadd.s32 $0x4, s15;
	[tilespmem:v9+s11+$0x0] =	vst.idx.msk vm0, v10;
	v9, _, _ =	vpop (xrf0)  }
0x402: {  	v25 =	vmov s5;
	v23 =	vmov s2;
	v24 =	vld [tilespmem:s4+$0x10];
	(xrf0) =	vadd.scan.msk.s32 $0xffff, v11;
	[tilespmem:v7+s11+$0x0] =	vst.idx.msk vm0, v9;
	v7, _, _ =	vpop (xrf0)  }
.Ltmp43:
0x403: {  	v9 =	vand.u32 $0xFFFFFFF9, v13;
	v26 =	vand.u32 $0xFFFFFFFA, v12;
	s2 =	sadd.s32 $0x7, s15;
	v14 =	vld [tilespmem:s4+$0x20];
	(xrf0) =	vadd.scan.msk.s32 $0xffff, v17;
	[tilespmem:v8+s11+$0x0] =	vst.idx.msk vm0, v7;
	v7, _, _ =	vpop (xrf0);
	(pc) =	sbr.rel @p0 .LBB2_59-.Ltmp43, $4  }
0x404: {  	v10 =	vbroadcast v9, $0x0;
	v13 =	vmov s2;
	v12 =	vld [tilespmem:s4+$0xFFFFFFC0];
	(xrf0) =	vadd.scan.msk.s32 $0xffff, v19;
	[tilespmem:v15+s11+$0x0] =	vst.idx.msk vm0, v7;
	v7, _, _ =	vpop (xrf0)  }
0x405: {  	v9 =	vbroadcast v26, $0x0;
	v8 =	vand.u32 $0xFFFFFFFB, v21;
	(xrf0) =	vadd.scan.msk.s32 $0xffff, v20;
	[tilespmem:v16+s11+$0x0] =	vst.idx.msk vm0, v7;
	v11, _, _ =	vpop (xrf0)  }
0x406: {  	s2 =	sadd.s32 $0x6, s15;
	s4 =	sadd.s32 $0x80, s4;
	v7 =	vbroadcast v8, $0x0;
	v8 =	vand.u32 $0xFFFFFFFC, v23;
	(xrf0) =	vadd.scan.msk.s32 $0xffff, v22;
	[tilespmem:v18+s11+$0x0] =	vst.idx.msk vm0, v11  }
0x407: {  	s14 =	sadd.s32 $0x8, s14;
	v15 =	vand.u32 $0xFFFFFFFD, v25;
	v16 =	vmov s2;
	v8 =	vbroadcast v8, $0x0;
	v11 =	vld [tilespmem:s4+$0x30];
	(xrf0) =	vadd.scan.msk.s32 $0xffff, v24  }
0x408: {  	_ =	sdelay $0x1  }
0x409: {  	v17 =	vld [tilespmem:s4+$0xFFFFFFD0];
	v18 =	vmov s15;
	v15 =	vbroadcast v15, $0x0  }
0x40a: {  	v16 =	vand.u32 $0xFFFFFFFE, v16;
	(xrf0) =	vadd.scan.msk.s32 $0xffff, v14;
	v45, _, _ =	vpop (xrf0);
	s2 =	sadd.s32 $0x1, s1;
	v19 =	vld [tilespmem:s4+$0xFFFFFFE0];
	s25 =	sadd.s32 $0x2, s1;
	v61 =	vmov s1;
	v18 =	vand.u32 $0xFFFFFFF8, v18  }
0x40b: {  	v48 =	vld [tilespmem:s4+$0xFFFFFFF0];
	s5 =	sadd.s32 $0x3, s1;
	s26 =	sadd.s32 $0x4, s1;
	v16 =	vbroadcast v16, $0x0;
	(xrf0) =	vadd.scan.msk.s32 $0xffff, v12;
	v46, _, _ =	vpop (xrf0);
	v47 =	vmov s2;
	v50 =	vmov s25  }
0x40c: {  	v21 =	vld [tilespmem:s4+$0x0];
	s28 =	sadd.s32 $0x5, s1;
	s29 =	sadd.s32 $0x7, s1;
	v20 =	vmov s5;
	v52 =	vmov s26;
	v18 =	vbroadcast v18, $0x0;
	[tilespmem:v10+s11+$0x0] =	vst.idx.msk vm0, v46;
	v49, _, _ =	vpop (xrf0)  }
0x40d: {  	v22 =	vld [tilespmem:s4+$0x10];
	s30 =	sadd.s32 $0x6, s1;
	v23 =	vmov s28;
	v56 =	vmov s29;
	[tilespmem:v9+s11+$0x0] =	vst.idx.msk vm0, v49;
	v51, _, _ =	vpop (xrf0);
	(xrf0) =	vadd.scan.msk.s32 $0xffff, v11  }
0x40e: {  	v55 =	vld [tilespmem:s4+$0x20];
	v60 =	vmov s30;
	v53 =	vand.u32 $0xFFFFFFF9, v47;
	[tilespmem:v7+s11+$0x0] =	vst.idx.msk vm0, v51;
	v7, _, _ =	vpop (xrf0);
	(xrf0) =	vadd.scan.msk.s32 $0xffff, v17  }
0x40f: {  	v54 =	vand.u32 $0xFFFFFFFA, v50;
	v9 =	vbroadcast v53, $0x0;
	[tilespmem:v8+s11+$0x0] =	vst.idx.msk vm0, v7;
	v7, _, _ =	vpop (xrf0);
	v8 =	vld [tilespmem:s4+$0xFFFFFFC0];
	(xrf0) =	vadd.scan.msk.s32 $0xffff, v19  }
0x410: {  	v57 =	vand.u32 $0xFFFFFFFB, v20;
	v11 =	vbroadcast v54, $0x0;
	[tilespmem:v15+s11+$0x0] =	vst.idx.msk vm0, v7;
	v7, _, _ =	vpop (xrf0);
	(xrf0) =	vadd.scan.msk.s32 $0xffff, v48  }
0x411: {  	v10 =	vand.u32 $0xFFFFFFFC, v52;
	v58 =	vbroadcast v57, $0x0;
	[tilespmem:v16+s11+$0x0] =	vst.idx.msk vm0, v7;
	v7, _, _ =	vpop (xrf0);
	(xrf0) =	vadd.scan.msk.s32 $0xffff, v21  }
0x412: {  	v59 =	vand.u32 $0xFFFFFFFD, v23;
	[tilespmem:v18+s11+$0x0] =	vst.idx.msk vm0, v7;
	v7 =	vbroadcast v10, $0x0;
	(xrf0) =	vadd.scan.msk.s32 $0xffff, v22  }
0x413: {  	[tilespmem:v13+s11+$0x0] =	vst.idx.msk vm0, v45;
	v15 =	vand.u32 $0xFFFFFFFE, v60;
	v10 =	vbroadcast v59, $0x0;
	(xrf0) =	vadd.scan.msk.s32 $0xffff, v55;
	v62, _, _ =	vpop (xrf0)  }
0x414: {  	v16 =	vand.u32 $0xFFFFFFF8, v61;
	v15 =	vbroadcast v15, $0x0;
	[tilespmem:v56+s11+$0x0] =	vst.idx.msk vm0, v62;
	(xrf0) =	vadd.scan.msk.s32 $0xffff, v8;
	v8, _, _ =	vpop (xrf0)  }
0x415: {  	v63 =	vbroadcast v16, $0x0;
	[tilespmem:v9+s11+$0x0] =	vst.idx.msk vm0, v8;
	v8, _, _ =	vpop (xrf0)  }
0x416: {  	[tilespmem:v11+s11+$0x0] =	vst.idx.msk vm0, v8;
	v8, _, _ =	vpop (xrf0)  }
0x417: {  	[tilespmem:v58+s11+$0x0] =	vst.idx.msk vm0, v8;
	v8, _, _ =	vpop (xrf0)  }
0x418: {  	[tilespmem:v7+s11+$0x0] =	vst.idx.msk vm0, v8;
	v7, _, _ =	vpop (xrf0)  }
0x419: {  	[tilespmem:v10+s11+$0x0] =	vst.idx.msk vm0, v7;
	v7, _, _ =	vpop (xrf0)  }
0x41a: {  	[tilespmem:v15+s11+$0x0] =	vst.idx.msk vm0, v7;
	v7, _, _ =	vpop (xrf0)  }
0x41b: {  	s31 =	simm.s32 $0xF0;
	[tilespmem:v63+s11+$0x0] =	vst.idx.msk vm0, v7  }
0x41c: {  	v7 =	vld [tilespmem:s31+$0x19000];
	_ =	sdelay $0x4  }
0x41d: {  	v7 =	vperm.xlane v7, v4;
	_ =	sdelay $0x1  }
0x41e: {  	(xrf0) =	vadd.scan.msk.s32 $0xffff, v7;
	_ =	sdelay $0x5  }
0x41f: {  	v7, _, _ =	vpop (xrf0)  }
0x420: {  	v7 =	vperm.xlane v7, v4;
	_ =	sdelay $0x1  }
0x421: {  	v7 =	vadd.s32 s0, v7  }
0x422: {  	v8 =	vxor.u32 $0x80000000, v7  }
0x423: {  	(xrf0) =	vmax.scan.msk.u32 $0xffff, v8;
	_ =	sdelay $0x5  }
0x424: {  	v8, _, _ =	vpop (xrf0)  }
0x425: {  	s1 =	simm.s32 $0x340;
	s0 =	simm.s32 $0xE0;
	[tilespmem:s31+$0x19180] =	vst v7;
	(v2sf) =	vpush v8, $0xF  }
.LBB2_61:
0x426: {  	p0 =	seq.s32 s1, $0x0;
	v7 =	vld [tilespmem:s0+$0x19000];
	_ =	sdelay $0x4  }
0x427: {  	v7 =	vperm.xlane v7, v4;
	_ =	sdelay $0x1  }
0x428: {  	(xrf0) =	vadd.scan.msk.s32 $0xffff, v7;
	_ =	sdelay $0x5  }
0x429: {  	v7, _, _ =	vpop (xrf0)  }
0x42a: {  	v7 =	vperm.xlane v7, v4;
	s2 =	spop (v2sf)  }
0x42b: {  	s2 =	sxor.u32 $0x80000000, s2  }
0x42c: {  	v7 =	vadd.s32 s2, v7  }
0x42d: {  	[tilespmem:s0+$0x19180] =	vst v7;
	v7 =	vxor.u32 $0x80000000, v7  }
0x42e: {  	(xrf0) =	vmax.scan.msk.u32 $0xffff, v7;
	_ =	sdelay $0x2  }
.Ltmp44:
0x42f: {  	(pc) =	sbr.rel @!p0 .LBB2_61-.Ltmp44, $3  }
0x430: {  	_ =	sdelay $0x1  }
0x431: {  	v7, _, _ =	vpop (xrf0)  }
0x432: {  	s0 =	sshra.s32 s1, $0x2;
	s1 =	sadd.s32 $0xFFFFFFC0, s1;
	(v2sf) =	vpush v7, $0xF  }
0x433: {  	v7 =	vld [tilespmem:s0+$0x19000];
	_ =	sdelay $0x4  }
0x434: {  	v7 =	vperm.xlane v7, v4;
	_ =	sdelay $0x1  }
0x435: {  	(xrf0) =	vadd.scan.msk.s32 $0xffff, v7;
	_ =	sdelay $0x5  }
0x436: {  	v7, _, _ =	vpop (xrf0)  }
0x437: {  	v7 =	vperm.xlane v7, v4;
	s1 =	spop (v2sf)  }
0x438: {  	s1 =	sxor.u32 $0x80000000, s1  }
0x439: {  	v7 =	vadd.s32 s1, v7  }
0x43a: {  	v8 =	vxor.u32 $0x80000000, v7  }
0x43b: {  	(xrf0) =	vmax.scan.msk.u32 $0xffff, v8;
	_ =	sdelay $0x4  }
0x43c: {  	[tilespmem:s0+$0x19180] =	vst v7  }
0x43d: {  	v7 =	vld [tilespmem:$0x19180];
	v8, _, _ =	vpop (xrf0)  }
0x43e: {  	(v2sf) =	vpush v8, $0xF;
	v8 =	vld [tilespmem:$0x19190]  }
0x43f: {  	v9 =	vld [tilespmem:$0x191A0]  }
0x440: {  	v10 =	vld [tilespmem:$0x191B0]  }
0x441: {  	v11 =	vld [tilespmem:$0x191C0]  }
0x442: {  	vm1 =	vge.s32 v7, s20;
	v7 =	vld [tilespmem:$0x191D0]  }
0x443: {  	v12 =	vsel vm1, $0x1, v2;
	vm1 =	vge.s32 v8, s20;
	v8 =	vld [tilespmem:$0x191E0]  }
0x444: {  	v43 =	vld [tilespmem:$0x191F0];
	(xrf0) =	vadd.scan.msk.s32 $0xffff, v12;
	v42 =	vsel vm1, $0x1, v2;
	vm1 =	vge.s32 v9, s20  }
0x445: {  	v45 =	vld [tilespmem:$0x19200];
	(xrf0) =	vadd.scan.msk.s32 $0xffff, v42;
	v44 =	vsel vm1, $0x1, v2;
	vm1 =	vge.s32 v10, s20  }
0x446: {  	v47 =	vld [tilespmem:$0x19210];
	(xrf0) =	vadd.scan.msk.s32 $0xffff, v44;
	v46 =	vsel vm1, $0x1, v2;
	vm1 =	vge.s32 v11, s20  }
0x447: {  	(xrf0) =	vadd.scan.msk.s32 $0xffff, v46;
	v48 =	vsel vm1, $0x1, v2;
	vm1 =	vge.s32 v7, s20;
	v7 =	vld [tilespmem:$0x19220]  }
0x448: {  	(xrf0) =	vadd.scan.msk.s32 $0xffff, v48;
	v49 =	vsel vm1, $0x1, v2;
	vm1 =	vge.s32 v8, s20;
	v8 =	vld [tilespmem:$0x19230]  }
0x449: {  	v51 =	vld [tilespmem:$0x19240];
	(xrf0) =	vadd.scan.msk.s32 $0xffff, v49;
	v50 =	vsel vm1, $0x1, v2;
	vm1 =	vge.s32 v43, s20  }
0x44a: {  	v53 =	vld [tilespmem:$0x19250];
	v13, _, _ =	vpop (xrf0);
	(xrf0) =	vadd.scan.msk.s32 $0xffff, v50;
	v52 =	vsel vm1, $0x1, v2;
	vm1 =	vge.s32 v45, s20  }
0x44b: {  	v56 =	vld [tilespmem:$0x19260];
	(v2sf) =	vpush v13, $0xF;
	v54, _, _ =	vpop (xrf0);
	(xrf0) =	vadd.scan.msk.s32 $0xffff, v52;
	v55 =	vsel vm1, $0x1, v2;
	vm1 =	vge.s32 v47, s20  }
0x44c: {  	(v2sf) =	vpush v54, $0xF;
	v57, _, _ =	vpop (xrf0);
	v58 =	vsel vm1, $0x1, v2;
	vm1 =	vge.s32 v7, s20;
	v7 =	vld [tilespmem:$0x19270]  }
0x44d: {  	(xrf0) =	vadd.scan.msk.s32 $0xffff, v55;
	(v2sf) =	vpush v57, $0xF;
	v59, _, _ =	vpop (xrf0);
	v60 =	vsel vm1, $0x1, v2;
	vm1 =	vge.s32 v8, s20  }
0x44e: {  	(xrf0) =	vadd.scan.msk.s32 $0xffff, v58;
	(v2sf) =	vpush v59, $0xF;
	v8, _, _ =	vpop (xrf0);
	v61 =	vsel vm1, $0x1, v2;
	vm1 =	vge.s32 v51, s20  }
0x44f: {  	(xrf0) =	vadd.scan.msk.s32 $0xffff, v60;
	(v2sf) =	vpush v8, $0xF;
	v8, _, _ =	vpop (xrf0);
	v9 =	vsel vm1, $0x1, v2;
	vm1 =	vge.s32 v53, s20  }
0x450: {  	(xrf0) =	vadd.scan.msk.s32 $0xffff, v61;
	(v2sf) =	vpush v8, $0xF;
	v8, _, _ =	vpop (xrf0);
	v62 =	vsel vm1, $0x1, v2;
	vm1 =	vge.s32 v56, s20  }
0x451: {  	(xrf0) =	vadd.scan.msk.s32 $0xffff, v9;
	(v2sf) =	vpush v8, $0xF;
	v8, _, _ =	vpop (xrf0);
	v63 =	vsel vm1, $0x1, v2;
	vm1 =	vge.s32 v7, s20  }
0x452: {  	(xrf0) =	vadd.scan.msk.s32 $0xffff, v62;
	(v2sf) =	vpush v8, $0xF;
	v8 =	vsel vm1, $0x1, v2  }
0x453: {  	v7, _, _ =	vpop (xrf0);
	(xrf0) =	vadd.scan.msk.s32 $0xffff, v63  }
0x454: {  	(v2sf) =	vpush v7, $0xF;
	v7, _, _ =	vpop (xrf0);
	(xrf0) =	vadd.scan.msk.s32 $0xffff, v8  }
0x455: {  	(v2sf) =	vpush v7, $0xF;
	v8, _, _ =	vpop (xrf0)  }
0x456: {  	v7, _, _ =	vpop (xrf0);
	(v2sf) =	vpush v8, $0xF  }
0x457: {  	v8, _, _ =	vpop (xrf0);
	(v2sf) =	vpush v7, $0xF  }
0x458: {  	v7, _, _ =	vpop (xrf0);
	(v2sf) =	vpush v8, $0xF  }
0x459: {  	v8, _, _ =	vpop (xrf0);
	(v2sf) =	vpush v7, $0xF  }
0x45a: {  	s30 =	spop (v2sf);
	(v2sf) =	vpush v8, $0xF;
	v7, _, _ =	vpop (xrf0)  }
0x45b: {  	s0 =	spop (v2sf);
	(v2sf) =	vpush v7, $0xF  }
0x45c: {  	s31 =	spop (v2sf)  }
0x45d: {  	s2 =	spop (v2sf);
	s0 =	sadd.s32 s0, s31  }
0x45e: {  	s4 =	spop (v2sf);
	s0 =	sadd.s32 s0, s2  }
0x45f: {  	s5 =	spop (v2sf);
	s0 =	sadd.s32 s0, s4  }
0x460: {  	s6 =	spop (v2sf);
	s0 =	sadd.s32 s0, s5  }
0x461: {  	s14 =	spop (v2sf);
	s0 =	sadd.s32 s0, s6  }
0x462: {  	s15 =	spop (v2sf);
	s0 =	sadd.s32 s0, s14  }
0x463: {  	s16 =	spop (v2sf);
	s0 =	sadd.s32 s0, s15  }
0x464: {  	s23 =	spop (v2sf);
	s0 =	sadd.s32 s0, s16  }
0x465: {  	s0 =	sadd.s32 s0, s23;
	s24 =	spop (v2sf)  }
0x466: {  	s25 =	spop (v2sf);
	s0 =	sadd.s32 s0, s24  }
0x467: {  	s26 =	spop (v2sf);
	s0 =	sadd.s32 s0, s25  }
0x468: {  	s28 =	spop (v2sf);
	s0 =	sadd.s32 s0, s26  }
0x469: {  	s0 =	sadd.s32 s0, s28;
	s29 =	spop (v2sf)  }
0x46a: {  	s0 =	sadd.s32 s0, s29;
	s30 =	spop (v2sf)  }
0x46b: {  	s0 =	sadd.s32 s0, s30  }
0x46c: {  	v7 =	vld [tilespmem:s0+$0x19180]  }
0x46d: {  	v8 =	vld [tilespmem:s0+$0x1917F];
	_ =	sdelay $0x3  }
0x46e: {  	(v2sf) =	vpush v7, $0x0  }
0x46f: {  	(v2sf) =	vpush v8, $0x0;
	_ =	sdelay $0x6  }
0x470: {  	s31 =	sshrl.u32 s22, $0x1E  }
0x471: {  	s1 =	sadd.s32 s31, s22  }
0x472: {  	s26 =	sand.u32 $0xFFFFFFFC, s1  }
0x473: {  	p0 =	sgt.s32 s26, $0x0  }
.Ltmp45:
0x474: {  	_ = 	snop;
	(pc) =	sbr.rel @!p0 .LBB2_66-.Ltmp45, $3  }
0x475: {  	_ =	sdelay $0x1  }
0x476: {  	s25 =	sadd.s32 $0xFFFFFFFF, s0;
	s23 =	spop (v2sf)  }
0x477: {  	v7 =	vmov s25;
	s24 =	spop (v2sf)  }
0x478: {  	s1 =	simm.s32 $0x10020  }
0x479: {  	v11 =	vld [tilespmem:s1+$0x10]  }
0x47a: {  	s0 =	simm.s32 $0x0;
	s2 =	simm.s32 $0x1;
	s28 =	simm.s32 $0x30;
	v12 =	vld [tilespmem:s1+$0xFFFFFFF0]  }
0x47b: {  	s29 =	simm.s32 $0x3;
	s30 =	simm.s32 $0x10;
	s31 =	simm.s32 $0x20;
	v8 =	vmov s0;
	v13 =	vld [tilespmem:s1+$0x0];
	v10 =	vmov s2;
	v58 =	vor.u32 s28, v0  }
0x47c: {  	v14 =	vld [tilespmem:s1+$0xFFFFFFE0];
	v17 =	vmov s29;
	v61 =	vor.u32 s30, v0;
	v62 =	vor.u32 s31, v0  }
0x47d: {  	s16 =	simm.s32 $0x2;
	v63 =	vor.u32 s0, v0;
	v8 =	vand.u32 $0xFFFFFFFC, v8;
	vm1 =	vlt.s32 v58, v6  }
0x47e: {  	v9 =	vbroadcast v8, $0x0;
	v8 =	vand.u32 $0xFFFFFFFD, v10;
	v10 =	vmov s16  }
0x47f: {  	vm4 =	vlt.s32 v61, v6;
	vm9 =	vlt.s32 v63, v6;
	v10 =	vand.u32 $0xFFFFFFFE, v10  }
0x480: {  	v8 =	vbroadcast v8, $0x0;
	v10 =	vbroadcast v10, $0x0;
	v15 =	vshra.s32 v11, $0x1F  }
0x481: {  	v16 =	vshra.s32 v12, $0x1F;
	v57 =	vshra.s32 v13, $0x1F;
	v18 =	vshra.s32 v14, $0x1F  }
0x482: {  	v11 =	vxor.u32 v11, v15;
	v12 =	vxor.u32 v12, v16;
	v14 =	vxor.u32 v14, v18  }
0x483: {  	v11 =	vshrl.u32 v11, $0x8;
	v14 =	vshrl.u32 v14, $0x8;
	v12 =	vshrl.u32 v12, $0x8  }
0x484: {  	v11 =	vand.u32 $0xFF, v11;
	v14 =	vand.u32 $0xFF, v14;
	v12 =	vand.u32 $0xFF, v12  }
0x485: {  	vm2 =	vgt.s32 v11, v7;
	vm3 =	veq.s32 v11, v7;
	v11 =	vxor.u32 v13, v57  }
0x486: {  	p0 =	sgt.s32 s26, $0x4;
	vm5 =	vgt.s32 v14, v7;
	vm7 =	veq.s32 v14, v7;
	vm2 =	vmand vm1, vm2  }
.Ltmp46:
0x487: {  	vm1 =	vmand vm1, vm3;
	v11 =	vshrl.u32 v11, $0x8;
	vm3 =	veq.s32 v12, v7;
	(pc) =	sbr.rel @!p0 .LBB2_65-.Ltmp46, $4  }
0x488: {  	v59 =	vmpcnt.ones.xlane vm2;
	v60 =	vmpcnt.ones.xlane vm1;
	vm1 =	vgt.s32 v12, v7  }
0x489: {  	vm6 =	vmand vm9, vm5;
	v11 =	vand.u32 $0xFF, v11;
	vm2 =	vmand vm4, vm1  }
0x48a: {  	vm1 =	vmand vm4, vm3;
	vm8 =	vgt.s32 v11, v7;
	vm3 =	vlt.s32 v62, v6;
	[tilespmem:v17+s12+$0x0] =	vst.idx.msk $0x1, v59  }
0x48b: {  	s4 =	simm.s32 $0x10060;
	s1 =	simm.s32 $0x4;
	vm7 =	vmand vm9, vm7;
	vm4 =	veq.s32 v11, v7;
	vm5 =	vmand vm3, vm8;
	[tilespmem:v17+s13+$0x0] =	vst.idx.msk $0x1, v60  }
.LBB2_64:
0x48c: {  	v11 =	vld [tilespmem:s4+$0x10];
	v12 =	vmpcnt.ones.xlane vm6;
	v13 =	vmpcnt.ones.xlane vm7;
	vm3 =	vmand vm3, vm4;
	s2 =	smov.u32 s1  }
0x48d: {  	s1 =	sadd.s32 $0x4, s1;
	v15 =	vmpcnt.ones.xlane vm2;
	v16 =	vmpcnt.ones.xlane vm1;
	v14 =	vld [tilespmem:s4+$0xFFFFFFF0]  }
0x48e: {  	v17 =	vmov s2;
	s5 =	sadd.s32 $0x1, s2;
	p0 =	slt.s32 s1, s26;
	v19 =	vmpcnt.ones.xlane vm3;
	v18 =	vld [tilespmem:s4+$0x0];
	[tilespmem:v9+s12+$0x0] =	vst.idx.msk $0x1, v12;
	v12 =	vmpcnt.ones.xlane vm5  }
0x48f: {  	v17 =	vand.u32 $0xFFFFFFFC, v17;
	v21 =	vmov s5;
	s5 =	sadd.s32 $0x2, s2;
	v20 =	vld [tilespmem:s4+$0xFFFFFFE0];
	[tilespmem:v9+s13+$0x0] =	vst.idx.msk $0x1, v13  }
0x490: {  	v9 =	vbroadcast v17, $0x0;
	v13 =	vand.u32 $0xFFFFFFFD, v21;
	v17 =	vmov s5;
	[tilespmem:v8+s12+$0x0] =	vst.idx.msk $0x1, v15  }
0x491: {  	v15 =	vand.u32 $0xFFFFFFFE, v17;
	v17 =	vshra.s32 v11, $0x1F;
	[tilespmem:v8+s13+$0x0] =	vst.idx.msk $0x1, v16;
	v8 =	vbroadcast v13, $0x0  }
0x492: {  	s0 =	sadd.s32 $0x40, s0;
	v15 =	vbroadcast v15, $0x0;
	v13 =	vshra.s32 v14, $0x1F;
	v11 =	vxor.u32 v11, v17;
	[tilespmem:v10+s12+$0x0] =	vst.idx.msk $0x1, v12  }
0x493: {  	s6 =	sadd.s32 $0x30, s0;
	s2 =	sadd.s32 $0x3, s2;
	s5 =	sadd.s32 $0x10, s0;
	v12 =	vxor.u32 v14, v13;
	v13 =	vshra.s32 v18, $0x1F;
	v11 =	vshrl.u32 v11, $0x8;
	[tilespmem:v10+s13+$0x0] =	vst.idx.msk $0x1, v19  }
0x494: {  	s14 =	sadd.s32 $0x20, s0;
	v16 =	vmov s2;
	v14 =	vor.u32 s6, v0;
	v10 =	vmovc v15;
	v11 =	vand.u32 $0xFF, v11  }
0x495: {  	v15 =	vshra.s32 v20, $0x1F;
	vm1 =	vlt.s32 v14, v6;
	vm2 =	vgt.s32 v11, v7  }
0x496: {  	v14 =	vxor.u32 v20, v15;
	vm3 =	veq.s32 v11, v7;
	vm2 =	vmand vm1, vm2  }
0x497: {  	v11 =	vxor.u32 v18, v13;
	vm1 =	vmand vm1, vm3;
	v13 =	vmpcnt.ones.xlane vm2  }
0x498: {  	v12 =	vshrl.u32 v12, $0x8;
	v14 =	vshrl.u32 v14, $0x8;
	v15 =	vmpcnt.ones.xlane vm1  }
0x499: {  	v12 =	vand.u32 $0xFF, v12;
	v11 =	vshrl.u32 v11, $0x8;
	v14 =	vand.u32 $0xFF, v14;
	[tilespmem:v16+s12+$0x0] =	vst.idx.msk $0x1, v13  }
0x49a: {  	v17 =	vor.u32 s14, v0;
	v11 =	vand.u32 $0xFF, v11;
	v13 =	vor.u32 s5, v0;
	[tilespmem:v16+s13+$0x0] =	vst.idx.msk $0x1, v15  }
.Ltmp47:
0x49b: {  	vm5 =	vgt.s32 v14, v7;
	vm7 =	veq.s32 v14, v7;
	v15 =	vor.u32 s0, v0;
	(pc) =	sbr.rel @p0 .LBB2_64-.Ltmp47, $4  }
0x49c: {  	vm6 =	veq.s32 v12, v7;
	vm1 =	vgt.s32 v12, v7;
	vm8 =	vgt.s32 v11, v7  }
0x49d: {  	vm3 =	vlt.s32 v17, v6;
	vm4 =	veq.s32 v11, v7;
	vm9 =	vlt.s32 v13, v6  }
0x49e: {  	vm10 =	vlt.s32 v15, v6;
	vm2 =	vmand vm9, vm1;
	vm1 =	vmand vm9, vm6  }
0x49f: {  	s4 =	sadd.s32 $0x40, s4;
	vm6 =	vmand vm10, vm5;
	vm7 =	vmand vm10, vm7;
	vm5 =	vmand vm3, vm8  }
.LBB2_65:
0x4a0: {  	_ =	sdelay $0x1  }
0x4a1: {  	v11 =	vmpcnt.ones.xlane vm6  }
0x4a2: {  	v13 =	vmpcnt.ones.xlane vm2  }
0x4a3: {  	v62 =	vmpcnt.ones.xlane vm5;
	[tilespmem:v9+s12+$0x0] =	vst.idx.msk $0x1, v11  }
0x4a4: {  	v12 =	vmpcnt.ones.xlane vm7;
	[tilespmem:v8+s12+$0x0] =	vst.idx.msk $0x1, v13  }
0x4a5: {  	v61 =	vmpcnt.ones.xlane vm1;
	vm1 =	vmand vm3, vm4;
	[tilespmem:v10+s12+$0x0] =	vst.idx.msk $0x1, v62  }
0x4a6: {  	v63 =	vmpcnt.ones.xlane vm1;
	[tilespmem:v9+s13+$0x0] =	vst.idx.msk $0x1, v12  }
0x4a7: {  	[tilespmem:v8+s13+$0x0] =	vst.idx.msk $0x1, v61  }
0x4a8: {  	[tilespmem:v10+s13+$0x0] =	vst.idx.msk $0x1, v63  }
.LBB2_66:
0x4a9: {  	s0 =	ssub.s32 s22, s26  }
0x4aa: {  	p0 =	slt.s32 s0, $0x1  }
.Ltmp48:
0x4ab: {  	_ = 	snop;
	(pc) =	sbr.rel @p0 .LBB2_69-.Ltmp48, $3  }
0x4ac: {  	_ =	sdelay $0x1  }
0x4ad: {  	s31 =	sshll.u32 s26, $0x6  }
0x4ae: {  	s28 =	sshll.u32 s26, $0x4;
	s29 =	sshra.s32 s31, $0x2  }
0x4af: {  	s0 =	sadd.s32 $0x10000, s29;
	s1 =	sshll.u32 s26, $0x4;
	s4 =	smov.u32 s26  }
.LBB2_68:
0x4b0: {  	v8 =	vld [tilespmem:s0+$0x0];
	_ =	sdelay $0x4  }
0x4b1: {  	v9 =	vshra.s32 v8, $0x1F  }
0x4b2: {  	v8 =	vxor.u32 v8, v9  }
0x4b3: {  	v8 =	vshrl.u32 v8, $0x8  }
0x4b4: {  	v62 =	vor.u32 s1, v0;
	v10 =	vmov s4;
	s4 =	sadd.s32 $0x1, s4;
	v8 =	vand.u32 $0xFF, v8  }
0x4b5: {  	vm1 =	vlt.s32 v62, v6;
	p1 =	slt.s32 s4, s22;
	vm2 =	vgt.s32 v8, v7  }
.Ltmp49:
0x4b6: {  	vm3 =	veq.s32 v8, v7;
	vm2 =	vmand vm1, vm2;
	(pc) =	sbr.rel @p1 .LBB2_68-.Ltmp49, $4  }
0x4b7: {  	vm1 =	vmand vm1, vm3;
	v8 =	vmpcnt.ones.xlane vm2  }
0x4b8: {  	v63 =	vmpcnt.ones.xlane vm1  }
0x4b9: {  	[tilespmem:v10+s12+$0x0] =	vst.idx.msk $0x1, v8  }
0x4ba: {  	s0 =	sadd.s32 $0x10, s0;
	s1 =	sadd.s32 $0x10, s1;
	[tilespmem:v10+s13+$0x0] =	vst.idx.msk $0x1, v63  }
.LBB2_69:
0x4bb: {  	s0 =	sadd.s32 $0xF, s22  }
0x4bc: {  	s1 =	sand.u32 $0xF, s0  }
0x4bd: {  	p1 =	slt.s32 s22, $0xFFFFFFF2;
	s2 =	sshra.s32 s0, $0x1F;
	p2 =	sne.s32 s1, $0x0  }
0x4be: {  	s31 =	sshrl.u32 s2, $0x1C;
	p1 =	por !p1, !p2  }
0x4bf: {  	s1 =	simm.s32 $0x1;
	s0 =	sadd.s32 s31, s0;
	p1 =	por !p1, !p1  }
0x4c0: {  	s0 =	sshra.s32 s0, $0x4;
	s1 =	simm.s32 @!p1 $0x0  }
0x4c1: {  	s14 =	ssub.s32 s0, s1  }
0x4c2: {  	p1 =	sgt.s32 s14, $0x0  }
.Ltmp50:
0x4c3: {  	_ = 	snop;
	(pc) =	sbr.rel @!p1 .LBB2_81-.Ltmp50, $1  }
0x4c4: {  	_ =	sdelay $0x3  }
0x4c5: {  	p2 =	seq.s32 s14, $0x1  }
.Ltmp51:
0x4c6: {  	_ = 	snop;
	(pc) =	sbr.rel @p2 .LBB2_71-.Ltmp51, $3  }
0x4c7: {  	_ =	sdelay $0x1  }
0x4c8: {  	s1 =	simm.s32 $0x0;
	s4 =	simm.s32 $0x19300  }
0x4c9: {  	s0 =	simm.s32 $0x19B80;
	s14 =	sadd.s32 $0xFFFFFFFF, s14;
	p1 =	por $0x0, $0x0;
	v8 =	vld [tilespmem:s4+$0x0]  }
0x4ca: {  	_ =	sdelay $0x3  }
0x4cb: {  	(xrf0) =	vadd.scan.msk.s32 $0xffff, v8;
	_ =	sdelay $0x5  }
0x4cc: {  	v9, _, _ =	vpop (xrf0)  }
0x4cd: {  	v8 =	vsub.s32 s1, v8;
	(v2sf) =	vpush v9, $0xF  }
0x4ce: {  	v8 =	vadd.s32 v9, v8  }
0x4cf: {  	[tilespmem:s4+$0x0] =	vst v8  }
0x4d0: {  	v8 =	vld [tilespmem:s0+$0x0];
	_ =	sdelay $0x4  }
0x4d1: {  	(xrf0) =	vadd.scan.msk.s32 $0xffff, v8;
	_ =	sdelay $0x3  }
0x4d2: {  	p2 =	seq.s32 s14, $0x1  }
.Ltmp52:
0x4d3: {  	_ = 	snop;
	(pc) =	sbr.rel @p2 .LBB2_85-.Ltmp52, $4  }
0x4d4: {  	v8 =	vsub.s32 s1, v8;
	v9, _, _ =	vpop (xrf0)  }
0x4d5: {  	v8 =	vadd.s32 v9, v8;
	s2 =	spop (v2sf);
	(v2sf) =	vpush v9, $0xF  }
0x4d6: {  	s31 =	sadd.s32 $0xFFFFFFFF, s14;
	p1 =	por $0x1, $0x1;
	s4 =	simm.s32 $0x19310;
	[tilespmem:s0+$0x0] =	vst v8  }
0x4d7: {  	s30 =	simm.s32 $0x19B80;
	s14 =	simm.s32 $0x0;
	s15 =	sadd.s32 $0x0, s2;
	v8 =	vld [tilespmem:s4+$0x0]  }
.LBB2_86:
0x4d8: {  	p2 =	seq.s32 s31, $0x1;
	_ =	sdelay $0x3  }
0x4d9: {  	(xrf0) =	vadd.scan.msk.s32 $0xffff, v8;
	_ =	sdelay $0x5  }
0x4da: {  	v8 =	vsub.s32 s15, v8;
	v9, _, _ =	vpop (xrf0)  }
0x4db: {  	v8 =	vadd.s32 v9, v8;
	(v2sf) =	vpush v9, $0xF  }
0x4dc: {  	s30 =	sadd.s32 $0x10, s30;
	[tilespmem:s4+$0x0] =	vst v8;
	s2 =	spop (v2sf)  }
0x4dd: {  	v8 =	vld [tilespmem:s30+$0x0];
	s14 =	sadd.s32 s14, s2;
	_ =	sdelay $0x4  }
0x4de: {  	v9 =	vsub.s32 s14, v8;
	(xrf0) =	vadd.scan.msk.s32 $0xffff, v8;
	_ =	sdelay $0x4  }
.Ltmp53:
0x4df: {  	(pc) =	sbr.rel @!p2 .LBB2_86-.Ltmp53, $4  }
0x4e0: {  	v8, _, _ =	vpop (xrf0)  }
0x4e1: {  	v9 =	vadd.s32 v8, v9;
	(v2sf) =	vpush v8, $0xF  }
0x4e2: {  	s4 =	sadd.s32 $0x10, s4;
	[tilespmem:s30+$0x0] =	vst v9;
	s2 =	spop (v2sf)  }
0x4e3: {  	s31 =	sadd.s32 $0xFFFFFFFF, s31;
	v8 =	vld [tilespmem:s4+$0x0];
	s15 =	sadd.s32 s15, s2  }
.LBB2_87:
0x4e4: {  	_ =	sdelay $0x3  }
0x4e5: {  	(xrf0) =	vadd.scan.msk.s32 $0xffff, v8;
	_ =	sdelay $0x5  }
0x4e6: {  	v8 =	vsub.s32 s15, v8;
	v9, _, _ =	vpop (xrf0)  }
0x4e7: {  	s2 =	sadd.s32 @p1 $0x10, s30;
	v8 =	vadd.s32 v9, v8  }
0x4e8: {  	s0 =	smov.u32 @p1 s2;
	[tilespmem:s4+$0x0] =	vst v8  }
0x4e9: {  	v8 =	vld [tilespmem:s0+$0x0];
	_ =	sdelay $0x4  }
0x4ea: {  	(xrf0) =	vadd.scan.msk.s32 $0xffff, v8;
	_ =	sdelay $0x5  }
0x4eb: {  	(v2sf) =	vpush v9, $0xF;
	v63, _, _ =	vpop (xrf0)  }
0x4ec: {  	(v2sf) =	vpush v63, $0xF;
	_ =	sdelay $0x9  }
0x4ed: {  	s2 =	spop @p1 (v2sf)  }
0x4ee: {  	s2 =	sadd.s32 @p1 s14, s2  }
0x4ef: {  	s1 =	smov.u32 @p1 s2  }
0x4f0: {  	v8 =	vsub.s32 s1, v8  }
0x4f1: {  	v8 =	vadd.s32 v63, v8;
	s30 =	spop (v2sf)  }
0x4f2: {  	[tilespmem:s0+$0x0] =	vst v8;
	s31 =	spop (v2sf)  }
.LBB2_81:
0x4f3: {  	p1 =	slt.s32 s26, $0x1  }
.Ltmp54:
0x4f4: {  	_ = 	snop;
	(pc) =	sbr.rel @p1 .LBB2_88-.Ltmp54, $1  }
0x4f5: {  	_ =	sdelay $0x3  }
0x4f6: {  	s1 =	simm.s32 $0x19302  }
0x4f7: {  	v11 =	vld [tilespmem:s1+$0x1]  }
0x4f8: {  	v12 =	vld [tilespmem:s1+$0x0]  }
0x4f9: {  	s0 =	simm.s32 $0x10020;
	v14 =	vld [tilespmem:s1+$0xFFFFFFFF]  }
0x4fa: {  	v8 =	vld [tilespmem:s0+$0xFFFFFFE0]  }
0x4fb: {  	v13 =	vld [tilespmem:s0+$0x0]  }
0x4fc: {  	v9 =	vld [tilespmem:s0+$0x10]  }
0x4fd: {  	v10 =	vld [tilespmem:s0+$0xFFFFFFF0]  }
0x4fe: {  	p3 =	sgt.s32 s26, $0x4;
	v15 =	vld [tilespmem:s1+$0xFFFFFFFE]  }
.Ltmp55:
0x4ff: {  	(v2sf) =	vpush v11, $0x0;
	(pc) =	sbr.rel @!p3 .LBB2_83-.Ltmp55, $4  }
0x500: {  	v11 =	vshra.s32 v8, $0x1F;
	v30 =	vshra.s32 v13, $0x1F;
	(v2sf) =	vpush v12, $0x0  }
0x501: {  	v11 =	vxor.u32 v8, v11;
	v12 =	vshra.s32 v9, $0x1F;
	(v2sf) =	vpush v14, $0x0  }
0x502: {  	s31 =	simm.s32 $0x0;
	v31 =	vshrl.u32 v11, $0x8;
	v11 =	vshra.s32 v10, $0x1F;
	v12 =	vxor.u32 v9, v12  }
0x503: {  	s30 =	simm.s32 $0x19B82;
	p1 =	por $0x0, $0x0;
	p2 =	por $0x0, $0x0;
	(v2sf) =	vpush v15, $0x0;
	v26 =	vxor.u32 v10, v11;
	v36 =	vshrl.u32 v12, $0x8  }
0x504: {  	_ =	sdelay $0x4  }
0x505: {  	v12 =	vxor.u32 v13, v30;
	s0 =	simm.s32 $0x19306  }
0x506: {  	v11 =	vand.u32 $0xFF, v31;
	v17 =	vand.u32 $0xFF, v36;
	s1 =	simm.s32 $0x20;
	v12 =	vshrl.u32 v12, $0x8;
	v19 =	vld [tilespmem:s0+$0x1]  }
0x507: {  	v14 =	vor.u32 s31, v0;
	s6 =	simm.s32 $0x30;
	v21 =	vld [tilespmem:s0+$0x0];
	v18 =	vand.u32 $0xFF, v12;
	v12 =	vor.u32 s1, v0  }
0x508: {  	v22 =	vld [tilespmem:s0+$0xFFFFFFFF];
	vm5 =	vgt.s32 v18, v7;
	vm3 =	vlt.s32 v12, v6;
	v12 =	vor.u32 s6, v0  }
0x509: {  	s14 =	simm.s32 $0x10060;
	vm4 =	vgt.s32 v17, v7;
	v23 =	vld [tilespmem:s0+$0xFFFFFFFE];
	vm7 =	vmand vm3, vm5;
	vm5 =	vlt.s32 v12, v6  }
0x50a: {  	s2 =	simm.s32 $0x10;
	vm1 =	vlt.s32 v14, v6;
	v14 =	vshrl.u32 v26, $0x8;
	v16 =	vld [tilespmem:s14+$0xFFFFFFE0];
	vm6 =	vmand vm5, vm4  }
0x50b: {  	vm2 =	vgt.s32 v11, v7;
	v15 =	vld [tilespmem:s14+$0xFFFFFFF0];
	v20 =	vand.u32 $0xFF, v14;
	v14 =	vor.u32 s2, v0;
	s4 =	spop (v2sf)  }
0x50c: {  	vm8 =	vmand vm1, vm2;
	vm2 =	vgt.s32 v20, v7;
	vm9 =	vlt.s32 v14, v6;
	v12 =	vld [tilespmem:s14+$0x10];
	s15 =	spop (v2sf);
	s0 =	sadd.s32 s19, s4  }
0x50d: {  	v14 =	vld [tilespmem:s14+$0x0];
	vm4 =	vmand vm9, vm2;
	vm2 =	veq.s32 v11, v7;
	s16 =	spop (v2sf);
	s1 =	sadd.s32 s19, s15;
	p3 =	slt.s32 s0, $0x670  }
0x50e: {  	vm2 =	vmand vm1, vm2;
	s0 =	simm.s32 @!p3 $0x670;
	p3 =	sgt.s32 s26, $0x8;
	s5 =	spop (v2sf)  }
.Ltmp56:
0x50f: {  	vm1 =	vmmov vm9;
	v11 =	vshra.s32 v16, $0x1F;
	(v2sf) =	vpush v19, $0x0;
	p1 =	slt.s32 s1, $0x670;
	s5 =	sadd.s32 s19, s5;
	(pc) =	sbr.rel @!p3 .LBB2_113-.Ltmp56, $4  }
0x510: {  	vm2 =	vmmov vm2;
	v11 =	vxor.u32 v16, v11;
	(v2sf) =	vpush v21, $0x0;
	s2 =	sadd.s32 s19, s16;
	s1 =	simm.s32 @!p1 $0x670;
	[tilespmem:v5+s0+$0x0 ss:$0x1] =	vst.idx.msk vm6, v9;
	p1 =	slt.s32 s5, $0x670  }
0x511: {  	v31 =	vshrl.u32 v11, $0x8;
	v19 =	vshra.s32 v12, $0x1F;
	(v2sf) =	vpush v22, $0x0;
	[tilespmem:v5+s1+$0x0 ss:$0x1] =	vst.idx.msk vm7, v13;
	v22 =	vld [tilespmem:s30+$0x1];
	s5 =	simm.s32 @!p1 $0x670;
	p1 =	slt.s32 s2, $0x670  }
0x512: {  	v11 =	vshra.s32 v15, $0x1F;
	v30 =	vshra.s32 v14, $0x1F;
	v19 =	vxor.u32 v12, v19;
	v24 =	vld [tilespmem:s30+$0x0];
	[tilespmem:v5+s5+$0x0 ss:$0x1] =	vst.idx.msk vm8, v8;
	s2 =	simm.s32 @!p1 $0x670  }
0x513: {  	v26 =	vxor.u32 v15, v11;
	v36 =	vshrl.u32 v19, $0x8;
	(v2sf) =	vpush v23, $0x0;
	p1 =	por $0x1, $0x1;
	v25 =	vld [tilespmem:s30+$0xFFFFFFFE];
	[tilespmem:v5+s2+$0x0 ss:$0x1] =	vst.idx.msk vm4, v10  }
0x514: {  	_ =	sdelay $0x2  }
0x515: {  	v11 =	vand.u32 $0xFF, v31;
	v19 =	vand.u32 $0xFF, v36  }
0x516: {  	vm10 =	vmmov vm3;
	vm4 =	vmmov vm5;
	s0 =	simm.s32 $0x40;
	(v2sf) =	vpush v24, $0x0  }
0x517: {  	v21 =	vxor.u32 v14, v30;
	vm5 =	vgt.s32 v11, v7;
	v23 =	vor.u32 s0, v0;
	v24 =	vld [tilespmem:s30+$0xFFFFFFFF]  }
0x518: {  	s14 =	simm.s32 $0x1930A;
	vm6 =	vgt.s32 v19, v7;
	v21 =	vshrl.u32 v21, $0x8;
	vm7 =	vlt.s32 v23, v6  }
0x519: {  	s1 =	simm.s32 $0x60;
	v30 =	vld [tilespmem:s14+$0x0];
	v23 =	vshrl.u32 v26, $0x8;
	v21 =	vand.u32 $0xFF, v21;
	(v2sf) =	vpush v25, $0x0  }
0x51a: {  	s15 =	simm.s32 $0x50;
	v31 =	vld [tilespmem:s14+$0xFFFFFFFE];
	v26 =	vor.u32 s1, v0;
	v23 =	vand.u32 $0xFF, v23;
	vm8 =	vgt.s32 v21, v7  }
0x51b: {  	vm3 =	vlt.s32 v26, v6;
	v26 =	vor.u32 s15, v0;
	s15 =	simm.s32 $0x100A0;
	v25 =	vld [tilespmem:s14+$0x1];
	vm11 =	vgt.s32 v23, v7  }
0x51c: {  	s2 =	simm.s32 $0x70;
	vm8 =	vmand vm3, vm8;
	vm13 =	vlt.s32 v26, v6;
	v27 =	vld [tilespmem:s15+$0x10];
	(v2sf) =	vpush v24, $0x0;
	s16 =	spop (v2sf)  }
0x51d: {  	v26 =	vor.u32 s2, v0;
	vm11 =	vmand vm13, vm11;
	v24 =	vld [tilespmem:s14+$0xFFFFFFFF];
	(v2sf) =	vpush v22, $0x0;
	s6 =	spop (v2sf)  }
0x51e: {  	vm14 =	veq.s32 v11, v7;
	vm9 =	vmand vm7, vm5;
	v28 =	vld [tilespmem:s15+$0xFFFFFFE0];
	vm5 =	vlt.s32 v26, v6;
	s4 =	spop (v2sf);
	s2 =	sadd.s32 s19, s6  }
0x51f: {  	vm14 =	vmand vm7, vm14;
	v29 =	vld [tilespmem:s15+$0xFFFFFFF0];
	vm12 =	vmand vm5, vm6;
	p2 =	slt.s32 s2, $0x670;
	s4 =	sadd.s32 s19, s4  }
0x520: {  	vm7 =	vmmov vm2;
	v11 =	vld [tilespmem:s15+$0x0];
	vm2 =	vmmov vm14;
	(v2sf) =	vpush v25, $0x0;
	s5 =	spop (v2sf);
	s2 =	simm.s32 @!p2 $0x670;
	p3 =	slt.s32 s4, $0x670  }
0x521: {  	vm6 =	vmmov vm1;
	vm1 =	vmmov vm13;
	(v2sf) =	vpush v30, $0x0;
	s5 =	sadd.s32 s19, s5;
	s4 =	simm.s32 @!p3 $0x670;
	p3 =	sgt.s32 s26, $0xC  }
.Ltmp57:
0x522: {  	vm13 =	veq.s32 v18, v7;
	v18 =	vshra.s32 v27, $0x1F;
	s6 =	sadd.s32 s19, s16;
	(v2sf) =	vpush v24, $0x0;
	[tilespmem:v5+s2+$0x0 ss:$0x1] =	vst.idx.msk vm8, v14;
	p2 =	slt.s32 s5, $0x670;
	(pc) =	sbr.rel @!p3 .LBB2_115-.Ltmp57, $4  }
0x523: {  	s1 =	simm.s32 $0x19B86;
	(v2sf) =	vpush v31, $0x0;
	vm8 =	veq.s32 v17, v7;
	v17 =	vshra.s32 v28, $0x1F;
	[tilespmem:v5+s4+$0x0 ss:$0x1] =	vst.idx.msk vm11, v15;
	s5 =	simm.s32 @!p2 $0x670;
	p2 =	slt.s32 s6, $0x670  }
0x524: {  	vm10 =	vmand vm10, vm13;
	v18 =	vxor.u32 v27, v18;
	v24 =	vld [tilespmem:s1+$0x0];
	v17 =	vxor.u32 v28, v17;
	[tilespmem:v5+s5+$0x0 ss:$0x1] =	vst.idx.msk vm9, v16;
	s6 =	simm.s32 @!p2 $0x670  }
0x525: {  	v30 =	vshra.s32 v11, $0x1F;
	v31 =	vshrl.u32 v17, $0x8;
	v17 =	vshra.s32 v29, $0x1F;
	s16 =	spop (v2sf);
	v25 =	vld [tilespmem:s1+$0xFFFFFFFE];
	[tilespmem:v5+s6+$0x0 ss:$0x1] =	vst.idx.msk vm12, v12  }
0x526: {  	v36 =	vshrl.u32 v18, $0x8;
	s4 =	simm.s32 $0xC;
	vm9 =	veq.s32 v20, v7;
	v26 =	vxor.u32 v29, v17;
	p2 =	por $0x1, $0x1;
	[tilespmem:s16+$0x8000] =	vst.msk vm10, v13;
	v22 =	vld [tilespmem:s1+$0x1]  }
.LBB2_116:
0x527: {  	v13 =	vand.u32 $0xFF, v31;
	v17 =	vand.u32 $0xFF, v36  }
0x528: {  	s4 =	sadd.s32 $0x4, s4;
	v18 =	vld [tilespmem:s1+$0xFFFFFFFF];
	vm12 =	vmand vm4, vm8;
	s2 =	spop (v2sf);
	vm10 =	vmmov vm3;
	vm4 =	vmmov vm5  }
0x529: {  	p3 =	slt.s32 s4, s26;
	vm11 =	vgt.s32 v13, v7;
	vm8 =	vgt.s32 v17, v7;
	(v2sf) =	vpush v24, $0x0;
	[tilespmem:s2+$0x8000] =	vst.msk vm7, v8;
	v8 =	vmovc v16  }
0x52a: {  	s0 =	sadd.s32 $0x40, s0;
	vm3 =	vmand vm6, vm9;
	vm5 =	veq.s32 v13, v7;
	v13 =	vxor.u32 v11, v30;
	v16 =	vmovc v28  }
0x52b: {  	v20 =	vor.u32 s0, v0;
	s2 =	sadd.s32 $0x20, s0;
	v13 =	vshrl.u32 v13, $0x8;
	(v2sf) =	vpush v25, $0x0;
	s5 =	spop (v2sf)  }
0x52c: {  	s14 =	sadd.s32 $0x4, s14;
	s6 =	sadd.s32 $0x10, s0;
	vm6 =	vlt.s32 v20, v6;
	v20 =	vshrl.u32 v26, $0x8;
	v13 =	vand.u32 $0xFF, v13;
	[tilespmem:s5+$0x8000] =	vst.msk vm3, v10;
	s5 =	spop (v2sf);
	v10 =	vmovc v15;
	v15 =	vmovc v29  }
0x52d: {  	v20 =	vand.u32 $0xFF, v20;
	v25 =	vor.u32 s2, v0;
	s2 =	sadd.s32 $0x30, s0;
	vm7 =	vgt.s32 v13, v7;
	v24 =	vld [tilespmem:s14+$0x1];
	[tilespmem:s5+$0x8000] =	vst.msk vm12, v9;
	v9 =	vmovc v12;
	v12 =	vmovc v27  }
0x52e: {  	vm3 =	vlt.s32 v25, v6;
	vm12 =	vgt.s32 v20, v7;
	v26 =	vld [tilespmem:s14+$0x0];
	(v2sf) =	vpush v18, $0x0  }
0x52f: {  	s1 =	sadd.s32 $0x4, s1;
	v25 =	vor.u32 s6, v0;
	vm9 =	vmand vm3, vm7;
	v18 =	vld [tilespmem:s14+$0xFFFFFFFF];
	s5 =	spop (v2sf);
	(v2sf) =	vpush v22, $0x0  }
0x530: {  	s15 =	sadd.s32 $0x40, s15;
	vm11 =	vmand vm6, vm11;
	vm7 =	vlt.s32 v25, v6;
	v25 =	vor.u32 s2, v0;
	v22 =	vld [tilespmem:s14+$0xFFFFFFFE];
	s2 =	sadd.s32 s19, s5;
	s5 =	spop (v2sf)  }
0x531: {  	vm14 =	vmand vm6, vm5;
	vm12 =	vmand vm7, vm12;
	vm5 =	vlt.s32 v25, v6;
	v28 =	vld [tilespmem:s15+$0xFFFFFFE0];
	s5 =	sadd.s32 s19, s5;
	p4 =	slt.s32 s2, $0x670;
	s6 =	spop (v2sf)  }
0x532: {  	vm6 =	vmmov vm1;
	vm13 =	vmand vm5, vm8;
	v27 =	vld [tilespmem:s15+$0x10];
	(v2sf) =	vpush v24, $0x0;
	s6 =	sadd.s32 s19, s6;
	p5 =	slt.s32 s5, $0x670;
	s16 =	spop (v2sf)  }
0x533: {  	vm1 =	vmmov vm7;
	vm7 =	vmmov vm2;
	v29 =	vld [tilespmem:s15+$0xFFFFFFF0];
	(v2sf) =	vpush v26, $0x0;
	s16 =	sadd.s32 s19, s16;
	p6 =	slt.s32 s6, $0x670;
	s5 =	simm.s32 @!p5 $0x670  }
0x534: {  	vm2 =	vmmov vm14;
	s2 =	simm.s32 @!p4 $0x670;
	v32 =	vld [tilespmem:s15+$0x0];
	(v2sf) =	vpush v18, $0x0;
	p5 =	slt.s32 s16, $0x670;
	s6 =	simm.s32 @!p6 $0x670  }
.Ltmp58:
0x535: {  	vm8 =	veq.s32 v19, v7;
	v19 =	vmov v17;
	(v2sf) =	vpush v22, $0x0;
	s16 =	simm.s32 @!p5 $0x670;
	[tilespmem:v5+s5+$0x0 ss:$0x1] =	vst.idx.msk vm9, v11;
	(pc) =	sbr.rel @p3 .LBB2_116-.Ltmp58, $4  }
0x536: {  	vm9 =	veq.s32 v23, v7;
	v17 =	vshra.s32 v28, $0x1F;
	[tilespmem:v5+s16+$0x0 ss:$0x1] =	vst.idx.msk vm11, v16;
	v24 =	vld [tilespmem:s1+$0x0];
	vm11 =	veq.s32 v21, v7  }
0x537: {  	v21 =	vmovc v13;
	v17 =	vxor.u32 v28, v17;
	v18 =	vshra.s32 v27, $0x1F;
	[tilespmem:v5+s6+$0x0 ss:$0x1] =	vst.idx.msk vm12, v15;
	vm10 =	vmand vm10, vm11  }
0x538: {  	v23 =	vmovc v20;
	v31 =	vshrl.u32 v17, $0x8;
	v13 =	vshra.s32 v29, $0x1F;
	v17 =	vxor.u32 v27, v18;
	v25 =	vld [tilespmem:s1+$0xFFFFFFFE];
	[tilespmem:v5+s2+$0x0 ss:$0x1] =	vst.idx.msk vm13, v12;
	s2 =	spop (v2sf)  }
0x539: {  	v26 =	vxor.u32 v29, v13;
	v30 =	vshra.s32 v32, $0x1F;
	v36 =	vshrl.u32 v17, $0x8;
	v22 =	vld [tilespmem:s1+$0x1];
	[tilespmem:s2+$0x8000] =	vst.msk vm10, v14;
	v14 =	vmovc v11;
	v11 =	vmovc v32  }
0x53a: {  	v33 =	vmov v8;
	v34 =	vmov v10;
	v35 =	vmov v9  }
0x53b: {  	v32 =	vmovc v16;
	v8 =	vmovc v28;
	v28 =	vmov v15;
	v10 =	vmov v29;
	v29 =	vmov v12  }
0x53c: {  	v9 =	vmovc v27;
	v17 =	vmovc v19;
	v20 =	vmov v23;
	v18 =	vmov v21;
	v13 =	vmov v14  }
.LBB2_118:
0x53d: {  	s0 =	sadd.s32 @p1 $0x40, s0;
	v15 =	vxor.u32 v11, v30  }
0x53e: {  	v54 =	vimm.s32 $0x0;
	v56 =	vimm.s32 $0x0;
	s31 =	smov.u32 @p1 s0;
	v15 =	vshrl.u32 v15, $0x8  }
0x53f: {  	v58 =	vimm.s32 $0x0;
	v16 =	vor.u32 s31, v0;
	s2 =	sadd.s32 $0x20, s31;
	v15 =	vand.u32 $0xFF, v15  }
0x540: {  	s16 =	sadd.s32 $0x10, s31;
	vm10 =	vlt.s32 v16, v6;
	v19 =	vor.u32 s2, v0;
	vm12 =	vgt.s32 v15, v7  }
0x541: {  	s0 =	spop @p2 (v2sf);
	v57 =	vor.u32 s16, v0;
	v16 =	vsel vm10, $0xFFFFFFFF, v54;
	vm11 =	vlt.s32 v19, v6  }
0x542: {  	s4 =	spop @p2 (v2sf);
	[tilespmem:$0x1FFA0] =	vst v16;
	v19 =	vsel vm11, $0xFFFFFFFF, v56;
	vm15 =	vmand vm11, vm12;
	vm12 =	vlt.s32 v57, v6  }
0x543: {  	v12 =	vand.u32 $0xFF, v31;
	v55 =	vshrl.u32 v26, $0x8;
	s14 =	spop @p2 (v2sf);
	[tilespmem:$0x1FFB0] =	vst v19;
	v19 =	vsel vm12, $0xFFFFFFFF, v58  }
0x544: {  	v14 =	vand.u32 $0xFF, v36;
	vm13 =	vgt.s32 v12, v7;
	s5 =	sadd.s32 $0x30, s31;
	s2 =	spop (v2sf);
	v16 =	vand.u32 $0xFF, v55;
	[tilespmem:$0x1FFC0] =	vst v19  }
0x545: {  	v59 =	vor.u32 s5, v0;
	vm13 =	vmand vm10, vm13;
	s31 =	spop (v2sf);
	vm14 =	vgt.s32 v16, v7;
	v19 =	vld @p1 [tilespmem:s1+$0xFFFFFFFF]  }
0x546: {  	vm11 =	vgt.s32 v14, v7;
	s6 =	spop (v2sf);
	vm12 =	vmand vm12, vm14;
	vm14 =	vlt.s32 v59, v6  }
0x547: {  	s15 =	sadd.s32 @p1 $0x4, s1;
	s5 =	sadd.s32 s19, s31;
	s16 =	spop (v2sf);
	(v2sf) =	vpush @p1 v24, $0x0;
	vm10 =	vmand vm14, vm11  }
0x548: {  	s30 =	smov.u32 @p1 s15;
	p3 =	slt.s32 s5, $0x670;
	s15 =	sadd.s32 s19, s16;
	(v2sf) =	vpush @p1 v25, $0x0  }
0x549: {  	s1 =	sadd.s32 s19, s6;
	s5 =	simm.s32 @!p3 $0x670;
	p3 =	slt.s32 s15, $0x670  }
0x54a: {  	s2 =	sadd.s32 s19, s2;
	p4 =	slt.s32 s1, $0x670;
	s15 =	simm.s32 @!p3 $0x670;
	[tilespmem:v5+s5+$0x0 ss:$0x1] =	vst.idx.msk vm15, v11;
	(v2sf) =	vpush @p1 v19, $0x0  }
0x54b: {  	p3 =	slt.s32 s2, $0x670;
	s1 =	simm.s32 @!p4 $0x670;
	[tilespmem:v5+s15+$0x0 ss:$0x1] =	vst.idx.msk vm13, v8;
	v21 =	vld [tilespmem:s30+$0x0]  }
0x54c: {  	s2 =	simm.s32 @!p3 $0x670;
	v23 =	vld [tilespmem:s30+$0xFFFFFFFE];
	[tilespmem:v5+s1+$0x0 ss:$0x1] =	vst.idx.msk vm12, v10  }
0x54d: {  	[tilespmem:v5+s2+$0x0 ss:$0x1] =	vst.idx.msk vm10, v9;
	v60 =	vld [tilespmem:s30+$0xFFFFFFFF]  }
0x54e: {  	v61 =	vld [tilespmem:s30+$0x1]  }
0x54f: {  	(v2sf) =	vpush @p1 v22, $0x0  }
0x550: {  	(v2sf) =	vpush v21, $0x0  }
0x551: {  	(v2sf) =	vpush v23, $0x0  }
0x552: {  	(v2sf) =	vpush v60, $0x0  }
0x553: {  	vm4 =	vmand @p2 vm4, vm8;
	vm8 =	vmmov @p1 vm3;
	(v2sf) =	vpush v61, $0x0  }
0x554: {  	vm5 =	vmmov @p1 vm5;
	vm6 =	vmand @p2 vm6, vm9;
	vm1 =	vmmov @p1 vm1;
	v62 =	vld [tilespmem:$0x1FFA0];
	[tilespmem:s0+$0x8000] =	vst.msk @p2 vm7, v33  }
0x555: {  	vm2 =	vmmov @p1 vm2;
	vm9 =	veq.s32 @p1 v20, v7;
	vm7 =	veq.s32 @p1 v18, v7;
	[tilespmem:s4+$0x8000] =	vst.msk @p2 vm6, v34  }
0x556: {  	vm3 =	veq.s32 v12, v7;
	vm2 =	vmmov @p1 vm2;
	v12 =	vmovc @p1 v32;
	[tilespmem:s14+$0x8000] =	vst.msk @p2 vm4, v35;
	vm7 =	vmand @p1 vm8, vm7;
	s0 =	spop @p1 (v2sf)  }
0x557: {  	vm1 =	vmmov @p1 vm1;
	v12 =	vpsel p1, v12, v0;
	vm6 =	veq.s32 @p1 v17, v7;
	[tilespmem:s0+$0x8000] =	vst.msk @p1 vm7, v13;
	s0 =	spop @p1 (v2sf)  }
0x558: {  	vm4 =	vmmov @p1 vm5;
	v17 =	vmovc @p1 v28;
	vm5 =	vmmov @p1 vm6;
	vm6 =	vmmov @p1 vm9;
	[tilespmem:s0+$0x8000] =	vst.msk @p1 vm2, v12  }
0x559: {  	vm1 =	vmand @p1 vm1, vm6;
	v13 =	vpsel p1, v17, v0;
	v12 =	vld [tilespmem:$0x1FFB0];
	s0 =	spop @p1 (v2sf)  }
0x55a: {  	[tilespmem:s0+$0x8000] =	vst.msk @p1 vm1, v13  }
0x55b: {  	v63 =	vld [tilespmem:$0x1FFC0]  }
0x55c: {  	vm15 =	vnez.u8 v62  }
0x55d: {  	v18 =	vmov @p1 v29;
	vm3 =	vmand vm15, vm3  }
0x55e: {  	vm15 =	veq.s32 v14, v7;
	v17 =	vpsel p1, v18, v0;
	s0 =	spop @p1 (v2sf);
	vm11 =	vnez.u8 v12  }
0x55f: {  	vm2 =	vmand @p1 vm4, vm5;
	vm1 =	veq.s32 v15, v7;
	vm4 =	vmmov vm11;
	s15 =	spop (v2sf)  }
0x560: {  	vm3 =	vmmov vm3;
	[tilespmem:s0+$0x8000] =	vst.msk @p1 vm2, v17;
	vm1 =	vmand vm4, vm1;
	s16 =	spop (v2sf);
	vm12 =	vnez.u8 v63  }
0x561: {  	vm3 =	vmmov vm3;
	[tilespmem:s15+$0x8000] =	vst.msk vm1, v11;
	vm1 =	vmmov vm14;
	s30 =	spop (v2sf);
	vm5 =	vmmov vm12  }
0x562: {  	vm13 =	veq.s32 v16, v7;
	[tilespmem:s16+$0x8000] =	vst.msk vm3, v8;
	vm1 =	vmand vm1, vm15;
	s31 =	spop (v2sf);
	vm2 =	vmmov vm5  }
0x563: {  	[tilespmem:s31+$0x8000] =	vst.msk vm1, v9;
	vm2 =	vmand vm2, vm13  }
0x564: {  	[tilespmem:s30+$0x8000] =	vst.msk vm2, v10  }
.LBB2_88:
.Ltmp59:
0x565: {  	(pc) =	sbr.rel @p0 .LBB2_91-.Ltmp59, $1  }
0x566: {  	_ =	sdelay $0x3  }
0x567: {  	s0 =	sadd.s32 $0x19B80, s26;
	s1 =	sadd.s32 $0x19300, s26;
	s4 =	sadd.s32 $0x10000, s29  }
.LBB2_90:
0x568: {  	v8 =	vld [tilespmem:s1+$0x0];
	_ =	sdelay $0x4  }
0x569: {  	(v2sf) =	vpush v8, $0x0;
	_ =	sdelay $0x2  }
0x56a: {  	v8 =	vld [tilespmem:s4+$0x0];
	_ =	sdelay $0x4  }
0x56b: {  	v9 =	vshra.s32 v8, $0x1F  }
0x56c: {  	v9 =	vxor.u32 v8, v9  }
0x56d: {  	v9 =	vshrl.u32 v9, $0x8  }
0x56e: {  	v10 =	vor.u32 s28, v0;
	v9 =	vand.u32 $0xFF, v9  }
0x56f: {  	vm1 =	vlt.s32 v10, v6;
	vm2 =	vgt.s32 v9, v7  }
0x570: {  	vm2 =	vmand vm1, vm2;
	_ =	sdelay $0x1  }
0x571: {  	s2 =	spop (v2sf)  }
0x572: {  	s2 =	sadd.s32 s19, s2  }
0x573: {  	p0 =	slt.s32 s2, $0x670  }
0x574: {  	s2 =	simm.s32 @!p0 $0x670  }
0x575: {  	[tilespmem:v5+s2+$0x0 ss:$0x1] =	vst.idx.msk vm2, v8  }
0x576: {  	v63 =	vld [tilespmem:s0+$0x0];
	_ =	sdelay $0x4  }
0x577: {  	(v2sf) =	vpush v63, $0x0;
	_ =	sdelay $0x9  }
0x578: {  	s26 =	sadd.s32 $0x1, s26  }
0x579: {  	p0 =	slt.s32 s26, s22  }
.Ltmp60:
0x57a: {  	_ = 	snop;
	(pc) =	sbr.rel @p0 .LBB2_90-.Ltmp60, $4  }
0x57b: {  	_ = 	snop  }
0x57c: {  	vm2 =	veq.s32 v9, v7  }
0x57d: {  	s1 =	sadd.s32 $0x1, s1;
	vm1 =	vmand vm1, vm2;
	s31 =	spop (v2sf)  }
0x57e: {  	s28 =	sadd.s32 $0x10, s28;
	s4 =	sadd.s32 $0x10, s4;
	s0 =	sadd.s32 $0x1, s0;
	[tilespmem:s31+$0x8000] =	vst.msk vm1, v8  }
.LBB2_91:
0x57f: {  	s1 =	simm.s32 $0x18040  }
0x580: {  	[tilespmem:s1+$0xFFFFFFC0] =	vst v2  }
0x581: {  	[tilespmem:s1+$0x30] =	vst v2  }
0x582: {  	[tilespmem:s1+$0x20] =	vst v2  }
0x583: {  	[tilespmem:s1+$0x10] =	vst v2  }
0x584: {  	[tilespmem:s1+$0x0] =	vst v2  }
0x585: {  	s0 =	sshll.u32 s25, $0x8;
	[tilespmem:s1+$0xFFFFFFF0] =	vst v2  }
0x586: {  	s22 =	ssub.s32 s20, s23;
	s20 =	sor.u32 s0, s21;
	s0 =	simm.s32 $0x0;
	[tilespmem:s1+$0xFFFFFFE0] =	vst v2  }
.LBB2_92:
0x587: {  	s0 =	sadd.s32 $0x8, s0;
	[tilespmem:s1+$0xFFFFFFD0] =	vst v2;
	s1 =	sadd.s32 $0x80, s1  }
0x588: {  	[tilespmem:s1+$0xFFFFFFC0] =	vst v2;
	p0 =	slt.u32 s0, $0xF8  }
0x589: {  	[tilespmem:s1+$0x30] =	vst v2  }
.Ltmp61:
0x58a: {  	[tilespmem:s1+$0x20] =	vst v2;
	(pc) =	sbr.rel @p0 .LBB2_92-.Ltmp61, $4  }
0x58b: {  	[tilespmem:s1+$0x10] =	vst v2  }
0x58c: {  	[tilespmem:s1+$0x0] =	vst v2  }
0x58d: {  	[tilespmem:s1+$0xFFFFFFF0] =	vst v2  }
0x58e: {  	[tilespmem:s1+$0xFFFFFFE0] =	vst v2  }
0x58f: {  	s2 =	ssub.s32 s24, s23  }
0x590: {  	s0 =	sadd.s32 $0xF, s2  }
0x591: {  	s4 =	sand.u32 $0xF, s0  }
0x592: {  	s31 =	sshra.s32 s0, $0x1F;
	p1 =	slt.s32 s0, $0x1;
	p0 =	sne.s32 s4, $0x0  }
0x593: {  	s4 =	sshrl.u32 s31, $0x1C;
	p0 =	por !p1, !p0  }
0x594: {  	s0 =	sadd.s32 s4, s0;
	s4 =	simm.s32 $0x1;
	p0 =	por !p0, !p0  }
0x595: {  	s0 =	sshra.s32 s0, $0x4;
	s4 =	simm.s32 @!p0 $0x0  }
0x596: {  	s21 =	ssub.s32 s0, s4  }
0x597: {  	s0 =	sshrl.u32 s21, $0x1D  }
0x598: {  	s0 =	sadd.s32 s0, s21  }
0x599: {  	s0 =	sand.u32 $0xFFFFFFF8, s0  }
0x59a: {  	p0 =	slt.s32 s0, $0x1  }
.Ltmp62:
0x59b: {  	_ = 	snop;
	(pc) =	sbr.rel @p0 .LBB2_97-.Ltmp62, $2  }
0x59c: {  	_ =	sdelay $0x2  }
0x59d: {  	[tilespmem:s1+$0xFFFFFFD0] =	vst v2;
	v6 =	vmov s2  }
0x59e: {  	s4 =	simm.s32 $0x8040  }
0x59f: {  	v7 =	vld [tilespmem:s4+$0x30]  }
0x5a0: {  	v8 =	vld [tilespmem:s4+$0xFFFFFFC0]  }
0x5a1: {  	v10 =	vld [tilespmem:s4+$0xFFFFFFE0]  }
0x5a2: {  	v11 =	vld [tilespmem:s4+$0xFFFFFFF0]  }
0x5a3: {  	s1 =	simm.s32 $0x70;
	v9 =	vld [tilespmem:s4+$0xFFFFFFD0]  }
0x5a4: {  	v17 =	vor.u32 s1, v0  }
0x5a5: {  	v12 =	vld [tilespmem:s4+$0x0];
	vm1 =	vlt.s32 v17, v6;
	v13 =	vshra.s32 v7, $0x1F  }
0x5a6: {  	v16 =	vld [tilespmem:s4+$0x20];
	v14 =	vshra.s32 v8, $0x1F;
	v18 =	vshra.s32 v10, $0x1F;
	v7 =	vxor.u32 v7, v13  }
0x5a7: {  	v15 =	vld [tilespmem:s4+$0x10];
	v8 =	vxor.u32 v8, v14;
	v14 =	vshra.s32 v11, $0x1F;
	v7 =	vshll.u32 v7, $0x4  }
0x5a8: {  	v13 =	vshra.s32 v9, $0x1F;
	v11 =	vxor.u32 v11, v14;
	v7 =	vor.u32 v0, v7  }
0x5a9: {  	v8 =	vshll.u32 v8, $0x4;
	v11 =	vshll.u32 v11, $0x4;
	v17 =	vand.u32 $0xFFF, v7  }
0x5aa: {  	v7 =	vxor.u32 v9, v13;
	v9 =	vxor.u32 v10, v18;
	v10 =	vshra.s32 v12, $0x1F  }
0x5ab: {  	v13 =	vshra.s32 v16, $0x1F;
	v11 =	vor.u32 v0, v11;
	v10 =	vxor.u32 v12, v10  }
0x5ac: {  	p0 =	sgt.s32 s0, $0x8;
	s6 =	simm.s32 $0x20;
	v12 =	vshra.s32 v15, $0x1F;
	v7 =	vshll.u32 v7, $0x4;
	v14 =	vshll.u32 v9, $0x4  }
.Ltmp63:
0x5ad: {  	v13 =	vxor.u32 v16, v13;
	v16 =	vor.u32 s6, v0;
	v12 =	vxor.u32 v15, v12;
	(pc) =	sbr.rel @!p0 .LBB2_96-.Ltmp63, $4  }
0x5ae: {  	s5 =	simm.s32 $0x0;
	v15 =	vshll.u32 v10, $0x4;
	v10 =	vor.u32 v0, v8;
	v9 =	vor.u32 v0, v7  }
0x5af: {  	s2 =	simm.s32 $0x10;
	v7 =	vshll.u32 v13, $0x4;
	v13 =	vor.u32 v0, v14;
	v14 =	vor.u32 s5, v0  }
0x5b0: {  	s14 =	simm.s32 $0x30;
	s24 =	simm.s32 $0x40;
	s25 =	simm.s32 $0x50;
	v12 =	vshll.u32 v12, $0x4;
	v8 =	vor.u32 v0, v15;
	v7 =	vor.u32 v0, v7  }
0x5b1: {  	s15 =	simm.s32 $0x60;
	s4 =	simm.s32 $0x8;
	v15 =	vor.u32 s14, v0;
	s14 =	simm.s32 $0x80C0;
	v12 =	vor.u32 v0, v12;
	[tilespmem:v17+s10+$0x0] =	vst.idx.add.s32.msk vm1, v3;
	v17 =	vor.u32 s2, v0  }
.LBB2_95:
0x5b2: {  	v18 =	vld [tilespmem:s14+$0x30];
	s4 =	sadd.s32 $0x8, s4;
	v19 =	vor.u32 s24, v0;
	v20 =	vor.u32 s25, v0;
	v21 =	vor.u32 s15, v0  }
0x5b3: {  	v10 =	vand.u32 $0xFFF, v10;
	v9 =	vand.u32 $0xFFF, v9;
	v13 =	vand.u32 $0xFFF, v13;
	v22 =	vld [tilespmem:s14+$0xFFFFFFC0];
	p0 =	slt.s32 s4, s0  }
0x5b4: {  	v11 =	vand.u32 $0xFFF, v11;
	v8 =	vand.u32 $0xFFF, v8;
	v12 =	vand.u32 $0xFFF, v12;
	v23 =	vld [tilespmem:s14+$0xFFFFFFD0]  }
0x5b5: {  	vm7 =	vlt.s32 v14, v6;
	vm6 =	vlt.s32 v17, v6;
	v17 =	vand.u32 $0xFFF, v7;
	v24 =	vld [tilespmem:s14+$0xFFFFFFE0]  }
0x5b6: {  	vm5 =	vlt.s32 v16, v6;
	vm4 =	vlt.s32 v15, v6;
	vm3 =	vlt.s32 v19, v6;
	v7 =	vld [tilespmem:s14+$0xFFFFFFF0]  }
0x5b7: {  	vm2 =	vlt.s32 v20, v6;
	vm1 =	vlt.s32 v21, v6;
	v14 =	vld [tilespmem:s14+$0x0];
	v15 =	vshra.s32 v18, $0x1F  }
0x5b8: {  	s1 =	sadd.s32 $0x80, s1;
	v16 =	vshra.s32 v22, $0x1F;
	v19 =	vld [tilespmem:s14+$0x10];
	v15 =	vxor.u32 v18, v15  }
0x5b9: {  	s2 =	sadd.s32 $0xFFFFFFA0, s1;
	s5 =	sadd.s32 $0xFFFFFFB0, s1;
	s6 =	sadd.s32 $0xFFFFFFC0, s1;
	v21 =	vor.u32 s1, v0;
	v18 =	vshra.s32 v23, $0x1F;
	v20 =	vld [tilespmem:s14+$0x20];
	v15 =	vshll.u32 v15, $0x4  }
0x5ba: {  	s24 =	sadd.s32 $0xFFFFFFD0, s1;
	s25 =	sadd.s32 $0xFFFFFFE0, s1;
	s15 =	sadd.s32 $0xFFFFFFF0, s1;
	vm8 =	vlt.s32 v21, v6;
	v25 =	vshra.s32 v24, $0x1F;
	v15 =	vor.u32 v0, v15  }
0x5bb: {  	s16 =	sadd.s32 $0xFFFFFF90, s1;
	v16 =	vxor.u32 v22, v16;
	v21 =	vshra.s32 v7, $0x1F;
	v15 =	vand.u32 $0xFFF, v15;
	[tilespmem:v10+s10+$0x0] =	vst.idx.add.s32.msk vm7, v3  }
0x5bc: {  	v10 =	vxor.u32 v23, v18;
	v18 =	vxor.u32 v24, v25;
	v22 =	vshra.s32 v14, $0x1F;
	[tilespmem:v9+s10+$0x0] =	vst.idx.add.s32.msk vm6, v3  }
0x5bd: {  	v7 =	vxor.u32 v7, v21;
	v9 =	vxor.u32 v14, v22;
	v14 =	vshra.s32 v19, $0x1F;
	[tilespmem:v13+s10+$0x0] =	vst.idx.add.s32.msk vm5, v3  }
0x5be: {  	v13 =	vshll.u32 v16, $0x4;
	v14 =	vxor.u32 v19, v14;
	v16 =	vshra.s32 v20, $0x1F;
	[tilespmem:v11+s10+$0x0] =	vst.idx.add.s32.msk vm4, v3  }
0x5bf: {  	v18 =	vshll.u32 v18, $0x4;
	v11 =	vshll.u32 v10, $0x4;
	v16 =	vxor.u32 v20, v16;
	[tilespmem:v8+s10+$0x0] =	vst.idx.add.s32.msk vm3, v3  }
.Ltmp64:
0x5c0: {  	v7 =	vshll.u32 v7, $0x4;
	v8 =	vshll.u32 v9, $0x4;
	v19 =	vshll.u32 v14, $0x4;
	[tilespmem:v15+s10+$0x0] =	vst.idx.add.s32.msk vm8, v3;
	(pc) =	sbr.rel @p0 .LBB2_95-.Ltmp64, $4  }
0x5c1: {  	v10 =	vor.u32 v0, v13;
	v9 =	vor.u32 v0, v11;
	v15 =	vshll.u32 v16, $0x4;
	[tilespmem:v12+s10+$0x0] =	vst.idx.add.s32.msk vm2, v3  }
0x5c2: {  	v13 =	vor.u32 v0, v18;
	v11 =	vor.u32 v0, v7;
	v8 =	vor.u32 v0, v8  }
0x5c3: {  	v14 =	vor.u32 s16, v0;
	v12 =	vor.u32 v0, v19;
	v7 =	vor.u32 v0, v15;
	[tilespmem:v17+s10+$0x0] =	vst.idx.add.s32.msk vm1, v3  }
0x5c4: {  	s14 =	sadd.s32 $0x80, s14;
	v16 =	vor.u32 s5, v0;
	v15 =	vor.u32 s6, v0;
	v17 =	vor.u32 s2, v0  }
.LBB2_96:
0x5c5: {  	vm1 =	vlt.s32 v14, v6  }
0x5c6: {  	v10 =	vand.u32 $0xFFF, v10;
	vm2 =	vlt.s32 v17, v6  }
0x5c7: {  	v9 =	vand.u32 $0xFFF, v9;
	vm3 =	vlt.s32 v16, v6  }
0x5c8: {  	v61 =	vor.u32 s24, v0;
	v13 =	vand.u32 $0xFFF, v13;
	vm4 =	vlt.s32 v15, v6  }
0x5c9: {  	v62 =	vor.u32 s25, v0;
	v11 =	vand.u32 $0xFFF, v11;
	vm5 =	vlt.s32 v61, v6  }
0x5ca: {  	v63 =	vor.u32 s15, v0;
	v8 =	vand.u32 $0xFFF, v8;
	vm6 =	vlt.s32 v62, v6  }
0x5cb: {  	v12 =	vand.u32 $0xFFF, v12;
	vm7 =	vlt.s32 v63, v6;
	[tilespmem:v10+s10+$0x0] =	vst.idx.add.s32.msk vm1, v3  }
0x5cc: {  	v7 =	vand.u32 $0xFFF, v7;
	[tilespmem:v9+s10+$0x0] =	vst.idx.add.s32.msk vm2, v3  }
0x5cd: {  	[tilespmem:v13+s10+$0x0] =	vst.idx.add.s32.msk vm3, v3  }
0x5ce: {  	[tilespmem:v11+s10+$0x0] =	vst.idx.add.s32.msk vm4, v3  }
0x5cf: {  	[tilespmem:v8+s10+$0x0] =	vst.idx.add.s32.msk vm5, v3  }
0x5d0: {  	[tilespmem:v12+s10+$0x0] =	vst.idx.add.s32.msk vm6, v3  }
0x5d1: {  	[tilespmem:v7+s10+$0x0] =	vst.idx.add.s32.msk vm7, v3  }
.LBB2_97:
0x5d2: {  	s1 =	ssub.s32 s21, s0  }
0x5d3: {  	p0 =	sgt.s32 s1, $0x0  }
.Ltmp65:
0x5d4: {  	_ = 	snop;
	(pc) =	sbr.rel @!p0 .LBB2_98-.Ltmp65, $1  }
0x5d5: {  	_ =	sdelay $0x3  }
0x5d6: {  	s1 =	sshll.u32 s0, $0x6  }
0x5d7: {  	s1 =	sshra.s32 s1, $0x2  }
0x5d8: {  	s4 =	sshll.u32 s0, $0x4;
	s1 =	sadd.s32 $0x8000, s1  }
.LBB2_120:
0x5d9: {  	v7 =	vld [tilespmem:s1+$0x0];
	_ =	sdelay $0x4  }
0x5da: {  	v8 =	vshra.s32 v7, $0x1F  }
0x5db: {  	v7 =	vxor.u32 v7, v8  }
0x5dc: {  	v8 =	vor.u32 s4, v0;
	v7 =	vshll.u32 v7, $0x4  }
0x5dd: {  	s0 =	sadd.s32 $0x1, s0;
	vm1 =	vlt.s32 v8, v6;
	v7 =	vor.u32 v0, v7  }
0x5de: {  	p0 =	slt.s32 s0, s21;
	v7 =	vand.u32 $0xFFF, v7  }
.Ltmp66:
0x5df: {  	_ = 	snop;
	(pc) =	sbr.rel @p0 .LBB2_120-.Ltmp66, $2  }
0x5e0: {  	_ =	sdelay $0x2  }
0x5e1: {  	s1 =	sadd.s32 $0x10, s1;
	s4 =	sadd.s32 $0x10, s4;
	[tilespmem:v7+s10+$0x0] =	vst.idx.add.s32.msk vm1, v3  }
.LBB2_98:
0x5e2: {  	s1 =	simm.s32 $0x18040  }
0x5e3: {  	v7 =	vld [tilespmem:s1+$0x30]  }
0x5e4: {  	v8 =	vld [tilespmem:s1+$0xFFFFFFD0]  }
0x5e5: {  	v9 =	vld [tilespmem:s1+$0xFFFFFFE0]  }
0x5e6: {  	v11 =	vld [tilespmem:s1+$0xFFFFFFF0]  }
0x5e7: {  	s2 =	simm.s32 $0x1;
	s4 =	simm.s32 $0x3;
	v15 =	vld [tilespmem:s1+$0x0]  }
0x5e8: {  	s28 =	simm.s32 $0x2;
	s30 =	simm.s32 $0x7;
	v10 =	vmov s2;
	v17 =	vld [tilespmem:s1+$0x10];
	v12 =	vmov s4;
	(xrf0) =	vadd.scan.msk.s32 $0xffff, v7  }
0x5e9: {  	v14 =	vld [tilespmem:s1+$0x20];
	v13 =	vmov s30;
	v7 =	vmov s28;
	(xrf0) =	vadd.scan.msk.s32 $0xffff, v8;
	v8 =	vand.u32 $0xFFFFFFF9, v10  }
0x5ea: {  	s5 =	simm.s32 $0x4;
	v7 =	vand.u32 $0xFFFFFFFA, v7;
	(xrf0) =	vadd.scan.msk.s32 $0xffff, v9;
	v10 =	vbroadcast v8, $0x0;
	v8 =	vand.u32 $0xFFFFFFFB, v12;
	v12 =	vld [tilespmem:s1+$0xFFFFFFC0]  }
0x5eb: {  	s19 =	sadd.s32 s19, s23;
	s29 =	simm.s32 $0x5;
	v16 =	vmov s5;
	v9 =	vbroadcast v7, $0x0;
	(xrf0) =	vadd.scan.msk.s32 $0xffff, v11  }
0x5ec: {  	s0 =	simm.s32 $0x0;
	s31 =	simm.s32 $0x6;
	v18 =	vmov s29;
	s4 =	simm.s32 $0x180C0;
	v7 =	vbroadcast v8, $0x0;
	v8 =	vand.u32 $0xFFFFFFFC, v16;
	(xrf0) =	vadd.scan.msk.s32 $0xffff, v15  }
0x5ed: {  	s14 =	simm.s32 $0x10;
	s15 =	simm.s32 $0x0;
	s1 =	simm.s32 $0x8;
	v11 =	vld [tilespmem:s4+$0x30];
	v16 =	vmov s31;
	v8 =	vbroadcast v8, $0x0;
	v15 =	vand.u32 $0xFFFFFFFD, v18;
	(xrf0) =	vadd.scan.msk.s32 $0xffff, v17  }
.LBB2_99:
0x5ee: {  	p0 =	slt.u32 s14, $0xF8;
	v17 =	vld [tilespmem:s4+$0xFFFFFFD0];
	v18 =	vmov s15;
	v15 =	vbroadcast v15, $0x0;
	v16 =	vand.u32 $0xFFFFFFFE, v16;
	(xrf0) =	vadd.scan.msk.s32 $0xffff, v14;
	v14, _, _ =	vpop (xrf0);
	s15 =	smov.u32 s1;
	s1 =	smov.u32 s14  }
0x5ef: {  	s2 =	sadd.s32 $0x1, s15;
	v19 =	vld [tilespmem:s4+$0xFFFFFFE0];
	v18 =	vand.u32 $0xFFFFFFF8, v18;
	v16 =	vbroadcast v16, $0x0;
	[tilespmem:v13+s11+$0x0] =	vst.idx.msk vm0, v14;
	(xrf0) =	vadd.scan.msk.s32 $0xffff, v12;
	v12, _, _ =	vpop (xrf0)  }
0x5f0: {  	s5 =	sadd.s32 $0x3, s15;
	v13 =	vmov s2;
	s2 =	sadd.s32 $0x2, s15;
	v20 =	vld [tilespmem:s4+$0xFFFFFFF0];
	v18 =	vbroadcast v18, $0x0;
	[tilespmem:v10+s11+$0x0] =	vst.idx.msk vm0, v12;
	v10, _, _ =	vpop (xrf0)  }
0x5f1: {  	v21 =	vmov s5;
	s5 =	sadd.s32 $0x5, s15;
	v12 =	vmov s2;
	v22 =	vld [tilespmem:s4+$0x0];
	s2 =	sadd.s32 $0x4, s15;
	[tilespmem:v9+s11+$0x0] =	vst.idx.msk vm0, v10;
	v9, _, _ =	vpop (xrf0)  }
0x5f2: {  	v25 =	vmov s5;
	v23 =	vmov s2;
	v24 =	vld [tilespmem:s4+$0x10];
	(xrf0) =	vadd.scan.msk.s32 $0xffff, v11;
	[tilespmem:v7+s11+$0x0] =	vst.idx.msk vm0, v9;
	v7, _, _ =	vpop (xrf0)  }
.Ltmp67:
0x5f3: {  	v9 =	vand.u32 $0xFFFFFFF9, v13;
	v26 =	vand.u32 $0xFFFFFFFA, v12;
	s2 =	sadd.s32 $0x7, s15;
	v14 =	vld [tilespmem:s4+$0x20];
	(xrf0) =	vadd.scan.msk.s32 $0xffff, v17;
	[tilespmem:v8+s11+$0x0] =	vst.idx.msk vm0, v7;
	v7, _, _ =	vpop (xrf0);
	(pc) =	sbr.rel @p0 .LBB2_99-.Ltmp67, $4  }
0x5f4: {  	v10 =	vbroadcast v9, $0x0;
	v13 =	vmov s2;
	v12 =	vld [tilespmem:s4+$0xFFFFFFC0];
	(xrf0) =	vadd.scan.msk.s32 $0xffff, v19;
	[tilespmem:v15+s11+$0x0] =	vst.idx.msk vm0, v7;
	v7, _, _ =	vpop (xrf0)  }
0x5f5: {  	v9 =	vbroadcast v26, $0x0;
	v8 =	vand.u32 $0xFFFFFFFB, v21;
	(xrf0) =	vadd.scan.msk.s32 $0xffff, v20;
	[tilespmem:v16+s11+$0x0] =	vst.idx.msk vm0, v7;
	v11, _, _ =	vpop (xrf0)  }
0x5f6: {  	s2 =	sadd.s32 $0x6, s15;
	s4 =	sadd.s32 $0x80, s4;
	v7 =	vbroadcast v8, $0x0;
	v8 =	vand.u32 $0xFFFFFFFC, v23;
	(xrf0) =	vadd.scan.msk.s32 $0xffff, v22;
	[tilespmem:v18+s11+$0x0] =	vst.idx.msk vm0, v11  }
0x5f7: {  	s14 =	sadd.s32 $0x8, s14;
	v15 =	vand.u32 $0xFFFFFFFD, v25;
	v16 =	vmov s2;
	v8 =	vbroadcast v8, $0x0;
	v11 =	vld [tilespmem:s4+$0x30];
	(xrf0) =	vadd.scan.msk.s32 $0xffff, v24  }
0x5f8: {  	_ =	sdelay $0x1  }
0x5f9: {  	v17 =	vld [tilespmem:s4+$0xFFFFFFD0];
	v18 =	vmov s15;
	v15 =	vbroadcast v15, $0x0  }
0x5fa: {  	v16 =	vand.u32 $0xFFFFFFFE, v16;
	(xrf0) =	vadd.scan.msk.s32 $0xffff, v14;
	v45, _, _ =	vpop (xrf0);
	s2 =	sadd.s32 $0x1, s1;
	v19 =	vld [tilespmem:s4+$0xFFFFFFE0];
	s25 =	sadd.s32 $0x2, s1;
	v61 =	vmov s1;
	v18 =	vand.u32 $0xFFFFFFF8, v18  }
0x5fb: {  	v48 =	vld [tilespmem:s4+$0xFFFFFFF0];
	s5 =	sadd.s32 $0x3, s1;
	s26 =	sadd.s32 $0x4, s1;
	v16 =	vbroadcast v16, $0x0;
	(xrf0) =	vadd.scan.msk.s32 $0xffff, v12;
	v46, _, _ =	vpop (xrf0);
	v47 =	vmov s2;
	v50 =	vmov s25  }
0x5fc: {  	v21 =	vld [tilespmem:s4+$0x0];
	s28 =	sadd.s32 $0x5, s1;
	s29 =	sadd.s32 $0x7, s1;
	v20 =	vmov s5;
	v52 =	vmov s26;
	v18 =	vbroadcast v18, $0x0;
	[tilespmem:v10+s11+$0x0] =	vst.idx.msk vm0, v46;
	v49, _, _ =	vpop (xrf0)  }
0x5fd: {  	v22 =	vld [tilespmem:s4+$0x10];
	s30 =	sadd.s32 $0x6, s1;
	v23 =	vmov s28;
	v56 =	vmov s29;
	[tilespmem:v9+s11+$0x0] =	vst.idx.msk vm0, v49;
	v51, _, _ =	vpop (xrf0);
	(xrf0) =	vadd.scan.msk.s32 $0xffff, v11  }
0x5fe: {  	v55 =	vld [tilespmem:s4+$0x20];
	v60 =	vmov s30;
	v53 =	vand.u32 $0xFFFFFFF9, v47;
	[tilespmem:v7+s11+$0x0] =	vst.idx.msk vm0, v51;
	v7, _, _ =	vpop (xrf0);
	(xrf0) =	vadd.scan.msk.s32 $0xffff, v17  }
0x5ff: {  	v54 =	vand.u32 $0xFFFFFFFA, v50;
	v9 =	vbroadcast v53, $0x0;
	[tilespmem:v8+s11+$0x0] =	vst.idx.msk vm0, v7;
	v7, _, _ =	vpop (xrf0);
	v8 =	vld [tilespmem:s4+$0xFFFFFFC0];
	(xrf0) =	vadd.scan.msk.s32 $0xffff, v19  }
0x600: {  	v57 =	vand.u32 $0xFFFFFFFB, v20;
	v11 =	vbroadcast v54, $0x0;
	[tilespmem:v15+s11+$0x0] =	vst.idx.msk vm0, v7;
	v7, _, _ =	vpop (xrf0);
	(xrf0) =	vadd.scan.msk.s32 $0xffff, v48  }
0x601: {  	v10 =	vand.u32 $0xFFFFFFFC, v52;
	v58 =	vbroadcast v57, $0x0;
	[tilespmem:v16+s11+$0x0] =	vst.idx.msk vm0, v7;
	v7, _, _ =	vpop (xrf0);
	(xrf0) =	vadd.scan.msk.s32 $0xffff, v21  }
0x602: {  	v59 =	vand.u32 $0xFFFFFFFD, v23;
	[tilespmem:v18+s11+$0x0] =	vst.idx.msk vm0, v7;
	v7 =	vbroadcast v10, $0x0;
	(xrf0) =	vadd.scan.msk.s32 $0xffff, v22  }
0x603: {  	[tilespmem:v13+s11+$0x0] =	vst.idx.msk vm0, v45;
	v15 =	vand.u32 $0xFFFFFFFE, v60;
	v10 =	vbroadcast v59, $0x0;
	(xrf0) =	vadd.scan.msk.s32 $0xffff, v55;
	v62, _, _ =	vpop (xrf0)  }
0x604: {  	v16 =	vand.u32 $0xFFFFFFF8, v61;
	v15 =	vbroadcast v15, $0x0;
	[tilespmem:v56+s11+$0x0] =	vst.idx.msk vm0, v62;
	(xrf0) =	vadd.scan.msk.s32 $0xffff, v8;
	v8, _, _ =	vpop (xrf0)  }
0x605: {  	v63 =	vbroadcast v16, $0x0;
	[tilespmem:v9+s11+$0x0] =	vst.idx.msk vm0, v8;
	v8, _, _ =	vpop (xrf0)  }
0x606: {  	[tilespmem:v11+s11+$0x0] =	vst.idx.msk vm0, v8;
	v8, _, _ =	vpop (xrf0)  }
0x607: {  	[tilespmem:v58+s11+$0x0] =	vst.idx.msk vm0, v8;
	v8, _, _ =	vpop (xrf0)  }
0x608: {  	[tilespmem:v7+s11+$0x0] =	vst.idx.msk vm0, v8;
	v7, _, _ =	vpop (xrf0)  }
0x609: {  	[tilespmem:v10+s11+$0x0] =	vst.idx.msk vm0, v7;
	v7, _, _ =	vpop (xrf0)  }
0x60a: {  	[tilespmem:v15+s11+$0x0] =	vst.idx.msk vm0, v7;
	v7, _, _ =	vpop (xrf0)  }
0x60b: {  	s31 =	simm.s32 $0xF0;
	[tilespmem:v63+s11+$0x0] =	vst.idx.msk vm0, v7  }
0x60c: {  	v7 =	vld [tilespmem:s31+$0x19000];
	_ =	sdelay $0x4  }
0x60d: {  	v7 =	vperm.xlane v7, v4;
	_ =	sdelay $0x1  }
0x60e: {  	(xrf0) =	vadd.scan.msk.s32 $0xffff, v7;
	_ =	sdelay $0x5  }
0x60f: {  	v7, _, _ =	vpop (xrf0)  }
0x610: {  	v7 =	vperm.xlane v7, v4;
	_ =	sdelay $0x1  }
0x611: {  	v7 =	vadd.s32 s0, v7  }
0x612: {  	v8 =	vxor.u32 $0x80000000, v7  }
0x613: {  	(xrf0) =	vmax.scan.msk.u32 $0xffff, v8;
	_ =	sdelay $0x5  }
0x614: {  	v8, _, _ =	vpop (xrf0)  }
0x615: {  	s1 =	simm.s32 $0x340;
	s0 =	simm.s32 $0xE0;
	[tilespmem:s31+$0x19180] =	vst v7;
	(v2sf) =	vpush v8, $0xF  }
.LBB2_101:
0x616: {  	p0 =	seq.s32 s1, $0x0;
	v7 =	vld [tilespmem:s0+$0x19000];
	_ =	sdelay $0x4  }
0x617: {  	v7 =	vperm.xlane v7, v4;
	_ =	sdelay $0x1  }
0x618: {  	(xrf0) =	vadd.scan.msk.s32 $0xffff, v7;
	_ =	sdelay $0x5  }
0x619: {  	v7, _, _ =	vpop (xrf0)  }
0x61a: {  	v7 =	vperm.xlane v7, v4;
	s2 =	spop (v2sf)  }
0x61b: {  	s2 =	sxor.u32 $0x80000000, s2  }
0x61c: {  	v7 =	vadd.s32 s2, v7  }
0x61d: {  	[tilespmem:s0+$0x19180] =	vst v7;
	v7 =	vxor.u32 $0x80000000, v7  }
0x61e: {  	(xrf0) =	vmax.scan.msk.u32 $0xffff, v7;
	_ =	sdelay $0x2  }
.Ltmp68:
0x61f: {  	(pc) =	sbr.rel @!p0 .LBB2_101-.Ltmp68, $3  }
0x620: {  	_ =	sdelay $0x1  }
0x621: {  	v7, _, _ =	vpop (xrf0)  }
0x622: {  	s0 =	sshra.s32 s1, $0x2;
	s1 =	sadd.s32 $0xFFFFFFC0, s1;
	(v2sf) =	vpush v7, $0xF  }
0x623: {  	v7 =	vld [tilespmem:s0+$0x19000];
	_ =	sdelay $0x4  }
0x624: {  	v7 =	vperm.xlane v7, v4;
	_ =	sdelay $0x1  }
0x625: {  	(xrf0) =	vadd.scan.msk.s32 $0xffff, v7;
	_ =	sdelay $0x5  }
0x626: {  	v7, _, _ =	vpop (xrf0)  }
0x627: {  	v7 =	vperm.xlane v7, v4;
	s1 =	spop (v2sf)  }
0x628: {  	s1 =	sxor.u32 $0x80000000, s1  }
0x629: {  	v7 =	vadd.s32 s1, v7  }
0x62a: {  	v8 =	vxor.u32 $0x80000000, v7  }
0x62b: {  	(xrf0) =	vmax.scan.msk.u32 $0xffff, v8;
	_ =	sdelay $0x4  }
0x62c: {  	[tilespmem:s0+$0x19180] =	vst v7  }
0x62d: {  	v7 =	vld [tilespmem:$0x19180];
	v8, _, _ =	vpop (xrf0)  }
0x62e: {  	(v2sf) =	vpush v8, $0xF;
	v8 =	vld [tilespmem:$0x19190]  }
0x62f: {  	v9 =	vld [tilespmem:$0x191A0]  }
0x630: {  	v10 =	vld [tilespmem:$0x191B0]  }
0x631: {  	v11 =	vld [tilespmem:$0x191C0]  }
0x632: {  	vm1 =	vge.s32 v7, s22;
	v7 =	vld [tilespmem:$0x191D0]  }
0x633: {  	v12 =	vsel vm1, $0x1, v2;
	vm1 =	vge.s32 v8, s22;
	v8 =	vld [tilespmem:$0x191E0]  }
0x634: {  	v43 =	vld [tilespmem:$0x191F0];
	(xrf0) =	vadd.scan.msk.s32 $0xffff, v12;
	v42 =	vsel vm1, $0x1, v2;
	vm1 =	vge.s32 v9, s22  }
0x635: {  	v45 =	vld [tilespmem:$0x19200];
	(xrf0) =	vadd.scan.msk.s32 $0xffff, v42;
	v44 =	vsel vm1, $0x1, v2;
	vm1 =	vge.s32 v10, s22  }
0x636: {  	v47 =	vld [tilespmem:$0x19210];
	(xrf0) =	vadd.scan.msk.s32 $0xffff, v44;
	v46 =	vsel vm1, $0x1, v2;
	vm1 =	vge.s32 v11, s22  }
0x637: {  	(xrf0) =	vadd.scan.msk.s32 $0xffff, v46;
	v48 =	vsel vm1, $0x1, v2;
	vm1 =	vge.s32 v7, s22;
	v7 =	vld [tilespmem:$0x19220]  }
0x638: {  	(xrf0) =	vadd.scan.msk.s32 $0xffff, v48;
	v49 =	vsel vm1, $0x1, v2;
	vm1 =	vge.s32 v8, s22;
	v8 =	vld [tilespmem:$0x19230]  }
0x639: {  	v51 =	vld [tilespmem:$0x19240];
	(xrf0) =	vadd.scan.msk.s32 $0xffff, v49;
	v50 =	vsel vm1, $0x1, v2;
	vm1 =	vge.s32 v43, s22  }
0x63a: {  	v53 =	vld [tilespmem:$0x19250];
	v13, _, _ =	vpop (xrf0);
	(xrf0) =	vadd.scan.msk.s32 $0xffff, v50;
	v52 =	vsel vm1, $0x1, v2;
	vm1 =	vge.s32 v45, s22  }
0x63b: {  	v56 =	vld [tilespmem:$0x19260];
	(v2sf) =	vpush v13, $0xF;
	v54, _, _ =	vpop (xrf0);
	(xrf0) =	vadd.scan.msk.s32 $0xffff, v52;
	v55 =	vsel vm1, $0x1, v2;
	vm1 =	vge.s32 v47, s22  }
0x63c: {  	(v2sf) =	vpush v54, $0xF;
	v57, _, _ =	vpop (xrf0);
	v58 =	vsel vm1, $0x1, v2;
	vm1 =	vge.s32 v7, s22;
	v7 =	vld [tilespmem:$0x19270]  }
0x63d: {  	(xrf0) =	vadd.scan.msk.s32 $0xffff, v55;
	(v2sf) =	vpush v57, $0xF;
	v59, _, _ =	vpop (xrf0);
	v60 =	vsel vm1, $0x1, v2;
	vm1 =	vge.s32 v8, s22  }
0x63e: {  	(xrf0) =	vadd.scan.msk.s32 $0xffff, v58;
	(v2sf) =	vpush v59, $0xF;
	v8, _, _ =	vpop (xrf0);
	v61 =	vsel vm1, $0x1, v2;
	vm1 =	vge.s32 v51, s22  }
0x63f: {  	(xrf0) =	vadd.scan.msk.s32 $0xffff, v60;
	(v2sf) =	vpush v8, $0xF;
	v8, _, _ =	vpop (xrf0);
	v9 =	vsel vm1, $0x1, v2;
	vm1 =	vge.s32 v53, s22  }
0x640: {  	(xrf0) =	vadd.scan.msk.s32 $0xffff, v61;
	(v2sf) =	vpush v8, $0xF;
	v8, _, _ =	vpop (xrf0);
	v62 =	vsel vm1, $0x1, v2;
	vm1 =	vge.s32 v56, s22  }
0x641: {  	(xrf0) =	vadd.scan.msk.s32 $0xffff, v9;
	(v2sf) =	vpush v8, $0xF;
	v8, _, _ =	vpop (xrf0);
	v63 =	vsel vm1, $0x1, v2;
	vm1 =	vge.s32 v7, s22  }
0x642: {  	(xrf0) =	vadd.scan.msk.s32 $0xffff, v62;
	(v2sf) =	vpush v8, $0xF;
	v8 =	vsel vm1, $0x1, v2  }
0x643: {  	v7, _, _ =	vpop (xrf0);
	(xrf0) =	vadd.scan.msk.s32 $0xffff, v63  }
0x644: {  	(v2sf) =	vpush v7, $0xF;
	v7, _, _ =	vpop (xrf0);
	(xrf0) =	vadd.scan.msk.s32 $0xffff, v8  }
0x645: {  	(v2sf) =	vpush v7, $0xF;
	v8, _, _ =	vpop (xrf0)  }
0x646: {  	v7, _, _ =	vpop (xrf0);
	(v2sf) =	vpush v8, $0xF  }
0x647: {  	v8, _, _ =	vpop (xrf0);
	(v2sf) =	vpush v7, $0xF  }
0x648: {  	v7, _, _ =	vpop (xrf0);
	(v2sf) =	vpush v8, $0xF  }
0x649: {  	v8, _, _ =	vpop (xrf0);
	(v2sf) =	vpush v7, $0xF  }
0x64a: {  	s2 =	spop (v2sf);
	(v2sf) =	vpush v8, $0xF;
	v7, _, _ =	vpop (xrf0)  }
0x64b: {  	s0 =	spop (v2sf);
	(v2sf) =	vpush v7, $0xF  }
0x64c: {  	s4 =	spop (v2sf)  }
0x64d: {  	s2 =	spop (v2sf);
	s0 =	sadd.s32 s0, s4  }
0x64e: {  	s5 =	spop (v2sf);
	s0 =	sadd.s32 s0, s2  }
0x64f: {  	s6 =	spop (v2sf);
	s0 =	sadd.s32 s0, s5  }
0x650: {  	s14 =	spop (v2sf);
	s0 =	sadd.s32 s0, s6  }
0x651: {  	s15 =	spop (v2sf);
	s0 =	sadd.s32 s0, s14  }
0x652: {  	s16 =	spop (v2sf);
	s0 =	sadd.s32 s0, s15  }
0x653: {  	s22 =	spop (v2sf);
	s0 =	sadd.s32 s0, s16  }
0x654: {  	s23 =	spop (v2sf);
	s0 =	sadd.s32 s0, s22  }
0x655: {  	s30 =	sshrl.u32 s21, $0x1E;
	s0 =	sadd.s32 s0, s23;
	s24 =	spop (v2sf)  }
0x656: {  	s1 =	sadd.s32 s30, s21;
	s25 =	spop (v2sf);
	s0 =	sadd.s32 s0, s24  }
0x657: {  	s23 =	sand.u32 $0xFFFFFFFC, s1;
	s26 =	spop (v2sf);
	s0 =	sadd.s32 s0, s25  }
0x658: {  	p0 =	sgt.s32 s23, $0x0;
	s28 =	spop (v2sf);
	s0 =	sadd.s32 s0, s26  }
.Ltmp69:
0x659: {  	s29 =	spop (v2sf);
	s0 =	sadd.s32 s0, s28;
	(pc) =	sbr.rel @!p0 .LBB2_106-.Ltmp69, $4  }
0x65a: {  	s0 =	sadd.s32 s0, s29;
	s31 =	spop (v2sf)  }
0x65b: {  	s0 =	sadd.s32 s0, s31  }
0x65c: {  	s22 =	sadd.s32 $0xFFFFFFFF, s0  }
0x65d: {  	v7 =	vmov s22  }
0x65e: {  	s1 =	simm.s32 $0x8020  }
0x65f: {  	s0 =	simm.s32 $0x0;
	v12 =	vld [tilespmem:s1+$0x10]  }
0x660: {  	s2 =	simm.s32 $0x1;
	s4 =	simm.s32 $0x2;
	s28 =	simm.s32 $0x30;
	v8 =	vmov s0  }
0x661: {  	s29 =	simm.s32 $0x3;
	s30 =	simm.s32 $0x10;
	v13 =	vld [tilespmem:s1+$0xFFFFFFF0];
	v9 =	vmov s2;
	v10 =	vmov s4;
	v62 =	vor.u32 s28, v0  }
0x662: {  	v14 =	vld [tilespmem:s1+$0xFFFFFFE0];
	v18 =	vmov s29;
	v63 =	vor.u32 s30, v0;
	v8 =	vand.u32 $0xFFFFFFFC, v8  }
0x663: {  	v15 =	vld [tilespmem:s1+$0x0];
	v9 =	vand.u32 $0xFFFFFFFD, v9;
	v11 =	vand.u32 $0xFFFFFFFE, v10;
	vm1 =	vlt.s32 v62, v6  }
0x664: {  	vm3 =	vlt.s32 v63, v6;
	v8 =	vbroadcast v8, $0x0;
	v16 =	vshra.s32 v12, $0x1F  }
0x665: {  	v10 =	vbroadcast v9, $0x0;
	v9 =	vbroadcast v11, $0x0;
	v12 =	vxor.u32 v12, v16  }
0x666: {  	p0 =	sgt.s32 s23, $0x4;
	v11 =	vor.u32 s0, v0;
	v17 =	vshra.s32 v13, $0x1F;
	v12 =	vand.u32 $0xFF, v12  }
.Ltmp70:
0x667: {  	v19 =	vshra.s32 v14, $0x1F;
	v13 =	vxor.u32 v13, v17;
	vm2 =	vge.s32 v12, v7;
	(pc) =	sbr.rel @!p0 .LBB2_105-.Ltmp70, $4  }
0x668: {  	v12 =	vxor.u32 v14, v19;
	v14 =	vshra.s32 v15, $0x1F;
	vm1 =	vmand vm1, vm2  }
0x669: {  	v13 =	vand.u32 $0xFF, v13;
	v14 =	vxor.u32 v15, v14;
	v15 =	vmpcnt.ones.xlane vm1  }
0x66a: {  	s31 =	simm.s32 $0x20;
	vm4 =	vge.s32 v13, v7;
	v12 =	vand.u32 $0xFF, v12;
	v14 =	vand.u32 $0xFF, v14  }
0x66b: {  	s1 =	simm.s32 $0x4;
	s4 =	simm.s32 $0x8060;
	vm1 =	vge.s32 v12, v7;
	v12 =	vor.u32 s31, v0;
	vm2 =	vge.s32 v14, v7;
	[tilespmem:v18+s12+$0x0] =	vst.idx.msk $0x1, v15  }
.LBB2_104:
0x66c: {  	v13 =	vld [tilespmem:s4+$0x10];
	vm5 =	vlt.s32 v11, v6;
	vm3 =	vmand vm3, vm4;
	vm4 =	vlt.s32 v12, v6;
	s2 =	smov.u32 s1;
	s1 =	sadd.s32 $0x4, s1  }
0x66d: {  	v12 =	vld [tilespmem:s4+$0xFFFFFFF0];
	p0 =	slt.s32 s1, s23;
	vm1 =	vmand vm5, vm1;
	v11 =	vmpcnt.ones.xlane vm3;
	vm2 =	vmand vm4, vm2  }
0x66e: {  	v14 =	vmov s2;
	s5 =	sadd.s32 $0x1, s2;
	s6 =	sadd.s32 $0x2, s2;
	v15 =	vld [tilespmem:s4+$0x0];
	v16 =	vmpcnt.ones.xlane vm1;
	v17 =	vmpcnt.ones.xlane vm2  }
0x66f: {  	v14 =	vand.u32 $0xFFFFFFFC, v14;
	v19 =	vmov s5;
	v20 =	vmov s6;
	v18 =	vld [tilespmem:s4+$0xFFFFFFE0];
	[tilespmem:v10+s12+$0x0] =	vst.idx.msk $0x1, v11  }
0x670: {  	v10 =	vand.u32 $0xFFFFFFFD, v19;
	v11 =	vand.u32 $0xFFFFFFFE, v20;
	[tilespmem:v8+s12+$0x0] =	vst.idx.msk $0x1, v16;
	v8 =	vbroadcast v14, $0x0  }
0x671: {  	s0 =	sadd.s32 $0x40, s0;
	v10 =	vbroadcast v10, $0x0;
	v14 =	vshra.s32 v13, $0x1F;
	[tilespmem:v9+s12+$0x0] =	vst.idx.msk $0x1, v17;
	v9 =	vbroadcast v11, $0x0  }
0x672: {  	s2 =	sadd.s32 $0x3, s2;
	s5 =	sadd.s32 $0x10, s0;
	s6 =	sadd.s32 $0x30, s0;
	v11 =	vor.u32 s0, v0;
	v16 =	vshra.s32 v12, $0x1F;
	v13 =	vxor.u32 v13, v14  }
0x673: {  	s14 =	sadd.s32 $0x20, s0;
	v17 =	vmov s2;
	v14 =	vor.u32 s6, v0;
	v13 =	vand.u32 $0xFF, v13  }
0x674: {  	vm1 =	vlt.s32 v14, v6;
	v19 =	vshra.s32 v18, $0x1F;
	vm2 =	vge.s32 v13, v7  }
.Ltmp71:
0x675: {  	v14 =	vshra.s32 v15, $0x1F;
	v13 =	vxor.u32 v18, v19;
	vm1 =	vmand vm1, vm2;
	(pc) =	sbr.rel @p0 .LBB2_104-.Ltmp71, $4  }
0x676: {  	v12 =	vxor.u32 v12, v16;
	v14 =	vxor.u32 v15, v14;
	v15 =	vmpcnt.ones.xlane vm1  }
0x677: {  	v16 =	vand.u32 $0xFF, v12;
	v14 =	vand.u32 $0xFF, v14;
	v13 =	vand.u32 $0xFF, v13  }
0x678: {  	v12 =	vor.u32 s14, v0;
	vm1 =	vge.s32 v13, v7;
	v13 =	vor.u32 s5, v0;
	[tilespmem:v17+s12+$0x0] =	vst.idx.msk $0x1, v15  }
0x679: {  	s4 =	sadd.s32 $0x40, s4;
	vm4 =	vge.s32 v16, v7;
	vm2 =	vge.s32 v14, v7;
	vm3 =	vlt.s32 v13, v6  }
.LBB2_105:
0x67a: {  	_ = 	snop  }
0x67b: {  	vm5 =	vlt.s32 v11, v6;
	vm3 =	vmand vm3, vm4  }
0x67c: {  	vm15 =	vlt.s32 v12, v6;
	vm1 =	vmand vm5, vm1;
	v62 =	vmpcnt.ones.xlane vm3  }
0x67d: {  	vm2 =	vmand vm15, vm2;
	v63 =	vmpcnt.ones.xlane vm1  }
0x67e: {  	v13 =	vmpcnt.ones.xlane vm2;
	[tilespmem:v10+s12+$0x0] =	vst.idx.msk $0x1, v62  }
0x67f: {  	[tilespmem:v8+s12+$0x0] =	vst.idx.msk $0x1, v63  }
0x680: {  	[tilespmem:v9+s12+$0x0] =	vst.idx.msk $0x1, v13  }
.LBB2_106:
0x681: {  	s0 =	ssub.s32 s21, s23  }
0x682: {  	p0 =	slt.s32 s0, $0x1  }
.Ltmp72:
0x683: {  	_ = 	snop;
	(pc) =	sbr.rel @p0 .LBB2_109-.Ltmp72, $3  }
0x684: {  	_ =	sdelay $0x1  }
0x685: {  	s31 =	sshll.u32 s23, $0x6  }
0x686: {  	s24 =	sshll.u32 s23, $0x4;
	s25 =	sshra.s32 s31, $0x2  }
0x687: {  	s0 =	sadd.s32 $0x8000, s25;
	s1 =	sshll.u32 s23, $0x4;
	s4 =	smov.u32 s23  }
.LBB2_108:
0x688: {  	v8 =	vld [tilespmem:s0+$0x0];
	_ =	sdelay $0x4  }
0x689: {  	v9 =	vshra.s32 v8, $0x1F  }
0x68a: {  	v10 =	vmov s4;
	s4 =	sadd.s32 $0x1, s4;
	v8 =	vxor.u32 v8, v9  }
0x68b: {  	v63 =	vor.u32 s1, v0;
	p1 =	slt.s32 s4, s21;
	v8 =	vand.u32 $0xFF, v8  }
.Ltmp73:
0x68c: {  	vm1 =	vlt.s32 v63, v6;
	vm2 =	vge.s32 v8, v7;
	(pc) =	sbr.rel @p1 .LBB2_108-.Ltmp73, $3  }
0x68d: {  	vm1 =	vmand vm1, vm2  }
0x68e: {  	v8 =	vmpcnt.ones.xlane vm1;
	_ =	sdelay $0x1  }
0x68f: {  	s0 =	sadd.s32 $0x10, s0;
	s1 =	sadd.s32 $0x10, s1;
	[tilespmem:v10+s12+$0x0] =	vst.idx.msk $0x1, v8  }
.LBB2_109:
0x690: {  	s0 =	sadd.s32 $0xF, s21  }
0x691: {  	s1 =	sand.u32 $0xF, s0  }
0x692: {  	p1 =	slt.s32 s21, $0xFFFFFFF2;
	s2 =	sshra.s32 s0, $0x1F;
	p2 =	sne.s32 s1, $0x0  }
0x693: {  	s31 =	sshrl.u32 s2, $0x1C;
	p1 =	por !p1, !p2  }
0x694: {  	s1 =	simm.s32 $0x1;
	s0 =	sadd.s32 s31, s0;
	p1 =	por !p1, !p1  }
0x695: {  	s0 =	sshra.s32 s0, $0x4;
	s1 =	simm.s32 @!p1 $0x0  }
0x696: {  	s4 =	ssub.s32 s0, s1  }
0x697: {  	p1 =	sgt.s32 s4, $0x0  }
.Ltmp74:
0x698: {  	_ = 	snop;
	(pc) =	sbr.rel @!p1 .LBB2_121-.Ltmp74, $1  }
0x699: {  	_ =	sdelay $0x3  }
0x69a: {  	p2 =	seq.s32 s4, $0x1  }
.Ltmp75:
0x69b: {  	_ = 	snop;
	(pc) =	sbr.rel @p2 .LBB2_111-.Ltmp75, $3  }
0x69c: {  	_ =	sdelay $0x1  }
0x69d: {  	s1 =	simm.s32 $0x19300  }
0x69e: {  	s0 =	simm.s32 $0x0;
	s4 =	sadd.s32 $0xFFFFFFFF, s4;
	p1 =	por $0x0, $0x0;
	v8 =	vld [tilespmem:s1+$0x0]  }
0x69f: {  	_ =	sdelay $0x3  }
0x6a0: {  	(xrf0) =	vadd.scan.msk.s32 $0xffff, v8;
	_ =	sdelay $0x5  }
0x6a1: {  	p2 =	seq.s32 s4, $0x1;
	v9, _, _ =	vpop (xrf0)  }
.Ltmp76:
0x6a2: {  	(v2sf) =	vpush v9, $0xF;
	(pc) =	sbr.rel @p2 .LBB2_125-.Ltmp76, $4  }
0x6a3: {  	v8 =	vsub.s32 s0, v8  }
0x6a4: {  	v8 =	vadd.s32 v9, v8  }
0x6a5: {  	[tilespmem:s1+$0x0] =	vst v8;
	s1 =	simm.s32 $0x19310  }
0x6a6: {  	s14 =	sadd.s32 $0xFFFFFFFF, s4;
	p1 =	por $0x1, $0x1;
	s4 =	simm.s32 $0x0;
	v8 =	vld [tilespmem:s1+$0x0]  }
.LBB2_126:
0x6a7: {  	p2 =	seq.s32 s14, $0x1;
	_ =	sdelay $0x3  }
0x6a8: {  	(xrf0) =	vadd.scan.msk.s32 $0xffff, v8;
	_ =	sdelay $0x5  }
0x6a9: {  	v9, _, _ =	vpop (xrf0);
	s2 =	spop (v2sf)  }
.Ltmp77:
0x6aa: {  	(v2sf) =	vpush v9, $0xF;
	s4 =	sadd.s32 s4, s2;
	(pc) =	sbr.rel @!p2 .LBB2_126-.Ltmp77, $4  }
0x6ab: {  	v8 =	vsub.s32 s4, v8  }
0x6ac: {  	v8 =	vadd.s32 v9, v8  }
0x6ad: {  	[tilespmem:s1+$0x0] =	vst v8;
	s1 =	sadd.s32 $0x10, s1  }
0x6ae: {  	s14 =	sadd.s32 $0xFFFFFFFF, s14;
	v8 =	vld [tilespmem:s1+$0x0]  }
.LBB2_127:
0x6af: {  	_ =	sdelay $0x3  }
0x6b0: {  	(xrf0) =	vadd.scan.msk.s32 $0xffff, v8;
	_ =	sdelay $0x5  }
0x6b1: {  	v9, _, _ =	vpop (xrf0)  }
0x6b2: {  	(v2sf) =	vpush v9, $0xF;
	_ =	sdelay $0x9  }
0x6b3: {  	s2 =	spop @p1 (v2sf)  }
0x6b4: {  	s2 =	sadd.s32 @p1 s4, s2  }
0x6b5: {  	s0 =	smov.u32 @p1 s2  }
0x6b6: {  	v8 =	vsub.s32 s0, v8  }
0x6b7: {  	v8 =	vadd.s32 v9, v8  }
0x6b8: {  	[tilespmem:s1+$0x0] =	vst v8;
	s31 =	spop (v2sf)  }
.LBB2_121:
0x6b9: {  	p1 =	slt.s32 s23, $0x1  }
.Ltmp78:
0x6ba: {  	_ = 	snop;
	(pc) =	sbr.rel @p1 .LBB2_128-.Ltmp78, $1  }
0x6bb: {  	_ =	sdelay $0x3  }
0x6bc: {  	s4 =	simm.s32 $0x19302  }
0x6bd: {  	v8 =	vld [tilespmem:s4+$0x1]  }
0x6be: {  	v9 =	vld [tilespmem:s4+$0xFFFFFFFE]  }
0x6bf: {  	v10 =	vld [tilespmem:s4+$0xFFFFFFFF]  }
0x6c0: {  	v11 =	vld [tilespmem:s4+$0x0];
	_ =	sdelay $0x1  }
0x6c1: {  	(v2sf) =	vpush v8, $0x0  }
0x6c2: {  	(v2sf) =	vpush v9, $0x0  }
0x6c3: {  	(v2sf) =	vpush v10, $0x0  }
0x6c4: {  	(v2sf) =	vpush v11, $0x0;
	_ =	sdelay $0x7  }
0x6c5: {  	p2 =	sgt.s32 s23, $0x4  }
.Ltmp79:
0x6c6: {  	_ = 	snop;
	(pc) =	sbr.rel @!p2 .LBB2_123-.Ltmp79, $3  }
0x6c7: {  	s1 =	simm.s32 $0x8020  }
0x6c8: {  	v8 =	vld [tilespmem:s1+$0x10];
	_ =	sdelay $0x1  }
0x6c9: {  	s0 =	simm.s32 $0x0;
	p1 =	por $0x0, $0x0;
	s4 =	simm.s32 $0x19306;
	v9 =	vld [tilespmem:s1+$0xFFFFFFF0]  }
0x6ca: {  	v10 =	vld [tilespmem:s4+$0x1]  }
0x6cb: {  	v14 =	vld [tilespmem:s4+$0xFFFFFFFE]  }
0x6cc: {  	v15 =	vld [tilespmem:s4+$0xFFFFFFFF]  }
0x6cd: {  	v16 =	vld [tilespmem:s4+$0x0];
	_ =	sdelay $0x1  }
0x6ce: {  	v11 =	vld [tilespmem:s1+$0x0];
	v12 =	vshra.s32 v8, $0x1F;
	(v2sf) =	vpush v10, $0x0  }
0x6cf: {  	s2 =	simm.s32 $0x30;
	v18 =	vxor.u32 v8, v12;
	v17 =	vshra.s32 v9, $0x1F;
	(v2sf) =	vpush v14, $0x0  }
0x6d0: {  	p2 =	sgt.s32 s23, $0x8;
	v12 =	vld [tilespmem:s1+$0xFFFFFFE0];
	v10 =	vand.u32 $0xFF, v18;
	v18 =	vor.u32 s2, v0;
	(v2sf) =	vpush v15, $0x0  }
.Ltmp80:
0x6d1: {  	vm1 =	vlt.s32 v18, v6;
	vm2 =	vge.s32 v10, v7;
	(v2sf) =	vpush v16, $0x0;
	(pc) =	sbr.rel @!p2 .LBB2_135-.Ltmp80, $4  }
0x6d2: {  	s14 =	simm.s32 $0x8;
	v10 =	vxor.u32 v9, v17;
	vm1 =	vmand vm1, vm2  }
0x6d3: {  	v13 =	vor.u32 s0, v0;
	s29 =	simm.s32 $0x10;
	s30 =	simm.s32 $0x20;
	s1 =	simm.s32 $0x8060;
	v18 =	vshra.s32 v11, $0x1F;
	v10 =	vand.u32 $0xFF, v10  }
0x6d4: {  	s31 =	spop (v2sf);
	s26 =	simm.s32 $0x1930A;
	p1 =	por $0x1, $0x1;
	v14 =	vld [tilespmem:s1+$0x10];
	v15 =	vor.u32 s29, v0;
	v18 =	vxor.u32 v11, v18;
	vm2 =	vge.s32 v10, v7  }
0x6d5: {  	s15 =	simm.s32 $0x0;
	s4 =	sadd.s32 s19, s31;
	s28 =	spop (v2sf);
	v16 =	vor.u32 s30, v0;
	v10 =	vld [tilespmem:s1+$0xFFFFFFF0];
	v17 =	vshra.s32 v12, $0x1F;
	vm3 =	vlt.s32 v15, v6  }
.LBB2_136:
0x6d6: {  	v15 =	vld [tilespmem:s26+$0x1];
	s14 =	sadd.s32 $0x4, s14;
	v17 =	vxor.u32 v12, v17;
	v18 =	vand.u32 $0xFF, v18;
	vm4 =	vlt.s32 v16, v6;
	p3 =	slt.s32 s4, $0x670;
	s2 =	spop (v2sf);
	v19 =	vmovc v11;
	v20 =	vmovc v12  }
0x6d7: {  	vm5 =	vlt.s32 v13, v6;
	v16 =	vld [tilespmem:s26+$0xFFFFFFFE];
	p2 =	slt.s32 s14, s23;
	v11 =	vand.u32 $0xFF, v17;
	vm6 =	vge.s32 v18, v7;
	s4 =	simm.s32 @!p3 $0x670;
	s5 =	spop (v2sf)  }
0x6d8: {  	s6 =	sadd.s32 s19, s28;
	vm2 =	vmand vm3, vm2;
	s2 =	sadd.s32 s19, s2;
	v17 =	vld [tilespmem:s26+$0xFFFFFFFF];
	vm7 =	vge.s32 v11, v7;
	vm4 =	vmand vm4, vm6;
	s5 =	sadd.s32 s19, s5;
	[tilespmem:v5+s4+$0x0 ss:$0x1] =	vst.idx.msk vm1, v8  }
0x6d9: {  	s15 =	sadd.s32 $0x40, s15;
	p3 =	slt.s32 s6, $0x670;
	p4 =	slt.s32 s2, $0x670;
	v18 =	vld [tilespmem:s26+$0x0];
	v12 =	vshra.s32 v14, $0x1F;
	vm3 =	vmand vm5, vm7;
	v8 =	vmov v14  }
0x6da: {  	v13 =	vor.u32 s15, v0;
	s16 =	sadd.s32 $0x20, s15;
	s28 =	sadd.s32 $0x30, s15;
	s4 =	sadd.s32 $0x10, s15;
	v14 =	vshra.s32 v10, $0x1F;
	v11 =	vld [tilespmem:s1+$0x0];
	v21 =	vxor.u32 v8, v12  }
0x6db: {  	s6 =	simm.s32 @!p3 $0x670;
	s2 =	simm.s32 @!p4 $0x670;
	p3 =	slt.s32 s5, $0x670;
	(v2sf) =	vpush v15, $0x0;
	v12 =	vld [tilespmem:s1+$0xFFFFFFE0];
	v15 =	vand.u32 $0xFF, v21;
	v21 =	vor.u32 s28, v0  }
.Ltmp81:
0x6dc: {  	s5 =	simm.s32 @!p3 $0x670;
	(v2sf) =	vpush v16, $0x0;
	vm1 =	vlt.s32 v21, v6;
	vm5 =	vge.s32 v15, v7;
	(pc) =	sbr.rel @p2 .LBB2_136-.Ltmp81, $4  }
0x6dd: {  	v14 =	vxor.u32 v10, v14;
	(v2sf) =	vpush v17, $0x0;
	vm1 =	vmand vm1, vm5  }
0x6de: {  	s1 =	sadd.s32 $0x40, s1;
	v15 =	vand.u32 $0xFF, v14;
	(v2sf) =	vpush v18, $0x0;
	v18 =	vor.u32 s4, v0;
	[tilespmem:v5+s2+$0x0 ss:$0x1] =	vst.idx.msk vm2, v9;
	v9 =	vmovc v10  }
0x6df: {  	v16 =	vor.u32 s16, v0;
	vm2 =	vge.s32 v15, v7;
	v14 =	vld [tilespmem:s1+$0x10];
	v15 =	vshra.s32 v11, $0x1F;
	s2 =	spop (v2sf);
	[tilespmem:v5+s6+$0x0 ss:$0x1] =	vst.idx.msk vm3, v20  }
0x6e0: {  	s26 =	sadd.s32 $0x4, s26;
	vm3 =	vlt.s32 v18, v6;
	v10 =	vld [tilespmem:s1+$0xFFFFFFF0];
	v17 =	vshra.s32 v12, $0x1F;
	v18 =	vxor.u32 v11, v15;
	s4 =	sadd.s32 s19, s2;
	s28 =	spop (v2sf);
	[tilespmem:v5+s5+$0x0 ss:$0x1] =	vst.idx.msk vm4, v19  }
0x6e1: {  	_ =	sdelay $0x2  }
0x6e2: {  	v15 =	vmov v8;
	v8 =	vmov v14  }
.LBB2_138:
0x6e3: {  	v14 =	vxor.u32 @p1 v12, v17  }
0x6e4: {  	v17 =	vand.u32 @p1 $0xFF, v18;
	vm5 =	vlt.s32 @p1 v16, v6;
	vm6 =	vlt.s32 @p1 v13, v6  }
0x6e5: {  	vm4 =	vmand @p1 vm3, vm2;
	v54 =	vshra.s32 v8, $0x1F;
	v56 =	vshra.s32 v10, $0x1F  }
0x6e6: {  	s2 =	sadd.s32 @p1 $0x40, s15;
	v55 =	vld [tilespmem:s1+$0xFFFFFFE0];
	v14 =	vand.u32 @p1 $0xFF, v14;
	vm7 =	vge.s32 @p1 v17, v7;
	v17 =	vxor.u32 v10, v56  }
0x6e7: {  	v53 =	vld [tilespmem:s1+$0x0];
	s0 =	smov.u32 @p1 s2;
	vm8 =	vge.s32 @p1 v14, v7;
	vm2 =	vmand @p1 vm5, vm7;
	v14 =	vxor.u32 v8, v54  }
0x6e8: {  	s16 =	sadd.s32 $0x30, s0;
	s26 =	sadd.s32 $0x10, s0;
	v58 =	vand.u32 $0xFF, v17;
	v62 =	vor.u32 s0, v0;
	vm3 =	vmand @p1 vm6, vm8  }
0x6e9: {  	p2 =	slt.s32 @p1 s4, $0x670;
	s0 =	sadd.s32 $0x20, s0;
	v14 =	vand.u32 $0xFF, v14;
	v57 =	vor.u32 s16, v0;
	v59 =	vor.u32 s26, v0  }
0x6ea: {  	s5 =	sadd.s32 @p1 s19, s28;
	s2 =	spop @p1 (v2sf);
	p2 =	por !p2, !p1;
	vm13 =	vge.s32 v58, v7;
	vm15 =	vlt.s32 v62, v6;
	v63 =	vor.u32 s0, v0  }
0x6eb: {  	s4 =	simm.s32 @p2 $0x670;
	s1 =	sadd.s32 @p1 s19, s2;
	p2 =	slt.s32 @p1 s5, $0x670;
	vm11 =	vlt.s32 v57, v6;
	vm12 =	vge.s32 v14, v7;
	v61 =	vshra.s32 v55, $0x1F  }
0x6ec: {  	s2 =	spop @p1 (v2sf);
	p3 =	slt.s32 @p1 s1, $0x670;
	p2 =	por !p2, !p1;
	vm14 =	vlt.s32 v59, v6;
	v60 =	vshra.s32 v53, $0x1F;
	v18 =	vxor.u32 v55, v61  }
0x6ed: {  	s2 =	sadd.s32 @p1 s19, s2;
	s5 =	simm.s32 @p2 $0x670;
	p2 =	por !p3, !p1;
	vm5 =	vmand vm11, vm12;
	v14 =	vxor.u32 v53, v60;
	v18 =	vand.u32 $0xFF, v18  }
0x6ee: {  	s28 =	spop (v2sf);
	vm6 =	vmand vm14, vm13;
	s1 =	simm.s32 @p2 $0x670;
	p2 =	slt.s32 @p1 s2, $0x670;
	v14 =	vand.u32 $0xFF, v14;
	vm12 =	vge.s32 v18, v7  }
0x6ef: {  	[tilespmem:v5+s4+$0x0 ss:$0x1] =	vst.idx.msk @p1 vm1, v15;
	s29 =	spop (v2sf);
	vm13 =	vlt.s32 v63, v6;
	p2 =	por !p2, !p1;
	vm14 =	vge.s32 v14, v7;
	vm1 =	vmand vm15, vm12  }
0x6f0: {  	s0 =	sadd.s32 s19, s28;
	[tilespmem:v5+s1+$0x0 ss:$0x1] =	vst.idx.msk @p1 vm4, v9;
	s30 =	spop (v2sf);
	s2 =	simm.s32 @p2 $0x670;
	vm15 =	vmand vm13, vm14  }
0x6f1: {  	p3 =	slt.s32 s0, $0x670;
	s4 =	sadd.s32 s19, s29;
	v9 =	vmov @p1 v12;
	s1 =	sadd.s32 s19, s30;
	[tilespmem:v5+s2+$0x0 ss:$0x1] =	vst.idx.msk @p1 vm2, v11  }
0x6f2: {  	s0 =	simm.s32 @!p3 $0x670;
	s31 =	spop (v2sf);
	[tilespmem:v5+s5+$0x0 ss:$0x1] =	vst.idx.msk @p1 vm3, v9;
	p1 =	slt.s32 s1, $0x670  }
0x6f3: {  	p2 =	slt.s32 s4, $0x670;
	s2 =	sadd.s32 s19, s31;
	s1 =	simm.s32 @!p1 $0x670;
	[tilespmem:v5+s0+$0x0 ss:$0x1] =	vst.idx.msk vm5, v8  }
0x6f4: {  	s4 =	simm.s32 @!p2 $0x670;
	p1 =	slt.s32 s2, $0x670;
	[tilespmem:v5+s1+$0x0 ss:$0x1] =	vst.idx.msk vm6, v10  }
0x6f5: {  	s2 =	simm.s32 @!p1 $0x670;
	[tilespmem:v5+s4+$0x0 ss:$0x1] =	vst.idx.msk vm1, v55  }
0x6f6: {  	[tilespmem:v5+s2+$0x0 ss:$0x1] =	vst.idx.msk vm15, v53  }
.LBB2_128:
.Ltmp82:
0x6f7: {  	(pc) =	sbr.rel @p0 .LBB2_131-.Ltmp82, $1  }
0x6f8: {  	_ =	sdelay $0x3  }
0x6f9: {  	s0 =	sadd.s32 $0x19300, s23;
	s1 =	sadd.s32 $0x8000, s25  }
.LBB2_130:
0x6fa: {  	v8 =	vld [tilespmem:s0+$0x0];
	_ =	sdelay $0x4  }
0x6fb: {  	(v2sf) =	vpush v8, $0x0;
	_ =	sdelay $0x7  }
0x6fc: {  	v8 =	vld [tilespmem:s1+$0x0];
	_ =	sdelay $0x4  }
0x6fd: {  	v9 =	vshra.s32 v8, $0x1F  }
0x6fe: {  	v9 =	vxor.u32 v8, v9  }
0x6ff: {  	v10 =	vor.u32 s24, v0;
	v9 =	vand.u32 $0xFF, v9;
	s2 =	spop (v2sf)  }
0x700: {  	vm1 =	vlt.s32 v10, v6;
	vm2 =	vge.s32 v9, v7;
	s2 =	sadd.s32 s19, s2  }
0x701: {  	s23 =	sadd.s32 $0x1, s23;
	vm1 =	vmand vm1, vm2;
	p0 =	slt.s32 s2, $0x670  }
0x702: {  	s2 =	simm.s32 @!p0 $0x670;
	p0 =	slt.s32 s23, s21  }
.Ltmp83:
0x703: {  	_ = 	snop;
	(pc) =	sbr.rel @p0 .LBB2_130-.Ltmp83, $2  }
0x704: {  	_ =	sdelay $0x2  }
0x705: {  	s0 =	sadd.s32 $0x1, s0;
	s24 =	sadd.s32 $0x10, s24;
	s1 =	sadd.s32 $0x10, s1;
	[tilespmem:v5+s2+$0x0 ss:$0x1] =	vst.idx.msk vm1, v8  }
.Ltmp84:
0x706: {  	_ = 	snop;
	(pc) =	sbr.rel .LBB2_131-.Ltmp84, $1  }
0x707: {  	_ =	sdelay $0x3  }
.LBB2_38:
.Ltmp85:
0x708: {  	(pc) =	sbr.rel .LBB2_47-.Ltmp85, $2  }
0x709: {  	_ =	sdelay $0x2  }
0x70a: {  	s15 =	simm.s32 $0x0;
	s30 =	simm.s32 $0x19B80;
	s14 =	simm.s32 $0x0  }
.LBB2_43:
.Ltmp86:
0x70b: {  	(pc) =	sbr.rel .LBB2_78-.Ltmp86, $2  }
0x70c: {  	_ =	sdelay $0x2  }
0x70d: {  	v11 =	vmov v13;
	s1 =	simm.s32 $0x19B82;
	s0 =	simm.s32 $0x0  }
.LBB2_71:
.Ltmp87:
0x70e: {  	(pc) =	sbr.rel .LBB2_87-.Ltmp87, $2  }
0x70f: {  	_ =	sdelay $0x2  }
0x710: {  	s15 =	simm.s32 $0x0;
	s30 =	simm.s32 $0x19B80;
	s14 =	simm.s32 $0x0  }
.LBB2_83:
.Ltmp88:
0x711: {  	(pc) =	sbr.rel .LBB2_118-.Ltmp88, $2  }
0x712: {  	_ =	sdelay $0x2  }
0x713: {  	v11 =	vmov v13;
	s1 =	simm.s32 $0x19B82;
	s0 =	simm.s32 $0x0  }
.LBB2_111:
.Ltmp89:
0x714: {  	(pc) =	sbr.rel .LBB2_127-.Ltmp89, $2  }
0x715: {  	_ =	sdelay $0x2  }
0x716: {  	s4 =	simm.s32 $0x0  }
.LBB2_123:
.Ltmp90:
0x717: {  	_ = 	snop;
	(pc) =	sbr.rel .LBB2_138-.Ltmp90, $2  }
0x718: {  	_ =	sdelay $0x2  }
0x719: {  	s15 =	simm.s32 $0x0;
	v10 =	vmov v9  }
.LBB2_45:
.Ltmp91:
0x71a: {  	(pc) =	sbr.rel .LBB2_47-.Ltmp91, $2  }
0x71b: {  	_ =	sdelay $0x2  }
0x71c: {  	s30 =	simm.s32 $0x19B80;
	s14 =	simm.s32 $0x0  }
.LBB2_73:
.Ltmp92:
0x71d: {  	(pc) =	sbr.rel .LBB2_78-.Ltmp92, $3  }
0x71e: {  	_ =	sdelay $0x1  }
0x71f: {  	v32 =	vmov v8;
	v28 =	vmov v10  }
0x720: {  	v29 =	vmovc v9;
	s1 =	simm.s32 $0x19B82;
	v11 =	vmovc v14;
	s0 =	simm.s32 $0x0;
	v8 =	vmov v16;
	v10 =	vmov v15;
	v9 =	vmov v12  }
.LBB2_85:
.Ltmp93:
0x721: {  	(pc) =	sbr.rel .LBB2_87-.Ltmp93, $2  }
0x722: {  	_ =	sdelay $0x2  }
0x723: {  	s30 =	simm.s32 $0x19B80;
	s14 =	simm.s32 $0x0  }
.LBB2_113:
.Ltmp94:
0x724: {  	(pc) =	sbr.rel .LBB2_118-.Ltmp94, $3  }
0x725: {  	_ =	sdelay $0x1  }
0x726: {  	v32 =	vmov v8;
	v28 =	vmov v10  }
0x727: {  	v29 =	vmovc v9;
	s1 =	simm.s32 $0x19B82;
	v11 =	vmovc v14;
	s0 =	simm.s32 $0x0;
	v8 =	vmov v16;
	v10 =	vmov v15;
	v9 =	vmov v12  }
.LBB2_125:
.Ltmp95:
0x728: {  	(pc) =	sbr.rel .LBB2_127-.Ltmp95, $2  }
0x729: {  	_ =	sdelay $0x2  }
0x72a: {  	s4 =	simm.s32 $0x0  }
.LBB2_135:
.Ltmp96:
0x72b: {  	(pc) =	sbr.rel .LBB2_138-.Ltmp96, $2  }
0x72c: {  	_ =	sdelay $0x2  }
0x72d: {  	v15 =	vmov v8;
	s15 =	simm.s32 $0x0;
	v8 =	vmov v14  }
.LBB2_75:
.Ltmp97:
0x72e: {  	(pc) =	sbr.rel .LBB2_78-.Ltmp97, $4  }
0x72f: {  	_ = 	snop  }
0x730: {  	v33 =	vmov v8;
	v34 =	vmov v10;
	v35 =	vmov v9  }
0x731: {  	v32 =	vmovc v16;
	v8 =	vmovc v28;
	v28 =	vmov v15;
	v10 =	vmov v29;
	v29 =	vmov v12  }
0x732: {  	v9 =	vmovc v27;
	v17 =	vmovc v19;
	v20 =	vmov v23;
	v18 =	vmov v21;
	v13 =	vmov v14  }
.LBB2_115:
.Ltmp98:
0x733: {  	(pc) =	sbr.rel .LBB2_118-.Ltmp98, $4  }
0x734: {  	_ = 	snop  }
0x735: {  	v33 =	vmov v8;
	v34 =	vmov v10;
	v35 =	vmov v9  }
0x736: {  	v32 =	vmovc v16;
	v8 =	vmovc v28;
	v28 =	vmov v15;
	v10 =	vmov v29;
	v29 =	vmov v12  }
0x737: {  	v9 =	vmovc v27;
	v17 =	vmovc v19;
	v20 =	vmov v23;
	v18 =	vmov v21;
	v13 =	vmov v14  }
.LBB2_133:
0x738: {  	_ =	sfence.sel $0x180000  }
0x739: {  	[bflag:$0x0] =	sbarrier.arrive $0xFFFF  }
0x73a: {  	_ =	strace $0x90000047  }
0x73b: {  	s0 =	stileid.u32;
	[bflag:$0x2] =	sbarrier.arrive $0xFFFF  }
0x73c: {  	p0 =	sne.s32 s0, $0x0;
	s0 =	rddreg [dreg:$0x3]  }
0x73d: {  	s0 =	sadd.s32 @!p0 $0x100000, s0  }
0x73e: {  	[sflag:s0] =	ssyncadd.tile.s32 @!p0 $0x1;
	_ =	shalt  }
.Lfunc_end2:
_tile_overlayer_lowered:
.L_overlay_start_2:
0x73f: {  	(tag) =	ssettag $0x2  }
0x740: {  	s0 =	rddreg [dreg:$0x0];
	s2 =	stileid.u32  }
0x741: {  	s1 =	rddreg [dreg:$0x1];
	p0 =	sne.s32 s2, $0x0  }
0x742: {  	s3 =	rddreg [dreg:$0x2];
	[bflag:$0x3] =	sbarrier.arrive $0xFFFF;
	s2 =	simm.s32 @!p0 $0x1C01  }
0x743: {  	[timem:s3], [sflag:s2] =	dma.local @!p0 [hbm:s0], s1  }
0x744: {  	s0 =	simm.s32 @!p0 $0x1  }
0x745: {  	_ =	swait.ge @!p0 [sflag:s0], s1  }
0x746: {  	s1 =	ssub.s32 @!p0 $0x0, s1;
	[sflag:s0] =	ssyncset.done @!p0 $0x0  }
0x747: {  	[sflag:s0] =	ssyncadd.s32 @!p0 s1  }
0x748: {  	[bflag:$0x3] =	sbarrier.arrive $0xFFFF  }
0x749: {  	_ =	shalt  }

</sc_bundles>
